<compile_context>
chip_gen: v7x
topology: tpu7x:2x2x1
jax: 0.10.2.dev20260603
libtpu: 0.0.44.dev20260713+nightly
codegen_flags: <defaults>
</compile_context>

<pallas_src>
import functools

import jax
import jax.numpy as jnp
from jax import lax
from jax.experimental import pallas as pl
from jax.experimental.pallas import tpu as pltpu
from jax.experimental.pallas import tpu_sc as plsc

B, S, D, E, K = 4, 8192, 1024, 64, 2
NC, NS, L = 2, 16, 16
SSC = 2560
STC = S - SSC
VPR = D // L
INV_S = 1.0 / S


RPS = SSC // NS
CH = 16
CPB = RPS // CH
NCH = 2 * CPB

_mesh = plsc.VectorSubcoreMesh(core_axis_name="c", subcore_axis_name="s")


@functools.partial(
    pl.kernel,
    mesh=_mesh,
    out_type=jax.ShapeDtypeStruct((B * D,), jnp.float32),
    scratch_types=[
        pltpu.VMEM((CH, D), jnp.float32),
        pltpu.VMEM((CH, D), jnp.float32),
        pltpu.VMEM((2 * D,), jnp.float32),
        pltpu.VMEM((D,), jnp.float32),
        pltpu.VMEM((D,), jnp.float32),
        pltpu.VMEM_SHARED((2 * NS * D,), jnp.float32),
        pltpu.SemaphoreType.DMA,
        pltpu.SemaphoreType.DMA,
    ],
    compiler_params=pltpu.CompilerParams(use_tc_tiling_on_sc=True),
)
def _sc_pool(x_hbm, osum_hbm,
             buf0, buf1, accv, poolv, rowv, shared, sem0, sem1):
    c = lax.axis_index("c")
    s = lax.axis_index("s")
    bufs = (buf0, buf1)
    sems = (sem0, sem1)
    zero = jnp.zeros((L,), jnp.float32)

    def start_chunk(t, bufref, sem):
        lb = t // CPB
        q = t % CPB
        row = STC + s * RPS + q * CH
        pltpu.make_async_copy(
            x_hbm.at[2 * c + lb, pl.ds(row, CH), :], bufref, sem).start()

    def wait_chunk(bufref, sem):
        pltpu.make_async_copy(
            x_hbm.at[0, pl.ds(0, CH), :], bufref, sem).wait()

    def zacc(i, _):
        accv[pl.ds(i * L, L)] = zero
        return 0
    lax.fori_loop(0, 2 * VPR, zacc, 0)

    start_chunk(0, buf0, sem0)
    start_chunk(1, buf1, sem1)

    def chunk_step(j, _):
        for k in range(2):
            t = j * 2 + k
            wait_chunk(bufs[k], sems[k])
            lb = t // CPB
            for cb in range(4):
                def row_body(r, accs, k=k, cb=cb):
                    return tuple(
                        accs[v] + bufs[k][r, pl.ds(cb * 256 + v * L, L)]
                        for v in range(16)
                    )
                accs = plsc.parallel_loop(
                    0, CH, 1, unroll=4, carry=(zero,) * 16)(row_body)
                for v in range(16):
                    plsc.addupdate(
                        accv.at[pl.ds(lb * D + cb * 256 + v * L, L)], accs[v])

            @pl.when(t + 2 < NCH)
            def _(t=t, k=k):
                start_chunk(t + 2, bufs[k], sems[k])
        return 0

    lax.fori_loop(0, NCH // 2, chunk_step, 0)

    pltpu.sync_copy(accv.at[pl.ds(0, D)], shared.at[pl.ds(s * D, D)])
    pltpu.sync_copy(accv.at[pl.ds(D, D)],
                    shared.at[pl.ds((NS + s) * D, D)])
    plsc.subcore_barrier()

    @pl.when(s < 2)
    def _finish():
        lb = s
        bg = 2 * c + lb

        def zpool(i, _):
            poolv[pl.ds(i * L, L)] = zero
            return 0
        lax.fori_loop(0, VPR, zpool, 0)

        def addrow(i, _):
            pltpu.sync_copy(shared.at[pl.ds((lb * NS + i) * D, D)], rowv)
            for v in range(VPR):
                plsc.addupdate(poolv.at[pl.ds(v * L, L)],
                               rowv[pl.ds(v * L, L)])
            return 0
        lax.fori_loop(0, NS, addrow, 0)

        pltpu.sync_copy(poolv, osum_hbm.at[pl.ds(bg * D, D)])



ROWS = 512
NBUF = 4
CPB_TC = STC // ROWS
NCHUNK = B * CPB_TC


def _tc_pool_body(x_hbm, out_ref, buf, sems):
    def start(t, k):
        b = t // CPB_TC
        q = t - b * CPB_TC
        pltpu.make_async_copy(
            x_hbm.at[pl.ds(b * S + q * ROWS, ROWS), :], buf.at[k],
            sems.at[k]).start()

    def wait(k):
        pltpu.make_async_copy(
            x_hbm.at[pl.ds(0, ROWS), :], buf.at[k], sems.at[k]).wait()

    for k in range(NBUF):
        start(k, k)

    out_ref[...] = jnp.zeros_like(out_ref)

    def step(j, _):
        for k in range(NBUF):
            t = j * NBUF + k
            wait(k)
            b = t // CPB_TC
            out_ref[pl.ds(b, 1), :] += jnp.sum(buf[k], axis=0, keepdims=True)

            @pl.when(t + NBUF < NCHUNK)
            def _():
                start(t + NBUF, k)

        return 0

    jax.lax.fori_loop(0, NCHUNK // NBUF, step, 0)


def _combine_body(sc_ref, tc_ref, w_ref, b_ref, wout_ref, iout_ref):
    pooled = (sc_ref[...] + tc_ref[...]) * INV_S
    logits = jax.lax.dot_general(
        pooled, w_ref[...], (((1,), (1,)), ((), ())),
        preferred_element_type=jnp.float32,
    ) + b_ref[...]

    ids = lax.broadcasted_iota(jnp.int32, (B, E), 1)
    neg_inf = jnp.float32(-jnp.inf)
    big = jnp.int32(E)

    v1 = jnp.max(logits, axis=1, keepdims=True)
    i1 = jnp.min(jnp.where(logits == v1, ids, big), axis=1, keepdims=True)
    masked = jnp.where(ids == i1, neg_inf, logits)
    v2 = jnp.max(masked, axis=1, keepdims=True)
    i2 = jnp.min(jnp.where(masked == v2, ids, big), axis=1, keepdims=True)

    e2 = jnp.exp(v2 - v1)
    w1 = 1.0 / (1.0 + e2)
    wout_ref[...] = jnp.concatenate([w1, e2 * w1], axis=1)
    iout_ref[...] = jnp.concatenate([i1, i2], axis=1)


@jax.jit
def kernel(x, gate_w, gate_b):
    sc_sum = _sc_pool(x)

    tc_sum = pl.pallas_call(
        _tc_pool_body,
        in_specs=[pl.BlockSpec(memory_space=pl.ANY)],
        out_specs=pl.BlockSpec((B, D), lambda: (0, 0)),
        out_shape=jax.ShapeDtypeStruct((B, D), jnp.float32),
        scratch_shapes=[
            pltpu.VMEM((NBUF, ROWS, D), jnp.float32),
            pltpu.SemaphoreType.DMA((NBUF,)),
        ],
    )(x.reshape(B * S, D))

    weights, indices = pl.pallas_call(
        _combine_body,
        in_specs=[
            pl.BlockSpec((B, D), lambda: (0, 0)),
            pl.BlockSpec((B, D), lambda: (0, 0)),
            pl.BlockSpec((E, D), lambda: (0, 0)),
            pl.BlockSpec((1, E), lambda: (0, 0)),
        ],
        out_specs=[
            pl.BlockSpec((B, K), lambda: (0, 0)),
            pl.BlockSpec((B, K), lambda: (0, 0)),
        ],
        out_shape=[
            jax.ShapeDtypeStruct((B, K), jnp.float32),
            jax.ShapeDtypeStruct((B, K), jnp.int32),
        ],
    )(sc_sum.reshape(B, D), tc_sum, gate_w, gate_b.reshape(1, E))
    return weights, indices

# --- scband reference (transcript-rebuilt; emitter-appended) ---
"""Pipeline reference for scband-sample-top-krouter-62156766708381 (READ-ONLY COPY).

The authoritative reference and input builder live on the scoring server;
editing this copy changes nothing except your own understanding.
"""

import jax, jax.numpy as jnp
import numpy as np

TOP_K = 2

def setup_inputs(seed: int = 0) -> dict:
    key = jax.random.key(seed)
    k1, k2, k3 = jax.random.split(key, 3)
    x = jax.random.normal(k1, (4, 8192, 1024), dtype=jnp.float32)
    # gate: nn.Linear(input_dim=1024, num_experts=64)
    bound = 1.0 / np.sqrt(1024)
    gate_w = jax.random.uniform(k2, (64, 1024), dtype=jnp.float32, minval=-bound, maxval=bound)
    gate_b = jax.random.uniform(k3, (64,), dtype=jnp.float32, minval=-bound, maxval=bound)
    return {"x": x, "gate_w": gate_w, "gate_b": gate_b}

def reference(x, gate_w, gate_b):
    # mode == 'mean': pool over sequence dim
    pooled = x.mean(axis=1)                      # [B, d]
    logits = pooled @ gate_w.T + gate_b          # [B, E]
    top_vals, indices = jax.lax.top_k(logits, TOP_K)  # [B, k], [B, k]
    weights = jax.nn.softmax(top_vals, axis=-1)  # [B, k]
    return (weights, indices)

if __name__ == "__main__":
    import jax
    _d = setup_inputs()
    print(jax.jit(kernel)(*tuple(_d.values())))

</pallas_src>

<mosaic_0001>
#map = affine_map<(d0, d1) -> (0, 0, 0)>
#map1 = affine_map<(d0, d1) -> (0)>
module attributes {stable_mosaic.version = 14 : i64} {
  func.func @_sc_pool(%arg0: i32, %arg1: i32, %arg2: memref<4x8192x1024xf32, #tpu.memory_space<hbm>>, %arg3: memref<4096xf32, #tpu.memory_space<hbm>>, %arg4: memref<16x1024xf32, #tpu.memory_space<vmem>>, %arg5: memref<16x1024xf32, #tpu.memory_space<vmem>>, %arg6: memref<2048xf32, #tpu.memory_space<vmem>>, %arg7: memref<1024xf32, #tpu.memory_space<vmem>>, %arg8: memref<1024xf32, #tpu.memory_space<vmem>>, %arg9: memref<32768xf32, #tpu.memory_space<vmem_shared>>, %arg10: memref<!tpu.dma_semaphore, #tpu.memory_space<semaphore_mem>>, %arg11: memref<!tpu.dma_semaphore, #tpu.memory_space<semaphore_mem>>) attributes {dimension_semantics = [#tpu.dimension_semantics<core_parallel>, #tpu.dimension_semantics<subcore_parallel>], iteration_bounds = array<i64: 2, 16>, scalar_prefetch = 0 : i64, scratch_operands = 8 : i64, tpu.core_type = #tpu.core_type<sc_vector_subcore>, window_params = [{transform_indices = #map}, {transform_indices = #map1}]} {
    %broadcast_in_dim3A = arith.constant 0.000000e+00 : f32
    %broadcast_in_dim3A_0 = vector.broadcast %broadcast_in_dim3A : f32 to vector<16xf32>
    %scan3A = arith.constant 0 : i32
    %scan3A_1 = arith.constant 0 : i32
    %scan3A_2 = arith.constant 128 : i32
    %scan3A_3 = arith.addi %scan3A_1, %scan3A_2 : i32
    %scan3A_4 = arith.constant 1 : i32
    %scan3A_5 = scf.for %scan3A_51 = %scan3A_1 to %scan3A_3 step %scan3A_4 iter_args(%scan3A_52 = %scan3A) -> (i32)  : i32 {
      %mul3A_53 = arith.constant 16 : i32
      %mul3A_54 = arith.muli %scan3A_51, %mul3A_53 : i32
      %swap3A = arith.index_cast %mul3A_54 : i32 to index
      %swap3A_55 = tpu.vector_load %arg6[%swap3A] {strides = array<i32>} : memref<2048xf32, #tpu.memory_space<vmem>>, vector<16xf32>,
      %swap3A_56 = vector.shape_cast %swap3A_55 : vector<16xf32> to vector<16xf32>
      %swap3A_57 = vector.shape_cast %broadcast_in_dim3A_0 : vector<16xf32> to vector<16xf32>
      tpu.vector_store %arg6[%swap3A], %swap3A_57 {strides = array<i32>} : memref<2048xf32, #tpu.memory_space<vmem>>, vector<16xf32>,
      %scan3A_58 = arith.constant 0 : i32
      scf.yield %scan3A_58 : i32
    }
    %scan3A_6 = arith.constant 128 : i32
    %mul3A = arith.constant 160 : i32
    %mul3A_7 = arith.muli %arg1, %mul3A : i32
    %add3A = arith.constant 5632 : i32
    %add3A_8 = arith.addi %add3A, %mul3A_7 : i32
    %add3A_9 = arith.constant 0 : i32
    %add3A_10 = arith.addi %add3A_8, %add3A_9 : i32
    %mul3A_11 = arith.constant 2 : i32
    %mul3A_12 = arith.muli %mul3A_11, %arg0 : i32
    %add3A_13 = arith.constant 0 : i32
    %add3A_14 = arith.addi %mul3A_12, %add3A_13 : i32
    %dma_start3A = arith.constant 0 : i32
    %dma_start3A_15 = tpu.memref_slice %arg2[%add3A_14, %add3A_10, %dma_start3A] : memref<4x8192x1024xf32, #tpu.memory_space<hbm>> -> memref<1x16x1024xf32, #tpu.memory_space<hbm>>
    %dma_start3A_16 = tpu.memref_squeeze %dma_start3A_15 : memref<1x16x1024xf32, #tpu.memory_space<hbm>> -> memref<16x1024xf32, #tpu.memory_space<hbm>>
    %dma_start3A_17 = arith.constant 0 : i32
    %dma_start3A_18 = tpu.memref_slice %arg2[%add3A_14, %add3A_10, %dma_start3A_17] : memref<4x8192x1024xf32, #tpu.memory_space<hbm>> -> memref<1x16x1024xf32, #tpu.memory_space<hbm>>
    %dma_start3A_19 = tpu.memref_squeeze %dma_start3A_18 : memref<1x16x1024xf32, #tpu.memory_space<hbm>> -> memref<16x1024xf32, #tpu.memory_space<hbm>>
    tpu.enqueue_dma source(%dma_start3A_19 : memref<16x1024xf32, #tpu.memory_space<hbm>>) target(%arg4 : memref<16x1024xf32, #tpu.memory_space<vmem>>) target_semaphore(%arg10 : memref<!tpu.dma_semaphore, #tpu.memory_space<semaphore_mem>>)
    %mul3A_20 = arith.constant 160 : i32
    %mul3A_21 = arith.muli %arg1, %mul3A_20 : i32
    %add3A_22 = arith.constant 5632 : i32
    %add3A_23 = arith.addi %add3A_22, %mul3A_21 : i32
    %add3A_24 = arith.constant 16 : i32
    %add3A_25 = arith.addi %add3A_23, %add3A_24 : i32
    %mul3A_26 = arith.constant 2 : i32
    %mul3A_27 = arith.muli %mul3A_26, %arg0 : i32
    %add3A_28 = arith.constant 0 : i32
    %add3A_29 = arith.addi %mul3A_27, %add3A_28 : i32
    %dma_start3A_30 = arith.constant 0 : i32
    %dma_start3A_31 = tpu.memref_slice %arg2[%add3A_29, %add3A_25, %dma_start3A_30] : memref<4x8192x1024xf32, #tpu.memory_space<hbm>> -> memref<1x16x1024xf32, #tpu.memory_space<hbm>>
    %dma_start3A_32 = tpu.memref_squeeze %dma_start3A_31 : memref<1x16x1024xf32, #tpu.memory_space<hbm>> -> memref<16x1024xf32, #tpu.memory_space<hbm>>
    %dma_start3A_33 = arith.constant 0 : i32
    %dma_start3A_34 = tpu.memref_slice %arg2[%add3A_29, %add3A_25, %dma_start3A_33] : memref<4x8192x1024xf32, #tpu.memory_space<hbm>> -> memref<1x16x1024xf32, #tpu.memory_space<hbm>>
    %dma_start3A_35 = tpu.memref_squeeze %dma_start3A_34 : memref<1x16x1024xf32, #tpu.memory_space<hbm>> -> memref<16x1024xf32, #tpu.memory_space<hbm>>
    tpu.enqueue_dma source(%dma_start3A_35 : memref<16x1024xf32, #tpu.memory_space<hbm>>) target(%arg5 : memref<16x1024xf32, #tpu.memory_space<vmem>>) target_semaphore(%arg11 : memref<!tpu.dma_semaphore, #tpu.memory_space<semaphore_mem>>)
    %scan3A_36 = arith.constant 0 : i32
    %scan3A_37 = arith.constant 0 : i32
    %scan3A_38 = arith.constant 10 : i32
    %scan3A_39 = arith.addi %scan3A_37, %scan3A_38 : i32
    %scan3A_40 = arith.constant 1 : i32
    %scan3A_41 = scf.for %scan3A_51 = %scan3A_37 to %scan3A_39 step %scan3A_40 iter_args(%scan3A_52 = %scan3A_36) -> (i32)  : i32 {
      %mul3A_53 = arith.constant 2 : i32
      %mul3A_54 = arith.muli %scan3A_51, %mul3A_53 : i32
      %add3A_55 = arith.constant 0 : i32
      %add3A_56 = arith.addi %mul3A_54, %add3A_55 : i32
      %dma_wait3A = arith.constant 0 : i32
      %dma_wait3A_57 = arith.constant 0 : i32
      %dma_wait3A_58 = arith.constant 0 : i32
      %dma_wait3A_59 = tpu.memref_slice %arg2[%dma_wait3A, %dma_wait3A_57, %dma_wait3A_58] : memref<4x8192x1024xf32, #tpu.memory_space<hbm>> -> memref<1x16x1024xf32, #tpu.memory_space<hbm>>
      %dma_wait3A_60 = tpu.memref_squeeze %dma_wait3A_59 : memref<1x16x1024xf32, #tpu.memory_space<hbm>> -> memref<16x1024xf32, #tpu.memory_space<hbm>>
      %dma_wait3A_61 = arith.constant 0 : i32
      %dma_wait3A_62 = arith.constant 0 : i32
      %dma_wait3A_63 = tpu.memref_slice %arg2[%dma_wait3A, %dma_wait3A_61, %dma_wait3A_62] : memref<4x8192x1024xf32, #tpu.memory_space<hbm>> -> memref<1x16x1024xf32, #tpu.memory_space<hbm>>
      %dma_wait3A_64 = tpu.memref_squeeze %dma_wait3A_63 : memref<1x16x1024xf32, #tpu.memory_space<hbm>> -> memref<16x1024xf32, #tpu.memory_space<hbm>>
      tpu.wait_dma2 semaphore(%arg10 : memref<!tpu.dma_semaphore, #tpu.memory_space<semaphore_mem>>) src(%dma_wait3A_64 : memref<16x1024xf32, #tpu.memory_space<hbm>>) dst(%arg4 : memref<16x1024xf32, #tpu.memory_space<vmem>>)
      %jit3A = arith.constant 10 : i32
      %div3A = arith.divsi %add3A_56, %jit3A : i32
      %sign3A = arith.constant 0 : i32
      %sign3A_65 = arith.cmpi sgt, %add3A_56, %sign3A : i32
      %sign3A_66 = arith.extui %sign3A_65 : i1 to i32
      %sign3A_67 = arith.constant 0 : i32
      %sign3A_68 = arith.cmpi slt, %add3A_56, %sign3A_67 : i32
      %sign3A_69 = arith.extui %sign3A_68 : i1 to i32
      %sign3A_70 = arith.subi %sign3A_66, %sign3A_69 : i32
      %sign3A_71 = arith.constant 0 : i32
      %sign3A_72 = arith.cmpi sgt, %jit3A, %sign3A_71 : i32
      %sign3A_73 = arith.extui %sign3A_72 : i1 to i32
      %sign3A_74 = arith.constant 0 : i32
      %sign3A_75 = arith.cmpi slt, %jit3A, %sign3A_74 : i32
      %sign3A_76 = arith.extui %sign3A_75 : i1 to i32
      %sign3A_77 = arith.subi %sign3A_73, %sign3A_76 : i32
      %ne3A = arith.cmpi ne, %sign3A_70, %sign3A_77 : i32
      %rem3A = arith.remsi %add3A_56, %jit3A : i32
      %ne3A_78 = arith.constant 0 : i32
      %ne3A_79 = arith.cmpi ne, %rem3A, %ne3A_78 : i32
      %and3A = arith.andi %ne3A, %ne3A_79 : i1
      %sub3A = arith.constant 1 : i32
      %sub3A_80 = arith.subi %div3A, %sub3A : i32
      %select_n3A = arith.select %and3A, %sub3A_80, %div3A : i32
      %parallel_loop3A = arith.constant 0 : i32
      %parallel_loop3A_81 = arith.constant 16 : i32
      %parallel_loop3A_82 = arith.constant 1 : i32
      %parallel_loop3A_83:16 = scf.for %parallel_loop3A_1443 = %parallel_loop3A to %parallel_loop3A_81 step %parallel_loop3A_82 iter_args(%parallel_loop3A_1444 = %broadcast_in_dim3A_0, %parallel_loop3A_1445 = %broadcast_in_dim3A_0, %parallel_loop3A_1446 = %broadcast_in_dim3A_0, %parallel_loop3A_1447 = %broadcast_in_dim3A_0, %parallel_loop3A_1448 = %broadcast_in_dim3A_0, %parallel_loop3A_1449 = %broadcast_in_dim3A_0, %parallel_loop3A_1450 = %broadcast_in_dim3A_0, %parallel_loop3A_1451 = %broadcast_in_dim3A_0, %parallel_loop3A_1452 = %broadcast_in_dim3A_0, %parallel_loop3A_1453 = %broadcast_in_dim3A_0, %parallel_loop3A_1454 = %broadcast_in_dim3A_0, %parallel_loop3A_1455 = %broadcast_in_dim3A_0, %parallel_loop3A_1456 = %broadcast_in_dim3A_0, %parallel_loop3A_1457 = %broadcast_in_dim3A_0, %parallel_loop3A_1458 = %broadcast_in_dim3A_0, %parallel_loop3A_1459 = %broadcast_in_dim3A_0) -> (vector<16xf32>, vector<16xf32>, vector<16xf32>, vector<16xf32>, vector<16xf32>, vector<16xf32>, vector<16xf32>, vector<16xf32>, vector<16xf32>, vector<16xf32>, vector<16xf32>, vector<16xf32>, vector<16xf32>, vector<16xf32>, vector<16xf32>, vector<16xf32>)  : i32 {
        %parallel_loop3A_1460 = arith.index_cast %parallel_loop3A_1443 : i32 to index
        %parallel_loop3A_1461 = arith.constant 0 : index
        %parallel_loop3A_1462 = tpu.vector_load %arg4[%parallel_loop3A_1460, %parallel_loop3A_1461] {strides = array<i32>} : memref<16x1024xf32, #tpu.memory_space<vmem>>, vector<1x16xf32>,
        %parallel_loop3A_1463 = vector.shape_cast %parallel_loop3A_1462 : vector<1x16xf32> to vector<16xf32>
        %parallel_loop3A_1464 = arith.addf %parallel_loop3A_1444, %parallel_loop3A_1463 : vector<16xf32>
        %parallel_loop3A_1465 = arith.index_cast %parallel_loop3A_1443 : i32 to index
        %parallel_loop3A_1466 = arith.constant 16 : index
        %parallel_loop3A_1467 = tpu.vector_load %arg4[%parallel_loop3A_1465, %parallel_loop3A_1466] {strides = array<i32>} : memref<16x1024xf32, #tpu.memory_space<vmem>>, vector<1x16xf32>,
        %parallel_loop3A_1468 = vector.shape_cast %parallel_loop3A_1467 : vector<1x16xf32> to vector<16xf32>
        %parallel_loop3A_1469 = arith.addf %parallel_loop3A_1445, %parallel_loop3A_1468 : vector<16xf32>
        %parallel_loop3A_1470 = arith.index_cast %parallel_loop3A_1443 : i32 to index
        %parallel_loop3A_1471 = arith.constant 32 : index
        %parallel_loop3A_1472 = tpu.vector_load %arg4[%parallel_loop3A_1470, %parallel_loop3A_1471] {strides = array<i32>} : memref<16x1024xf32, #tpu.memory_space<vmem>>, vector<1x16xf32>,
        %parallel_loop3A_1473 = vector.shape_cast %parallel_loop3A_1472 : vector<1x16xf32> to vector<16xf32>
        %parallel_loop3A_1474 = arith.addf %parallel_loop3A_1446, %parallel_loop3A_1473 : vector<16xf32>
        %parallel_loop3A_1475 = arith.index_cast %parallel_loop3A_1443 : i32 to index
        %parallel_loop3A_1476 = arith.constant 48 : index
        %parallel_loop3A_1477 = tpu.vector_load %arg4[%parallel_loop3A_1475, %parallel_loop3A_1476] {strides = array<i32>} : memref<16x1024xf32, #tpu.memory_space<vmem>>, vector<1x16xf32>,
        %parallel_loop3A_1478 = vector.shape_cast %parallel_loop3A_1477 : vector<1x16xf32> to vector<16xf32>
        %parallel_loop3A_1479 = arith.addf %parallel_loop3A_1447, %parallel_loop3A_1478 : vector<16xf32>
        %parallel_loop3A_1480 = arith.index_cast %parallel_loop3A_1443 : i32 to index
        %parallel_loop3A_1481 = arith.constant 64 : index
        %parallel_loop3A_1482 = tpu.vector_load %arg4[%parallel_loop3A_1480, %parallel_loop3A_1481] {strides = array<i32>} : memref<16x1024xf32, #tpu.memory_space<vmem>>, vector<1x16xf32>,
        %parallel_loop3A_1483 = vector.shape_cast %parallel_loop3A_1482 : vector<1x16xf32> to vector<16xf32>
        %parallel_loop3A_1484 = arith.addf %parallel_loop3A_1448, %parallel_loop3A_1483 : vector<16xf32>
        %parallel_loop3A_1485 = arith.index_cast %parallel_loop3A_1443 : i32 to index
        %parallel_loop3A_1486 = arith.constant 80 : index
        %parallel_loop3A_1487 = tpu.vector_load %arg4[%parallel_loop3A_1485, %parallel_loop3A_1486] {strides = array<i32>} : memref<16x1024xf32, #tpu.memory_space<vmem>>, vector<1x16xf32>,
        %parallel_loop3A_1488 = vector.shape_cast %parallel_loop3A_1487 : vector<1x16xf32> to vector<16xf32>
        %parallel_loop3A_1489 = arith.addf %parallel_loop3A_1449, %parallel_loop3A_1488 : vector<16xf32>
        %parallel_loop3A_1490 = arith.index_cast %parallel_loop3A_1443 : i32 to index
        %parallel_loop3A_1491 = arith.constant 96 : index
        %parallel_loop3A_1492 = tpu.vector_load %arg4[%parallel_loop3A_1490, %parallel_loop3A_1491] {strides = array<i32>} : memref<16x1024xf32, #tpu.memory_space<vmem>>, vector<1x16xf32>,
        %parallel_loop3A_1493 = vector.shape_cast %parallel_loop3A_1492 : vector<1x16xf32> to vector<16xf32>
        %parallel_loop3A_1494 = arith.addf %parallel_loop3A_1450, %parallel_loop3A_1493 : vector<16xf32>
        %parallel_loop3A_1495 = arith.index_cast %parallel_loop3A_1443 : i32 to index
        %parallel_loop3A_1496 = arith.constant 112 : index
        %parallel_loop3A_1497 = tpu.vector_load %arg4[%parallel_loop3A_1495, %parallel_loop3A_1496] {strides = array<i32>} : memref<16x1024xf32, #tpu.memory_space<vmem>>, vector<1x16xf32>,
        %parallel_loop3A_1498 = vector.shape_cast %parallel_loop3A_1497 : vector<1x16xf32> to vector<16xf32>
        %parallel_loop3A_1499 = arith.addf %parallel_loop3A_1451, %parallel_loop3A_1498 : vector<16xf32>
        %parallel_loop3A_1500 = arith.index_cast %parallel_loop3A_1443 : i32 to index
        %parallel_loop3A_1501 = arith.constant 128 : index
        %parallel_loop3A_1502 = tpu.vector_load %arg4[%parallel_loop3A_1500, %parallel_loop3A_1501] {strides = array<i32>} : memref<16x1024xf32, #tpu.memory_space<vmem>>, vector<1x16xf32>,
        %parallel_loop3A_1503 = vector.shape_cast %parallel_loop3A_1502 : vector<1x16xf32> to vector<16xf32>
        %parallel_loop3A_1504 = arith.addf %parallel_loop3A_1452, %parallel_loop3A_1503 : vector<16xf32>
        %parallel_loop3A_1505 = arith.index_cast %parallel_loop3A_1443 : i32 to index
        %parallel_loop3A_1506 = arith.constant 144 : index
        %parallel_loop3A_1507 = tpu.vector_load %arg4[%parallel_loop3A_1505, %parallel_loop3A_1506] {strides = array<i32>} : memref<16x1024xf32, #tpu.memory_space<vmem>>, vector<1x16xf32>,
        %parallel_loop3A_1508 = vector.shape_cast %parallel_loop3A_1507 : vector<1x16xf32> to vector<16xf32>
        %parallel_loop3A_1509 = arith.addf %parallel_loop3A_1453, %parallel_loop3A_1508 : vector<16xf32>
        %parallel_loop3A_1510 = arith.index_cast %parallel_loop3A_1443 : i32 to index
        %parallel_loop3A_1511 = arith.constant 160 : index
        %parallel_loop3A_1512 = tpu.vector_load %arg4[%parallel_loop3A_1510, %parallel_loop3A_1511] {strides = array<i32>} : memref<16x1024xf32, #tpu.memory_space<vmem>>, vector<1x16xf32>,
        %parallel_loop3A_1513 = vector.shape_cast %parallel_loop3A_1512 : vector<1x16xf32> to vector<16xf32>
        %parallel_loop3A_1514 = arith.addf %parallel_loop3A_1454, %parallel_loop3A_1513 : vector<16xf32>
        %parallel_loop3A_1515 = arith.index_cast %parallel_loop3A_1443 : i32 to index
        %parallel_loop3A_1516 = arith.constant 176 : index
        %parallel_loop3A_1517 = tpu.vector_load %arg4[%parallel_loop3A_1515, %parallel_loop3A_1516] {strides = array<i32>} : memref<16x1024xf32, #tpu.memory_space<vmem>>, vector<1x16xf32>,
        %parallel_loop3A_1518 = vector.shape_cast %parallel_loop3A_1517 : vector<1x16xf32> to vector<16xf32>
        %parallel_loop3A_1519 = arith.addf %parallel_loop3A_1455, %parallel_loop3A_1518 : vector<16xf32>
        %parallel_loop3A_1520 = arith.index_cast %parallel_loop3A_1443 : i32 to index
        %parallel_loop3A_1521 = arith.constant 192 : index
        %parallel_loop3A_1522 = tpu.vector_load %arg4[%parallel_loop3A_1520, %parallel_loop3A_1521] {strides = array<i32>} : memref<16x1024xf32, #tpu.memory_space<vmem>>, vector<1x16xf32>,
        %parallel_loop3A_1523 = vector.shape_cast %parallel_loop3A_1522 : vector<1x16xf32> to vector<16xf32>
        %parallel_loop3A_1524 = arith.addf %parallel_loop3A_1456, %parallel_loop3A_1523 : vector<16xf32>
        %parallel_loop3A_1525 = arith.index_cast %parallel_loop3A_1443 : i32 to index
        %parallel_loop3A_1526 = arith.constant 208 : index
        %parallel_loop3A_1527 = tpu.vector_load %arg4[%parallel_loop3A_1525, %parallel_loop3A_1526] {strides = array<i32>} : memref<16x1024xf32, #tpu.memory_space<vmem>>, vector<1x16xf32>,
        %parallel_loop3A_1528 = vector.shape_cast %parallel_loop3A_1527 : vector<1x16xf32> to vector<16xf32>
        %parallel_loop3A_1529 = arith.addf %parallel_loop3A_1457, %parallel_loop3A_1528 : vector<16xf32>
        %parallel_loop3A_1530 = arith.index_cast %parallel_loop3A_1443 : i32 to index
        %parallel_loop3A_1531 = arith.constant 224 : index
        %parallel_loop3A_1532 = tpu.vector_load %arg4[%parallel_loop3A_1530, %parallel_loop3A_1531] {strides = array<i32>} : memref<16x1024xf32, #tpu.memory_space<vmem>>, vector<1x16xf32>,
        %parallel_loop3A_1533 = vector.shape_cast %parallel_loop3A_1532 : vector<1x16xf32> to vector<16xf32>
        %parallel_loop3A_1534 = arith.addf %parallel_loop3A_1458, %parallel_loop3A_1533 : vector<16xf32>
        %parallel_loop3A_1535 = arith.index_cast %parallel_loop3A_1443 : i32 to index
        %parallel_loop3A_1536 = arith.constant 240 : index
        %parallel_loop3A_1537 = tpu.vector_load %arg4[%parallel_loop3A_1535, %parallel_loop3A_1536] {strides = array<i32>} : memref<16x1024xf32, #tpu.memory_space<vmem>>, vector<1x16xf32>,
        %parallel_loop3A_1538 = vector.shape_cast %parallel_loop3A_1537 : vector<1x16xf32> to vector<16xf32>
        %parallel_loop3A_1539 = arith.addf %parallel_loop3A_1459, %parallel_loop3A_1538 : vector<16xf32>
        scf.yield %parallel_loop3A_1464, %parallel_loop3A_1469, %parallel_loop3A_1474, %parallel_loop3A_1479, %parallel_loop3A_1484, %parallel_loop3A_1489, %parallel_loop3A_1494, %parallel_loop3A_1499, %parallel_loop3A_1504, %parallel_loop3A_1509, %parallel_loop3A_1514, %parallel_loop3A_1519, %parallel_loop3A_1524, %parallel_loop3A_1529, %parallel_loop3A_1534, %parallel_loop3A_1539 : vector<16xf32>, vector<16xf32>, vector<16xf32>, vector<16xf32>, vector<16xf32>, vector<16xf32>, vector<16xf32>, vector<16xf32>, vector<16xf32>, vector<16xf32>, vector<16xf32>, vector<16xf32>, vector<16xf32>, vector<16xf32>, vector<16xf32>, vector<16xf32>
      } {sc.loop_unroll_factor = 4 : i64, sc.parallel_access}
      %mul3A_84 = arith.constant 1024 : i32
      %mul3A_85 = arith.muli %select_n3A, %mul3A_84 : i32
      %add3A_86 = arith.constant 0 : i32
      %add3A_87 = arith.addi %mul3A_85, %add3A_86 : i32
      %add3A_88 = arith.constant 0 : i32
      %add3A_89 = arith.addi %add3A_87, %add3A_88 : i32
      %swap3A = arith.index_cast %add3A_89 : i32 to index
      %swap3A_90 = tpu.vector_load %arg6[%swap3A] {strides = array<i32>} : memref<2048xf32, #tpu.memory_space<vmem>>, vector<16xf32>,
      %swap3A_91 = vector.shape_cast %swap3A_90 : vector<16xf32> to vector<16xf32>
      %swap3A_92 = vector.shape_cast %parallel_loop3A_83#0 : vector<16xf32> to vector<16xf32>
      tpu.vector_store %arg6[%swap3A], %swap3A_92 {add = true, strides = array<i32>} : memref<2048xf32, #tpu.memory_space<vmem>>, vector<16xf32>,
      %mul3A_93 = arith.constant 1024 : i32
      %mul3A_94 = arith.muli %select_n3A, %mul3A_93 : i32
      %add3A_95 = arith.constant 0 : i32
      %add3A_96 = arith.addi %mul3A_94, %add3A_95 : i32
      %add3A_97 = arith.constant 16 : i32
      %add3A_98 = arith.addi %add3A_96, %add3A_97 : i32
      %swap3A_99 = arith.index_cast %add3A_98 : i32 to index
      %swap3A_100 = tpu.vector_load %arg6[%swap3A_99] {strides = array<i32>} : memref<2048xf32, #tpu.memory_space<vmem>>, vector<16xf32>,
      %swap3A_101 = vector.shape_cast %swap3A_100 : vector<16xf32> to vector<16xf32>
      %swap3A_102 = vector.shape_cast %parallel_loop3A_83#1 : vector<16xf32> to vector<16xf32>
      tpu.vector_store %arg6[%swap3A_99], %swap3A_102 {add = true, strides = array<i32>} : memref<2048xf32, #tpu.memory_space<vmem>>, vector<16xf32>,
      %mul3A_103 = arith.constant 1024 : i32
      %mul3A_104 = arith.muli %select_n3A, %mul3A_103 : i32
      %add3A_105 = arith.constant 0 : i32
      %add3A_106 = arith.addi %mul3A_104, %add3A_105 : i32
      %add3A_107 = arith.constant 32 : i32
      %add3A_108 = arith.addi %add3A_106, %add3A_107 : i32
      %swap3A_109 = arith.index_cast %add3A_108 : i32 to index
      %swap3A_110 = tpu.vector_load %arg6[%swap3A_109] {strides = array<i32>} : memref<2048xf32, #tpu.memory_space<vmem>>, vector<16xf32>,
      %swap3A_111 = vector.shape_cast %swap3A_110 : vector<16xf32> to vector<16xf32>
      %swap3A_112 = vector.shape_cast %parallel_loop3A_83#2 : vector<16xf32> to vector<16xf32>
      tpu.vector_store %arg6[%swap3A_109], %swap3A_112 {add = true, strides = array<i32>} : memref<2048xf32, #tpu.memory_space<vmem>>, vector<16xf32>,
      %mul3A_113 = arith.constant 1024 : i32
      %mul3A_114 = arith.muli %select_n3A, %mul3A_113 : i32
      %add3A_115 = arith.constant 0 : i32
      %add3A_116 = arith.addi %mul3A_114, %add3A_115 : i32
      %add3A_117 = arith.constant 48 : i32
      %add3A_118 = arith.addi %add3A_116, %add3A_117 : i32
      %swap3A_119 = arith.index_cast %add3A_118 : i32 to index
      %swap3A_120 = tpu.vector_load %arg6[%swap3A_119] {strides = array<i32>} : memref<2048xf32, #tpu.memory_space<vmem>>, vector<16xf32>,
      %swap3A_121 = vector.shape_cast %swap3A_120 : vector<16xf32> to vector<16xf32>
      %swap3A_122 = vector.shape_cast %parallel_loop3A_83#3 : vector<16xf32> to vector<16xf32>
      tpu.vector_store %arg6[%swap3A_119], %swap3A_122 {add = true, strides = array<i32>} : memref<2048xf32, #tpu.memory_space<vmem>>, vector<16xf32>,
      %mul3A_123 = arith.constant 1024 : i32
      %mul3A_124 = arith.muli %select_n3A, %mul3A_123 : i32
      %add3A_125 = arith.constant 0 : i32
      %add3A_126 = arith.addi %mul3A_124, %add3A_125 : i32
      %add3A_127 = arith.constant 64 : i32
      %add3A_128 = arith.addi %add3A_126, %add3A_127 : i32
      %swap3A_129 = arith.index_cast %add3A_128 : i32 to index
      %swap3A_130 = tpu.vector_load %arg6[%swap3A_129] {strides = array<i32>} : memref<2048xf32, #tpu.memory_space<vmem>>, vector<16xf32>,
      %swap3A_131 = vector.shape_cast %swap3A_130 : vector<16xf32> to vector<16xf32>
      %swap3A_132 = vector.shape_cast %parallel_loop3A_83#4 : vector<16xf32> to vector<16xf32>
      tpu.vector_store %arg6[%swap3A_129], %swap3A_132 {add = true, strides = array<i32>} : memref<2048xf32, #tpu.memory_space<vmem>>, vector<16xf32>,
      %mul3A_133 = arith.constant 1024 : i32
      %mul3A_134 = arith.muli %select_n3A, %mul3A_133 : i32
      %add3A_135 = arith.constant 0 : i32
      %add3A_136 = arith.addi %mul3A_134, %add3A_135 : i32
      %add3A_137 = arith.constant 80 : i32
      %add3A_138 = arith.addi %add3A_136, %add3A_137 : i32
      %swap3A_139 = arith.index_cast %add3A_138 : i32 to index
      %swap3A_140 = tpu.vector_load %arg6[%swap3A_139] {strides = array<i32>} : memref<2048xf32, #tpu.memory_space<vmem>>, vector<16xf32>,
      %swap3A_141 = vector.shape_cast %swap3A_140 : vector<16xf32> to vector<16xf32>
      %swap3A_142 = vector.shape_cast %parallel_loop3A_83#5 : vector<16xf32> to vector<16xf32>
      tpu.vector_store %arg6[%swap3A_139], %swap3A_142 {add = true, strides = array<i32>} : memref<2048xf32, #tpu.memory_space<vmem>>, vector<16xf32>,
      %mul3A_143 = arith.constant 1024 : i32
      %mul3A_144 = arith.muli %select_n3A, %mul3A_143 : i32
      %add3A_145 = arith.constant 0 : i32
      %add3A_146 = arith.addi %mul3A_144, %add3A_145 : i32
      %add3A_147 = arith.constant 96 : i32
      %add3A_148 = arith.addi %add3A_146, %add3A_147 : i32
      %swap3A_149 = arith.index_cast %add3A_148 : i32 to index
      %swap3A_150 = tpu.vector_load %arg6[%swap3A_149] {strides = array<i32>} : memref<2048xf32, #tpu.memory_space<vmem>>, vector<16xf32>,
      %swap3A_151 = vector.shape_cast %swap3A_150 : vector<16xf32> to vector<16xf32>
      %swap3A_152 = vector.shape_cast %parallel_loop3A_83#6 : vector<16xf32> to vector<16xf32>
      tpu.vector_store %arg6[%swap3A_149], %swap3A_152 {add = true, strides = array<i32>} : memref<2048xf32, #tpu.memory_space<vmem>>, vector<16xf32>,
      %mul3A_153 = arith.constant 1024 : i32
      %mul3A_154 = arith.muli %select_n3A, %mul3A_153 : i32
      %add3A_155 = arith.constant 0 : i32
      %add3A_156 = arith.addi %mul3A_154, %add3A_155 : i32
      %add3A_157 = arith.constant 112 : i32
      %add3A_158 = arith.addi %add3A_156, %add3A_157 : i32
      %swap3A_159 = arith.index_cast %add3A_158 : i32 to index
      %swap3A_160 = tpu.vector_load %arg6[%swap3A_159] {strides = array<i32>} : memref<2048xf32, #tpu.memory_space<vmem>>, vector<16xf32>,
      %swap3A_161 = vector.shape_cast %swap3A_160 : vector<16xf32> to vector<16xf32>
      %swap3A_162 = vector.shape_cast %parallel_loop3A_83#7 : vector<16xf32> to vector<16xf32>
      tpu.vector_store %arg6[%swap3A_159], %swap3A_162 {add = true, strides = array<i32>} : memref<2048xf32, #tpu.memory_space<vmem>>, vector<16xf32>,
      %mul3A_163 = arith.constant 1024 : i32
      %mul3A_164 = arith.muli %select_n3A, %mul3A_163 : i32
      %add3A_165 = arith.constant 0 : i32
      %add3A_166 = arith.addi %mul3A_164, %add3A_165 : i32
      %add3A_167 = arith.constant 128 : i32
      %add3A_168 = arith.addi %add3A_166, %add3A_167 : i32
      %swap3A_169 = arith.index_cast %add3A_168 : i32 to index
      %swap3A_170 = tpu.vector_load %arg6[%swap3A_169] {strides = array<i32>} : memref<2048xf32, #tpu.memory_space<vmem>>, vector<16xf32>,
      %swap3A_171 = vector.shape_cast %swap3A_170 : vector<16xf32> to vector<16xf32>
      %swap3A_172 = vector.shape_cast %parallel_loop3A_83#8 : vector<16xf32> to vector<16xf32>
      tpu.vector_store %arg6[%swap3A_169], %swap3A_172 {add = true, strides = array<i32>} : memref<2048xf32, #tpu.memory_space<vmem>>, vector<16xf32>,
      %mul3A_173 = arith.constant 1024 : i32
      %mul3A_174 = arith.muli %select_n3A, %mul3A_173 : i32
      %add3A_175 = arith.constant 0 : i32
      %add3A_176 = arith.addi %mul3A_174, %add3A_175 : i32
      %add3A_177 = arith.constant 144 : i32
      %add3A_178 = arith.addi %add3A_176, %add3A_177 : i32
      %swap3A_179 = arith.index_cast %add3A_178 : i32 to index
      %swap3A_180 = tpu.vector_load %arg6[%swap3A_179] {strides = array<i32>} : memref<2048xf32, #tpu.memory_space<vmem>>, vector<16xf32>,
      %swap3A_181 = vector.shape_cast %swap3A_180 : vector<16xf32> to vector<16xf32>
      %swap3A_182 = vector.shape_cast %parallel_loop3A_83#9 : vector<16xf32> to vector<16xf32>
      tpu.vector_store %arg6[%swap3A_179], %swap3A_182 {add = true, strides = array<i32>} : memref<2048xf32, #tpu.memory_space<vmem>>, vector<16xf32>,
      %mul3A_183 = arith.constant 1024 : i32
      %mul3A_184 = arith.muli %select_n3A, %mul3A_183 : i32
      %add3A_185 = arith.constant 0 : i32
      %add3A_186 = arith.addi %mul3A_184, %add3A_185 : i32
      %add3A_187 = arith.constant 160 : i32
      %add3A_188 = arith.addi %add3A_186, %add3A_187 : i32
      %swap3A_189 = arith.index_cast %add3A_188 : i32 to index
      %swap3A_190 = tpu.vector_load %arg6[%swap3A_189] {strides = array<i32>} : memref<2048xf32, #tpu.memory_space<vmem>>, vector<16xf32>,
      %swap3A_191 = vector.shape_cast %swap3A_190 : vector<16xf32> to vector<16xf32>
      %swap3A_192 = vector.shape_cast %parallel_loop3A_83#10 : vector<16xf32> to vector<16xf32>
      tpu.vector_store %arg6[%swap3A_189], %swap3A_192 {add = true, strides = array<i32>} : memref<2048xf32, #tpu.memory_space<vmem>>, vector<16xf32>,
      %mul3A_193 = arith.constant 1024 : i32
      %mul3A_194 = arith.muli %select_n3A, %mul3A_193 : i32
      %add3A_195 = arith.constant 0 : i32
      %add3A_196 = arith.addi %mul3A_194, %add3A_195 : i32
      %add3A_197 = arith.constant 176 : i32
      %add3A_198 = arith.addi %add3A_196, %add3A_197 : i32
      %swap3A_199 = arith.index_cast %add3A_198 : i32 to index
      %swap3A_200 = tpu.vector_load %arg6[%swap3A_199] {strides = array<i32>} : memref<2048xf32, #tpu.memory_space<vmem>>, vector<16xf32>,
      %swap3A_201 = vector.shape_cast %swap3A_200 : vector<16xf32> to vector<16xf32>
      %swap3A_202 = vector.shape_cast %parallel_loop3A_83#11 : vector<16xf32> to vector<16xf32>
      tpu.vector_store %arg6[%swap3A_199], %swap3A_202 {add = true, strides = array<i32>} : memref<2048xf32, #tpu.memory_space<vmem>>, vector<16xf32>,
      %mul3A_203 = arith.constant 1024 : i32
      %mul3A_204 = arith.muli %select_n3A, %mul3A_203 : i32
      %add3A_205 = arith.constant 0 : i32
      %add3A_206 = arith.addi %mul3A_204, %add3A_205 : i32
      %add3A_207 = arith.constant 192 : i32
      %add3A_208 = arith.addi %add3A_206, %add3A_207 : i32
      %swap3A_209 = arith.index_cast %add3A_208 : i32 to index
      %swap3A_210 = tpu.vector_load %arg6[%swap3A_209] {strides = array<i32>} : memref<2048xf32, #tpu.memory_space<vmem>>, vector<16xf32>,
      %swap3A_211 = vector.shape_cast %swap3A_210 : vector<16xf32> to vector<16xf32>
      %swap3A_212 = vector.shape_cast %parallel_loop3A_83#12 : vector<16xf32> to vector<16xf32>
      tpu.vector_store %arg6[%swap3A_209], %swap3A_212 {add = true, strides = array<i32>} : memref<2048xf32, #tpu.memory_space<vmem>>, vector<16xf32>,
      %mul3A_213 = arith.constant 1024 : i32
      %mul3A_214 = arith.muli %select_n3A, %mul3A_213 : i32
      %add3A_215 = arith.constant 0 : i32
      %add3A_216 = arith.addi %mul3A_214, %add3A_215 : i32
      %add3A_217 = arith.constant 208 : i32
      %add3A_218 = arith.addi %add3A_216, %add3A_217 : i32
      %swap3A_219 = arith.index_cast %add3A_218 : i32 to index
      %swap3A_220 = tpu.vector_load %arg6[%swap3A_219] {strides = array<i32>} : memref<2048xf32, #tpu.memory_space<vmem>>, vector<16xf32>,
      %swap3A_221 = vector.shape_cast %swap3A_220 : vector<16xf32> to vector<16xf32>
      %swap3A_222 = vector.shape_cast %parallel_loop3A_83#13 : vector<16xf32> to vector<16xf32>
      tpu.vector_store %arg6[%swap3A_219], %swap3A_222 {add = true, strides = array<i32>} : memref<2048xf32, #tpu.memory_space<vmem>>, vector<16xf32>,
      %mul3A_223 = arith.constant 1024 : i32
      %mul3A_224 = arith.muli %select_n3A, %mul3A_223 : i32
      %add3A_225 = arith.constant 0 : i32
      %add3A_226 = arith.addi %mul3A_224, %add3A_225 : i32
      %add3A_227 = arith.constant 224 : i32
      %add3A_228 = arith.addi %add3A_226, %add3A_227 : i32
      %swap3A_229 = arith.index_cast %add3A_228 : i32 to index
      %swap3A_230 = tpu.vector_load %arg6[%swap3A_229] {strides = array<i32>} : memref<2048xf32, #tpu.memory_space<vmem>>, vector<16xf32>,
      %swap3A_231 = vector.shape_cast %swap3A_230 : vector<16xf32> to vector<16xf32>
      %swap3A_232 = vector.shape_cast %parallel_loop3A_83#14 : vector<16xf32> to vector<16xf32>
      tpu.vector_store %arg6[%swap3A_229], %swap3A_232 {add = true, strides = array<i32>} : memref<2048xf32, #tpu.memory_space<vmem>>, vector<16xf32>,
      %mul3A_233 = arith.constant 1024 : i32
      %mul3A_234 = arith.muli %select_n3A, %mul3A_233 : i32
      %add3A_235 = arith.constant 0 : i32
      %add3A_236 = arith.addi %mul3A_234, %add3A_235 : i32
      %add3A_237 = arith.constant 240 : i32
      %add3A_238 = arith.addi %add3A_236, %add3A_237 : i32
      %swap3A_239 = arith.index_cast %add3A_238 : i32 to index
      %swap3A_240 = tpu.vector_load %arg6[%swap3A_239] {strides = array<i32>} : memref<2048xf32, #tpu.memory_space<vmem>>, vector<16xf32>,
      %swap3A_241 = vector.shape_cast %swap3A_240 : vector<16xf32> to vector<16xf32>
      %swap3A_242 = vector.shape_cast %parallel_loop3A_83#15 : vector<16xf32> to vector<16xf32>
      tpu.vector_store %arg6[%swap3A_239], %swap3A_242 {add = true, strides = array<i32>} : memref<2048xf32, #tpu.memory_space<vmem>>, vector<16xf32>,
      %parallel_loop3A_243 = arith.constant 0 : i32
      %parallel_loop3A_244 = arith.constant 16 : i32
      %parallel_loop3A_245 = arith.constant 1 : i32
      %parallel_loop3A_246:16 = scf.for %parallel_loop3A_1443 = %parallel_loop3A_243 to %parallel_loop3A_244 step %parallel_loop3A_245 iter_args(%parallel_loop3A_1444 = %broadcast_in_dim3A_0, %parallel_loop3A_1445 = %broadcast_in_dim3A_0, %parallel_loop3A_1446 = %broadcast_in_dim3A_0, %parallel_loop3A_1447 = %broadcast_in_dim3A_0, %parallel_loop3A_1448 = %broadcast_in_dim3A_0, %parallel_loop3A_1449 = %broadcast_in_dim3A_0, %parallel_loop3A_1450 = %broadcast_in_dim3A_0, %parallel_loop3A_1451 = %broadcast_in_dim3A_0, %parallel_loop3A_1452 = %broadcast_in_dim3A_0, %parallel_loop3A_1453 = %broadcast_in_dim3A_0, %parallel_loop3A_1454 = %broadcast_in_dim3A_0, %parallel_loop3A_1455 = %broadcast_in_dim3A_0, %parallel_loop3A_1456 = %broadcast_in_dim3A_0, %parallel_loop3A_1457 = %broadcast_in_dim3A_0, %parallel_loop3A_1458 = %broadcast_in_dim3A_0, %parallel_loop3A_1459 = %broadcast_in_dim3A_0) -> (vector<16xf32>, vector<16xf32>, vector<16xf32>, vector<16xf32>, vector<16xf32>, vector<16xf32>, vector<16xf32>, vector<16xf32>, vector<16xf32>, vector<16xf32>, vector<16xf32>, vector<16xf32>, vector<16xf32>, vector<16xf32>, vector<16xf32>, vector<16xf32>)  : i32 {
        %parallel_loop3A_1460 = arith.index_cast %parallel_loop3A_1443 : i32 to index
        %parallel_loop3A_1461 = arith.constant 256 : index
        %parallel_loop3A_1462 = tpu.vector_load %arg4[%parallel_loop3A_1460, %parallel_loop3A_1461] {strides = array<i32>} : memref<16x1024xf32, #tpu.memory_space<vmem>>, vector<1x16xf32>,
        %parallel_loop3A_1463 = vector.shape_cast %parallel_loop3A_1462 : vector<1x16xf32> to vector<16xf32>
        %parallel_loop3A_1464 = arith.addf %parallel_loop3A_1444, %parallel_loop3A_1463 : vector<16xf32>
        %parallel_loop3A_1465 = arith.index_cast %parallel_loop3A_1443 : i32 to index
        %parallel_loop3A_1466 = arith.constant 272 : index
        %parallel_loop3A_1467 = tpu.vector_load %arg4[%parallel_loop3A_1465, %parallel_loop3A_1466] {strides = array<i32>} : memref<16x1024xf32, #tpu.memory_space<vmem>>, vector<1x16xf32>,
        %parallel_loop3A_1468 = vector.shape_cast %parallel_loop3A_1467 : vector<1x16xf32> to vector<16xf32>
        %parallel_loop3A_1469 = arith.addf %parallel_loop3A_1445, %parallel_loop3A_1468 : vector<16xf32>
        %parallel_loop3A_1470 = arith.index_cast %parallel_loop3A_1443 : i32 to index
        %parallel_loop3A_1471 = arith.constant 288 : index
        %parallel_loop3A_1472 = tpu.vector_load %arg4[%parallel_loop3A_1470, %parallel_loop3A_1471] {strides = array<i32>} : memref<16x1024xf32, #tpu.memory_space<vmem>>, vector<1x16xf32>,
        %parallel_loop3A_1473 = vector.shape_cast %parallel_loop3A_1472 : vector<1x16xf32> to vector<16xf32>
        %parallel_loop3A_1474 = arith.addf %parallel_loop3A_1446, %parallel_loop3A_1473 : vector<16xf32>
        %parallel_loop3A_1475 = arith.index_cast %parallel_loop3A_1443 : i32 to index
        %parallel_loop3A_1476 = arith.constant 304 : index
        %parallel_loop3A_1477 = tpu.vector_load %arg4[%parallel_loop3A_1475, %parallel_loop3A_1476] {strides = array<i32>} : memref<16x1024xf32, #tpu.memory_space<vmem>>, vector<1x16xf32>,
        %parallel_loop3A_1478 = vector.shape_cast %parallel_loop3A_1477 : vector<1x16xf32> to vector<16xf32>
        %parallel_loop3A_1479 = arith.addf %parallel_loop3A_1447, %parallel_loop3A_1478 : vector<16xf32>
        %parallel_loop3A_1480 = arith.index_cast %parallel_loop3A_1443 : i32 to index
        %parallel_loop3A_1481 = arith.constant 320 : index
        %parallel_loop3A_1482 = tpu.vector_load %arg4[%parallel_loop3A_1480, %parallel_loop3A_1481] {strides = array<i32>} : memref<16x1024xf32, #tpu.memory_space<vmem>>, vector<1x16xf32>,
        %parallel_loop3A_1483 = vector.shape_cast %parallel_loop3A_1482 : vector<1x16xf32> to vector<16xf32>
        %parallel_loop3A_1484 = arith.addf %parallel_loop3A_1448, %parallel_loop3A_1483 : vector<16xf32>
        %parallel_loop3A_1485 = arith.index_cast %parallel_loop3A_1443 : i32 to index
        %parallel_loop3A_1486 = arith.constant 336 : index
        %parallel_loop3A_1487 = tpu.vector_load %arg4[%parallel_loop3A_1485, %parallel_loop3A_1486] {strides = array<i32>} : memref<16x1024xf32, #tpu.memory_space<vmem>>, vector<1x16xf32>,
        %parallel_loop3A_1488 = vector.shape_cast %parallel_loop3A_1487 : vector<1x16xf32> to vector<16xf32>
        %parallel_loop3A_1489 = arith.addf %parallel_loop3A_1449, %parallel_loop3A_1488 : vector<16xf32>
        %parallel_loop3A_1490 = arith.index_cast %parallel_loop3A_1443 : i32 to index
        %parallel_loop3A_1491 = arith.constant 352 : index
        %parallel_loop3A_1492 = tpu.vector_load %arg4[%parallel_loop3A_1490, %parallel_loop3A_1491] {strides = array<i32>} : memref<16x1024xf32, #tpu.memory_space<vmem>>, vector<1x16xf32>,
        %parallel_loop3A_1493 = vector.shape_cast %parallel_loop3A_1492 : vector<1x16xf32> to vector<16xf32>
        %parallel_loop3A_1494 = arith.addf %parallel_loop3A_1450, %parallel_loop3A_1493 : vector<16xf32>
        %parallel_loop3A_1495 = arith.index_cast %parallel_loop3A_1443 : i32 to index
        %parallel_loop3A_1496 = arith.constant 368 : index
        %parallel_loop3A_1497 = tpu.vector_load %arg4[%parallel_loop3A_1495, %parallel_loop3A_1496] {strides = array<i32>} : memref<16x1024xf32, #tpu.memory_space<vmem>>, vector<1x16xf32>,
        %parallel_loop3A_1498 = vector.shape_cast %parallel_loop3A_1497 : vector<1x16xf32> to vector<16xf32>
        %parallel_loop3A_1499 = arith.addf %parallel_loop3A_1451, %parallel_loop3A_1498 : vector<16xf32>
        %parallel_loop3A_1500 = arith.index_cast %parallel_loop3A_1443 : i32 to index
        %parallel_loop3A_1501 = arith.constant 384 : index
        %parallel_loop3A_1502 = tpu.vector_load %arg4[%parallel_loop3A_1500, %parallel_loop3A_1501] {strides = array<i32>} : memref<16x1024xf32, #tpu.memory_space<vmem>>, vector<1x16xf32>,
        %parallel_loop3A_1503 = vector.shape_cast %parallel_loop3A_1502 : vector<1x16xf32> to vector<16xf32>
        %parallel_loop3A_1504 = arith.addf %parallel_loop3A_1452, %parallel_loop3A_1503 : vector<16xf32>
        %parallel_loop3A_1505 = arith.index_cast %parallel_loop3A_1443 : i32 to index
        %parallel_loop3A_1506 = arith.constant 400 : index
        %parallel_loop3A_1507 = tpu.vector_load %arg4[%parallel_loop3A_1505, %parallel_loop3A_1506] {strides = array<i32>} : memref<16x1024xf32, #tpu.memory_space<vmem>>, vector<1x16xf32>,
        %parallel_loop3A_1508 = vector.shape_cast %parallel_loop3A_1507 : vector<1x16xf32> to vector<16xf32>
        %parallel_loop3A_1509 = arith.addf %parallel_loop3A_1453, %parallel_loop3A_1508 : vector<16xf32>
        %parallel_loop3A_1510 = arith.index_cast %parallel_loop3A_1443 : i32 to index
        %parallel_loop3A_1511 = arith.constant 416 : index
        %parallel_loop3A_1512 = tpu.vector_load %arg4[%parallel_loop3A_1510, %parallel_loop3A_1511] {strides = array<i32>} : memref<16x1024xf32, #tpu.memory_space<vmem>>, vector<1x16xf32>,
        %parallel_loop3A_1513 = vector.shape_cast %parallel_loop3A_1512 : vector<1x16xf32> to vector<16xf32>
        %parallel_loop3A_1514 = arith.addf %parallel_loop3A_1454, %parallel_loop3A_1513 : vector<16xf32>
        %parallel_loop3A_1515 = arith.index_cast %parallel_loop3A_1443 : i32 to index
        %parallel_loop3A_1516 = arith.constant 432 : index
        %parallel_loop3A_1517 = tpu.vector_load %arg4[%parallel_loop3A_1515, %parallel_loop3A_1516] {strides = array<i32>} : memref<16x1024xf32, #tpu.memory_space<vmem>>, vector<1x16xf32>,
        %parallel_loop3A_1518 = vector.shape_cast %parallel_loop3A_1517 : vector<1x16xf32> to vector<16xf32>
        %parallel_loop3A_1519 = arith.addf %parallel_loop3A_1455, %parallel_loop3A_1518 : vector<16xf32>
        %parallel_loop3A_1520 = arith.index_cast %parallel_loop3A_1443 : i32 to index
        %parallel_loop3A_1521 = arith.constant 448 : index
        %parallel_loop3A_1522 = tpu.vector_load %arg4[%parallel_loop3A_1520, %parallel_loop3A_1521] {strides = array<i32>} : memref<16x1024xf32, #tpu.memory_space<vmem>>, vector<1x16xf32>,
        %parallel_loop3A_1523 = vector.shape_cast %parallel_loop3A_1522 : vector<1x16xf32> to vector<16xf32>
        %parallel_loop3A_1524 = arith.addf %parallel_loop3A_1456, %parallel_loop3A_1523 : vector<16xf32>
        %parallel_loop3A_1525 = arith.index_cast %parallel_loop3A_1443 : i32 to index
        %parallel_loop3A_1526 = arith.constant 464 : index
        %parallel_loop3A_1527 = tpu.vector_load %arg4[%parallel_loop3A_1525, %parallel_loop3A_1526] {strides = array<i32>} : memref<16x1024xf32, #tpu.memory_space<vmem>>, vector<1x16xf32>,
        %parallel_loop3A_1528 = vector.shape_cast %parallel_loop3A_1527 : vector<1x16xf32> to vector<16xf32>
        %parallel_loop3A_1529 = arith.addf %parallel_loop3A_1457, %parallel_loop3A_1528 : vector<16xf32>
        %parallel_loop3A_1530 = arith.index_cast %parallel_loop3A_1443 : i32 to index
        %parallel_loop3A_1531 = arith.constant 480 : index
        %parallel_loop3A_1532 = tpu.vector_load %arg4[%parallel_loop3A_1530, %parallel_loop3A_1531] {strides = array<i32>} : memref<16x1024xf32, #tpu.memory_space<vmem>>, vector<1x16xf32>,
        %parallel_loop3A_1533 = vector.shape_cast %parallel_loop3A_1532 : vector<1x16xf32> to vector<16xf32>
        %parallel_loop3A_1534 = arith.addf %parallel_loop3A_1458, %parallel_loop3A_1533 : vector<16xf32>
        %parallel_loop3A_1535 = arith.index_cast %parallel_loop3A_1443 : i32 to index
        %parallel_loop3A_1536 = arith.constant 496 : index
        %parallel_loop3A_1537 = tpu.vector_load %arg4[%parallel_loop3A_1535, %parallel_loop3A_1536] {strides = array<i32>} : memref<16x1024xf32, #tpu.memory_space<vmem>>, vector<1x16xf32>,
        %parallel_loop3A_1538 = vector.shape_cast %parallel_loop3A_1537 : vector<1x16xf32> to vector<16xf32>
        %parallel_loop3A_1539 = arith.addf %parallel_loop3A_1459, %parallel_loop3A_1538 : vector<16xf32>
        scf.yield %parallel_loop3A_1464, %parallel_loop3A_1469, %parallel_loop3A_1474, %parallel_loop3A_1479, %parallel_loop3A_1484, %parallel_loop3A_1489, %parallel_loop3A_1494, %parallel_loop3A_1499, %parallel_loop3A_1504, %parallel_loop3A_1509, %parallel_loop3A_1514, %parallel_loop3A_1519, %parallel_loop3A_1524, %parallel_loop3A_1529, %parallel_loop3A_1534, %parallel_loop3A_1539 : vector<16xf32>, vector<16xf32>, vector<16xf32>, vector<16xf32>, vector<16xf32>, vector<16xf32>, vector<16xf32>, vector<16xf32>, vector<16xf32>, vector<16xf32>, vector<16xf32>, vector<16xf32>, vector<16xf32>, vector<16xf32>, vector<16xf32>, vector<16xf32>
      } {sc.loop_unroll_factor = 4 : i64, sc.parallel_access}
      %mul3A_247 = arith.constant 1024 : i32
      %mul3A_248 = arith.muli %select_n3A, %mul3A_247 : i32
      %add3A_249 = arith.constant 256 : i32
      %add3A_250 = arith.addi %mul3A_248, %add3A_249 : i32
      %add3A_251 = arith.constant 0 : i32
      %add3A_252 = arith.addi %add3A_250, %add3A_251 : i32
      %swap3A_253 = arith.index_cast %add3A_252 : i32 to index
      %swap3A_254 = tpu.vector_load %arg6[%swap3A_253] {strides = array<i32>} : memref<2048xf32, #tpu.memory_space<vmem>>, vector<16xf32>,
      %swap3A_255 = vector.shape_cast %swap3A_254 : vector<16xf32> to vector<16xf32>
      %swap3A_256 = vector.shape_cast %parallel_loop3A_246#0 : vector<16xf32> to vector<16xf32>
      tpu.vector_store %arg6[%swap3A_253], %swap3A_256 {add = true, strides = array<i32>} : memref<2048xf32, #tpu.memory_space<vmem>>, vector<16xf32>,
      %mul3A_257 = arith.constant 1024 : i32
      %mul3A_258 = arith.muli %select_n3A, %mul3A_257 : i32
      %add3A_259 = arith.constant 256 : i32
      %add3A_260 = arith.addi %mul3A_258, %add3A_259 : i32
      %add3A_261 = arith.constant 16 : i32
      %add3A_262 = arith.addi %add3A_260, %add3A_261 : i32
      %swap3A_263 = arith.index_cast %add3A_262 : i32 to index
      %swap3A_264 = tpu.vector_load %arg6[%swap3A_263] {strides = array<i32>} : memref<2048xf32, #tpu.memory_space<vmem>>, vector<16xf32>,
      %swap3A_265 = vector.shape_cast %swap3A_264 : vector<16xf32> to vector<16xf32>
      %swap3A_266 = vector.shape_cast %parallel_loop3A_246#1 : vector<16xf32> to vector<16xf32>
      tpu.vector_store %arg6[%swap3A_263], %swap3A_266 {add = true, strides = array<i32>} : memref<2048xf32, #tpu.memory_space<vmem>>, vector<16xf32>,
      %mul3A_267 = arith.constant 1024 : i32
      %mul3A_268 = arith.muli %select_n3A, %mul3A_267 : i32
      %add3A_269 = arith.constant 256 : i32
      %add3A_270 = arith.addi %mul3A_268, %add3A_269 : i32
      %add3A_271 = arith.constant 32 : i32
      %add3A_272 = arith.addi %add3A_270, %add3A_271 : i32
      %swap3A_273 = arith.index_cast %add3A_272 : i32 to index
      %swap3A_274 = tpu.vector_load %arg6[%swap3A_273] {strides = array<i32>} : memref<2048xf32, #tpu.memory_space<vmem>>, vector<16xf32>,
      %swap3A_275 = vector.shape_cast %swap3A_274 : vector<16xf32> to vector<16xf32>
      %swap3A_276 = vector.shape_cast %parallel_loop3A_246#2 : vector<16xf32> to vector<16xf32>
      tpu.vector_store %arg6[%swap3A_273], %swap3A_276 {add = true, strides = array<i32>} : memref<2048xf32, #tpu.memory_space<vmem>>, vector<16xf32>,
      %mul3A_277 = arith.constant 1024 : i32
      %mul3A_278 = arith.muli %select_n3A, %mul3A_277 : i32
      %add3A_279 = arith.constant 256 : i32
      %add3A_280 = arith.addi %mul3A_278, %add3A_279 : i32
      %add3A_281 = arith.constant 48 : i32
      %add3A_282 = arith.addi %add3A_280, %add3A_281 : i32
      %swap3A_283 = arith.index_cast %add3A_282 : i32 to index
      %swap3A_284 = tpu.vector_load %arg6[%swap3A_283] {strides = array<i32>} : memref<2048xf32, #tpu.memory_space<vmem>>, vector<16xf32>,
      %swap3A_285 = vector.shape_cast %swap3A_284 : vector<16xf32> to vector<16xf32>
      %swap3A_286 = vector.shape_cast %parallel_loop3A_246#3 : vector<16xf32> to vector<16xf32>
      tpu.vector_store %arg6[%swap3A_283], %swap3A_286 {add = true, strides = array<i32>} : memref<2048xf32, #tpu.memory_space<vmem>>, vector<16xf32>,
      %mul3A_287 = arith.constant 1024 : i32
      %mul3A_288 = arith.muli %select_n3A, %mul3A_287 : i32
      %add3A_289 = arith.constant 256 : i32
      %add3A_290 = arith.addi %mul3A_288, %add3A_289 : i32
      %add3A_291 = arith.constant 64 : i32
      %add3A_292 = arith.addi %add3A_290, %add3A_291 : i32
      %swap3A_293 = arith.index_cast %add3A_292 : i32 to index
      %swap3A_294 = tpu.vector_load %arg6[%swap3A_293] {strides = array<i32>} : memref<2048xf32, #tpu.memory_space<vmem>>, vector<16xf32>,
      %swap3A_295 = vector.shape_cast %swap3A_294 : vector<16xf32> to vector<16xf32>
      %swap3A_296 = vector.shape_cast %parallel_loop3A_246#4 : vector<16xf32> to vector<16xf32>
      tpu.vector_store %arg6[%swap3A_293], %swap3A_296 {add = true, strides = array<i32>} : memref<2048xf32, #tpu.memory_space<vmem>>, vector<16xf32>,
      %mul3A_297 = arith.constant 1024 : i32
      %mul3A_298 = arith.muli %select_n3A, %mul3A_297 : i32
      %add3A_299 = arith.constant 256 : i32
      %add3A_300 = arith.addi %mul3A_298, %add3A_299 : i32
      %add3A_301 = arith.constant 80 : i32
      %add3A_302 = arith.addi %add3A_300, %add3A_301 : i32
      %swap3A_303 = arith.index_cast %add3A_302 : i32 to index
      %swap3A_304 = tpu.vector_load %arg6[%swap3A_303] {strides = array<i32>} : memref<2048xf32, #tpu.memory_space<vmem>>, vector<16xf32>,
      %swap3A_305 = vector.shape_cast %swap3A_304 : vector<16xf32> to vector<16xf32>
      %swap3A_306 = vector.shape_cast %parallel_loop3A_246#5 : vector<16xf32> to vector<16xf32>
      tpu.vector_store %arg6[%swap3A_303], %swap3A_306 {add = true, strides = array<i32>} : memref<2048xf32, #tpu.memory_space<vmem>>, vector<16xf32>,
      %mul3A_307 = arith.constant 1024 : i32
      %mul3A_308 = arith.muli %select_n3A, %mul3A_307 : i32
      %add3A_309 = arith.constant 256 : i32
      %add3A_310 = arith.addi %mul3A_308, %add3A_309 : i32
      %add3A_311 = arith.constant 96 : i32
      %add3A_312 = arith.addi %add3A_310, %add3A_311 : i32
      %swap3A_313 = arith.index_cast %add3A_312 : i32 to index
      %swap3A_314 = tpu.vector_load %arg6[%swap3A_313] {strides = array<i32>} : memref<2048xf32, #tpu.memory_space<vmem>>, vector<16xf32>,
      %swap3A_315 = vector.shape_cast %swap3A_314 : vector<16xf32> to vector<16xf32>
      %swap3A_316 = vector.shape_cast %parallel_loop3A_246#6 : vector<16xf32> to vector<16xf32>
      tpu.vector_store %arg6[%swap3A_313], %swap3A_316 {add = true, strides = array<i32>} : memref<2048xf32, #tpu.memory_space<vmem>>, vector<16xf32>,
      %mul3A_317 = arith.constant 1024 : i32
      %mul3A_318 = arith.muli %select_n3A, %mul3A_317 : i32
      %add3A_319 = arith.constant 256 : i32
      %add3A_320 = arith.addi %mul3A_318, %add3A_319 : i32
      %add3A_321 = arith.constant 112 : i32
      %add3A_322 = arith.addi %add3A_320, %add3A_321 : i32
      %swap3A_323 = arith.index_cast %add3A_322 : i32 to index
      %swap3A_324 = tpu.vector_load %arg6[%swap3A_323] {strides = array<i32>} : memref<2048xf32, #tpu.memory_space<vmem>>, vector<16xf32>,
      %swap3A_325 = vector.shape_cast %swap3A_324 : vector<16xf32> to vector<16xf32>
      %swap3A_326 = vector.shape_cast %parallel_loop3A_246#7 : vector<16xf32> to vector<16xf32>
      tpu.vector_store %arg6[%swap3A_323], %swap3A_326 {add = true, strides = array<i32>} : memref<2048xf32, #tpu.memory_space<vmem>>, vector<16xf32>,
      %mul3A_327 = arith.constant 1024 : i32
      %mul3A_328 = arith.muli %select_n3A, %mul3A_327 : i32
      %add3A_329 = arith.constant 256 : i32
      %add3A_330 = arith.addi %mul3A_328, %add3A_329 : i32
      %add3A_331 = arith.constant 128 : i32
      %add3A_332 = arith.addi %add3A_330, %add3A_331 : i32
      %swap3A_333 = arith.index_cast %add3A_332 : i32 to index
      %swap3A_334 = tpu.vector_load %arg6[%swap3A_333] {strides = array<i32>} : memref<2048xf32, #tpu.memory_space<vmem>>, vector<16xf32>,
      %swap3A_335 = vector.shape_cast %swap3A_334 : vector<16xf32> to vector<16xf32>
      %swap3A_336 = vector.shape_cast %parallel_loop3A_246#8 : vector<16xf32> to vector<16xf32>
      tpu.vector_store %arg6[%swap3A_333], %swap3A_336 {add = true, strides = array<i32>} : memref<2048xf32, #tpu.memory_space<vmem>>, vector<16xf32>,
      %mul3A_337 = arith.constant 1024 : i32
      %mul3A_338 = arith.muli %select_n3A, %mul3A_337 : i32
      %add3A_339 = arith.constant 256 : i32
      %add3A_340 = arith.addi %mul3A_338, %add3A_339 : i32
      %add3A_341 = arith.constant 144 : i32
      %add3A_342 = arith.addi %add3A_340, %add3A_341 : i32
      %swap3A_343 = arith.index_cast %add3A_342 : i32 to index
      %swap3A_344 = tpu.vector_load %arg6[%swap3A_343] {strides = array<i32>} : memref<2048xf32, #tpu.memory_space<vmem>>, vector<16xf32>,
      %swap3A_345 = vector.shape_cast %swap3A_344 : vector<16xf32> to vector<16xf32>
      %swap3A_346 = vector.shape_cast %parallel_loop3A_246#9 : vector<16xf32> to vector<16xf32>
      tpu.vector_store %arg6[%swap3A_343], %swap3A_346 {add = true, strides = array<i32>} : memref<2048xf32, #tpu.memory_space<vmem>>, vector<16xf32>,
      %mul3A_347 = arith.constant 1024 : i32
      %mul3A_348 = arith.muli %select_n3A, %mul3A_347 : i32
      %add3A_349 = arith.constant 256 : i32
      %add3A_350 = arith.addi %mul3A_348, %add3A_349 : i32
      %add3A_351 = arith.constant 160 : i32
      %add3A_352 = arith.addi %add3A_350, %add3A_351 : i32
      %swap3A_353 = arith.index_cast %add3A_352 : i32 to index
      %swap3A_354 = tpu.vector_load %arg6[%swap3A_353] {strides = array<i32>} : memref<2048xf32, #tpu.memory_space<vmem>>, vector<16xf32>,
      %swap3A_355 = vector.shape_cast %swap3A_354 : vector<16xf32> to vector<16xf32>
      %swap3A_356 = vector.shape_cast %parallel_loop3A_246#10 : vector<16xf32> to vector<16xf32>
      tpu.vector_store %arg6[%swap3A_353], %swap3A_356 {add = true, strides = array<i32>} : memref<2048xf32, #tpu.memory_space<vmem>>, vector<16xf32>,
      %mul3A_357 = arith.constant 1024 : i32
      %mul3A_358 = arith.muli %select_n3A, %mul3A_357 : i32
      %add3A_359 = arith.constant 256 : i32
      %add3A_360 = arith.addi %mul3A_358, %add3A_359 : i32
      %add3A_361 = arith.constant 176 : i32
      %add3A_362 = arith.addi %add3A_360, %add3A_361 : i32
      %swap3A_363 = arith.index_cast %add3A_362 : i32 to index
      %swap3A_364 = tpu.vector_load %arg6[%swap3A_363] {strides = array<i32>} : memref<2048xf32, #tpu.memory_space<vmem>>, vector<16xf32>,
      %swap3A_365 = vector.shape_cast %swap3A_364 : vector<16xf32> to vector<16xf32>
      %swap3A_366 = vector.shape_cast %parallel_loop3A_246#11 : vector<16xf32> to vector<16xf32>
      tpu.vector_store %arg6[%swap3A_363], %swap3A_366 {add = true, strides = array<i32>} : memref<2048xf32, #tpu.memory_space<vmem>>, vector<16xf32>,
      %mul3A_367 = arith.constant 1024 : i32
      %mul3A_368 = arith.muli %select_n3A, %mul3A_367 : i32
      %add3A_369 = arith.constant 256 : i32
      %add3A_370 = arith.addi %mul3A_368, %add3A_369 : i32
      %add3A_371 = arith.constant 192 : i32
      %add3A_372 = arith.addi %add3A_370, %add3A_371 : i32
      %swap3A_373 = arith.index_cast %add3A_372 : i32 to index
      %swap3A_374 = tpu.vector_load %arg6[%swap3A_373] {strides = array<i32>} : memref<2048xf32, #tpu.memory_space<vmem>>, vector<16xf32>,
      %swap3A_375 = vector.shape_cast %swap3A_374 : vector<16xf32> to vector<16xf32>
      %swap3A_376 = vector.shape_cast %parallel_loop3A_246#12 : vector<16xf32> to vector<16xf32>
      tpu.vector_store %arg6[%swap3A_373], %swap3A_376 {add = true, strides = array<i32>} : memref<2048xf32, #tpu.memory_space<vmem>>, vector<16xf32>,
      %mul3A_377 = arith.constant 1024 : i32
      %mul3A_378 = arith.muli %select_n3A, %mul3A_377 : i32
      %add3A_379 = arith.constant 256 : i32
      %add3A_380 = arith.addi %mul3A_378, %add3A_379 : i32
      %add3A_381 = arith.constant 208 : i32
      %add3A_382 = arith.addi %add3A_380, %add3A_381 : i32
      %swap3A_383 = arith.index_cast %add3A_382 : i32 to index
      %swap3A_384 = tpu.vector_load %arg6[%swap3A_383] {strides = array<i32>} : memref<2048xf32, #tpu.memory_space<vmem>>, vector<16xf32>,
      %swap3A_385 = vector.shape_cast %swap3A_384 : vector<16xf32> to vector<16xf32>
      %swap3A_386 = vector.shape_cast %parallel_loop3A_246#13 : vector<16xf32> to vector<16xf32>
      tpu.vector_store %arg6[%swap3A_383], %swap3A_386 {add = true, strides = array<i32>} : memref<2048xf32, #tpu.memory_space<vmem>>, vector<16xf32>,
      %mul3A_387 = arith.constant 1024 : i32
      %mul3A_388 = arith.muli %select_n3A, %mul3A_387 : i32
      %add3A_389 = arith.constant 256 : i32
      %add3A_390 = arith.addi %mul3A_388, %add3A_389 : i32
      %add3A_391 = arith.constant 224 : i32
      %add3A_392 = arith.addi %add3A_390, %add3A_391 : i32
      %swap3A_393 = arith.index_cast %add3A_392 : i32 to index
      %swap3A_394 = tpu.vector_load %arg6[%swap3A_393] {strides = array<i32>} : memref<2048xf32, #tpu.memory_space<vmem>>, vector<16xf32>,
      %swap3A_395 = vector.shape_cast %swap3A_394 : vector<16xf32> to vector<16xf32>
      %swap3A_396 = vector.shape_cast %parallel_loop3A_246#14 : vector<16xf32> to vector<16xf32>
      tpu.vector_store %arg6[%swap3A_393], %swap3A_396 {add = true, strides = array<i32>} : memref<2048xf32, #tpu.memory_space<vmem>>, vector<16xf32>,
      %mul3A_397 = arith.constant 1024 : i32
      %mul3A_398 = arith.muli %select_n3A, %mul3A_397 : i32
      %add3A_399 = arith.constant 256 : i32
      %add3A_400 = arith.addi %mul3A_398, %add3A_399 : i32
      %add3A_401 = arith.constant 240 : i32
      %add3A_402 = arith.addi %add3A_400, %add3A_401 : i32
      %swap3A_403 = arith.index_cast %add3A_402 : i32 to index
      %swap3A_404 = tpu.vector_load %arg6[%swap3A_403] {strides = array<i32>} : memref<2048xf32, #tpu.memory_space<vmem>>, vector<16xf32>,
      %swap3A_405 = vector.shape_cast %swap3A_404 : vector<16xf32> to vector<16xf32>
      %swap3A_406 = vector.shape_cast %parallel_loop3A_246#15 : vector<16xf32> to vector<16xf32>
      tpu.vector_store %arg6[%swap3A_403], %swap3A_406 {add = true, strides = array<i32>} : memref<2048xf32, #tpu.memory_space<vmem>>, vector<16xf32>,
      %parallel_loop3A_407 = arith.constant 0 : i32
      %parallel_loop3A_408 = arith.constant 16 : i32
      %parallel_loop3A_409 = arith.constant 1 : i32
      %parallel_loop3A_410:16 = scf.for %parallel_loop3A_1443 = %parallel_loop3A_407 to %parallel_loop3A_408 step %parallel_loop3A_409 iter_args(%parallel_loop3A_1444 = %broadcast_in_dim3A_0, %parallel_loop3A_1445 = %broadcast_in_dim3A_0, %parallel_loop3A_1446 = %broadcast_in_dim3A_0, %parallel_loop3A_1447 = %broadcast_in_dim3A_0, %parallel_loop3A_1448 = %broadcast_in_dim3A_0, %parallel_loop3A_1449 = %broadcast_in_dim3A_0, %parallel_loop3A_1450 = %broadcast_in_dim3A_0, %parallel_loop3A_1451 = %broadcast_in_dim3A_0, %parallel_loop3A_1452 = %broadcast_in_dim3A_0, %parallel_loop3A_1453 = %broadcast_in_dim3A_0, %parallel_loop3A_1454 = %broadcast_in_dim3A_0, %parallel_loop3A_1455 = %broadcast_in_dim3A_0, %parallel_loop3A_1456 = %broadcast_in_dim3A_0, %parallel_loop3A_1457 = %broadcast_in_dim3A_0, %parallel_loop3A_1458 = %broadcast_in_dim3A_0, %parallel_loop3A_1459 = %broadcast_in_dim3A_0) -> (vector<16xf32>, vector<16xf32>, vector<16xf32>, vector<16xf32>, vector<16xf32>, vector<16xf32>, vector<16xf32>, vector<16xf32>, vector<16xf32>, vector<16xf32>, vector<16xf32>, vector<16xf32>, vector<16xf32>, vector<16xf32>, vector<16xf32>, vector<16xf32>)  : i32 {
        %parallel_loop3A_1460 = arith.index_cast %parallel_loop3A_1443 : i32 to index
        %parallel_loop3A_1461 = arith.constant 512 : index
        %parallel_loop3A_1462 = tpu.vector_load %arg4[%parallel_loop3A_1460, %parallel_loop3A_1461] {strides = array<i32>} : memref<16x1024xf32, #tpu.memory_space<vmem>>, vector<1x16xf32>,
        %parallel_loop3A_1463 = vector.shape_cast %parallel_loop3A_1462 : vector<1x16xf32> to vector<16xf32>
        %parallel_loop3A_1464 = arith.addf %parallel_loop3A_1444, %parallel_loop3A_1463 : vector<16xf32>
        %parallel_loop3A_1465 = arith.index_cast %parallel_loop3A_1443 : i32 to index
        %parallel_loop3A_1466 = arith.constant 528 : index
        %parallel_loop3A_1467 = tpu.vector_load %arg4[%parallel_loop3A_1465, %parallel_loop3A_1466] {strides = array<i32>} : memref<16x1024xf32, #tpu.memory_space<vmem>>, vector<1x16xf32>,
        %parallel_loop3A_1468 = vector.shape_cast %parallel_loop3A_1467 : vector<1x16xf32> to vector<16xf32>
        %parallel_loop3A_1469 = arith.addf %parallel_loop3A_1445, %parallel_loop3A_1468 : vector<16xf32>
        %parallel_loop3A_1470 = arith.index_cast %parallel_loop3A_1443 : i32 to index
        %parallel_loop3A_1471 = arith.constant 544 : index
        %parallel_loop3A_1472 = tpu.vector_load %arg4[%parallel_loop3A_1470, %parallel_loop3A_1471] {strides = array<i32>} : memref<16x1024xf32, #tpu.memory_space<vmem>>, vector<1x16xf32>,
        %parallel_loop3A_1473 = vector.shape_cast %parallel_loop3A_1472 : vector<1x16xf32> to vector<16xf32>
        %parallel_loop3A_1474 = arith.addf %parallel_loop3A_1446, %parallel_loop3A_1473 : vector<16xf32>
        %parallel_loop3A_1475 = arith.index_cast %parallel_loop3A_1443 : i32 to index
        %parallel_loop3A_1476 = arith.constant 560 : index
        %parallel_loop3A_1477 = tpu.vector_load %arg4[%parallel_loop3A_1475, %parallel_loop3A_1476] {strides = array<i32>} : memref<16x1024xf32, #tpu.memory_space<vmem>>, vector<1x16xf32>,
        %parallel_loop3A_1478 = vector.shape_cast %parallel_loop3A_1477 : vector<1x16xf32> to vector<16xf32>
        %parallel_loop3A_1479 = arith.addf %parallel_loop3A_1447, %parallel_loop3A_1478 : vector<16xf32>
        %parallel_loop3A_1480 = arith.index_cast %parallel_loop3A_1443 : i32 to index
        %parallel_loop3A_1481 = arith.constant 576 : index
        %parallel_loop3A_1482 = tpu.vector_load %arg4[%parallel_loop3A_1480, %parallel_loop3A_1481] {strides = array<i32>} : memref<16x1024xf32, #tpu.memory_space<vmem>>, vector<1x16xf32>,
        %parallel_loop3A_1483 = vector.shape_cast %parallel_loop3A_1482 : vector<1x16xf32> to vector<16xf32>
        %parallel_loop3A_1484 = arith.addf %parallel_loop3A_1448, %parallel_loop3A_1483 : vector<16xf32>
        %parallel_loop3A_1485 = arith.index_cast %parallel_loop3A_1443 : i32 to index
        %parallel_loop3A_1486 = arith.constant 592 : index
        %parallel_loop3A_1487 = tpu.vector_load %arg4[%parallel_loop3A_1485, %parallel_loop3A_1486] {strides = array<i32>} : memref<16x1024xf32, #tpu.memory_space<vmem>>, vector<1x16xf32>,
        %parallel_loop3A_1488 = vector.shape_cast %parallel_loop3A_1487 : vector<1x16xf32> to vector<16xf32>
        %parallel_loop3A_1489 = arith.addf %parallel_loop3A_1449, %parallel_loop3A_1488 : vector<16xf32>
        %parallel_loop3A_1490 = arith.index_cast %parallel_loop3A_1443 : i32 to index
        %parallel_loop3A_1491 = arith.constant 608 : index
        %parallel_loop3A_1492 = tpu.vector_load %arg4[%parallel_loop3A_1490, %parallel_loop3A_1491] {strides = array<i32>} : memref<16x1024xf32, #tpu.memory_space<vmem>>, vector<1x16xf32>,
        %parallel_loop3A_1493 = vector.shape_cast %parallel_loop3A_1492 : vector<1x16xf32> to vector<16xf32>
        %parallel_loop3A_1494 = arith.addf %parallel_loop3A_1450, %parallel_loop3A_1493 : vector<16xf32>
        %parallel_loop3A_1495 = arith.index_cast %parallel_loop3A_1443 : i32 to index
        %parallel_loop3A_1496 = arith.constant 624 : index
        %parallel_loop3A_1497 = tpu.vector_load %arg4[%parallel_loop3A_1495, %parallel_loop3A_1496] {strides = array<i32>} : memref<16x1024xf32, #tpu.memory_space<vmem>>, vector<1x16xf32>,
        %parallel_loop3A_1498 = vector.shape_cast %parallel_loop3A_1497 : vector<1x16xf32> to vector<16xf32>
        %parallel_loop3A_1499 = arith.addf %parallel_loop3A_1451, %parallel_loop3A_1498 : vector<16xf32>
        %parallel_loop3A_1500 = arith.index_cast %parallel_loop3A_1443 : i32 to index
        %parallel_loop3A_1501 = arith.constant 640 : index
        %parallel_loop3A_1502 = tpu.vector_load %arg4[%parallel_loop3A_1500, %parallel_loop3A_1501] {strides = array<i32>} : memref<16x1024xf32, #tpu.memory_space<vmem>>, vector<1x16xf32>,
        %parallel_loop3A_1503 = vector.shape_cast %parallel_loop3A_1502 : vector<1x16xf32> to vector<16xf32>
        %parallel_loop3A_1504 = arith.addf %parallel_loop3A_1452, %parallel_loop3A_1503 : vector<16xf32>
        %parallel_loop3A_1505 = arith.index_cast %parallel_loop3A_1443 : i32 to index
        %parallel_loop3A_1506 = arith.constant 656 : index
        %parallel_loop3A_1507 = tpu.vector_load %arg4[%parallel_loop3A_1505, %parallel_loop3A_1506] {strides = array<i32>} : memref<16x1024xf32, #tpu.memory_space<vmem>>, vector<1x16xf32>,
        %parallel_loop3A_1508 = vector.shape_cast %parallel_loop3A_1507 : vector<1x16xf32> to vector<16xf32>
        %parallel_loop3A_1509 = arith.addf %parallel_loop3A_1453, %parallel_loop3A_1508 : vector<16xf32>
        %parallel_loop3A_1510 = arith.index_cast %parallel_loop3A_1443 : i32 to index
        %parallel_loop3A_1511 = arith.constant 672 : index
        %parallel_loop3A_1512 = tpu.vector_load %arg4[%parallel_loop3A_1510, %parallel_loop3A_1511] {strides = array<i32>} : memref<16x1024xf32, #tpu.memory_space<vmem>>, vector<1x16xf32>,
        %parallel_loop3A_1513 = vector.shape_cast %parallel_loop3A_1512 : vector<1x16xf32> to vector<16xf32>
        %parallel_loop3A_1514 = arith.addf %parallel_loop3A_1454, %parallel_loop3A_1513 : vector<16xf32>
        %parallel_loop3A_1515 = arith.index_cast %parallel_loop3A_1443 : i32 to index
        %parallel_loop3A_1516 = arith.constant 688 : index
        %parallel_loop3A_1517 = tpu.vector_load %arg4[%parallel_loop3A_1515, %parallel_loop3A_1516] {strides = array<i32>} : memref<16x1024xf32, #tpu.memory_space<vmem>>, vector<1x16xf32>,
        %parallel_loop3A_1518 = vector.shape_cast %parallel_loop3A_1517 : vector<1x16xf32> to vector<16xf32>
        %parallel_loop3A_1519 = arith.addf %parallel_loop3A_1455, %parallel_loop3A_1518 : vector<16xf32>
        %parallel_loop3A_1520 = arith.index_cast %parallel_loop3A_1443 : i32 to index
        %parallel_loop3A_1521 = arith.constant 704 : index
        %parallel_loop3A_1522 = tpu.vector_load %arg4[%parallel_loop3A_1520, %parallel_loop3A_1521] {strides = array<i32>} : memref<16x1024xf32, #tpu.memory_space<vmem>>, vector<1x16xf32>,
        %parallel_loop3A_1523 = vector.shape_cast %parallel_loop3A_1522 : vector<1x16xf32> to vector<16xf32>
        %parallel_loop3A_1524 = arith.addf %parallel_loop3A_1456, %parallel_loop3A_1523 : vector<16xf32>
        %parallel_loop3A_1525 = arith.index_cast %parallel_loop3A_1443 : i32 to index
        %parallel_loop3A_1526 = arith.constant 720 : index
        %parallel_loop3A_1527 = tpu.vector_load %arg4[%parallel_loop3A_1525, %parallel_loop3A_1526] {strides = array<i32>} : memref<16x1024xf32, #tpu.memory_space<vmem>>, vector<1x16xf32>,
        %parallel_loop3A_1528 = vector.shape_cast %parallel_loop3A_1527 : vector<1x16xf32> to vector<16xf32>
        %parallel_loop3A_1529 = arith.addf %parallel_loop3A_1457, %parallel_loop3A_1528 : vector<16xf32>
        %parallel_loop3A_1530 = arith.index_cast %parallel_loop3A_1443 : i32 to index
        %parallel_loop3A_1531 = arith.constant 736 : index
        %parallel_loop3A_1532 = tpu.vector_load %arg4[%parallel_loop3A_1530, %parallel_loop3A_1531] {strides = array<i32>} : memref<16x1024xf32, #tpu.memory_space<vmem>>, vector<1x16xf32>,
        %parallel_loop3A_1533 = vector.shape_cast %parallel_loop3A_1532 : vector<1x16xf32> to vector<16xf32>
        %parallel_loop3A_1534 = arith.addf %parallel_loop3A_1458, %parallel_loop3A_1533 : vector<16xf32>
        %parallel_loop3A_1535 = arith.index_cast %parallel_loop3A_1443 : i32 to index
        %parallel_loop3A_1536 = arith.constant 752 : index
        %parallel_loop3A_1537 = tpu.vector_load %arg4[%parallel_loop3A_1535, %parallel_loop3A_1536] {strides = array<i32>} : memref<16x1024xf32, #tpu.memory_space<vmem>>, vector<1x16xf32>,
        %parallel_loop3A_1538 = vector.shape_cast %parallel_loop3A_1537 : vector<1x16xf32> to vector<16xf32>
        %parallel_loop3A_1539 = arith.addf %parallel_loop3A_1459, %parallel_loop3A_1538 : vector<16xf32>
        scf.yield %parallel_loop3A_1464, %parallel_loop3A_1469, %parallel_loop3A_1474, %parallel_loop3A_1479, %parallel_loop3A_1484, %parallel_loop3A_1489, %parallel_loop3A_1494, %parallel_loop3A_1499, %parallel_loop3A_1504, %parallel_loop3A_1509, %parallel_loop3A_1514, %parallel_loop3A_1519, %parallel_loop3A_1524, %parallel_loop3A_1529, %parallel_loop3A_1534, %parallel_loop3A_1539 : vector<16xf32>, vector<16xf32>, vector<16xf32>, vector<16xf32>, vector<16xf32>, vector<16xf32>, vector<16xf32>, vector<16xf32>, vector<16xf32>, vector<16xf32>, vector<16xf32>, vector<16xf32>, vector<16xf32>, vector<16xf32>, vector<16xf32>, vector<16xf32>
      } {sc.loop_unroll_factor = 4 : i64, sc.parallel_access}
      %mul3A_411 = arith.constant 1024 : i32
      %mul3A_412 = arith.muli %select_n3A, %mul3A_411 : i32
      %add3A_413 = arith.constant 512 : i32
      %add3A_414 = arith.addi %mul3A_412, %add3A_413 : i32
      %add3A_415 = arith.constant 0 : i32
      %add3A_416 = arith.addi %add3A_414, %add3A_415 : i32
      %swap3A_417 = arith.index_cast %add3A_416 : i32 to index
      %swap3A_418 = tpu.vector_load %arg6[%swap3A_417] {strides = array<i32>} : memref<2048xf32, #tpu.memory_space<vmem>>, vector<16xf32>,
      %swap3A_419 = vector.shape_cast %swap3A_418 : vector<16xf32> to vector<16xf32>
      %swap3A_420 = vector.shape_cast %parallel_loop3A_410#0 : vector<16xf32> to vector<16xf32>
      tpu.vector_store %arg6[%swap3A_417], %swap3A_420 {add = true, strides = array<i32>} : memref<2048xf32, #tpu.memory_space<vmem>>, vector<16xf32>,
      %mul3A_421 = arith.constant 1024 : i32
      %mul3A_422 = arith.muli %select_n3A, %mul3A_421 : i32
      %add3A_423 = arith.constant 512 : i32
      %add3A_424 = arith.addi %mul3A_422, %add3A_423 : i32
      %add3A_425 = arith.constant 16 : i32
      %add3A_426 = arith.addi %add3A_424, %add3A_425 : i32
      %swap3A_427 = arith.index_cast %add3A_426 : i32 to index
      %swap3A_428 = tpu.vector_load %arg6[%swap3A_427] {strides = array<i32>} : memref<2048xf32, #tpu.memory_space<vmem>>, vector<16xf32>,
      %swap3A_429 = vector.shape_cast %swap3A_428 : vector<16xf32> to vector<16xf32>
      %swap3A_430 = vector.shape_cast %parallel_loop3A_410#1 : vector<16xf32> to vector<16xf32>
      tpu.vector_store %arg6[%swap3A_427], %swap3A_430 {add = true, strides = array<i32>} : memref<2048xf32, #tpu.memory_space<vmem>>, vector<16xf32>,
      %mul3A_431 = arith.constant 1024 : i32
      %mul3A_432 = arith.muli %select_n3A, %mul3A_431 : i32
      %add3A_433 = arith.constant 512 : i32
      %add3A_434 = arith.addi %mul3A_432, %add3A_433 : i32
      %add3A_435 = arith.constant 32 : i32
      %add3A_436 = arith.addi %add3A_434, %add3A_435 : i32
      %swap3A_437 = arith.index_cast %add3A_436 : i32 to index
      %swap3A_438 = tpu.vector_load %arg6[%swap3A_437] {strides = array<i32>} : memref<2048xf32, #tpu.memory_space<vmem>>, vector<16xf32>,
      %swap3A_439 = vector.shape_cast %swap3A_438 : vector<16xf32> to vector<16xf32>
      %swap3A_440 = vector.shape_cast %parallel_loop3A_410#2 : vector<16xf32> to vector<16xf32>
      tpu.vector_store %arg6[%swap3A_437], %swap3A_440 {add = true, strides = array<i32>} : memref<2048xf32, #tpu.memory_space<vmem>>, vector<16xf32>,
      %mul3A_441 = arith.constant 1024 : i32
      %mul3A_442 = arith.muli %select_n3A, %mul3A_441 : i32
      %add3A_443 = arith.constant 512 : i32
      %add3A_444 = arith.addi %mul3A_442, %add3A_443 : i32
      %add3A_445 = arith.constant 48 : i32
      %add3A_446 = arith.addi %add3A_444, %add3A_445 : i32
      %swap3A_447 = arith.index_cast %add3A_446 : i32 to index
      %swap3A_448 = tpu.vector_load %arg6[%swap3A_447] {strides = array<i32>} : memref<2048xf32, #tpu.memory_space<vmem>>, vector<16xf32>,
      %swap3A_449 = vector.shape_cast %swap3A_448 : vector<16xf32> to vector<16xf32>
      %swap3A_450 = vector.shape_cast %parallel_loop3A_410#3 : vector<16xf32> to vector<16xf32>
      tpu.vector_store %arg6[%swap3A_447], %swap3A_450 {add = true, strides = array<i32>} : memref<2048xf32, #tpu.memory_space<vmem>>, vector<16xf32>,
      %mul3A_451 = arith.constant 1024 : i32
      %mul3A_452 = arith.muli %select_n3A, %mul3A_451 : i32
      %add3A_453 = arith.constant 512 : i32
      %add3A_454 = arith.addi %mul3A_452, %add3A_453 : i32
      %add3A_455 = arith.constant 64 : i32
      %add3A_456 = arith.addi %add3A_454, %add3A_455 : i32
      %swap3A_457 = arith.index_cast %add3A_456 : i32 to index
      %swap3A_458 = tpu.vector_load %arg6[%swap3A_457] {strides = array<i32>} : memref<2048xf32, #tpu.memory_space<vmem>>, vector<16xf32>,
      %swap3A_459 = vector.shape_cast %swap3A_458 : vector<16xf32> to vector<16xf32>
      %swap3A_460 = vector.shape_cast %parallel_loop3A_410#4 : vector<16xf32> to vector<16xf32>
      tpu.vector_store %arg6[%swap3A_457], %swap3A_460 {add = true, strides = array<i32>} : memref<2048xf32, #tpu.memory_space<vmem>>, vector<16xf32>,
      %mul3A_461 = arith.constant 1024 : i32
      %mul3A_462 = arith.muli %select_n3A, %mul3A_461 : i32
      %add3A_463 = arith.constant 512 : i32
      %add3A_464 = arith.addi %mul3A_462, %add3A_463 : i32
      %add3A_465 = arith.constant 80 : i32
      %add3A_466 = arith.addi %add3A_464, %add3A_465 : i32
      %swap3A_467 = arith.index_cast %add3A_466 : i32 to index
      %swap3A_468 = tpu.vector_load %arg6[%swap3A_467] {strides = array<i32>} : memref<2048xf32, #tpu.memory_space<vmem>>, vector<16xf32>,
      %swap3A_469 = vector.shape_cast %swap3A_468 : vector<16xf32> to vector<16xf32>
      %swap3A_470 = vector.shape_cast %parallel_loop3A_410#5 : vector<16xf32> to vector<16xf32>
      tpu.vector_store %arg6[%swap3A_467], %swap3A_470 {add = true, strides = array<i32>} : memref<2048xf32, #tpu.memory_space<vmem>>, vector<16xf32>,
      %mul3A_471 = arith.constant 1024 : i32
      %mul3A_472 = arith.muli %select_n3A, %mul3A_471 : i32
      %add3A_473 = arith.constant 512 : i32
      %add3A_474 = arith.addi %mul3A_472, %add3A_473 : i32
      %add3A_475 = arith.constant 96 : i32
      %add3A_476 = arith.addi %add3A_474, %add3A_475 : i32
      %swap3A_477 = arith.index_cast %add3A_476 : i32 to index
      %swap3A_478 = tpu.vector_load %arg6[%swap3A_477] {strides = array<i32>} : memref<2048xf32, #tpu.memory_space<vmem>>, vector<16xf32>,
      %swap3A_479 = vector.shape_cast %swap3A_478 : vector<16xf32> to vector<16xf32>
      %swap3A_480 = vector.shape_cast %parallel_loop3A_410#6 : vector<16xf32> to vector<16xf32>
      tpu.vector_store %arg6[%swap3A_477], %swap3A_480 {add = true, strides = array<i32>} : memref<2048xf32, #tpu.memory_space<vmem>>, vector<16xf32>,
      %mul3A_481 = arith.constant 1024 : i32
      %mul3A_482 = arith.muli %select_n3A, %mul3A_481 : i32
      %add3A_483 = arith.constant 512 : i32
      %add3A_484 = arith.addi %mul3A_482, %add3A_483 : i32
      %add3A_485 = arith.constant 112 : i32
      %add3A_486 = arith.addi %add3A_484, %add3A_485 : i32
      %swap3A_487 = arith.index_cast %add3A_486 : i32 to index
      %swap3A_488 = tpu.vector_load %arg6[%swap3A_487] {strides = array<i32>} : memref<2048xf32, #tpu.memory_space<vmem>>, vector<16xf32>,
      %swap3A_489 = vector.shape_cast %swap3A_488 : vector<16xf32> to vector<16xf32>
      %swap3A_490 = vector.shape_cast %parallel_loop3A_410#7 : vector<16xf32> to vector<16xf32>
      tpu.vector_store %arg6[%swap3A_487], %swap3A_490 {add = true, strides = array<i32>} : memref<2048xf32, #tpu.memory_space<vmem>>, vector<16xf32>,
      %mul3A_491 = arith.constant 1024 : i32
      %mul3A_492 = arith.muli %select_n3A, %mul3A_491 : i32
      %add3A_493 = arith.constant 512 : i32
      %add3A_494 = arith.addi %mul3A_492, %add3A_493 : i32
      %add3A_495 = arith.constant 128 : i32
      %add3A_496 = arith.addi %add3A_494, %add3A_495 : i32
      %swap3A_497 = arith.index_cast %add3A_496 : i32 to index
      %swap3A_498 = tpu.vector_load %arg6[%swap3A_497] {strides = array<i32>} : memref<2048xf32, #tpu.memory_space<vmem>>, vector<16xf32>,
      %swap3A_499 = vector.shape_cast %swap3A_498 : vector<16xf32> to vector<16xf32>
      %swap3A_500 = vector.shape_cast %parallel_loop3A_410#8 : vector<16xf32> to vector<16xf32>
      tpu.vector_store %arg6[%swap3A_497], %swap3A_500 {add = true, strides = array<i32>} : memref<2048xf32, #tpu.memory_space<vmem>>, vector<16xf32>,
      %mul3A_501 = arith.constant 1024 : i32
      %mul3A_502 = arith.muli %select_n3A, %mul3A_501 : i32
      %add3A_503 = arith.constant 512 : i32
      %add3A_504 = arith.addi %mul3A_502, %add3A_503 : i32
      %add3A_505 = arith.constant 144 : i32
      %add3A_506 = arith.addi %add3A_504, %add3A_505 : i32
      %swap3A_507 = arith.index_cast %add3A_506 : i32 to index
      %swap3A_508 = tpu.vector_load %arg6[%swap3A_507] {strides = array<i32>} : memref<2048xf32, #tpu.memory_space<vmem>>, vector<16xf32>,
      %swap3A_509 = vector.shape_cast %swap3A_508 : vector<16xf32> to vector<16xf32>
      %swap3A_510 = vector.shape_cast %parallel_loop3A_410#9 : vector<16xf32> to vector<16xf32>
      tpu.vector_store %arg6[%swap3A_507], %swap3A_510 {add = true, strides = array<i32>} : memref<2048xf32, #tpu.memory_space<vmem>>, vector<16xf32>,
      %mul3A_511 = arith.constant 1024 : i32
      %mul3A_512 = arith.muli %select_n3A, %mul3A_511 : i32
      %add3A_513 = arith.constant 512 : i32
      %add3A_514 = arith.addi %mul3A_512, %add3A_513 : i32
      %add3A_515 = arith.constant 160 : i32
      %add3A_516 = arith.addi %add3A_514, %add3A_515 : i32
      %swap3A_517 = arith.index_cast %add3A_516 : i32 to index
      %swap3A_518 = tpu.vector_load %arg6[%swap3A_517] {strides = array<i32>} : memref<2048xf32, #tpu.memory_space<vmem>>, vector<16xf32>,
      %swap3A_519 = vector.shape_cast %swap3A_518 : vector<16xf32> to vector<16xf32>
      %swap3A_520 = vector.shape_cast %parallel_loop3A_410#10 : vector<16xf32> to vector<16xf32>
      tpu.vector_store %arg6[%swap3A_517], %swap3A_520 {add = true, strides = array<i32>} : memref<2048xf32, #tpu.memory_space<vmem>>, vector<16xf32>,
      %mul3A_521 = arith.constant 1024 : i32
      %mul3A_522 = arith.muli %select_n3A, %mul3A_521 : i32
      %add3A_523 = arith.constant 512 : i32
      %add3A_524 = arith.addi %mul3A_522, %add3A_523 : i32
      %add3A_525 = arith.constant 176 : i32
      %add3A_526 = arith.addi %add3A_524, %add3A_525 : i32
      %swap3A_527 = arith.index_cast %add3A_526 : i32 to index
      %swap3A_528 = tpu.vector_load %arg6[%swap3A_527] {strides = array<i32>} : memref<2048xf32, #tpu.memory_space<vmem>>, vector<16xf32>,
      %swap3A_529 = vector.shape_cast %swap3A_528 : vector<16xf32> to vector<16xf32>
      %swap3A_530 = vector.shape_cast %parallel_loop3A_410#11 : vector<16xf32> to vector<16xf32>
      tpu.vector_store %arg6[%swap3A_527], %swap3A_530 {add = true, strides = array<i32>} : memref<2048xf32, #tpu.memory_space<vmem>>, vector<16xf32>,
      %mul3A_531 = arith.constant 1024 : i32
      %mul3A_532 = arith.muli %select_n3A, %mul3A_531 : i32
      %add3A_533 = arith.constant 512 : i32
      %add3A_534 = arith.addi %mul3A_532, %add3A_533 : i32
      %add3A_535 = arith.constant 192 : i32
      %add3A_536 = arith.addi %add3A_534, %add3A_535 : i32
      %swap3A_537 = arith.index_cast %add3A_536 : i32 to index
      %swap3A_538 = tpu.vector_load %arg6[%swap3A_537] {strides = array<i32>} : memref<2048xf32, #tpu.memory_space<vmem>>, vector<16xf32>,
      %swap3A_539 = vector.shape_cast %swap3A_538 : vector<16xf32> to vector<16xf32>
      %swap3A_540 = vector.shape_cast %parallel_loop3A_410#12 : vector<16xf32> to vector<16xf32>
      tpu.vector_store %arg6[%swap3A_537], %swap3A_540 {add = true, strides = array<i32>} : memref<2048xf32, #tpu.memory_space<vmem>>, vector<16xf32>,
      %mul3A_541 = arith.constant 1024 : i32
      %mul3A_542 = arith.muli %select_n3A, %mul3A_541 : i32
      %add3A_543 = arith.constant 512 : i32
      %add3A_544 = arith.addi %mul3A_542, %add3A_543 : i32
      %add3A_545 = arith.constant 208 : i32
      %add3A_546 = arith.addi %add3A_544, %add3A_545 : i32
      %swap3A_547 = arith.index_cast %add3A_546 : i32 to index
      %swap3A_548 = tpu.vector_load %arg6[%swap3A_547] {strides = array<i32>} : memref<2048xf32, #tpu.memory_space<vmem>>, vector<16xf32>,
      %swap3A_549 = vector.shape_cast %swap3A_548 : vector<16xf32> to vector<16xf32>
      %swap3A_550 = vector.shape_cast %parallel_loop3A_410#13 : vector<16xf32> to vector<16xf32>
      tpu.vector_store %arg6[%swap3A_547], %swap3A_550 {add = true, strides = array<i32>} : memref<2048xf32, #tpu.memory_space<vmem>>, vector<16xf32>,
      %mul3A_551 = arith.constant 1024 : i32
      %mul3A_552 = arith.muli %select_n3A, %mul3A_551 : i32
      %add3A_553 = arith.constant 512 : i32
      %add3A_554 = arith.addi %mul3A_552, %add3A_553 : i32
      %add3A_555 = arith.constant 224 : i32
      %add3A_556 = arith.addi %add3A_554, %add3A_555 : i32
      %swap3A_557 = arith.index_cast %add3A_556 : i32 to index
      %swap3A_558 = tpu.vector_load %arg6[%swap3A_557] {strides = array<i32>} : memref<2048xf32, #tpu.memory_space<vmem>>, vector<16xf32>,
      %swap3A_559 = vector.shape_cast %swap3A_558 : vector<16xf32> to vector<16xf32>
      %swap3A_560 = vector.shape_cast %parallel_loop3A_410#14 : vector<16xf32> to vector<16xf32>
      tpu.vector_store %arg6[%swap3A_557], %swap3A_560 {add = true, strides = array<i32>} : memref<2048xf32, #tpu.memory_space<vmem>>, vector<16xf32>,
      %mul3A_561 = arith.constant 1024 : i32
      %mul3A_562 = arith.muli %select_n3A, %mul3A_561 : i32
      %add3A_563 = arith.constant 512 : i32
      %add3A_564 = arith.addi %mul3A_562, %add3A_563 : i32
      %add3A_565 = arith.constant 240 : i32
      %add3A_566 = arith.addi %add3A_564, %add3A_565 : i32
      %swap3A_567 = arith.index_cast %add3A_566 : i32 to index
      %swap3A_568 = tpu.vector_load %arg6[%swap3A_567] {strides = array<i32>} : memref<2048xf32, #tpu.memory_space<vmem>>, vector<16xf32>,
      %swap3A_569 = vector.shape_cast %swap3A_568 : vector<16xf32> to vector<16xf32>
      %swap3A_570 = vector.shape_cast %parallel_loop3A_410#15 : vector<16xf32> to vector<16xf32>
      tpu.vector_store %arg6[%swap3A_567], %swap3A_570 {add = true, strides = array<i32>} : memref<2048xf32, #tpu.memory_space<vmem>>, vector<16xf32>,
      %parallel_loop3A_571 = arith.constant 0 : i32
      %parallel_loop3A_572 = arith.constant 16 : i32
      %parallel_loop3A_573 = arith.constant 1 : i32
      %parallel_loop3A_574:16 = scf.for %parallel_loop3A_1443 = %parallel_loop3A_571 to %parallel_loop3A_572 step %parallel_loop3A_573 iter_args(%parallel_loop3A_1444 = %broadcast_in_dim3A_0, %parallel_loop3A_1445 = %broadcast_in_dim3A_0, %parallel_loop3A_1446 = %broadcast_in_dim3A_0, %parallel_loop3A_1447 = %broadcast_in_dim3A_0, %parallel_loop3A_1448 = %broadcast_in_dim3A_0, %parallel_loop3A_1449 = %broadcast_in_dim3A_0, %parallel_loop3A_1450 = %broadcast_in_dim3A_0, %parallel_loop3A_1451 = %broadcast_in_dim3A_0, %parallel_loop3A_1452 = %broadcast_in_dim3A_0, %parallel_loop3A_1453 = %broadcast_in_dim3A_0, %parallel_loop3A_1454 = %broadcast_in_dim3A_0, %parallel_loop3A_1455 = %broadcast_in_dim3A_0, %parallel_loop3A_1456 = %broadcast_in_dim3A_0, %parallel_loop3A_1457 = %broadcast_in_dim3A_0, %parallel_loop3A_1458 = %broadcast_in_dim3A_0, %parallel_loop3A_1459 = %broadcast_in_dim3A_0) -> (vector<16xf32>, vector<16xf32>, vector<16xf32>, vector<16xf32>, vector<16xf32>, vector<16xf32>, vector<16xf32>, vector<16xf32>, vector<16xf32>, vector<16xf32>, vector<16xf32>, vector<16xf32>, vector<16xf32>, vector<16xf32>, vector<16xf32>, vector<16xf32>)  : i32 {
        %parallel_loop3A_1460 = arith.index_cast %parallel_loop3A_1443 : i32 to index
        %parallel_loop3A_1461 = arith.constant 768 : index
        %parallel_loop3A_1462 = tpu.vector_load %arg4[%parallel_loop3A_1460, %parallel_loop3A_1461] {strides = array<i32>} : memref<16x1024xf32, #tpu.memory_space<vmem>>, vector<1x16xf32>,
        %parallel_loop3A_1463 = vector.shape_cast %parallel_loop3A_1462 : vector<1x16xf32> to vector<16xf32>
        %parallel_loop3A_1464 = arith.addf %parallel_loop3A_1444, %parallel_loop3A_1463 : vector<16xf32>
        %parallel_loop3A_1465 = arith.index_cast %parallel_loop3A_1443 : i32 to index
        %parallel_loop3A_1466 = arith.constant 784 : index
        %parallel_loop3A_1467 = tpu.vector_load %arg4[%parallel_loop3A_1465, %parallel_loop3A_1466] {strides = array<i32>} : memref<16x1024xf32, #tpu.memory_space<vmem>>, vector<1x16xf32>,
        %parallel_loop3A_1468 = vector.shape_cast %parallel_loop3A_1467 : vector<1x16xf32> to vector<16xf32>
        %parallel_loop3A_1469 = arith.addf %parallel_loop3A_1445, %parallel_loop3A_1468 : vector<16xf32>
        %parallel_loop3A_1470 = arith.index_cast %parallel_loop3A_1443 : i32 to index
        %parallel_loop3A_1471 = arith.constant 800 : index
        %parallel_loop3A_1472 = tpu.vector_load %arg4[%parallel_loop3A_1470, %parallel_loop3A_1471] {strides = array<i32>} : memref<16x1024xf32, #tpu.memory_space<vmem>>, vector<1x16xf32>,
        %parallel_loop3A_1473 = vector.shape_cast %parallel_loop3A_1472 : vector<1x16xf32> to vector<16xf32>
        %parallel_loop3A_1474 = arith.addf %parallel_loop3A_1446, %parallel_loop3A_1473 : vector<16xf32>
        %parallel_loop3A_1475 = arith.index_cast %parallel_loop3A_1443 : i32 to index
        %parallel_loop3A_1476 = arith.constant 816 : index
        %parallel_loop3A_1477 = tpu.vector_load %arg4[%parallel_loop3A_1475, %parallel_loop3A_1476] {strides = array<i32>} : memref<16x1024xf32, #tpu.memory_space<vmem>>, vector<1x16xf32>,
        %parallel_loop3A_1478 = vector.shape_cast %parallel_loop3A_1477 : vector<1x16xf32> to vector<16xf32>
        %parallel_loop3A_1479 = arith.addf %parallel_loop3A_1447, %parallel_loop3A_1478 : vector<16xf32>
        %parallel_loop3A_1480 = arith.index_cast %parallel_loop3A_1443 : i32 to index
        %parallel_loop3A_1481 = arith.constant 832 : index
        %parallel_loop3A_1482 = tpu.vector_load %arg4[%parallel_loop3A_1480, %parallel_loop3A_1481] {strides = array<i32>} : memref<16x1024xf32, #tpu.memory_space<vmem>>, vector<1x16xf32>,
        %parallel_loop3A_1483 = vector.shape_cast %parallel_loop3A_1482 : vector<1x16xf32> to vector<16xf32>
        %parallel_loop3A_1484 = arith.addf %parallel_loop3A_1448, %parallel_loop3A_1483 : vector<16xf32>
        %parallel_loop3A_1485 = arith.index_cast %parallel_loop3A_1443 : i32 to index
        %parallel_loop3A_1486 = arith.constant 848 : index
        %parallel_loop3A_1487 = tpu.vector_load %arg4[%parallel_loop3A_1485, %parallel_loop3A_1486] {strides = array<i32>} : memref<16x1024xf32, #tpu.memory_space<vmem>>, vector<1x16xf32>,
        %parallel_loop3A_1488 = vector.shape_cast %parallel_loop3A_1487 : vector<1x16xf32> to vector<16xf32>
        %parallel_loop3A_1489 = arith.addf %parallel_loop3A_1449, %parallel_loop3A_1488 : vector<16xf32>
        %parallel_loop3A_1490 = arith.index_cast %parallel_loop3A_1443 : i32 to index
        %parallel_loop3A_1491 = arith.constant 864 : index
        %parallel_loop3A_1492 = tpu.vector_load %arg4[%parallel_loop3A_1490, %parallel_loop3A_1491] {strides = array<i32>} : memref<16x1024xf32, #tpu.memory_space<vmem>>, vector<1x16xf32>,
        %parallel_loop3A_1493 = vector.shape_cast %parallel_loop3A_1492 : vector<1x16xf32> to vector<16xf32>
        %parallel_loop3A_1494 = arith.addf %parallel_loop3A_1450, %parallel_loop3A_1493 : vector<16xf32>
        %parallel_loop3A_1495 = arith.index_cast %parallel_loop3A_1443 : i32 to index
        %parallel_loop3A_1496 = arith.constant 880 : index
        %parallel_loop3A_1497 = tpu.vector_load %arg4[%parallel_loop3A_1495, %parallel_loop3A_1496] {strides = array<i32>} : memref<16x1024xf32, #tpu.memory_space<vmem>>, vector<1x16xf32>,
        %parallel_loop3A_1498 = vector.shape_cast %parallel_loop3A_1497 : vector<1x16xf32> to vector<16xf32>
        %parallel_loop3A_1499 = arith.addf %parallel_loop3A_1451, %parallel_loop3A_1498 : vector<16xf32>
        %parallel_loop3A_1500 = arith.index_cast %parallel_loop3A_1443 : i32 to index
        %parallel_loop3A_1501 = arith.constant 896 : index
        %parallel_loop3A_1502 = tpu.vector_load %arg4[%parallel_loop3A_1500, %parallel_loop3A_1501] {strides = array<i32>} : memref<16x1024xf32, #tpu.memory_space<vmem>>, vector<1x16xf32>,
        %parallel_loop3A_1503 = vector.shape_cast %parallel_loop3A_1502 : vector<1x16xf32> to vector<16xf32>
        %parallel_loop3A_1504 = arith.addf %parallel_loop3A_1452, %parallel_loop3A_1503 : vector<16xf32>
        %parallel_loop3A_1505 = arith.index_cast %parallel_loop3A_1443 : i32 to index
        %parallel_loop3A_1506 = arith.constant 912 : index
        %parallel_loop3A_1507 = tpu.vector_load %arg4[%parallel_loop3A_1505, %parallel_loop3A_1506] {strides = array<i32>} : memref<16x1024xf32, #tpu.memory_space<vmem>>, vector<1x16xf32>,
        %parallel_loop3A_1508 = vector.shape_cast %parallel_loop3A_1507 : vector<1x16xf32> to vector<16xf32>
        %parallel_loop3A_1509 = arith.addf %parallel_loop3A_1453, %parallel_loop3A_1508 : vector<16xf32>
        %parallel_loop3A_1510 = arith.index_cast %parallel_loop3A_1443 : i32 to index
        %parallel_loop3A_1511 = arith.constant 928 : index
        %parallel_loop3A_1512 = tpu.vector_load %arg4[%parallel_loop3A_1510, %parallel_loop3A_1511] {strides = array<i32>} : memref<16x1024xf32, #tpu.memory_space<vmem>>, vector<1x16xf32>,
        %parallel_loop3A_1513 = vector.shape_cast %parallel_loop3A_1512 : vector<1x16xf32> to vector<16xf32>
        %parallel_loop3A_1514 = arith.addf %parallel_loop3A_1454, %parallel_loop3A_1513 : vector<16xf32>
        %parallel_loop3A_1515 = arith.index_cast %parallel_loop3A_1443 : i32 to index
        %parallel_loop3A_1516 = arith.constant 944 : index
        %parallel_loop3A_1517 = tpu.vector_load %arg4[%parallel_loop3A_1515, %parallel_loop3A_1516] {strides = array<i32>} : memref<16x1024xf32, #tpu.memory_space<vmem>>, vector<1x16xf32>,
        %parallel_loop3A_1518 = vector.shape_cast %parallel_loop3A_1517 : vector<1x16xf32> to vector<16xf32>
        %parallel_loop3A_1519 = arith.addf %parallel_loop3A_1455, %parallel_loop3A_1518 : vector<16xf32>
        %parallel_loop3A_1520 = arith.index_cast %parallel_loop3A_1443 : i32 to index
        %parallel_loop3A_1521 = arith.constant 960 : index
        %parallel_loop3A_1522 = tpu.vector_load %arg4[%parallel_loop3A_1520, %parallel_loop3A_1521] {strides = array<i32>} : memref<16x1024xf32, #tpu.memory_space<vmem>>, vector<1x16xf32>,
        %parallel_loop3A_1523 = vector.shape_cast %parallel_loop3A_1522 : vector<1x16xf32> to vector<16xf32>
        %parallel_loop3A_1524 = arith.addf %parallel_loop3A_1456, %parallel_loop3A_1523 : vector<16xf32>
        %parallel_loop3A_1525 = arith.index_cast %parallel_loop3A_1443 : i32 to index
        %parallel_loop3A_1526 = arith.constant 976 : index
        %parallel_loop3A_1527 = tpu.vector_load %arg4[%parallel_loop3A_1525, %parallel_loop3A_1526] {strides = array<i32>} : memref<16x1024xf32, #tpu.memory_space<vmem>>, vector<1x16xf32>,
        %parallel_loop3A_1528 = vector.shape_cast %parallel_loop3A_1527 : vector<1x16xf32> to vector<16xf32>
        %parallel_loop3A_1529 = arith.addf %parallel_loop3A_1457, %parallel_loop3A_1528 : vector<16xf32>
        %parallel_loop3A_1530 = arith.index_cast %parallel_loop3A_1443 : i32 to index
        %parallel_loop3A_1531 = arith.constant 992 : index
        %parallel_loop3A_1532 = tpu.vector_load %arg4[%parallel_loop3A_1530, %parallel_loop3A_1531] {strides = array<i32>} : memref<16x1024xf32, #tpu.memory_space<vmem>>, vector<1x16xf32>,
        %parallel_loop3A_1533 = vector.shape_cast %parallel_loop3A_1532 : vector<1x16xf32> to vector<16xf32>
        %parallel_loop3A_1534 = arith.addf %parallel_loop3A_1458, %parallel_loop3A_1533 : vector<16xf32>
        %parallel_loop3A_1535 = arith.index_cast %parallel_loop3A_1443 : i32 to index
        %parallel_loop3A_1536 = arith.constant 1008 : index
        %parallel_loop3A_1537 = tpu.vector_load %arg4[%parallel_loop3A_1535, %parallel_loop3A_1536] {strides = array<i32>} : memref<16x1024xf32, #tpu.memory_space<vmem>>, vector<1x16xf32>,
        %parallel_loop3A_1538 = vector.shape_cast %parallel_loop3A_1537 : vector<1x16xf32> to vector<16xf32>
        %parallel_loop3A_1539 = arith.addf %parallel_loop3A_1459, %parallel_loop3A_1538 : vector<16xf32>
        scf.yield %parallel_loop3A_1464, %parallel_loop3A_1469, %parallel_loop3A_1474, %parallel_loop3A_1479, %parallel_loop3A_1484, %parallel_loop3A_1489, %parallel_loop3A_1494, %parallel_loop3A_1499, %parallel_loop3A_1504, %parallel_loop3A_1509, %parallel_loop3A_1514, %parallel_loop3A_1519, %parallel_loop3A_1524, %parallel_loop3A_1529, %parallel_loop3A_1534, %parallel_loop3A_1539 : vector<16xf32>, vector<16xf32>, vector<16xf32>, vector<16xf32>, vector<16xf32>, vector<16xf32>, vector<16xf32>, vector<16xf32>, vector<16xf32>, vector<16xf32>, vector<16xf32>, vector<16xf32>, vector<16xf32>, vector<16xf32>, vector<16xf32>, vector<16xf32>
      } {sc.loop_unroll_factor = 4 : i64, sc.parallel_access}
      %mul3A_575 = arith.constant 1024 : i32
      %mul3A_576 = arith.muli %select_n3A, %mul3A_575 : i32
      %add3A_577 = arith.constant 768 : i32
      %add3A_578 = arith.addi %mul3A_576, %add3A_577 : i32
      %add3A_579 = arith.constant 0 : i32
      %add3A_580 = arith.addi %add3A_578, %add3A_579 : i32
      %swap3A_581 = arith.index_cast %add3A_580 : i32 to index
      %swap3A_582 = tpu.vector_load %arg6[%swap3A_581] {strides = array<i32>} : memref<2048xf32, #tpu.memory_space<vmem>>, vector<16xf32>,
      %swap3A_583 = vector.shape_cast %swap3A_582 : vector<16xf32> to vector<16xf32>
      %swap3A_584 = vector.shape_cast %parallel_loop3A_574#0 : vector<16xf32> to vector<16xf32>
      tpu.vector_store %arg6[%swap3A_581], %swap3A_584 {add = true, strides = array<i32>} : memref<2048xf32, #tpu.memory_space<vmem>>, vector<16xf32>,
      %mul3A_585 = arith.constant 1024 : i32
      %mul3A_586 = arith.muli %select_n3A, %mul3A_585 : i32
      %add3A_587 = arith.constant 768 : i32
      %add3A_588 = arith.addi %mul3A_586, %add3A_587 : i32
      %add3A_589 = arith.constant 16 : i32
      %add3A_590 = arith.addi %add3A_588, %add3A_589 : i32
      %swap3A_591 = arith.index_cast %add3A_590 : i32 to index
      %swap3A_592 = tpu.vector_load %arg6[%swap3A_591] {strides = array<i32>} : memref<2048xf32, #tpu.memory_space<vmem>>, vector<16xf32>,
      %swap3A_593 = vector.shape_cast %swap3A_592 : vector<16xf32> to vector<16xf32>
      %swap3A_594 = vector.shape_cast %parallel_loop3A_574#1 : vector<16xf32> to vector<16xf32>
      tpu.vector_store %arg6[%swap3A_591], %swap3A_594 {add = true, strides = array<i32>} : memref<2048xf32, #tpu.memory_space<vmem>>, vector<16xf32>,
      %mul3A_595 = arith.constant 1024 : i32
      %mul3A_596 = arith.muli %select_n3A, %mul3A_595 : i32
      %add3A_597 = arith.constant 768 : i32
      %add3A_598 = arith.addi %mul3A_596, %add3A_597 : i32
      %add3A_599 = arith.constant 32 : i32
      %add3A_600 = arith.addi %add3A_598, %add3A_599 : i32
      %swap3A_601 = arith.index_cast %add3A_600 : i32 to index
      %swap3A_602 = tpu.vector_load %arg6[%swap3A_601] {strides = array<i32>} : memref<2048xf32, #tpu.memory_space<vmem>>, vector<16xf32>,
      %swap3A_603 = vector.shape_cast %swap3A_602 : vector<16xf32> to vector<16xf32>
      %swap3A_604 = vector.shape_cast %parallel_loop3A_574#2 : vector<16xf32> to vector<16xf32>
      tpu.vector_store %arg6[%swap3A_601], %swap3A_604 {add = true, strides = array<i32>} : memref<2048xf32, #tpu.memory_space<vmem>>, vector<16xf32>,
      %mul3A_605 = arith.constant 1024 : i32
      %mul3A_606 = arith.muli %select_n3A, %mul3A_605 : i32
      %add3A_607 = arith.constant 768 : i32
      %add3A_608 = arith.addi %mul3A_606, %add3A_607 : i32
      %add3A_609 = arith.constant 48 : i32
      %add3A_610 = arith.addi %add3A_608, %add3A_609 : i32
      %swap3A_611 = arith.index_cast %add3A_610 : i32 to index
      %swap3A_612 = tpu.vector_load %arg6[%swap3A_611] {strides = array<i32>} : memref<2048xf32, #tpu.memory_space<vmem>>, vector<16xf32>,
      %swap3A_613 = vector.shape_cast %swap3A_612 : vector<16xf32> to vector<16xf32>
      %swap3A_614 = vector.shape_cast %parallel_loop3A_574#3 : vector<16xf32> to vector<16xf32>
      tpu.vector_store %arg6[%swap3A_611], %swap3A_614 {add = true, strides = array<i32>} : memref<2048xf32, #tpu.memory_space<vmem>>, vector<16xf32>,
      %mul3A_615 = arith.constant 1024 : i32
      %mul3A_616 = arith.muli %select_n3A, %mul3A_615 : i32
      %add3A_617 = arith.constant 768 : i32
      %add3A_618 = arith.addi %mul3A_616, %add3A_617 : i32
      %add3A_619 = arith.constant 64 : i32
      %add3A_620 = arith.addi %add3A_618, %add3A_619 : i32
      %swap3A_621 = arith.index_cast %add3A_620 : i32 to index
      %swap3A_622 = tpu.vector_load %arg6[%swap3A_621] {strides = array<i32>} : memref<2048xf32, #tpu.memory_space<vmem>>, vector<16xf32>,
      %swap3A_623 = vector.shape_cast %swap3A_622 : vector<16xf32> to vector<16xf32>
      %swap3A_624 = vector.shape_cast %parallel_loop3A_574#4 : vector<16xf32> to vector<16xf32>
      tpu.vector_store %arg6[%swap3A_621], %swap3A_624 {add = true, strides = array<i32>} : memref<2048xf32, #tpu.memory_space<vmem>>, vector<16xf32>,
      %mul3A_625 = arith.constant 1024 : i32
      %mul3A_626 = arith.muli %select_n3A, %mul3A_625 : i32
      %add3A_627 = arith.constant 768 : i32
      %add3A_628 = arith.addi %mul3A_626, %add3A_627 : i32
      %add3A_629 = arith.constant 80 : i32
      %add3A_630 = arith.addi %add3A_628, %add3A_629 : i32
      %swap3A_631 = arith.index_cast %add3A_630 : i32 to index
      %swap3A_632 = tpu.vector_load %arg6[%swap3A_631] {strides = array<i32>} : memref<2048xf32, #tpu.memory_space<vmem>>, vector<16xf32>,
      %swap3A_633 = vector.shape_cast %swap3A_632 : vector<16xf32> to vector<16xf32>
      %swap3A_634 = vector.shape_cast %parallel_loop3A_574#5 : vector<16xf32> to vector<16xf32>
      tpu.vector_store %arg6[%swap3A_631], %swap3A_634 {add = true, strides = array<i32>} : memref<2048xf32, #tpu.memory_space<vmem>>, vector<16xf32>,
      %mul3A_635 = arith.constant 1024 : i32
      %mul3A_636 = arith.muli %select_n3A, %mul3A_635 : i32
      %add3A_637 = arith.constant 768 : i32
      %add3A_638 = arith.addi %mul3A_636, %add3A_637 : i32
      %add3A_639 = arith.constant 96 : i32
      %add3A_640 = arith.addi %add3A_638, %add3A_639 : i32
      %swap3A_641 = arith.index_cast %add3A_640 : i32 to index
      %swap3A_642 = tpu.vector_load %arg6[%swap3A_641] {strides = array<i32>} : memref<2048xf32, #tpu.memory_space<vmem>>, vector<16xf32>,
      %swap3A_643 = vector.shape_cast %swap3A_642 : vector<16xf32> to vector<16xf32>
      %swap3A_644 = vector.shape_cast %parallel_loop3A_574#6 : vector<16xf32> to vector<16xf32>
      tpu.vector_store %arg6[%swap3A_641], %swap3A_644 {add = true, strides = array<i32>} : memref<2048xf32, #tpu.memory_space<vmem>>, vector<16xf32>,
      %mul3A_645 = arith.constant 1024 : i32
      %mul3A_646 = arith.muli %select_n3A, %mul3A_645 : i32
      %add3A_647 = arith.constant 768 : i32
      %add3A_648 = arith.addi %mul3A_646, %add3A_647 : i32
      %add3A_649 = arith.constant 112 : i32
      %add3A_650 = arith.addi %add3A_648, %add3A_649 : i32
      %swap3A_651 = arith.index_cast %add3A_650 : i32 to index
      %swap3A_652 = tpu.vector_load %arg6[%swap3A_651] {strides = array<i32>} : memref<2048xf32, #tpu.memory_space<vmem>>, vector<16xf32>,
      %swap3A_653 = vector.shape_cast %swap3A_652 : vector<16xf32> to vector<16xf32>
      %swap3A_654 = vector.shape_cast %parallel_loop3A_574#7 : vector<16xf32> to vector<16xf32>
      tpu.vector_store %arg6[%swap3A_651], %swap3A_654 {add = true, strides = array<i32>} : memref<2048xf32, #tpu.memory_space<vmem>>, vector<16xf32>,
      %mul3A_655 = arith.constant 1024 : i32
      %mul3A_656 = arith.muli %select_n3A, %mul3A_655 : i32
      %add3A_657 = arith.constant 768 : i32
      %add3A_658 = arith.addi %mul3A_656, %add3A_657 : i32
      %add3A_659 = arith.constant 128 : i32
      %add3A_660 = arith.addi %add3A_658, %add3A_659 : i32
      %swap3A_661 = arith.index_cast %add3A_660 : i32 to index
      %swap3A_662 = tpu.vector_load %arg6[%swap3A_661] {strides = array<i32>} : memref<2048xf32, #tpu.memory_space<vmem>>, vector<16xf32>,
      %swap3A_663 = vector.shape_cast %swap3A_662 : vector<16xf32> to vector<16xf32>
      %swap3A_664 = vector.shape_cast %parallel_loop3A_574#8 : vector<16xf32> to vector<16xf32>
      tpu.vector_store %arg6[%swap3A_661], %swap3A_664 {add = true, strides = array<i32>} : memref<2048xf32, #tpu.memory_space<vmem>>, vector<16xf32>,
      %mul3A_665 = arith.constant 1024 : i32
      %mul3A_666 = arith.muli %select_n3A, %mul3A_665 : i32
      %add3A_667 = arith.constant 768 : i32
      %add3A_668 = arith.addi %mul3A_666, %add3A_667 : i32
      %add3A_669 = arith.constant 144 : i32
      %add3A_670 = arith.addi %add3A_668, %add3A_669 : i32
      %swap3A_671 = arith.index_cast %add3A_670 : i32 to index
      %swap3A_672 = tpu.vector_load %arg6[%swap3A_671] {strides = array<i32>} : memref<2048xf32, #tpu.memory_space<vmem>>, vector<16xf32>,
      %swap3A_673 = vector.shape_cast %swap3A_672 : vector<16xf32> to vector<16xf32>
      %swap3A_674 = vector.shape_cast %parallel_loop3A_574#9 : vector<16xf32> to vector<16xf32>
      tpu.vector_store %arg6[%swap3A_671], %swap3A_674 {add = true, strides = array<i32>} : memref<2048xf32, #tpu.memory_space<vmem>>, vector<16xf32>,
      %mul3A_675 = arith.constant 1024 : i32
      %mul3A_676 = arith.muli %select_n3A, %mul3A_675 : i32
      %add3A_677 = arith.constant 768 : i32
      %add3A_678 = arith.addi %mul3A_676, %add3A_677 : i32
      %add3A_679 = arith.constant 160 : i32
      %add3A_680 = arith.addi %add3A_678, %add3A_679 : i32
      %swap3A_681 = arith.index_cast %add3A_680 : i32 to index
      %swap3A_682 = tpu.vector_load %arg6[%swap3A_681] {strides = array<i32>} : memref<2048xf32, #tpu.memory_space<vmem>>, vector<16xf32>,
      %swap3A_683 = vector.shape_cast %swap3A_682 : vector<16xf32> to vector<16xf32>
      %swap3A_684 = vector.shape_cast %parallel_loop3A_574#10 : vector<16xf32> to vector<16xf32>
      tpu.vector_store %arg6[%swap3A_681], %swap3A_684 {add = true, strides = array<i32>} : memref<2048xf32, #tpu.memory_space<vmem>>, vector<16xf32>,
      %mul3A_685 = arith.constant 1024 : i32
      %mul3A_686 = arith.muli %select_n3A, %mul3A_685 : i32
      %add3A_687 = arith.constant 768 : i32
      %add3A_688 = arith.addi %mul3A_686, %add3A_687 : i32
      %add3A_689 = arith.constant 176 : i32
      %add3A_690 = arith.addi %add3A_688, %add3A_689 : i32
      %swap3A_691 = arith.index_cast %add3A_690 : i32 to index
      %swap3A_692 = tpu.vector_load %arg6[%swap3A_691] {strides = array<i32>} : memref<2048xf32, #tpu.memory_space<vmem>>, vector<16xf32>,
      %swap3A_693 = vector.shape_cast %swap3A_692 : vector<16xf32> to vector<16xf32>
      %swap3A_694 = vector.shape_cast %parallel_loop3A_574#11 : vector<16xf32> to vector<16xf32>
      tpu.vector_store %arg6[%swap3A_691], %swap3A_694 {add = true, strides = array<i32>} : memref<2048xf32, #tpu.memory_space<vmem>>, vector<16xf32>,
      %mul3A_695 = arith.constant 1024 : i32
      %mul3A_696 = arith.muli %select_n3A, %mul3A_695 : i32
      %add3A_697 = arith.constant 768 : i32
      %add3A_698 = arith.addi %mul3A_696, %add3A_697 : i32
      %add3A_699 = arith.constant 192 : i32
      %add3A_700 = arith.addi %add3A_698, %add3A_699 : i32
      %swap3A_701 = arith.index_cast %add3A_700 : i32 to index
      %swap3A_702 = tpu.vector_load %arg6[%swap3A_701] {strides = array<i32>} : memref<2048xf32, #tpu.memory_space<vmem>>, vector<16xf32>,
      %swap3A_703 = vector.shape_cast %swap3A_702 : vector<16xf32> to vector<16xf32>
      %swap3A_704 = vector.shape_cast %parallel_loop3A_574#12 : vector<16xf32> to vector<16xf32>
      tpu.vector_store %arg6[%swap3A_701], %swap3A_704 {add = true, strides = array<i32>} : memref<2048xf32, #tpu.memory_space<vmem>>, vector<16xf32>,
      %mul3A_705 = arith.constant 1024 : i32
      %mul3A_706 = arith.muli %select_n3A, %mul3A_705 : i32
      %add3A_707 = arith.constant 768 : i32
      %add3A_708 = arith.addi %mul3A_706, %add3A_707 : i32
      %add3A_709 = arith.constant 208 : i32
      %add3A_710 = arith.addi %add3A_708, %add3A_709 : i32
      %swap3A_711 = arith.index_cast %add3A_710 : i32 to index
      %swap3A_712 = tpu.vector_load %arg6[%swap3A_711] {strides = array<i32>} : memref<2048xf32, #tpu.memory_space<vmem>>, vector<16xf32>,
      %swap3A_713 = vector.shape_cast %swap3A_712 : vector<16xf32> to vector<16xf32>
      %swap3A_714 = vector.shape_cast %parallel_loop3A_574#13 : vector<16xf32> to vector<16xf32>
      tpu.vector_store %arg6[%swap3A_711], %swap3A_714 {add = true, strides = array<i32>} : memref<2048xf32, #tpu.memory_space<vmem>>, vector<16xf32>,
      %mul3A_715 = arith.constant 1024 : i32
      %mul3A_716 = arith.muli %select_n3A, %mul3A_715 : i32
      %add3A_717 = arith.constant 768 : i32
      %add3A_718 = arith.addi %mul3A_716, %add3A_717 : i32
      %add3A_719 = arith.constant 224 : i32
      %add3A_720 = arith.addi %add3A_718, %add3A_719 : i32
      %swap3A_721 = arith.index_cast %add3A_720 : i32 to index
      %swap3A_722 = tpu.vector_load %arg6[%swap3A_721] {strides = array<i32>} : memref<2048xf32, #tpu.memory_space<vmem>>, vector<16xf32>,
      %swap3A_723 = vector.shape_cast %swap3A_722 : vector<16xf32> to vector<16xf32>
      %swap3A_724 = vector.shape_cast %parallel_loop3A_574#14 : vector<16xf32> to vector<16xf32>
      tpu.vector_store %arg6[%swap3A_721], %swap3A_724 {add = true, strides = array<i32>} : memref<2048xf32, #tpu.memory_space<vmem>>, vector<16xf32>,
      %mul3A_725 = arith.constant 1024 : i32
      %mul3A_726 = arith.muli %select_n3A, %mul3A_725 : i32
      %add3A_727 = arith.constant 768 : i32
      %add3A_728 = arith.addi %mul3A_726, %add3A_727 : i32
      %add3A_729 = arith.constant 240 : i32
      %add3A_730 = arith.addi %add3A_728, %add3A_729 : i32
      %swap3A_731 = arith.index_cast %add3A_730 : i32 to index
      %swap3A_732 = tpu.vector_load %arg6[%swap3A_731] {strides = array<i32>} : memref<2048xf32, #tpu.memory_space<vmem>>, vector<16xf32>,
      %swap3A_733 = vector.shape_cast %swap3A_732 : vector<16xf32> to vector<16xf32>
      %swap3A_734 = vector.shape_cast %parallel_loop3A_574#15 : vector<16xf32> to vector<16xf32>
      tpu.vector_store %arg6[%swap3A_731], %swap3A_734 {add = true, strides = array<i32>} : memref<2048xf32, #tpu.memory_space<vmem>>, vector<16xf32>,
      %add3A_735 = arith.constant 2 : i32
      %add3A_736 = arith.addi %add3A_56, %add3A_735 : i32
      %lt3A_737 = arith.constant 20 : i32
      %lt3A_738 = arith.cmpi slt, %add3A_736, %lt3A_737 : i32
      %convert_element_type3A_739 = arith.extui %lt3A_738 : i1 to i32
      %cond3A_740 = arith.constant 0 : i32
      %cond3A_741 = arith.cmpi ne, %convert_element_type3A_739, %cond3A_740 : i32
      scf.if %cond3A_741 {
        %add3A_1443 = arith.constant 2 : i32
        %add3A_1444 = arith.addi %add3A_56, %add3A_1443 : i32
        %jit3A_1445 = arith.constant 10 : i32
        %div3A_1446 = arith.divsi %add3A_1444, %jit3A_1445 : i32
        %sign3A_1447 = arith.constant 0 : i32
        %sign3A_1448 = arith.cmpi sgt, %add3A_1444, %sign3A_1447 : i32
        %sign3A_1449 = arith.extui %sign3A_1448 : i1 to i32
        %sign3A_1450 = arith.constant 0 : i32
        %sign3A_1451 = arith.cmpi slt, %add3A_1444, %sign3A_1450 : i32
        %sign3A_1452 = arith.extui %sign3A_1451 : i1 to i32
        %sign3A_1453 = arith.subi %sign3A_1449, %sign3A_1452 : i32
        %sign3A_1454 = arith.constant 0 : i32
        %sign3A_1455 = arith.cmpi sgt, %jit3A_1445, %sign3A_1454 : i32
        %sign3A_1456 = arith.extui %sign3A_1455 : i1 to i32
        %sign3A_1457 = arith.constant 0 : i32
        %sign3A_1458 = arith.cmpi slt, %jit3A_1445, %sign3A_1457 : i32
        %sign3A_1459 = arith.extui %sign3A_1458 : i1 to i32
        %sign3A_1460 = arith.subi %sign3A_1456, %sign3A_1459 : i32
        %ne3A_1461 = arith.cmpi ne, %sign3A_1453, %sign3A_1460 : i32
        %rem3A_1462 = arith.remsi %add3A_1444, %jit3A_1445 : i32
        %ne3A_1463 = arith.constant 0 : i32
        %ne3A_1464 = arith.cmpi ne, %rem3A_1462, %ne3A_1463 : i32
        %and3A_1465 = arith.andi %ne3A_1461, %ne3A_1464 : i1
        %sub3A_1466 = arith.constant 1 : i32
        %sub3A_1467 = arith.subi %div3A_1446, %sub3A_1466 : i32
        %select_n3A_1468 = arith.select %and3A_1465, %sub3A_1467, %div3A_1446 : i32
        %jit3A_1469 = arith.constant 10 : i32
        %eq3A = arith.constant 0 : i32
        %eq3A_1470 = arith.cmpi eq, %jit3A_1469, %eq3A : i32
        %jit3A_1471 = arith.constant 1 : i32
        %select_n3A_1472 = arith.select %eq3A_1470, %jit3A_1471, %jit3A_1469 : i32
        %rem3A_1473 = arith.remsi %add3A_1444, %select_n3A_1472 : i32
        %ne3A_1474 = arith.constant 0 : i32
        %ne3A_1475 = arith.cmpi ne, %rem3A_1473, %ne3A_1474 : i32
        %lt3A_1476 = arith.constant 0 : i32
        %lt3A_1477 = arith.cmpi slt, %rem3A_1473, %lt3A_1476 : i32
        %lt3A_1478 = arith.constant 0 : i32
        %lt3A_1479 = arith.cmpi slt, %select_n3A_1472, %lt3A_1478 : i32
        %ne3A_1480 = arith.xori %lt3A_1477, %lt3A_1479 : i1
        %and3A_1481 = arith.andi %ne3A_1480, %ne3A_1475 : i1
        %add3A_1482 = arith.addi %rem3A_1473, %select_n3A_1472 : i32
        %select_n3A_1483 = arith.select %and3A_1481, %add3A_1482, %rem3A_1473 : i32
        %mul3A_1484 = arith.constant 160 : i32
        %mul3A_1485 = arith.muli %arg1, %mul3A_1484 : i32
        %add3A_1486 = arith.constant 5632 : i32
        %add3A_1487 = arith.addi %add3A_1486, %mul3A_1485 : i32
        %mul3A_1488 = arith.constant 16 : i32
        %mul3A_1489 = arith.muli %select_n3A_1483, %mul3A_1488 : i32
        %add3A_1490 = arith.addi %add3A_1487, %mul3A_1489 : i32
        %mul3A_1491 = arith.constant 2 : i32
        %mul3A_1492 = arith.muli %mul3A_1491, %arg0 : i32
        %add3A_1493 = arith.addi %mul3A_1492, %select_n3A_1468 : i32
        %dma_start3A_1494 = arith.constant 0 : i32
        %dma_start3A_1495 = tpu.memref_slice %arg2[%add3A_1493, %add3A_1490, %dma_start3A_1494] : memref<4x8192x1024xf32, #tpu.memory_space<hbm>> -> memref<1x16x1024xf32, #tpu.memory_space<hbm>>
        %dma_start3A_1496 = tpu.memref_squeeze %dma_start3A_1495 : memref<1x16x1024xf32, #tpu.memory_space<hbm>> -> memref<16x1024xf32, #tpu.memory_space<hbm>>
        %dma_start3A_1497 = arith.constant 0 : i32
        %dma_start3A_1498 = tpu.memref_slice %arg2[%add3A_1493, %add3A_1490, %dma_start3A_1497] : memref<4x8192x1024xf32, #tpu.memory_space<hbm>> -> memref<1x16x1024xf32, #tpu.memory_space<hbm>>
        %dma_start3A_1499 = tpu.memref_squeeze %dma_start3A_1498 : memref<1x16x1024xf32, #tpu.memory_space<hbm>> -> memref<16x1024xf32, #tpu.memory_space<hbm>>
        tpu.enqueue_dma source(%dma_start3A_1499 : memref<16x1024xf32, #tpu.memory_space<hbm>>) target(%arg4 : memref<16x1024xf32, #tpu.memory_space<vmem>>) target_semaphore(%arg10 : memref<!tpu.dma_semaphore, #tpu.memory_space<semaphore_mem>>)
      } else {
      }
      %mul3A_742 = arith.constant 2 : i32
      %mul3A_743 = arith.muli %scan3A_51, %mul3A_742 : i32
      %add3A_744 = arith.constant 1 : i32
      %add3A_745 = arith.addi %mul3A_743, %add3A_744 : i32
      %dma_wait3A_746 = arith.constant 0 : i32
      %dma_wait3A_747 = arith.constant 0 : i32
      %dma_wait3A_748 = arith.constant 0 : i32
      %dma_wait3A_749 = tpu.memref_slice %arg2[%dma_wait3A_746, %dma_wait3A_747, %dma_wait3A_748] : memref<4x8192x1024xf32, #tpu.memory_space<hbm>> -> memref<1x16x1024xf32, #tpu.memory_space<hbm>>
      %dma_wait3A_750 = tpu.memref_squeeze %dma_wait3A_749 : memref<1x16x1024xf32, #tpu.memory_space<hbm>> -> memref<16x1024xf32, #tpu.memory_space<hbm>>
      %dma_wait3A_751 = arith.constant 0 : i32
      %dma_wait3A_752 = arith.constant 0 : i32
      %dma_wait3A_753 = tpu.memref_slice %arg2[%dma_wait3A_746, %dma_wait3A_751, %dma_wait3A_752] : memref<4x8192x1024xf32, #tpu.memory_space<hbm>> -> memref<1x16x1024xf32, #tpu.memory_space<hbm>>
      %dma_wait3A_754 = tpu.memref_squeeze %dma_wait3A_753 : memref<1x16x1024xf32, #tpu.memory_space<hbm>> -> memref<16x1024xf32, #tpu.memory_space<hbm>>
      tpu.wait_dma2 semaphore(%arg11 : memref<!tpu.dma_semaphore, #tpu.memory_space<semaphore_mem>>) src(%dma_wait3A_754 : memref<16x1024xf32, #tpu.memory_space<hbm>>) dst(%arg5 : memref<16x1024xf32, #tpu.memory_space<vmem>>)
      %jit3A_755 = arith.constant 10 : i32
      %div3A_756 = arith.divsi %add3A_745, %jit3A_755 : i32
      %sign3A_757 = arith.constant 0 : i32
      %sign3A_758 = arith.cmpi sgt, %add3A_745, %sign3A_757 : i32
      %sign3A_759 = arith.extui %sign3A_758 : i1 to i32
      %sign3A_760 = arith.constant 0 : i32
      %sign3A_761 = arith.cmpi slt, %add3A_745, %sign3A_760 : i32
      %sign3A_762 = arith.extui %sign3A_761 : i1 to i32
      %sign3A_763 = arith.subi %sign3A_759, %sign3A_762 : i32
      %sign3A_764 = arith.constant 0 : i32
      %sign3A_765 = arith.cmpi sgt, %jit3A_755, %sign3A_764 : i32
      %sign3A_766 = arith.extui %sign3A_765 : i1 to i32
      %sign3A_767 = arith.constant 0 : i32
      %sign3A_768 = arith.cmpi slt, %jit3A_755, %sign3A_767 : i32
      %sign3A_769 = arith.extui %sign3A_768 : i1 to i32
      %sign3A_770 = arith.subi %sign3A_766, %sign3A_769 : i32
      %ne3A_771 = arith.cmpi ne, %sign3A_763, %sign3A_770 : i32
      %rem3A_772 = arith.remsi %add3A_745, %jit3A_755 : i32
      %ne3A_773 = arith.constant 0 : i32
      %ne3A_774 = arith.cmpi ne, %rem3A_772, %ne3A_773 : i32
      %and3A_775 = arith.andi %ne3A_771, %ne3A_774 : i1
      %sub3A_776 = arith.constant 1 : i32
      %sub3A_777 = arith.subi %div3A_756, %sub3A_776 : i32
      %select_n3A_778 = arith.select %and3A_775, %sub3A_777, %div3A_756 : i32
      %parallel_loop3A_779 = arith.constant 0 : i32
      %parallel_loop3A_780 = arith.constant 16 : i32
      %parallel_loop3A_781 = arith.constant 1 : i32
      %parallel_loop3A_782:16 = scf.for %parallel_loop3A_1443 = %parallel_loop3A_779 to %parallel_loop3A_780 step %parallel_loop3A_781 iter_args(%parallel_loop3A_1444 = %broadcast_in_dim3A_0, %parallel_loop3A_1445 = %broadcast_in_dim3A_0, %parallel_loop3A_1446 = %broadcast_in_dim3A_0, %parallel_loop3A_1447 = %broadcast_in_dim3A_0, %parallel_loop3A_1448 = %broadcast_in_dim3A_0, %parallel_loop3A_1449 = %broadcast_in_dim3A_0, %parallel_loop3A_1450 = %broadcast_in_dim3A_0, %parallel_loop3A_1451 = %broadcast_in_dim3A_0, %parallel_loop3A_1452 = %broadcast_in_dim3A_0, %parallel_loop3A_1453 = %broadcast_in_dim3A_0, %parallel_loop3A_1454 = %broadcast_in_dim3A_0, %parallel_loop3A_1455 = %broadcast_in_dim3A_0, %parallel_loop3A_1456 = %broadcast_in_dim3A_0, %parallel_loop3A_1457 = %broadcast_in_dim3A_0, %parallel_loop3A_1458 = %broadcast_in_dim3A_0, %parallel_loop3A_1459 = %broadcast_in_dim3A_0) -> (vector<16xf32>, vector<16xf32>, vector<16xf32>, vector<16xf32>, vector<16xf32>, vector<16xf32>, vector<16xf32>, vector<16xf32>, vector<16xf32>, vector<16xf32>, vector<16xf32>, vector<16xf32>, vector<16xf32>, vector<16xf32>, vector<16xf32>, vector<16xf32>)  : i32 {
        %parallel_loop3A_1460 = arith.index_cast %parallel_loop3A_1443 : i32 to index
        %parallel_loop3A_1461 = arith.constant 0 : index
        %parallel_loop3A_1462 = tpu.vector_load %arg5[%parallel_loop3A_1460, %parallel_loop3A_1461] {strides = array<i32>} : memref<16x1024xf32, #tpu.memory_space<vmem>>, vector<1x16xf32>,
        %parallel_loop3A_1463 = vector.shape_cast %parallel_loop3A_1462 : vector<1x16xf32> to vector<16xf32>
        %parallel_loop3A_1464 = arith.addf %parallel_loop3A_1444, %parallel_loop3A_1463 : vector<16xf32>
        %parallel_loop3A_1465 = arith.index_cast %parallel_loop3A_1443 : i32 to index
        %parallel_loop3A_1466 = arith.constant 16 : index
        %parallel_loop3A_1467 = tpu.vector_load %arg5[%parallel_loop3A_1465, %parallel_loop3A_1466] {strides = array<i32>} : memref<16x1024xf32, #tpu.memory_space<vmem>>, vector<1x16xf32>,
        %parallel_loop3A_1468 = vector.shape_cast %parallel_loop3A_1467 : vector<1x16xf32> to vector<16xf32>
        %parallel_loop3A_1469 = arith.addf %parallel_loop3A_1445, %parallel_loop3A_1468 : vector<16xf32>
        %parallel_loop3A_1470 = arith.index_cast %parallel_loop3A_1443 : i32 to index
        %parallel_loop3A_1471 = arith.constant 32 : index
        %parallel_loop3A_1472 = tpu.vector_load %arg5[%parallel_loop3A_1470, %parallel_loop3A_1471] {strides = array<i32>} : memref<16x1024xf32, #tpu.memory_space<vmem>>, vector<1x16xf32>,
        %parallel_loop3A_1473 = vector.shape_cast %parallel_loop3A_1472 : vector<1x16xf32> to vector<16xf32>
        %parallel_loop3A_1474 = arith.addf %parallel_loop3A_1446, %parallel_loop3A_1473 : vector<16xf32>
        %parallel_loop3A_1475 = arith.index_cast %parallel_loop3A_1443 : i32 to index
        %parallel_loop3A_1476 = arith.constant 48 : index
        %parallel_loop3A_1477 = tpu.vector_load %arg5[%parallel_loop3A_1475, %parallel_loop3A_1476] {strides = array<i32>} : memref<16x1024xf32, #tpu.memory_space<vmem>>, vector<1x16xf32>,
        %parallel_loop3A_1478 = vector.shape_cast %parallel_loop3A_1477 : vector<1x16xf32> to vector<16xf32>
        %parallel_loop3A_1479 = arith.addf %parallel_loop3A_1447, %parallel_loop3A_1478 : vector<16xf32>
        %parallel_loop3A_1480 = arith.index_cast %parallel_loop3A_1443 : i32 to index
        %parallel_loop3A_1481 = arith.constant 64 : index
        %parallel_loop3A_1482 = tpu.vector_load %arg5[%parallel_loop3A_1480, %parallel_loop3A_1481] {strides = array<i32>} : memref<16x1024xf32, #tpu.memory_space<vmem>>, vector<1x16xf32>,
        %parallel_loop3A_1483 = vector.shape_cast %parallel_loop3A_1482 : vector<1x16xf32> to vector<16xf32>
        %parallel_loop3A_1484 = arith.addf %parallel_loop3A_1448, %parallel_loop3A_1483 : vector<16xf32>
        %parallel_loop3A_1485 = arith.index_cast %parallel_loop3A_1443 : i32 to index
        %parallel_loop3A_1486 = arith.constant 80 : index
        %parallel_loop3A_1487 = tpu.vector_load %arg5[%parallel_loop3A_1485, %parallel_loop3A_1486] {strides = array<i32>} : memref<16x1024xf32, #tpu.memory_space<vmem>>, vector<1x16xf32>,
        %parallel_loop3A_1488 = vector.shape_cast %parallel_loop3A_1487 : vector<1x16xf32> to vector<16xf32>
        %parallel_loop3A_1489 = arith.addf %parallel_loop3A_1449, %parallel_loop3A_1488 : vector<16xf32>
        %parallel_loop3A_1490 = arith.index_cast %parallel_loop3A_1443 : i32 to index
        %parallel_loop3A_1491 = arith.constant 96 : index
        %parallel_loop3A_1492 = tpu.vector_load %arg5[%parallel_loop3A_1490, %parallel_loop3A_1491] {strides = array<i32>} : memref<16x1024xf32, #tpu.memory_space<vmem>>, vector<1x16xf32>,
        %parallel_loop3A_1493 = vector.shape_cast %parallel_loop3A_1492 : vector<1x16xf32> to vector<16xf32>
        %parallel_loop3A_1494 = arith.addf %parallel_loop3A_1450, %parallel_loop3A_1493 : vector<16xf32>
        %parallel_loop3A_1495 = arith.index_cast %parallel_loop3A_1443 : i32 to index
        %parallel_loop3A_1496 = arith.constant 112 : index
        %parallel_loop3A_1497 = tpu.vector_load %arg5[%parallel_loop3A_1495, %parallel_loop3A_1496] {strides = array<i32>} : memref<16x1024xf32, #tpu.memory_space<vmem>>, vector<1x16xf32>,
        %parallel_loop3A_1498 = vector.shape_cast %parallel_loop3A_1497 : vector<1x16xf32> to vector<16xf32>
        %parallel_loop3A_1499 = arith.addf %parallel_loop3A_1451, %parallel_loop3A_1498 : vector<16xf32>
        %parallel_loop3A_1500 = arith.index_cast %parallel_loop3A_1443 : i32 to index
        %parallel_loop3A_1501 = arith.constant 128 : index
        %parallel_loop3A_1502 = tpu.vector_load %arg5[%parallel_loop3A_1500, %parallel_loop3A_1501] {strides = array<i32>} : memref<16x1024xf32, #tpu.memory_space<vmem>>, vector<1x16xf32>,
        %parallel_loop3A_1503 = vector.shape_cast %parallel_loop3A_1502 : vector<1x16xf32> to vector<16xf32>
        %parallel_loop3A_1504 = arith.addf %parallel_loop3A_1452, %parallel_loop3A_1503 : vector<16xf32>
        %parallel_loop3A_1505 = arith.index_cast %parallel_loop3A_1443 : i32 to index
        %parallel_loop3A_1506 = arith.constant 144 : index
        %parallel_loop3A_1507 = tpu.vector_load %arg5[%parallel_loop3A_1505, %parallel_loop3A_1506] {strides = array<i32>} : memref<16x1024xf32, #tpu.memory_space<vmem>>, vector<1x16xf32>,
        %parallel_loop3A_1508 = vector.shape_cast %parallel_loop3A_1507 : vector<1x16xf32> to vector<16xf32>
        %parallel_loop3A_1509 = arith.addf %parallel_loop3A_1453, %parallel_loop3A_1508 : vector<16xf32>
        %parallel_loop3A_1510 = arith.index_cast %parallel_loop3A_1443 : i32 to index
        %parallel_loop3A_1511 = arith.constant 160 : index
        %parallel_loop3A_1512 = tpu.vector_load %arg5[%parallel_loop3A_1510, %parallel_loop3A_1511] {strides = array<i32>} : memref<16x1024xf32, #tpu.memory_space<vmem>>, vector<1x16xf32>,
        %parallel_loop3A_1513 = vector.shape_cast %parallel_loop3A_1512 : vector<1x16xf32> to vector<16xf32>
        %parallel_loop3A_1514 = arith.addf %parallel_loop3A_1454, %parallel_loop3A_1513 : vector<16xf32>
        %parallel_loop3A_1515 = arith.index_cast %parallel_loop3A_1443 : i32 to index
        %parallel_loop3A_1516 = arith.constant 176 : index
        %parallel_loop3A_1517 = tpu.vector_load %arg5[%parallel_loop3A_1515, %parallel_loop3A_1516] {strides = array<i32>} : memref<16x1024xf32, #tpu.memory_space<vmem>>, vector<1x16xf32>,
        %parallel_loop3A_1518 = vector.shape_cast %parallel_loop3A_1517 : vector<1x16xf32> to vector<16xf32>
        %parallel_loop3A_1519 = arith.addf %parallel_loop3A_1455, %parallel_loop3A_1518 : vector<16xf32>
        %parallel_loop3A_1520 = arith.index_cast %parallel_loop3A_1443 : i32 to index
        %parallel_loop3A_1521 = arith.constant 192 : index
        %parallel_loop3A_1522 = tpu.vector_load %arg5[%parallel_loop3A_1520, %parallel_loop3A_1521] {strides = array<i32>} : memref<16x1024xf32, #tpu.memory_space<vmem>>, vector<1x16xf32>,
        %parallel_loop3A_1523 = vector.shape_cast %parallel_loop3A_1522 : vector<1x16xf32> to vector<16xf32>
        %parallel_loop3A_1524 = arith.addf %parallel_loop3A_1456, %parallel_loop3A_1523 : vector<16xf32>
        %parallel_loop3A_1525 = arith.index_cast %parallel_loop3A_1443 : i32 to index
        %parallel_loop3A_1526 = arith.constant 208 : index
        %parallel_loop3A_1527 = tpu.vector_load %arg5[%parallel_loop3A_1525, %parallel_loop3A_1526] {strides = array<i32>} : memref<16x1024xf32, #tpu.memory_space<vmem>>, vector<1x16xf32>,
        %parallel_loop3A_1528 = vector.shape_cast %parallel_loop3A_1527 : vector<1x16xf32> to vector<16xf32>
        %parallel_loop3A_1529 = arith.addf %parallel_loop3A_1457, %parallel_loop3A_1528 : vector<16xf32>
        %parallel_loop3A_1530 = arith.index_cast %parallel_loop3A_1443 : i32 to index
        %parallel_loop3A_1531 = arith.constant 224 : index
        %parallel_loop3A_1532 = tpu.vector_load %arg5[%parallel_loop3A_1530, %parallel_loop3A_1531] {strides = array<i32>} : memref<16x1024xf32, #tpu.memory_space<vmem>>, vector<1x16xf32>,
        %parallel_loop3A_1533 = vector.shape_cast %parallel_loop3A_1532 : vector<1x16xf32> to vector<16xf32>
        %parallel_loop3A_1534 = arith.addf %parallel_loop3A_1458, %parallel_loop3A_1533 : vector<16xf32>
        %parallel_loop3A_1535 = arith.index_cast %parallel_loop3A_1443 : i32 to index
        %parallel_loop3A_1536 = arith.constant 240 : index
        %parallel_loop3A_1537 = tpu.vector_load %arg5[%parallel_loop3A_1535, %parallel_loop3A_1536] {strides = array<i32>} : memref<16x1024xf32, #tpu.memory_space<vmem>>, vector<1x16xf32>,
        %parallel_loop3A_1538 = vector.shape_cast %parallel_loop3A_1537 : vector<1x16xf32> to vector<16xf32>
        %parallel_loop3A_1539 = arith.addf %parallel_loop3A_1459, %parallel_loop3A_1538 : vector<16xf32>
        scf.yield %parallel_loop3A_1464, %parallel_loop3A_1469, %parallel_loop3A_1474, %parallel_loop3A_1479, %parallel_loop3A_1484, %parallel_loop3A_1489, %parallel_loop3A_1494, %parallel_loop3A_1499, %parallel_loop3A_1504, %parallel_loop3A_1509, %parallel_loop3A_1514, %parallel_loop3A_1519, %parallel_loop3A_1524, %parallel_loop3A_1529, %parallel_loop3A_1534, %parallel_loop3A_1539 : vector<16xf32>, vector<16xf32>, vector<16xf32>, vector<16xf32>, vector<16xf32>, vector<16xf32>, vector<16xf32>, vector<16xf32>, vector<16xf32>, vector<16xf32>, vector<16xf32>, vector<16xf32>, vector<16xf32>, vector<16xf32>, vector<16xf32>, vector<16xf32>
      } {sc.loop_unroll_factor = 4 : i64, sc.parallel_access}
      %mul3A_783 = arith.constant 1024 : i32
      %mul3A_784 = arith.muli %select_n3A_778, %mul3A_783 : i32
      %add3A_785 = arith.constant 0 : i32
      %add3A_786 = arith.addi %mul3A_784, %add3A_785 : i32
      %add3A_787 = arith.constant 0 : i32
      %add3A_788 = arith.addi %add3A_786, %add3A_787 : i32
      %swap3A_789 = arith.index_cast %add3A_788 : i32 to index
      %swap3A_790 = tpu.vector_load %arg6[%swap3A_789] {strides = array<i32>} : memref<2048xf32, #tpu.memory_space<vmem>>, vector<16xf32>,
      %swap3A_791 = vector.shape_cast %swap3A_790 : vector<16xf32> to vector<16xf32>
      %swap3A_792 = vector.shape_cast %parallel_loop3A_782#0 : vector<16xf32> to vector<16xf32>
      tpu.vector_store %arg6[%swap3A_789], %swap3A_792 {add = true, strides = array<i32>} : memref<2048xf32, #tpu.memory_space<vmem>>, vector<16xf32>,
      %mul3A_793 = arith.constant 1024 : i32
      %mul3A_794 = arith.muli %select_n3A_778, %mul3A_793 : i32
      %add3A_795 = arith.constant 0 : i32
      %add3A_796 = arith.addi %mul3A_794, %add3A_795 : i32
      %add3A_797 = arith.constant 16 : i32
      %add3A_798 = arith.addi %add3A_796, %add3A_797 : i32
      %swap3A_799 = arith.index_cast %add3A_798 : i32 to index
      %swap3A_800 = tpu.vector_load %arg6[%swap3A_799] {strides = array<i32>} : memref<2048xf32, #tpu.memory_space<vmem>>, vector<16xf32>,
      %swap3A_801 = vector.shape_cast %swap3A_800 : vector<16xf32> to vector<16xf32>
      %swap3A_802 = vector.shape_cast %parallel_loop3A_782#1 : vector<16xf32> to vector<16xf32>
      tpu.vector_store %arg6[%swap3A_799], %swap3A_802 {add = true, strides = array<i32>} : memref<2048xf32, #tpu.memory_space<vmem>>, vector<16xf32>,
      %mul3A_803 = arith.constant 1024 : i32
      %mul3A_804 = arith.muli %select_n3A_778, %mul3A_803 : i32
      %add3A_805 = arith.constant 0 : i32
      %add3A_806 = arith.addi %mul3A_804, %add3A_805 : i32
      %add3A_807 = arith.constant 32 : i32
      %add3A_808 = arith.addi %add3A_806, %add3A_807 : i32
      %swap3A_809 = arith.index_cast %add3A_808 : i32 to index
      %swap3A_810 = tpu.vector_load %arg6[%swap3A_809] {strides = array<i32>} : memref<2048xf32, #tpu.memory_space<vmem>>, vector<16xf32>,
      %swap3A_811 = vector.shape_cast %swap3A_810 : vector<16xf32> to vector<16xf32>
      %swap3A_812 = vector.shape_cast %parallel_loop3A_782#2 : vector<16xf32> to vector<16xf32>
      tpu.vector_store %arg6[%swap3A_809], %swap3A_812 {add = true, strides = array<i32>} : memref<2048xf32, #tpu.memory_space<vmem>>, vector<16xf32>,
      %mul3A_813 = arith.constant 1024 : i32
      %mul3A_814 = arith.muli %select_n3A_778, %mul3A_813 : i32
      %add3A_815 = arith.constant 0 : i32
      %add3A_816 = arith.addi %mul3A_814, %add3A_815 : i32
      %add3A_817 = arith.constant 48 : i32
      %add3A_818 = arith.addi %add3A_816, %add3A_817 : i32
      %swap3A_819 = arith.index_cast %add3A_818 : i32 to index
      %swap3A_820 = tpu.vector_load %arg6[%swap3A_819] {strides = array<i32>} : memref<2048xf32, #tpu.memory_space<vmem>>, vector<16xf32>,
      %swap3A_821 = vector.shape_cast %swap3A_820 : vector<16xf32> to vector<16xf32>
      %swap3A_822 = vector.shape_cast %parallel_loop3A_782#3 : vector<16xf32> to vector<16xf32>
      tpu.vector_store %arg6[%swap3A_819], %swap3A_822 {add = true, strides = array<i32>} : memref<2048xf32, #tpu.memory_space<vmem>>, vector<16xf32>,
      %mul3A_823 = arith.constant 1024 : i32
      %mul3A_824 = arith.muli %select_n3A_778, %mul3A_823 : i32
      %add3A_825 = arith.constant 0 : i32
      %add3A_826 = arith.addi %mul3A_824, %add3A_825 : i32
      %add3A_827 = arith.constant 64 : i32
      %add3A_828 = arith.addi %add3A_826, %add3A_827 : i32
      %swap3A_829 = arith.index_cast %add3A_828 : i32 to index
      %swap3A_830 = tpu.vector_load %arg6[%swap3A_829] {strides = array<i32>} : memref<2048xf32, #tpu.memory_space<vmem>>, vector<16xf32>,
      %swap3A_831 = vector.shape_cast %swap3A_830 : vector<16xf32> to vector<16xf32>
      %swap3A_832 = vector.shape_cast %parallel_loop3A_782#4 : vector<16xf32> to vector<16xf32>
      tpu.vector_store %arg6[%swap3A_829], %swap3A_832 {add = true, strides = array<i32>} : memref<2048xf32, #tpu.memory_space<vmem>>, vector<16xf32>,
      %mul3A_833 = arith.constant 1024 : i32
      %mul3A_834 = arith.muli %select_n3A_778, %mul3A_833 : i32
      %add3A_835 = arith.constant 0 : i32
      %add3A_836 = arith.addi %mul3A_834, %add3A_835 : i32
      %add3A_837 = arith.constant 80 : i32
      %add3A_838 = arith.addi %add3A_836, %add3A_837 : i32
      %swap3A_839 = arith.index_cast %add3A_838 : i32 to index
      %swap3A_840 = tpu.vector_load %arg6[%swap3A_839] {strides = array<i32>} : memref<2048xf32, #tpu.memory_space<vmem>>, vector<16xf32>,
      %swap3A_841 = vector.shape_cast %swap3A_840 : vector<16xf32> to vector<16xf32>
      %swap3A_842 = vector.shape_cast %parallel_loop3A_782#5 : vector<16xf32> to vector<16xf32>
      tpu.vector_store %arg6[%swap3A_839], %swap3A_842 {add = true, strides = array<i32>} : memref<2048xf32, #tpu.memory_space<vmem>>, vector<16xf32>,
      %mul3A_843 = arith.constant 1024 : i32
      %mul3A_844 = arith.muli %select_n3A_778, %mul3A_843 : i32
      %add3A_845 = arith.constant 0 : i32
      %add3A_846 = arith.addi %mul3A_844, %add3A_845 : i32
      %add3A_847 = arith.constant 96 : i32
      %add3A_848 = arith.addi %add3A_846, %add3A_847 : i32
      %swap3A_849 = arith.index_cast %add3A_848 : i32 to index
      %swap3A_850 = tpu.vector_load %arg6[%swap3A_849] {strides = array<i32>} : memref<2048xf32, #tpu.memory_space<vmem>>, vector<16xf32>,
      %swap3A_851 = vector.shape_cast %swap3A_850 : vector<16xf32> to vector<16xf32>
      %swap3A_852 = vector.shape_cast %parallel_loop3A_782#6 : vector<16xf32> to vector<16xf32>
      tpu.vector_store %arg6[%swap3A_849], %swap3A_852 {add = true, strides = array<i32>} : memref<2048xf32, #tpu.memory_space<vmem>>, vector<16xf32>,
      %mul3A_853 = arith.constant 1024 : i32
      %mul3A_854 = arith.muli %select_n3A_778, %mul3A_853 : i32
      %add3A_855 = arith.constant 0 : i32
      %add3A_856 = arith.addi %mul3A_854, %add3A_855 : i32
      %add3A_857 = arith.constant 112 : i32
      %add3A_858 = arith.addi %add3A_856, %add3A_857 : i32
      %swap3A_859 = arith.index_cast %add3A_858 : i32 to index
      %swap3A_860 = tpu.vector_load %arg6[%swap3A_859] {strides = array<i32>} : memref<2048xf32, #tpu.memory_space<vmem>>, vector<16xf32>,
      %swap3A_861 = vector.shape_cast %swap3A_860 : vector<16xf32> to vector<16xf32>
      %swap3A_862 = vector.shape_cast %parallel_loop3A_782#7 : vector<16xf32> to vector<16xf32>
      tpu.vector_store %arg6[%swap3A_859], %swap3A_862 {add = true, strides = array<i32>} : memref<2048xf32, #tpu.memory_space<vmem>>, vector<16xf32>,
      %mul3A_863 = arith.constant 1024 : i32
      %mul3A_864 = arith.muli %select_n3A_778, %mul3A_863 : i32
      %add3A_865 = arith.constant 0 : i32
      %add3A_866 = arith.addi %mul3A_864, %add3A_865 : i32
      %add3A_867 = arith.constant 128 : i32
      %add3A_868 = arith.addi %add3A_866, %add3A_867 : i32
      %swap3A_869 = arith.index_cast %add3A_868 : i32 to index
      %swap3A_870 = tpu.vector_load %arg6[%swap3A_869] {strides = array<i32>} : memref<2048xf32, #tpu.memory_space<vmem>>, vector<16xf32>,
      %swap3A_871 = vector.shape_cast %swap3A_870 : vector<16xf32> to vector<16xf32>
      %swap3A_872 = vector.shape_cast %parallel_loop3A_782#8 : vector<16xf32> to vector<16xf32>
      tpu.vector_store %arg6[%swap3A_869], %swap3A_872 {add = true, strides = array<i32>} : memref<2048xf32, #tpu.memory_space<vmem>>, vector<16xf32>,
      %mul3A_873 = arith.constant 1024 : i32
      %mul3A_874 = arith.muli %select_n3A_778, %mul3A_873 : i32
      %add3A_875 = arith.constant 0 : i32
      %add3A_876 = arith.addi %mul3A_874, %add3A_875 : i32
      %add3A_877 = arith.constant 144 : i32
      %add3A_878 = arith.addi %add3A_876, %add3A_877 : i32
      %swap3A_879 = arith.index_cast %add3A_878 : i32 to index
      %swap3A_880 = tpu.vector_load %arg6[%swap3A_879] {strides = array<i32>} : memref<2048xf32, #tpu.memory_space<vmem>>, vector<16xf32>,
      %swap3A_881 = vector.shape_cast %swap3A_880 : vector<16xf32> to vector<16xf32>
      %swap3A_882 = vector.shape_cast %parallel_loop3A_782#9 : vector<16xf32> to vector<16xf32>
      tpu.vector_store %arg6[%swap3A_879], %swap3A_882 {add = true, strides = array<i32>} : memref<2048xf32, #tpu.memory_space<vmem>>, vector<16xf32>,
      %mul3A_883 = arith.constant 1024 : i32
      %mul3A_884 = arith.muli %select_n3A_778, %mul3A_883 : i32
      %add3A_885 = arith.constant 0 : i32
      %add3A_886 = arith.addi %mul3A_884, %add3A_885 : i32
      %add3A_887 = arith.constant 160 : i32
      %add3A_888 = arith.addi %add3A_886, %add3A_887 : i32
      %swap3A_889 = arith.index_cast %add3A_888 : i32 to index
      %swap3A_890 = tpu.vector_load %arg6[%swap3A_889] {strides = array<i32>} : memref<2048xf32, #tpu.memory_space<vmem>>, vector<16xf32>,
      %swap3A_891 = vector.shape_cast %swap3A_890 : vector<16xf32> to vector<16xf32>
      %swap3A_892 = vector.shape_cast %parallel_loop3A_782#10 : vector<16xf32> to vector<16xf32>
      tpu.vector_store %arg6[%swap3A_889], %swap3A_892 {add = true, strides = array<i32>} : memref<2048xf32, #tpu.memory_space<vmem>>, vector<16xf32>,
      %mul3A_893 = arith.constant 1024 : i32
      %mul3A_894 = arith.muli %select_n3A_778, %mul3A_893 : i32
      %add3A_895 = arith.constant 0 : i32
      %add3A_896 = arith.addi %mul3A_894, %add3A_895 : i32
      %add3A_897 = arith.constant 176 : i32
      %add3A_898 = arith.addi %add3A_896, %add3A_897 : i32
      %swap3A_899 = arith.index_cast %add3A_898 : i32 to index
      %swap3A_900 = tpu.vector_load %arg6[%swap3A_899] {strides = array<i32>} : memref<2048xf32, #tpu.memory_space<vmem>>, vector<16xf32>,
      %swap3A_901 = vector.shape_cast %swap3A_900 : vector<16xf32> to vector<16xf32>
      %swap3A_902 = vector.shape_cast %parallel_loop3A_782#11 : vector<16xf32> to vector<16xf32>
      tpu.vector_store %arg6[%swap3A_899], %swap3A_902 {add = true, strides = array<i32>} : memref<2048xf32, #tpu.memory_space<vmem>>, vector<16xf32>,
      %mul3A_903 = arith.constant 1024 : i32
      %mul3A_904 = arith.muli %select_n3A_778, %mul3A_903 : i32
      %add3A_905 = arith.constant 0 : i32
      %add3A_906 = arith.addi %mul3A_904, %add3A_905 : i32
      %add3A_907 = arith.constant 192 : i32
      %add3A_908 = arith.addi %add3A_906, %add3A_907 : i32
      %swap3A_909 = arith.index_cast %add3A_908 : i32 to index
      %swap3A_910 = tpu.vector_load %arg6[%swap3A_909] {strides = array<i32>} : memref<2048xf32, #tpu.memory_space<vmem>>, vector<16xf32>,
      %swap3A_911 = vector.shape_cast %swap3A_910 : vector<16xf32> to vector<16xf32>
      %swap3A_912 = vector.shape_cast %parallel_loop3A_782#12 : vector<16xf32> to vector<16xf32>
      tpu.vector_store %arg6[%swap3A_909], %swap3A_912 {add = true, strides = array<i32>} : memref<2048xf32, #tpu.memory_space<vmem>>, vector<16xf32>,
      %mul3A_913 = arith.constant 1024 : i32
      %mul3A_914 = arith.muli %select_n3A_778, %mul3A_913 : i32
      %add3A_915 = arith.constant 0 : i32
      %add3A_916 = arith.addi %mul3A_914, %add3A_915 : i32
      %add3A_917 = arith.constant 208 : i32
      %add3A_918 = arith.addi %add3A_916, %add3A_917 : i32
      %swap3A_919 = arith.index_cast %add3A_918 : i32 to index
      %swap3A_920 = tpu.vector_load %arg6[%swap3A_919] {strides = array<i32>} : memref<2048xf32, #tpu.memory_space<vmem>>, vector<16xf32>,
      %swap3A_921 = vector.shape_cast %swap3A_920 : vector<16xf32> to vector<16xf32>
      %swap3A_922 = vector.shape_cast %parallel_loop3A_782#13 : vector<16xf32> to vector<16xf32>
      tpu.vector_store %arg6[%swap3A_919], %swap3A_922 {add = true, strides = array<i32>} : memref<2048xf32, #tpu.memory_space<vmem>>, vector<16xf32>,
      %mul3A_923 = arith.constant 1024 : i32
      %mul3A_924 = arith.muli %select_n3A_778, %mul3A_923 : i32
      %add3A_925 = arith.constant 0 : i32
      %add3A_926 = arith.addi %mul3A_924, %add3A_925 : i32
      %add3A_927 = arith.constant 224 : i32
      %add3A_928 = arith.addi %add3A_926, %add3A_927 : i32
      %swap3A_929 = arith.index_cast %add3A_928 : i32 to index
      %swap3A_930 = tpu.vector_load %arg6[%swap3A_929] {strides = array<i32>} : memref<2048xf32, #tpu.memory_space<vmem>>, vector<16xf32>,
      %swap3A_931 = vector.shape_cast %swap3A_930 : vector<16xf32> to vector<16xf32>
      %swap3A_932 = vector.shape_cast %parallel_loop3A_782#14 : vector<16xf32> to vector<16xf32>
      tpu.vector_store %arg6[%swap3A_929], %swap3A_932 {add = true, strides = array<i32>} : memref<2048xf32, #tpu.memory_space<vmem>>, vector<16xf32>,
      %mul3A_933 = arith.constant 1024 : i32
      %mul3A_934 = arith.muli %select_n3A_778, %mul3A_933 : i32
      %add3A_935 = arith.constant 0 : i32
      %add3A_936 = arith.addi %mul3A_934, %add3A_935 : i32
      %add3A_937 = arith.constant 240 : i32
      %add3A_938 = arith.addi %add3A_936, %add3A_937 : i32
      %swap3A_939 = arith.index_cast %add3A_938 : i32 to index
      %swap3A_940 = tpu.vector_load %arg6[%swap3A_939] {strides = array<i32>} : memref<2048xf32, #tpu.memory_space<vmem>>, vector<16xf32>,
      %swap3A_941 = vector.shape_cast %swap3A_940 : vector<16xf32> to vector<16xf32>
      %swap3A_942 = vector.shape_cast %parallel_loop3A_782#15 : vector<16xf32> to vector<16xf32>
      tpu.vector_store %arg6[%swap3A_939], %swap3A_942 {add = true, strides = array<i32>} : memref<2048xf32, #tpu.memory_space<vmem>>, vector<16xf32>,
      %parallel_loop3A_943 = arith.constant 0 : i32
      %parallel_loop3A_944 = arith.constant 16 : i32
      %parallel_loop3A_945 = arith.constant 1 : i32
      %parallel_loop3A_946:16 = scf.for %parallel_loop3A_1443 = %parallel_loop3A_943 to %parallel_loop3A_944 step %parallel_loop3A_945 iter_args(%parallel_loop3A_1444 = %broadcast_in_dim3A_0, %parallel_loop3A_1445 = %broadcast_in_dim3A_0, %parallel_loop3A_1446 = %broadcast_in_dim3A_0, %parallel_loop3A_1447 = %broadcast_in_dim3A_0, %parallel_loop3A_1448 = %broadcast_in_dim3A_0, %parallel_loop3A_1449 = %broadcast_in_dim3A_0, %parallel_loop3A_1450 = %broadcast_in_dim3A_0, %parallel_loop3A_1451 = %broadcast_in_dim3A_0, %parallel_loop3A_1452 = %broadcast_in_dim3A_0, %parallel_loop3A_1453 = %broadcast_in_dim3A_0, %parallel_loop3A_1454 = %broadcast_in_dim3A_0, %parallel_loop3A_1455 = %broadcast_in_dim3A_0, %parallel_loop3A_1456 = %broadcast_in_dim3A_0, %parallel_loop3A_1457 = %broadcast_in_dim3A_0, %parallel_loop3A_1458 = %broadcast_in_dim3A_0, %parallel_loop3A_1459 = %broadcast_in_dim3A_0) -> (vector<16xf32>, vector<16xf32>, vector<16xf32>, vector<16xf32>, vector<16xf32>, vector<16xf32>, vector<16xf32>, vector<16xf32>, vector<16xf32>, vector<16xf32>, vector<16xf32>, vector<16xf32>, vector<16xf32>, vector<16xf32>, vector<16xf32>, vector<16xf32>)  : i32 {
        %parallel_loop3A_1460 = arith.index_cast %parallel_loop3A_1443 : i32 to index
        %parallel_loop3A_1461 = arith.constant 256 : index
        %parallel_loop3A_1462 = tpu.vector_load %arg5[%parallel_loop3A_1460, %parallel_loop3A_1461] {strides = array<i32>} : memref<16x1024xf32, #tpu.memory_space<vmem>>, vector<1x16xf32>,
        %parallel_loop3A_1463 = vector.shape_cast %parallel_loop3A_1462 : vector<1x16xf32> to vector<16xf32>
        %parallel_loop3A_1464 = arith.addf %parallel_loop3A_1444, %parallel_loop3A_1463 : vector<16xf32>
        %parallel_loop3A_1465 = arith.index_cast %parallel_loop3A_1443 : i32 to index
        %parallel_loop3A_1466 = arith.constant 272 : index
        %parallel_loop3A_1467 = tpu.vector_load %arg5[%parallel_loop3A_1465, %parallel_loop3A_1466] {strides = array<i32>} : memref<16x1024xf32, #tpu.memory_space<vmem>>, vector<1x16xf32>,
        %parallel_loop3A_1468 = vector.shape_cast %parallel_loop3A_1467 : vector<1x16xf32> to vector<16xf32>
        %parallel_loop3A_1469 = arith.addf %parallel_loop3A_1445, %parallel_loop3A_1468 : vector<16xf32>
        %parallel_loop3A_1470 = arith.index_cast %parallel_loop3A_1443 : i32 to index
        %parallel_loop3A_1471 = arith.constant 288 : index
        %parallel_loop3A_1472 = tpu.vector_load %arg5[%parallel_loop3A_1470, %parallel_loop3A_1471] {strides = array<i32>} : memref<16x1024xf32, #tpu.memory_space<vmem>>, vector<1x16xf32>,
        %parallel_loop3A_1473 = vector.shape_cast %parallel_loop3A_1472 : vector<1x16xf32> to vector<16xf32>
        %parallel_loop3A_1474 = arith.addf %parallel_loop3A_1446, %parallel_loop3A_1473 : vector<16xf32>
        %parallel_loop3A_1475 = arith.index_cast %parallel_loop3A_1443 : i32 to index
        %parallel_loop3A_1476 = arith.constant 304 : index
        %parallel_loop3A_1477 = tpu.vector_load %arg5[%parallel_loop3A_1475, %parallel_loop3A_1476] {strides = array<i32>} : memref<16x1024xf32, #tpu.memory_space<vmem>>, vector<1x16xf32>,
        %parallel_loop3A_1478 = vector.shape_cast %parallel_loop3A_1477 : vector<1x16xf32> to vector<16xf32>
        %parallel_loop3A_1479 = arith.addf %parallel_loop3A_1447, %parallel_loop3A_1478 : vector<16xf32>
        %parallel_loop3A_1480 = arith.index_cast %parallel_loop3A_1443 : i32 to index
        %parallel_loop3A_1481 = arith.constant 320 : index
        %parallel_loop3A_1482 = tpu.vector_load %arg5[%parallel_loop3A_1480, %parallel_loop3A_1481] {strides = array<i32>} : memref<16x1024xf32, #tpu.memory_space<vmem>>, vector<1x16xf32>,
        %parallel_loop3A_1483 = vector.shape_cast %parallel_loop3A_1482 : vector<1x16xf32> to vector<16xf32>
        %parallel_loop3A_1484 = arith.addf %parallel_loop3A_1448, %parallel_loop3A_1483 : vector<16xf32>
        %parallel_loop3A_1485 = arith.index_cast %parallel_loop3A_1443 : i32 to index
        %parallel_loop3A_1486 = arith.constant 336 : index
        %parallel_loop3A_1487 = tpu.vector_load %arg5[%parallel_loop3A_1485, %parallel_loop3A_1486] {strides = array<i32>} : memref<16x1024xf32, #tpu.memory_space<vmem>>, vector<1x16xf32>,
        %parallel_loop3A_1488 = vector.shape_cast %parallel_loop3A_1487 : vector<1x16xf32> to vector<16xf32>
        %parallel_loop3A_1489 = arith.addf %parallel_loop3A_1449, %parallel_loop3A_1488 : vector<16xf32>
        %parallel_loop3A_1490 = arith.index_cast %parallel_loop3A_1443 : i32 to index
        %parallel_loop3A_1491 = arith.constant 352 : index
        %parallel_loop3A_1492 = tpu.vector_load %arg5[%parallel_loop3A_1490, %parallel_loop3A_1491] {strides = array<i32>} : memref<16x1024xf32, #tpu.memory_space<vmem>>, vector<1x16xf32>,
        %parallel_loop3A_1493 = vector.shape_cast %parallel_loop3A_1492 : vector<1x16xf32> to vector<16xf32>
        %parallel_loop3A_1494 = arith.addf %parallel_loop3A_1450, %parallel_loop3A_1493 : vector<16xf32>
        %parallel_loop3A_1495 = arith.index_cast %parallel_loop3A_1443 : i32 to index
        %parallel_loop3A_1496 = arith.constant 368 : index
        %parallel_loop3A_1497 = tpu.vector_load %arg5[%parallel_loop3A_1495, %parallel_loop3A_1496] {strides = array<i32>} : memref<16x1024xf32, #tpu.memory_space<vmem>>, vector<1x16xf32>,
        %parallel_loop3A_1498 = vector.shape_cast %parallel_loop3A_1497 : vector<1x16xf32> to vector<16xf32>
        %parallel_loop3A_1499 = arith.addf %parallel_loop3A_1451, %parallel_loop3A_1498 : vector<16xf32>
        %parallel_loop3A_1500 = arith.index_cast %parallel_loop3A_1443 : i32 to index
        %parallel_loop3A_1501 = arith.constant 384 : index
        %parallel_loop3A_1502 = tpu.vector_load %arg5[%parallel_loop3A_1500, %parallel_loop3A_1501] {strides = array<i32>} : memref<16x1024xf32, #tpu.memory_space<vmem>>, vector<1x16xf32>,
        %parallel_loop3A_1503 = vector.shape_cast %parallel_loop3A_1502 : vector<1x16xf32> to vector<16xf32>
        %parallel_loop3A_1504 = arith.addf %parallel_loop3A_1452, %parallel_loop3A_1503 : vector<16xf32>
        %parallel_loop3A_1505 = arith.index_cast %parallel_loop3A_1443 : i32 to index
        %parallel_loop3A_1506 = arith.constant 400 : index
        %parallel_loop3A_1507 = tpu.vector_load %arg5[%parallel_loop3A_1505, %parallel_loop3A_1506] {strides = array<i32>} : memref<16x1024xf32, #tpu.memory_space<vmem>>, vector<1x16xf32>,
        %parallel_loop3A_1508 = vector.shape_cast %parallel_loop3A_1507 : vector<1x16xf32> to vector<16xf32>
        %parallel_loop3A_1509 = arith.addf %parallel_loop3A_1453, %parallel_loop3A_1508 : vector<16xf32>
        %parallel_loop3A_1510 = arith.index_cast %parallel_loop3A_1443 : i32 to index
        %parallel_loop3A_1511 = arith.constant 416 : index
        %parallel_loop3A_1512 = tpu.vector_load %arg5[%parallel_loop3A_1510, %parallel_loop3A_1511] {strides = array<i32>} : memref<16x1024xf32, #tpu.memory_space<vmem>>, vector<1x16xf32>,
        %parallel_loop3A_1513 = vector.shape_cast %parallel_loop3A_1512 : vector<1x16xf32> to vector<16xf32>
        %parallel_loop3A_1514 = arith.addf %parallel_loop3A_1454, %parallel_loop3A_1513 : vector<16xf32>
        %parallel_loop3A_1515 = arith.index_cast %parallel_loop3A_1443 : i32 to index
        %parallel_loop3A_1516 = arith.constant 432 : index
        %parallel_loop3A_1517 = tpu.vector_load %arg5[%parallel_loop3A_1515, %parallel_loop3A_1516] {strides = array<i32>} : memref<16x1024xf32, #tpu.memory_space<vmem>>, vector<1x16xf32>,
        %parallel_loop3A_1518 = vector.shape_cast %parallel_loop3A_1517 : vector<1x16xf32> to vector<16xf32>
        %parallel_loop3A_1519 = arith.addf %parallel_loop3A_1455, %parallel_loop3A_1518 : vector<16xf32>
        %parallel_loop3A_1520 = arith.index_cast %parallel_loop3A_1443 : i32 to index
        %parallel_loop3A_1521 = arith.constant 448 : index
        %parallel_loop3A_1522 = tpu.vector_load %arg5[%parallel_loop3A_1520, %parallel_loop3A_1521] {strides = array<i32>} : memref<16x1024xf32, #tpu.memory_space<vmem>>, vector<1x16xf32>,
        %parallel_loop3A_1523 = vector.shape_cast %parallel_loop3A_1522 : vector<1x16xf32> to vector<16xf32>
        %parallel_loop3A_1524 = arith.addf %parallel_loop3A_1456, %parallel_loop3A_1523 : vector<16xf32>
        %parallel_loop3A_1525 = arith.index_cast %parallel_loop3A_1443 : i32 to index
        %parallel_loop3A_1526 = arith.constant 464 : index
        %parallel_loop3A_1527 = tpu.vector_load %arg5[%parallel_loop3A_1525, %parallel_loop3A_1526] {strides = array<i32>} : memref<16x1024xf32, #tpu.memory_space<vmem>>, vector<1x16xf32>,
        %parallel_loop3A_1528 = vector.shape_cast %parallel_loop3A_1527 : vector<1x16xf32> to vector<16xf32>
        %parallel_loop3A_1529 = arith.addf %parallel_loop3A_1457, %parallel_loop3A_1528 : vector<16xf32>
        %parallel_loop3A_1530 = arith.index_cast %parallel_loop3A_1443 : i32 to index
        %parallel_loop3A_1531 = arith.constant 480 : index
        %parallel_loop3A_1532 = tpu.vector_load %arg5[%parallel_loop3A_1530, %parallel_loop3A_1531] {strides = array<i32>} : memref<16x1024xf32, #tpu.memory_space<vmem>>, vector<1x16xf32>,
        %parallel_loop3A_1533 = vector.shape_cast %parallel_loop3A_1532 : vector<1x16xf32> to vector<16xf32>
        %parallel_loop3A_1534 = arith.addf %parallel_loop3A_1458, %parallel_loop3A_1533 : vector<16xf32>
        %parallel_loop3A_1535 = arith.index_cast %parallel_loop3A_1443 : i32 to index
        %parallel_loop3A_1536 = arith.constant 496 : index
        %parallel_loop3A_1537 = tpu.vector_load %arg5[%parallel_loop3A_1535, %parallel_loop3A_1536] {strides = array<i32>} : memref<16x1024xf32, #tpu.memory_space<vmem>>, vector<1x16xf32>,
        %parallel_loop3A_1538 = vector.shape_cast %parallel_loop3A_1537 : vector<1x16xf32> to vector<16xf32>
        %parallel_loop3A_1539 = arith.addf %parallel_loop3A_1459, %parallel_loop3A_1538 : vector<16xf32>
        scf.yield %parallel_loop3A_1464, %parallel_loop3A_1469, %parallel_loop3A_1474, %parallel_loop3A_1479, %parallel_loop3A_1484, %parallel_loop3A_1489, %parallel_loop3A_1494, %parallel_loop3A_1499, %parallel_loop3A_1504, %parallel_loop3A_1509, %parallel_loop3A_1514, %parallel_loop3A_1519, %parallel_loop3A_1524, %parallel_loop3A_1529, %parallel_loop3A_1534, %parallel_loop3A_1539 : vector<16xf32>, vector<16xf32>, vector<16xf32>, vector<16xf32>, vector<16xf32>, vector<16xf32>, vector<16xf32>, vector<16xf32>, vector<16xf32>, vector<16xf32>, vector<16xf32>, vector<16xf32>, vector<16xf32>, vector<16xf32>, vector<16xf32>, vector<16xf32>
      } {sc.loop_unroll_factor = 4 : i64, sc.parallel_access}
      %mul3A_947 = arith.constant 1024 : i32
      %mul3A_948 = arith.muli %select_n3A_778, %mul3A_947 : i32
      %add3A_949 = arith.constant 256 : i32
      %add3A_950 = arith.addi %mul3A_948, %add3A_949 : i32
      %add3A_951 = arith.constant 0 : i32
      %add3A_952 = arith.addi %add3A_950, %add3A_951 : i32
      %swap3A_953 = arith.index_cast %add3A_952 : i32 to index
      %swap3A_954 = tpu.vector_load %arg6[%swap3A_953] {strides = array<i32>} : memref<2048xf32, #tpu.memory_space<vmem>>, vector<16xf32>,
      %swap3A_955 = vector.shape_cast %swap3A_954 : vector<16xf32> to vector<16xf32>
      %swap3A_956 = vector.shape_cast %parallel_loop3A_946#0 : vector<16xf32> to vector<16xf32>
      tpu.vector_store %arg6[%swap3A_953], %swap3A_956 {add = true, strides = array<i32>} : memref<2048xf32, #tpu.memory_space<vmem>>, vector<16xf32>,
      %mul3A_957 = arith.constant 1024 : i32
      %mul3A_958 = arith.muli %select_n3A_778, %mul3A_957 : i32
      %add3A_959 = arith.constant 256 : i32
      %add3A_960 = arith.addi %mul3A_958, %add3A_959 : i32
      %add3A_961 = arith.constant 16 : i32
      %add3A_962 = arith.addi %add3A_960, %add3A_961 : i32
      %swap3A_963 = arith.index_cast %add3A_962 : i32 to index
      %swap3A_964 = tpu.vector_load %arg6[%swap3A_963] {strides = array<i32>} : memref<2048xf32, #tpu.memory_space<vmem>>, vector<16xf32>,
      %swap3A_965 = vector.shape_cast %swap3A_964 : vector<16xf32> to vector<16xf32>
      %swap3A_966 = vector.shape_cast %parallel_loop3A_946#1 : vector<16xf32> to vector<16xf32>
      tpu.vector_store %arg6[%swap3A_963], %swap3A_966 {add = true, strides = array<i32>} : memref<2048xf32, #tpu.memory_space<vmem>>, vector<16xf32>,
      %mul3A_967 = arith.constant 1024 : i32
      %mul3A_968 = arith.muli %select_n3A_778, %mul3A_967 : i32
      %add3A_969 = arith.constant 256 : i32
      %add3A_970 = arith.addi %mul3A_968, %add3A_969 : i32
      %add3A_971 = arith.constant 32 : i32
      %add3A_972 = arith.addi %add3A_970, %add3A_971 : i32
      %swap3A_973 = arith.index_cast %add3A_972 : i32 to index
      %swap3A_974 = tpu.vector_load %arg6[%swap3A_973] {strides = array<i32>} : memref<2048xf32, #tpu.memory_space<vmem>>, vector<16xf32>,
      %swap3A_975 = vector.shape_cast %swap3A_974 : vector<16xf32> to vector<16xf32>
      %swap3A_976 = vector.shape_cast %parallel_loop3A_946#2 : vector<16xf32> to vector<16xf32>
      tpu.vector_store %arg6[%swap3A_973], %swap3A_976 {add = true, strides = array<i32>} : memref<2048xf32, #tpu.memory_space<vmem>>, vector<16xf32>,
      %mul3A_977 = arith.constant 1024 : i32
      %mul3A_978 = arith.muli %select_n3A_778, %mul3A_977 : i32
      %add3A_979 = arith.constant 256 : i32
      %add3A_980 = arith.addi %mul3A_978, %add3A_979 : i32
      %add3A_981 = arith.constant 48 : i32
      %add3A_982 = arith.addi %add3A_980, %add3A_981 : i32
      %swap3A_983 = arith.index_cast %add3A_982 : i32 to index
      %swap3A_984 = tpu.vector_load %arg6[%swap3A_983] {strides = array<i32>} : memref<2048xf32, #tpu.memory_space<vmem>>, vector<16xf32>,
      %swap3A_985 = vector.shape_cast %swap3A_984 : vector<16xf32> to vector<16xf32>
      %swap3A_986 = vector.shape_cast %parallel_loop3A_946#3 : vector<16xf32> to vector<16xf32>
      tpu.vector_store %arg6[%swap3A_983], %swap3A_986 {add = true, strides = array<i32>} : memref<2048xf32, #tpu.memory_space<vmem>>, vector<16xf32>,
      %mul3A_987 = arith.constant 1024 : i32
      %mul3A_988 = arith.muli %select_n3A_778, %mul3A_987 : i32
      %add3A_989 = arith.constant 256 : i32
      %add3A_990 = arith.addi %mul3A_988, %add3A_989 : i32
      %add3A_991 = arith.constant 64 : i32
      %add3A_992 = arith.addi %add3A_990, %add3A_991 : i32
      %swap3A_993 = arith.index_cast %add3A_992 : i32 to index
      %swap3A_994 = tpu.vector_load %arg6[%swap3A_993] {strides = array<i32>} : memref<2048xf32, #tpu.memory_space<vmem>>, vector<16xf32>,
      %swap3A_995 = vector.shape_cast %swap3A_994 : vector<16xf32> to vector<16xf32>
      %swap3A_996 = vector.shape_cast %parallel_loop3A_946#4 : vector<16xf32> to vector<16xf32>
      tpu.vector_store %arg6[%swap3A_993], %swap3A_996 {add = true, strides = array<i32>} : memref<2048xf32, #tpu.memory_space<vmem>>, vector<16xf32>,
      %mul3A_997 = arith.constant 1024 : i32
      %mul3A_998 = arith.muli %select_n3A_778, %mul3A_997 : i32
      %add3A_999 = arith.constant 256 : i32
      %add3A_1000 = arith.addi %mul3A_998, %add3A_999 : i32
      %add3A_1001 = arith.constant 80 : i32
      %add3A_1002 = arith.addi %add3A_1000, %add3A_1001 : i32
      %swap3A_1003 = arith.index_cast %add3A_1002 : i32 to index
      %swap3A_1004 = tpu.vector_load %arg6[%swap3A_1003] {strides = array<i32>} : memref<2048xf32, #tpu.memory_space<vmem>>, vector<16xf32>,
      %swap3A_1005 = vector.shape_cast %swap3A_1004 : vector<16xf32> to vector<16xf32>
      %swap3A_1006 = vector.shape_cast %parallel_loop3A_946#5 : vector<16xf32> to vector<16xf32>
      tpu.vector_store %arg6[%swap3A_1003], %swap3A_1006 {add = true, strides = array<i32>} : memref<2048xf32, #tpu.memory_space<vmem>>, vector<16xf32>,
      %mul3A_1007 = arith.constant 1024 : i32
      %mul3A_1008 = arith.muli %select_n3A_778, %mul3A_1007 : i32
      %add3A_1009 = arith.constant 256 : i32
      %add3A_1010 = arith.addi %mul3A_1008, %add3A_1009 : i32
      %add3A_1011 = arith.constant 96 : i32
      %add3A_1012 = arith.addi %add3A_1010, %add3A_1011 : i32
      %swap3A_1013 = arith.index_cast %add3A_1012 : i32 to index
      %swap3A_1014 = tpu.vector_load %arg6[%swap3A_1013] {strides = array<i32>} : memref<2048xf32, #tpu.memory_space<vmem>>, vector<16xf32>,
      %swap3A_1015 = vector.shape_cast %swap3A_1014 : vector<16xf32> to vector<16xf32>
      %swap3A_1016 = vector.shape_cast %parallel_loop3A_946#6 : vector<16xf32> to vector<16xf32>
      tpu.vector_store %arg6[%swap3A_1013], %swap3A_1016 {add = true, strides = array<i32>} : memref<2048xf32, #tpu.memory_space<vmem>>, vector<16xf32>,
      %mul3A_1017 = arith.constant 1024 : i32
      %mul3A_1018 = arith.muli %select_n3A_778, %mul3A_1017 : i32
      %add3A_1019 = arith.constant 256 : i32
      %add3A_1020 = arith.addi %mul3A_1018, %add3A_1019 : i32
      %add3A_1021 = arith.constant 112 : i32
      %add3A_1022 = arith.addi %add3A_1020, %add3A_1021 : i32
      %swap3A_1023 = arith.index_cast %add3A_1022 : i32 to index
      %swap3A_1024 = tpu.vector_load %arg6[%swap3A_1023] {strides = array<i32>} : memref<2048xf32, #tpu.memory_space<vmem>>, vector<16xf32>,
      %swap3A_1025 = vector.shape_cast %swap3A_1024 : vector<16xf32> to vector<16xf32>
      %swap3A_1026 = vector.shape_cast %parallel_loop3A_946#7 : vector<16xf32> to vector<16xf32>
      tpu.vector_store %arg6[%swap3A_1023], %swap3A_1026 {add = true, strides = array<i32>} : memref<2048xf32, #tpu.memory_space<vmem>>, vector<16xf32>,
      %mul3A_1027 = arith.constant 1024 : i32
      %mul3A_1028 = arith.muli %select_n3A_778, %mul3A_1027 : i32
      %add3A_1029 = arith.constant 256 : i32
      %add3A_1030 = arith.addi %mul3A_1028, %add3A_1029 : i32
      %add3A_1031 = arith.constant 128 : i32
      %add3A_1032 = arith.addi %add3A_1030, %add3A_1031 : i32
      %swap3A_1033 = arith.index_cast %add3A_1032 : i32 to index
      %swap3A_1034 = tpu.vector_load %arg6[%swap3A_1033] {strides = array<i32>} : memref<2048xf32, #tpu.memory_space<vmem>>, vector<16xf32>,
      %swap3A_1035 = vector.shape_cast %swap3A_1034 : vector<16xf32> to vector<16xf32>
      %swap3A_1036 = vector.shape_cast %parallel_loop3A_946#8 : vector<16xf32> to vector<16xf32>
      tpu.vector_store %arg6[%swap3A_1033], %swap3A_1036 {add = true, strides = array<i32>} : memref<2048xf32, #tpu.memory_space<vmem>>, vector<16xf32>,
      %mul3A_1037 = arith.constant 1024 : i32
      %mul3A_1038 = arith.muli %select_n3A_778, %mul3A_1037 : i32
      %add3A_1039 = arith.constant 256 : i32
      %add3A_1040 = arith.addi %mul3A_1038, %add3A_1039 : i32
      %add3A_1041 = arith.constant 144 : i32
      %add3A_1042 = arith.addi %add3A_1040, %add3A_1041 : i32
      %swap3A_1043 = arith.index_cast %add3A_1042 : i32 to index
      %swap3A_1044 = tpu.vector_load %arg6[%swap3A_1043] {strides = array<i32>} : memref<2048xf32, #tpu.memory_space<vmem>>, vector<16xf32>,
      %swap3A_1045 = vector.shape_cast %swap3A_1044 : vector<16xf32> to vector<16xf32>
      %swap3A_1046 = vector.shape_cast %parallel_loop3A_946#9 : vector<16xf32> to vector<16xf32>
      tpu.vector_store %arg6[%swap3A_1043], %swap3A_1046 {add = true, strides = array<i32>} : memref<2048xf32, #tpu.memory_space<vmem>>, vector<16xf32>,
      %mul3A_1047 = arith.constant 1024 : i32
      %mul3A_1048 = arith.muli %select_n3A_778, %mul3A_1047 : i32
      %add3A_1049 = arith.constant 256 : i32
      %add3A_1050 = arith.addi %mul3A_1048, %add3A_1049 : i32
      %add3A_1051 = arith.constant 160 : i32
      %add3A_1052 = arith.addi %add3A_1050, %add3A_1051 : i32
      %swap3A_1053 = arith.index_cast %add3A_1052 : i32 to index
      %swap3A_1054 = tpu.vector_load %arg6[%swap3A_1053] {strides = array<i32>} : memref<2048xf32, #tpu.memory_space<vmem>>, vector<16xf32>,
      %swap3A_1055 = vector.shape_cast %swap3A_1054 : vector<16xf32> to vector<16xf32>
      %swap3A_1056 = vector.shape_cast %parallel_loop3A_946#10 : vector<16xf32> to vector<16xf32>
      tpu.vector_store %arg6[%swap3A_1053], %swap3A_1056 {add = true, strides = array<i32>} : memref<2048xf32, #tpu.memory_space<vmem>>, vector<16xf32>,
      %mul3A_1057 = arith.constant 1024 : i32
      %mul3A_1058 = arith.muli %select_n3A_778, %mul3A_1057 : i32
      %add3A_1059 = arith.constant 256 : i32
      %add3A_1060 = arith.addi %mul3A_1058, %add3A_1059 : i32
      %add3A_1061 = arith.constant 176 : i32
      %add3A_1062 = arith.addi %add3A_1060, %add3A_1061 : i32
      %swap3A_1063 = arith.index_cast %add3A_1062 : i32 to index
      %swap3A_1064 = tpu.vector_load %arg6[%swap3A_1063] {strides = array<i32>} : memref<2048xf32, #tpu.memory_space<vmem>>, vector<16xf32>,
      %swap3A_1065 = vector.shape_cast %swap3A_1064 : vector<16xf32> to vector<16xf32>
      %swap3A_1066 = vector.shape_cast %parallel_loop3A_946#11 : vector<16xf32> to vector<16xf32>
      tpu.vector_store %arg6[%swap3A_1063], %swap3A_1066 {add = true, strides = array<i32>} : memref<2048xf32, #tpu.memory_space<vmem>>, vector<16xf32>,
      %mul3A_1067 = arith.constant 1024 : i32
      %mul3A_1068 = arith.muli %select_n3A_778, %mul3A_1067 : i32
      %add3A_1069 = arith.constant 256 : i32
      %add3A_1070 = arith.addi %mul3A_1068, %add3A_1069 : i32
      %add3A_1071 = arith.constant 192 : i32
      %add3A_1072 = arith.addi %add3A_1070, %add3A_1071 : i32
      %swap3A_1073 = arith.index_cast %add3A_1072 : i32 to index
      %swap3A_1074 = tpu.vector_load %arg6[%swap3A_1073] {strides = array<i32>} : memref<2048xf32, #tpu.memory_space<vmem>>, vector<16xf32>,
      %swap3A_1075 = vector.shape_cast %swap3A_1074 : vector<16xf32> to vector<16xf32>
      %swap3A_1076 = vector.shape_cast %parallel_loop3A_946#12 : vector<16xf32> to vector<16xf32>
      tpu.vector_store %arg6[%swap3A_1073], %swap3A_1076 {add = true, strides = array<i32>} : memref<2048xf32, #tpu.memory_space<vmem>>, vector<16xf32>,
      %mul3A_1077 = arith.constant 1024 : i32
      %mul3A_1078 = arith.muli %select_n3A_778, %mul3A_1077 : i32
      %add3A_1079 = arith.constant 256 : i32
      %add3A_1080 = arith.addi %mul3A_1078, %add3A_1079 : i32
      %add3A_1081 = arith.constant 208 : i32
      %add3A_1082 = arith.addi %add3A_1080, %add3A_1081 : i32
      %swap3A_1083 = arith.index_cast %add3A_1082 : i32 to index
      %swap3A_1084 = tpu.vector_load %arg6[%swap3A_1083] {strides = array<i32>} : memref<2048xf32, #tpu.memory_space<vmem>>, vector<16xf32>,
      %swap3A_1085 = vector.shape_cast %swap3A_1084 : vector<16xf32> to vector<16xf32>
      %swap3A_1086 = vector.shape_cast %parallel_loop3A_946#13 : vector<16xf32> to vector<16xf32>
      tpu.vector_store %arg6[%swap3A_1083], %swap3A_1086 {add = true, strides = array<i32>} : memref<2048xf32, #tpu.memory_space<vmem>>, vector<16xf32>,
      %mul3A_1087 = arith.constant 1024 : i32
      %mul3A_1088 = arith.muli %select_n3A_778, %mul3A_1087 : i32
      %add3A_1089 = arith.constant 256 : i32
      %add3A_1090 = arith.addi %mul3A_1088, %add3A_1089 : i32
      %add3A_1091 = arith.constant 224 : i32
      %add3A_1092 = arith.addi %add3A_1090, %add3A_1091 : i32
      %swap3A_1093 = arith.index_cast %add3A_1092 : i32 to index
      %swap3A_1094 = tpu.vector_load %arg6[%swap3A_1093] {strides = array<i32>} : memref<2048xf32, #tpu.memory_space<vmem>>, vector<16xf32>,
      %swap3A_1095 = vector.shape_cast %swap3A_1094 : vector<16xf32> to vector<16xf32>
      %swap3A_1096 = vector.shape_cast %parallel_loop3A_946#14 : vector<16xf32> to vector<16xf32>
      tpu.vector_store %arg6[%swap3A_1093], %swap3A_1096 {add = true, strides = array<i32>} : memref<2048xf32, #tpu.memory_space<vmem>>, vector<16xf32>,
      %mul3A_1097 = arith.constant 1024 : i32
      %mul3A_1098 = arith.muli %select_n3A_778, %mul3A_1097 : i32
      %add3A_1099 = arith.constant 256 : i32
      %add3A_1100 = arith.addi %mul3A_1098, %add3A_1099 : i32
      %add3A_1101 = arith.constant 240 : i32
      %add3A_1102 = arith.addi %add3A_1100, %add3A_1101 : i32
      %swap3A_1103 = arith.index_cast %add3A_1102 : i32 to index
      %swap3A_1104 = tpu.vector_load %arg6[%swap3A_1103] {strides = array<i32>} : memref<2048xf32, #tpu.memory_space<vmem>>, vector<16xf32>,
      %swap3A_1105 = vector.shape_cast %swap3A_1104 : vector<16xf32> to vector<16xf32>
      %swap3A_1106 = vector.shape_cast %parallel_loop3A_946#15 : vector<16xf32> to vector<16xf32>
      tpu.vector_store %arg6[%swap3A_1103], %swap3A_1106 {add = true, strides = array<i32>} : memref<2048xf32, #tpu.memory_space<vmem>>, vector<16xf32>,
      %parallel_loop3A_1107 = arith.constant 0 : i32
      %parallel_loop3A_1108 = arith.constant 16 : i32
      %parallel_loop3A_1109 = arith.constant 1 : i32
      %parallel_loop3A_1110:16 = scf.for %parallel_loop3A_1443 = %parallel_loop3A_1107 to %parallel_loop3A_1108 step %parallel_loop3A_1109 iter_args(%parallel_loop3A_1444 = %broadcast_in_dim3A_0, %parallel_loop3A_1445 = %broadcast_in_dim3A_0, %parallel_loop3A_1446 = %broadcast_in_dim3A_0, %parallel_loop3A_1447 = %broadcast_in_dim3A_0, %parallel_loop3A_1448 = %broadcast_in_dim3A_0, %parallel_loop3A_1449 = %broadcast_in_dim3A_0, %parallel_loop3A_1450 = %broadcast_in_dim3A_0, %parallel_loop3A_1451 = %broadcast_in_dim3A_0, %parallel_loop3A_1452 = %broadcast_in_dim3A_0, %parallel_loop3A_1453 = %broadcast_in_dim3A_0, %parallel_loop3A_1454 = %broadcast_in_dim3A_0, %parallel_loop3A_1455 = %broadcast_in_dim3A_0, %parallel_loop3A_1456 = %broadcast_in_dim3A_0, %parallel_loop3A_1457 = %broadcast_in_dim3A_0, %parallel_loop3A_1458 = %broadcast_in_dim3A_0, %parallel_loop3A_1459 = %broadcast_in_dim3A_0) -> (vector<16xf32>, vector<16xf32>, vector<16xf32>, vector<16xf32>, vector<16xf32>, vector<16xf32>, vector<16xf32>, vector<16xf32>, vector<16xf32>, vector<16xf32>, vector<16xf32>, vector<16xf32>, vector<16xf32>, vector<16xf32>, vector<16xf32>, vector<16xf32>)  : i32 {
        %parallel_loop3A_1460 = arith.index_cast %parallel_loop3A_1443 : i32 to index
        %parallel_loop3A_1461 = arith.constant 512 : index
        %parallel_loop3A_1462 = tpu.vector_load %arg5[%parallel_loop3A_1460, %parallel_loop3A_1461] {strides = array<i32>} : memref<16x1024xf32, #tpu.memory_space<vmem>>, vector<1x16xf32>,
        %parallel_loop3A_1463 = vector.shape_cast %parallel_loop3A_1462 : vector<1x16xf32> to vector<16xf32>
        %parallel_loop3A_1464 = arith.addf %parallel_loop3A_1444, %parallel_loop3A_1463 : vector<16xf32>
        %parallel_loop3A_1465 = arith.index_cast %parallel_loop3A_1443 : i32 to index
        %parallel_loop3A_1466 = arith.constant 528 : index
        %parallel_loop3A_1467 = tpu.vector_load %arg5[%parallel_loop3A_1465, %parallel_loop3A_1466] {strides = array<i32>} : memref<16x1024xf32, #tpu.memory_space<vmem>>, vector<1x16xf32>,
        %parallel_loop3A_1468 = vector.shape_cast %parallel_loop3A_1467 : vector<1x16xf32> to vector<16xf32>
        %parallel_loop3A_1469 = arith.addf %parallel_loop3A_1445, %parallel_loop3A_1468 : vector<16xf32>
        %parallel_loop3A_1470 = arith.index_cast %parallel_loop3A_1443 : i32 to index
        %parallel_loop3A_1471 = arith.constant 544 : index
        %parallel_loop3A_1472 = tpu.vector_load %arg5[%parallel_loop3A_1470, %parallel_loop3A_1471] {strides = array<i32>} : memref<16x1024xf32, #tpu.memory_space<vmem>>, vector<1x16xf32>,
        %parallel_loop3A_1473 = vector.shape_cast %parallel_loop3A_1472 : vector<1x16xf32> to vector<16xf32>
        %parallel_loop3A_1474 = arith.addf %parallel_loop3A_1446, %parallel_loop3A_1473 : vector<16xf32>
        %parallel_loop3A_1475 = arith.index_cast %parallel_loop3A_1443 : i32 to index
        %parallel_loop3A_1476 = arith.constant 560 : index
        %parallel_loop3A_1477 = tpu.vector_load %arg5[%parallel_loop3A_1475, %parallel_loop3A_1476] {strides = array<i32>} : memref<16x1024xf32, #tpu.memory_space<vmem>>, vector<1x16xf32>,
        %parallel_loop3A_1478 = vector.shape_cast %parallel_loop3A_1477 : vector<1x16xf32> to vector<16xf32>
        %parallel_loop3A_1479 = arith.addf %parallel_loop3A_1447, %parallel_loop3A_1478 : vector<16xf32>
        %parallel_loop3A_1480 = arith.index_cast %parallel_loop3A_1443 : i32 to index
        %parallel_loop3A_1481 = arith.constant 576 : index
        %parallel_loop3A_1482 = tpu.vector_load %arg5[%parallel_loop3A_1480, %parallel_loop3A_1481] {strides = array<i32>} : memref<16x1024xf32, #tpu.memory_space<vmem>>, vector<1x16xf32>,
        %parallel_loop3A_1483 = vector.shape_cast %parallel_loop3A_1482 : vector<1x16xf32> to vector<16xf32>
        %parallel_loop3A_1484 = arith.addf %parallel_loop3A_1448, %parallel_loop3A_1483 : vector<16xf32>
        %parallel_loop3A_1485 = arith.index_cast %parallel_loop3A_1443 : i32 to index
        %parallel_loop3A_1486 = arith.constant 592 : index
        %parallel_loop3A_1487 = tpu.vector_load %arg5[%parallel_loop3A_1485, %parallel_loop3A_1486] {strides = array<i32>} : memref<16x1024xf32, #tpu.memory_space<vmem>>, vector<1x16xf32>,
        %parallel_loop3A_1488 = vector.shape_cast %parallel_loop3A_1487 : vector<1x16xf32> to vector<16xf32>
        %parallel_loop3A_1489 = arith.addf %parallel_loop3A_1449, %parallel_loop3A_1488 : vector<16xf32>
        %parallel_loop3A_1490 = arith.index_cast %parallel_loop3A_1443 : i32 to index
        %parallel_loop3A_1491 = arith.constant 608 : index
        %parallel_loop3A_1492 = tpu.vector_load %arg5[%parallel_loop3A_1490, %parallel_loop3A_1491] {strides = array<i32>} : memref<16x1024xf32, #tpu.memory_space<vmem>>, vector<1x16xf32>,
        %parallel_loop3A_1493 = vector.shape_cast %parallel_loop3A_1492 : vector<1x16xf32> to vector<16xf32>
        %parallel_loop3A_1494 = arith.addf %parallel_loop3A_1450, %parallel_loop3A_1493 : vector<16xf32>
        %parallel_loop3A_1495 = arith.index_cast %parallel_loop3A_1443 : i32 to index
        %parallel_loop3A_1496 = arith.constant 624 : index
        %parallel_loop3A_1497 = tpu.vector_load %arg5[%parallel_loop3A_1495, %parallel_loop3A_1496] {strides = array<i32>} : memref<16x1024xf32, #tpu.memory_space<vmem>>, vector<1x16xf32>,
        %parallel_loop3A_1498 = vector.shape_cast %parallel_loop3A_1497 : vector<1x16xf32> to vector<16xf32>
        %parallel_loop3A_1499 = arith.addf %parallel_loop3A_1451, %parallel_loop3A_1498 : vector<16xf32>
        %parallel_loop3A_1500 = arith.index_cast %parallel_loop3A_1443 : i32 to index
        %parallel_loop3A_1501 = arith.constant 640 : index
        %parallel_loop3A_1502 = tpu.vector_load %arg5[%parallel_loop3A_1500, %parallel_loop3A_1501] {strides = array<i32>} : memref<16x1024xf32, #tpu.memory_space<vmem>>, vector<1x16xf32>,
        %parallel_loop3A_1503 = vector.shape_cast %parallel_loop3A_1502 : vector<1x16xf32> to vector<16xf32>
        %parallel_loop3A_1504 = arith.addf %parallel_loop3A_1452, %parallel_loop3A_1503 : vector<16xf32>
        %parallel_loop3A_1505 = arith.index_cast %parallel_loop3A_1443 : i32 to index
        %parallel_loop3A_1506 = arith.constant 656 : index
        %parallel_loop3A_1507 = tpu.vector_load %arg5[%parallel_loop3A_1505, %parallel_loop3A_1506] {strides = array<i32>} : memref<16x1024xf32, #tpu.memory_space<vmem>>, vector<1x16xf32>,
        %parallel_loop3A_1508 = vector.shape_cast %parallel_loop3A_1507 : vector<1x16xf32> to vector<16xf32>
        %parallel_loop3A_1509 = arith.addf %parallel_loop3A_1453, %parallel_loop3A_1508 : vector<16xf32>
        %parallel_loop3A_1510 = arith.index_cast %parallel_loop3A_1443 : i32 to index
        %parallel_loop3A_1511 = arith.constant 672 : index
        %parallel_loop3A_1512 = tpu.vector_load %arg5[%parallel_loop3A_1510, %parallel_loop3A_1511] {strides = array<i32>} : memref<16x1024xf32, #tpu.memory_space<vmem>>, vector<1x16xf32>,
        %parallel_loop3A_1513 = vector.shape_cast %parallel_loop3A_1512 : vector<1x16xf32> to vector<16xf32>
        %parallel_loop3A_1514 = arith.addf %parallel_loop3A_1454, %parallel_loop3A_1513 : vector<16xf32>
        %parallel_loop3A_1515 = arith.index_cast %parallel_loop3A_1443 : i32 to index
        %parallel_loop3A_1516 = arith.constant 688 : index
        %parallel_loop3A_1517 = tpu.vector_load %arg5[%parallel_loop3A_1515, %parallel_loop3A_1516] {strides = array<i32>} : memref<16x1024xf32, #tpu.memory_space<vmem>>, vector<1x16xf32>,
        %parallel_loop3A_1518 = vector.shape_cast %parallel_loop3A_1517 : vector<1x16xf32> to vector<16xf32>
        %parallel_loop3A_1519 = arith.addf %parallel_loop3A_1455, %parallel_loop3A_1518 : vector<16xf32>
        %parallel_loop3A_1520 = arith.index_cast %parallel_loop3A_1443 : i32 to index
        %parallel_loop3A_1521 = arith.constant 704 : index
        %parallel_loop3A_1522 = tpu.vector_load %arg5[%parallel_loop3A_1520, %parallel_loop3A_1521] {strides = array<i32>} : memref<16x1024xf32, #tpu.memory_space<vmem>>, vector<1x16xf32>,
        %parallel_loop3A_1523 = vector.shape_cast %parallel_loop3A_1522 : vector<1x16xf32> to vector<16xf32>
        %parallel_loop3A_1524 = arith.addf %parallel_loop3A_1456, %parallel_loop3A_1523 : vector<16xf32>
        %parallel_loop3A_1525 = arith.index_cast %parallel_loop3A_1443 : i32 to index
        %parallel_loop3A_1526 = arith.constant 720 : index
        %parallel_loop3A_1527 = tpu.vector_load %arg5[%parallel_loop3A_1525, %parallel_loop3A_1526] {strides = array<i32>} : memref<16x1024xf32, #tpu.memory_space<vmem>>, vector<1x16xf32>,
        %parallel_loop3A_1528 = vector.shape_cast %parallel_loop3A_1527 : vector<1x16xf32> to vector<16xf32>
        %parallel_loop3A_1529 = arith.addf %parallel_loop3A_1457, %parallel_loop3A_1528 : vector<16xf32>
        %parallel_loop3A_1530 = arith.index_cast %parallel_loop3A_1443 : i32 to index
        %parallel_loop3A_1531 = arith.constant 736 : index
        %parallel_loop3A_1532 = tpu.vector_load %arg5[%parallel_loop3A_1530, %parallel_loop3A_1531] {strides = array<i32>} : memref<16x1024xf32, #tpu.memory_space<vmem>>, vector<1x16xf32>,
        %parallel_loop3A_1533 = vector.shape_cast %parallel_loop3A_1532 : vector<1x16xf32> to vector<16xf32>
        %parallel_loop3A_1534 = arith.addf %parallel_loop3A_1458, %parallel_loop3A_1533 : vector<16xf32>
        %parallel_loop3A_1535 = arith.index_cast %parallel_loop3A_1443 : i32 to index
        %parallel_loop3A_1536 = arith.constant 752 : index
        %parallel_loop3A_1537 = tpu.vector_load %arg5[%parallel_loop3A_1535, %parallel_loop3A_1536] {strides = array<i32>} : memref<16x1024xf32, #tpu.memory_space<vmem>>, vector<1x16xf32>,
        %parallel_loop3A_1538 = vector.shape_cast %parallel_loop3A_1537 : vector<1x16xf32> to vector<16xf32>
        %parallel_loop3A_1539 = arith.addf %parallel_loop3A_1459, %parallel_loop3A_1538 : vector<16xf32>
        scf.yield %parallel_loop3A_1464, %parallel_loop3A_1469, %parallel_loop3A_1474, %parallel_loop3A_1479, %parallel_loop3A_1484, %parallel_loop3A_1489, %parallel_loop3A_1494, %parallel_loop3A_1499, %parallel_loop3A_1504, %parallel_loop3A_1509, %parallel_loop3A_1514, %parallel_loop3A_1519, %parallel_loop3A_1524, %parallel_loop3A_1529, %parallel_loop3A_1534, %parallel_loop3A_1539 : vector<16xf32>, vector<16xf32>, vector<16xf32>, vector<16xf32>, vector<16xf32>, vector<16xf32>, vector<16xf32>, vector<16xf32>, vector<16xf32>, vector<16xf32>, vector<16xf32>, vector<16xf32>, vector<16xf32>, vector<16xf32>, vector<16xf32>, vector<16xf32>
      } {sc.loop_unroll_factor = 4 : i64, sc.parallel_access}
      %mul3A_1111 = arith.constant 1024 : i32
      %mul3A_1112 = arith.muli %select_n3A_778, %mul3A_1111 : i32
      %add3A_1113 = arith.constant 512 : i32
      %add3A_1114 = arith.addi %mul3A_1112, %add3A_1113 : i32
      %add3A_1115 = arith.constant 0 : i32
      %add3A_1116 = arith.addi %add3A_1114, %add3A_1115 : i32
      %swap3A_1117 = arith.index_cast %add3A_1116 : i32 to index
      %swap3A_1118 = tpu.vector_load %arg6[%swap3A_1117] {strides = array<i32>} : memref<2048xf32, #tpu.memory_space<vmem>>, vector<16xf32>,
      %swap3A_1119 = vector.shape_cast %swap3A_1118 : vector<16xf32> to vector<16xf32>
      %swap3A_1120 = vector.shape_cast %parallel_loop3A_1110#0 : vector<16xf32> to vector<16xf32>
      tpu.vector_store %arg6[%swap3A_1117], %swap3A_1120 {add = true, strides = array<i32>} : memref<2048xf32, #tpu.memory_space<vmem>>, vector<16xf32>,
      %mul3A_1121 = arith.constant 1024 : i32
      %mul3A_1122 = arith.muli %select_n3A_778, %mul3A_1121 : i32
      %add3A_1123 = arith.constant 512 : i32
      %add3A_1124 = arith.addi %mul3A_1122, %add3A_1123 : i32
      %add3A_1125 = arith.constant 16 : i32
      %add3A_1126 = arith.addi %add3A_1124, %add3A_1125 : i32
      %swap3A_1127 = arith.index_cast %add3A_1126 : i32 to index
      %swap3A_1128 = tpu.vector_load %arg6[%swap3A_1127] {strides = array<i32>} : memref<2048xf32, #tpu.memory_space<vmem>>, vector<16xf32>,
      %swap3A_1129 = vector.shape_cast %swap3A_1128 : vector<16xf32> to vector<16xf32>
      %swap3A_1130 = vector.shape_cast %parallel_loop3A_1110#1 : vector<16xf32> to vector<16xf32>
      tpu.vector_store %arg6[%swap3A_1127], %swap3A_1130 {add = true, strides = array<i32>} : memref<2048xf32, #tpu.memory_space<vmem>>, vector<16xf32>,
      %mul3A_1131 = arith.constant 1024 : i32
      %mul3A_1132 = arith.muli %select_n3A_778, %mul3A_1131 : i32
      %add3A_1133 = arith.constant 512 : i32
      %add3A_1134 = arith.addi %mul3A_1132, %add3A_1133 : i32
      %add3A_1135 = arith.constant 32 : i32
      %add3A_1136 = arith.addi %add3A_1134, %add3A_1135 : i32
      %swap3A_1137 = arith.index_cast %add3A_1136 : i32 to index
      %swap3A_1138 = tpu.vector_load %arg6[%swap3A_1137] {strides = array<i32>} : memref<2048xf32, #tpu.memory_space<vmem>>, vector<16xf32>,
      %swap3A_1139 = vector.shape_cast %swap3A_1138 : vector<16xf32> to vector<16xf32>
      %swap3A_1140 = vector.shape_cast %parallel_loop3A_1110#2 : vector<16xf32> to vector<16xf32>
      tpu.vector_store %arg6[%swap3A_1137], %swap3A_1140 {add = true, strides = array<i32>} : memref<2048xf32, #tpu.memory_space<vmem>>, vector<16xf32>,
      %mul3A_1141 = arith.constant 1024 : i32
      %mul3A_1142 = arith.muli %select_n3A_778, %mul3A_1141 : i32
      %add3A_1143 = arith.constant 512 : i32
      %add3A_1144 = arith.addi %mul3A_1142, %add3A_1143 : i32
      %add3A_1145 = arith.constant 48 : i32
      %add3A_1146 = arith.addi %add3A_1144, %add3A_1145 : i32
      %swap3A_1147 = arith.index_cast %add3A_1146 : i32 to index
      %swap3A_1148 = tpu.vector_load %arg6[%swap3A_1147] {strides = array<i32>} : memref<2048xf32, #tpu.memory_space<vmem>>, vector<16xf32>,
      %swap3A_1149 = vector.shape_cast %swap3A_1148 : vector<16xf32> to vector<16xf32>
      %swap3A_1150 = vector.shape_cast %parallel_loop3A_1110#3 : vector<16xf32> to vector<16xf32>
      tpu.vector_store %arg6[%swap3A_1147], %swap3A_1150 {add = true, strides = array<i32>} : memref<2048xf32, #tpu.memory_space<vmem>>, vector<16xf32>,
      %mul3A_1151 = arith.constant 1024 : i32
      %mul3A_1152 = arith.muli %select_n3A_778, %mul3A_1151 : i32
      %add3A_1153 = arith.constant 512 : i32
      %add3A_1154 = arith.addi %mul3A_1152, %add3A_1153 : i32
      %add3A_1155 = arith.constant 64 : i32
      %add3A_1156 = arith.addi %add3A_1154, %add3A_1155 : i32
      %swap3A_1157 = arith.index_cast %add3A_1156 : i32 to index
      %swap3A_1158 = tpu.vector_load %arg6[%swap3A_1157] {strides = array<i32>} : memref<2048xf32, #tpu.memory_space<vmem>>, vector<16xf32>,
      %swap3A_1159 = vector.shape_cast %swap3A_1158 : vector<16xf32> to vector<16xf32>
      %swap3A_1160 = vector.shape_cast %parallel_loop3A_1110#4 : vector<16xf32> to vector<16xf32>
      tpu.vector_store %arg6[%swap3A_1157], %swap3A_1160 {add = true, strides = array<i32>} : memref<2048xf32, #tpu.memory_space<vmem>>, vector<16xf32>,
      %mul3A_1161 = arith.constant 1024 : i32
      %mul3A_1162 = arith.muli %select_n3A_778, %mul3A_1161 : i32
      %add3A_1163 = arith.constant 512 : i32
      %add3A_1164 = arith.addi %mul3A_1162, %add3A_1163 : i32
      %add3A_1165 = arith.constant 80 : i32
      %add3A_1166 = arith.addi %add3A_1164, %add3A_1165 : i32
      %swap3A_1167 = arith.index_cast %add3A_1166 : i32 to index
      %swap3A_1168 = tpu.vector_load %arg6[%swap3A_1167] {strides = array<i32>} : memref<2048xf32, #tpu.memory_space<vmem>>, vector<16xf32>,
      %swap3A_1169 = vector.shape_cast %swap3A_1168 : vector<16xf32> to vector<16xf32>
      %swap3A_1170 = vector.shape_cast %parallel_loop3A_1110#5 : vector<16xf32> to vector<16xf32>
      tpu.vector_store %arg6[%swap3A_1167], %swap3A_1170 {add = true, strides = array<i32>} : memref<2048xf32, #tpu.memory_space<vmem>>, vector<16xf32>,
      %mul3A_1171 = arith.constant 1024 : i32
      %mul3A_1172 = arith.muli %select_n3A_778, %mul3A_1171 : i32
      %add3A_1173 = arith.constant 512 : i32
      %add3A_1174 = arith.addi %mul3A_1172, %add3A_1173 : i32
      %add3A_1175 = arith.constant 96 : i32
      %add3A_1176 = arith.addi %add3A_1174, %add3A_1175 : i32
      %swap3A_1177 = arith.index_cast %add3A_1176 : i32 to index
      %swap3A_1178 = tpu.vector_load %arg6[%swap3A_1177] {strides = array<i32>} : memref<2048xf32, #tpu.memory_space<vmem>>, vector<16xf32>,
      %swap3A_1179 = vector.shape_cast %swap3A_1178 : vector<16xf32> to vector<16xf32>
      %swap3A_1180 = vector.shape_cast %parallel_loop3A_1110#6 : vector<16xf32> to vector<16xf32>
      tpu.vector_store %arg6[%swap3A_1177], %swap3A_1180 {add = true, strides = array<i32>} : memref<2048xf32, #tpu.memory_space<vmem>>, vector<16xf32>,
      %mul3A_1181 = arith.constant 1024 : i32
      %mul3A_1182 = arith.muli %select_n3A_778, %mul3A_1181 : i32
      %add3A_1183 = arith.constant 512 : i32
      %add3A_1184 = arith.addi %mul3A_1182, %add3A_1183 : i32
      %add3A_1185 = arith.constant 112 : i32
      %add3A_1186 = arith.addi %add3A_1184, %add3A_1185 : i32
      %swap3A_1187 = arith.index_cast %add3A_1186 : i32 to index
      %swap3A_1188 = tpu.vector_load %arg6[%swap3A_1187] {strides = array<i32>} : memref<2048xf32, #tpu.memory_space<vmem>>, vector<16xf32>,
      %swap3A_1189 = vector.shape_cast %swap3A_1188 : vector<16xf32> to vector<16xf32>
      %swap3A_1190 = vector.shape_cast %parallel_loop3A_1110#7 : vector<16xf32> to vector<16xf32>
      tpu.vector_store %arg6[%swap3A_1187], %swap3A_1190 {add = true, strides = array<i32>} : memref<2048xf32, #tpu.memory_space<vmem>>, vector<16xf32>,
      %mul3A_1191 = arith.constant 1024 : i32
      %mul3A_1192 = arith.muli %select_n3A_778, %mul3A_1191 : i32
      %add3A_1193 = arith.constant 512 : i32
      %add3A_1194 = arith.addi %mul3A_1192, %add3A_1193 : i32
      %add3A_1195 = arith.constant 128 : i32
      %add3A_1196 = arith.addi %add3A_1194, %add3A_1195 : i32
      %swap3A_1197 = arith.index_cast %add3A_1196 : i32 to index
      %swap3A_1198 = tpu.vector_load %arg6[%swap3A_1197] {strides = array<i32>} : memref<2048xf32, #tpu.memory_space<vmem>>, vector<16xf32>,
      %swap3A_1199 = vector.shape_cast %swap3A_1198 : vector<16xf32> to vector<16xf32>
      %swap3A_1200 = vector.shape_cast %parallel_loop3A_1110#8 : vector<16xf32> to vector<16xf32>
      tpu.vector_store %arg6[%swap3A_1197], %swap3A_1200 {add = true, strides = array<i32>} : memref<2048xf32, #tpu.memory_space<vmem>>, vector<16xf32>,
      %mul3A_1201 = arith.constant 1024 : i32
      %mul3A_1202 = arith.muli %select_n3A_778, %mul3A_1201 : i32
      %add3A_1203 = arith.constant 512 : i32
      %add3A_1204 = arith.addi %mul3A_1202, %add3A_1203 : i32
      %add3A_1205 = arith.constant 144 : i32
      %add3A_1206 = arith.addi %add3A_1204, %add3A_1205 : i32
      %swap3A_1207 = arith.index_cast %add3A_1206 : i32 to index
      %swap3A_1208 = tpu.vector_load %arg6[%swap3A_1207] {strides = array<i32>} : memref<2048xf32, #tpu.memory_space<vmem>>, vector<16xf32>,
      %swap3A_1209 = vector.shape_cast %swap3A_1208 : vector<16xf32> to vector<16xf32>
      %swap3A_1210 = vector.shape_cast %parallel_loop3A_1110#9 : vector<16xf32> to vector<16xf32>
      tpu.vector_store %arg6[%swap3A_1207], %swap3A_1210 {add = true, strides = array<i32>} : memref<2048xf32, #tpu.memory_space<vmem>>, vector<16xf32>,
      %mul3A_1211 = arith.constant 1024 : i32
      %mul3A_1212 = arith.muli %select_n3A_778, %mul3A_1211 : i32
      %add3A_1213 = arith.constant 512 : i32
      %add3A_1214 = arith.addi %mul3A_1212, %add3A_1213 : i32
      %add3A_1215 = arith.constant 160 : i32
      %add3A_1216 = arith.addi %add3A_1214, %add3A_1215 : i32
      %swap3A_1217 = arith.index_cast %add3A_1216 : i32 to index
      %swap3A_1218 = tpu.vector_load %arg6[%swap3A_1217] {strides = array<i32>} : memref<2048xf32, #tpu.memory_space<vmem>>, vector<16xf32>,
      %swap3A_1219 = vector.shape_cast %swap3A_1218 : vector<16xf32> to vector<16xf32>
      %swap3A_1220 = vector.shape_cast %parallel_loop3A_1110#10 : vector<16xf32> to vector<16xf32>
      tpu.vector_store %arg6[%swap3A_1217], %swap3A_1220 {add = true, strides = array<i32>} : memref<2048xf32, #tpu.memory_space<vmem>>, vector<16xf32>,
      %mul3A_1221 = arith.constant 1024 : i32
      %mul3A_1222 = arith.muli %select_n3A_778, %mul3A_1221 : i32
      %add3A_1223 = arith.constant 512 : i32
      %add3A_1224 = arith.addi %mul3A_1222, %add3A_1223 : i32
      %add3A_1225 = arith.constant 176 : i32
      %add3A_1226 = arith.addi %add3A_1224, %add3A_1225 : i32
      %swap3A_1227 = arith.index_cast %add3A_1226 : i32 to index
      %swap3A_1228 = tpu.vector_load %arg6[%swap3A_1227] {strides = array<i32>} : memref<2048xf32, #tpu.memory_space<vmem>>, vector<16xf32>,
      %swap3A_1229 = vector.shape_cast %swap3A_1228 : vector<16xf32> to vector<16xf32>
      %swap3A_1230 = vector.shape_cast %parallel_loop3A_1110#11 : vector<16xf32> to vector<16xf32>
      tpu.vector_store %arg6[%swap3A_1227], %swap3A_1230 {add = true, strides = array<i32>} : memref<2048xf32, #tpu.memory_space<vmem>>, vector<16xf32>,
      %mul3A_1231 = arith.constant 1024 : i32
      %mul3A_1232 = arith.muli %select_n3A_778, %mul3A_1231 : i32
      %add3A_1233 = arith.constant 512 : i32
      %add3A_1234 = arith.addi %mul3A_1232, %add3A_1233 : i32
      %add3A_1235 = arith.constant 192 : i32
      %add3A_1236 = arith.addi %add3A_1234, %add3A_1235 : i32
      %swap3A_1237 = arith.index_cast %add3A_1236 : i32 to index
      %swap3A_1238 = tpu.vector_load %arg6[%swap3A_1237] {strides = array<i32>} : memref<2048xf32, #tpu.memory_space<vmem>>, vector<16xf32>,
      %swap3A_1239 = vector.shape_cast %swap3A_1238 : vector<16xf32> to vector<16xf32>
      %swap3A_1240 = vector.shape_cast %parallel_loop3A_1110#12 : vector<16xf32> to vector<16xf32>
      tpu.vector_store %arg6[%swap3A_1237], %swap3A_1240 {add = true, strides = array<i32>} : memref<2048xf32, #tpu.memory_space<vmem>>, vector<16xf32>,
      %mul3A_1241 = arith.constant 1024 : i32
      %mul3A_1242 = arith.muli %select_n3A_778, %mul3A_1241 : i32
      %add3A_1243 = arith.constant 512 : i32
      %add3A_1244 = arith.addi %mul3A_1242, %add3A_1243 : i32
      %add3A_1245 = arith.constant 208 : i32
      %add3A_1246 = arith.addi %add3A_1244, %add3A_1245 : i32
      %swap3A_1247 = arith.index_cast %add3A_1246 : i32 to index
      %swap3A_1248 = tpu.vector_load %arg6[%swap3A_1247] {strides = array<i32>} : memref<2048xf32, #tpu.memory_space<vmem>>, vector<16xf32>,
      %swap3A_1249 = vector.shape_cast %swap3A_1248 : vector<16xf32> to vector<16xf32>
      %swap3A_1250 = vector.shape_cast %parallel_loop3A_1110#13 : vector<16xf32> to vector<16xf32>
      tpu.vector_store %arg6[%swap3A_1247], %swap3A_1250 {add = true, strides = array<i32>} : memref<2048xf32, #tpu.memory_space<vmem>>, vector<16xf32>,
      %mul3A_1251 = arith.constant 1024 : i32
      %mul3A_1252 = arith.muli %select_n3A_778, %mul3A_1251 : i32
      %add3A_1253 = arith.constant 512 : i32
      %add3A_1254 = arith.addi %mul3A_1252, %add3A_1253 : i32
      %add3A_1255 = arith.constant 224 : i32
      %add3A_1256 = arith.addi %add3A_1254, %add3A_1255 : i32
      %swap3A_1257 = arith.index_cast %add3A_1256 : i32 to index
      %swap3A_1258 = tpu.vector_load %arg6[%swap3A_1257] {strides = array<i32>} : memref<2048xf32, #tpu.memory_space<vmem>>, vector<16xf32>,
      %swap3A_1259 = vector.shape_cast %swap3A_1258 : vector<16xf32> to vector<16xf32>
      %swap3A_1260 = vector.shape_cast %parallel_loop3A_1110#14 : vector<16xf32> to vector<16xf32>
      tpu.vector_store %arg6[%swap3A_1257], %swap3A_1260 {add = true, strides = array<i32>} : memref<2048xf32, #tpu.memory_space<vmem>>, vector<16xf32>,
      %mul3A_1261 = arith.constant 1024 : i32
      %mul3A_1262 = arith.muli %select_n3A_778, %mul3A_1261 : i32
      %add3A_1263 = arith.constant 512 : i32
      %add3A_1264 = arith.addi %mul3A_1262, %add3A_1263 : i32
      %add3A_1265 = arith.constant 240 : i32
      %add3A_1266 = arith.addi %add3A_1264, %add3A_1265 : i32
      %swap3A_1267 = arith.index_cast %add3A_1266 : i32 to index
      %swap3A_1268 = tpu.vector_load %arg6[%swap3A_1267] {strides = array<i32>} : memref<2048xf32, #tpu.memory_space<vmem>>, vector<16xf32>,
      %swap3A_1269 = vector.shape_cast %swap3A_1268 : vector<16xf32> to vector<16xf32>
      %swap3A_1270 = vector.shape_cast %parallel_loop3A_1110#15 : vector<16xf32> to vector<16xf32>
      tpu.vector_store %arg6[%swap3A_1267], %swap3A_1270 {add = true, strides = array<i32>} : memref<2048xf32, #tpu.memory_space<vmem>>, vector<16xf32>,
      %parallel_loop3A_1271 = arith.constant 0 : i32
      %parallel_loop3A_1272 = arith.constant 16 : i32
      %parallel_loop3A_1273 = arith.constant 1 : i32
      %parallel_loop3A_1274:16 = scf.for %parallel_loop3A_1443 = %parallel_loop3A_1271 to %parallel_loop3A_1272 step %parallel_loop3A_1273 iter_args(%parallel_loop3A_1444 = %broadcast_in_dim3A_0, %parallel_loop3A_1445 = %broadcast_in_dim3A_0, %parallel_loop3A_1446 = %broadcast_in_dim3A_0, %parallel_loop3A_1447 = %broadcast_in_dim3A_0, %parallel_loop3A_1448 = %broadcast_in_dim3A_0, %parallel_loop3A_1449 = %broadcast_in_dim3A_0, %parallel_loop3A_1450 = %broadcast_in_dim3A_0, %parallel_loop3A_1451 = %broadcast_in_dim3A_0, %parallel_loop3A_1452 = %broadcast_in_dim3A_0, %parallel_loop3A_1453 = %broadcast_in_dim3A_0, %parallel_loop3A_1454 = %broadcast_in_dim3A_0, %parallel_loop3A_1455 = %broadcast_in_dim3A_0, %parallel_loop3A_1456 = %broadcast_in_dim3A_0, %parallel_loop3A_1457 = %broadcast_in_dim3A_0, %parallel_loop3A_1458 = %broadcast_in_dim3A_0, %parallel_loop3A_1459 = %broadcast_in_dim3A_0) -> (vector<16xf32>, vector<16xf32>, vector<16xf32>, vector<16xf32>, vector<16xf32>, vector<16xf32>, vector<16xf32>, vector<16xf32>, vector<16xf32>, vector<16xf32>, vector<16xf32>, vector<16xf32>, vector<16xf32>, vector<16xf32>, vector<16xf32>, vector<16xf32>)  : i32 {
        %parallel_loop3A_1460 = arith.index_cast %parallel_loop3A_1443 : i32 to index
        %parallel_loop3A_1461 = arith.constant 768 : index
        %parallel_loop3A_1462 = tpu.vector_load %arg5[%parallel_loop3A_1460, %parallel_loop3A_1461] {strides = array<i32>} : memref<16x1024xf32, #tpu.memory_space<vmem>>, vector<1x16xf32>,
        %parallel_loop3A_1463 = vector.shape_cast %parallel_loop3A_1462 : vector<1x16xf32> to vector<16xf32>
        %parallel_loop3A_1464 = arith.addf %parallel_loop3A_1444, %parallel_loop3A_1463 : vector<16xf32>
        %parallel_loop3A_1465 = arith.index_cast %parallel_loop3A_1443 : i32 to index
        %parallel_loop3A_1466 = arith.constant 784 : index
        %parallel_loop3A_1467 = tpu.vector_load %arg5[%parallel_loop3A_1465, %parallel_loop3A_1466] {strides = array<i32>} : memref<16x1024xf32, #tpu.memory_space<vmem>>, vector<1x16xf32>,
        %parallel_loop3A_1468 = vector.shape_cast %parallel_loop3A_1467 : vector<1x16xf32> to vector<16xf32>
        %parallel_loop3A_1469 = arith.addf %parallel_loop3A_1445, %parallel_loop3A_1468 : vector<16xf32>
        %parallel_loop3A_1470 = arith.index_cast %parallel_loop3A_1443 : i32 to index
        %parallel_loop3A_1471 = arith.constant 800 : index
        %parallel_loop3A_1472 = tpu.vector_load %arg5[%parallel_loop3A_1470, %parallel_loop3A_1471] {strides = array<i32>} : memref<16x1024xf32, #tpu.memory_space<vmem>>, vector<1x16xf32>,
        %parallel_loop3A_1473 = vector.shape_cast %parallel_loop3A_1472 : vector<1x16xf32> to vector<16xf32>
        %parallel_loop3A_1474 = arith.addf %parallel_loop3A_1446, %parallel_loop3A_1473 : vector<16xf32>
        %parallel_loop3A_1475 = arith.index_cast %parallel_loop3A_1443 : i32 to index
        %parallel_loop3A_1476 = arith.constant 816 : index
        %parallel_loop3A_1477 = tpu.vector_load %arg5[%parallel_loop3A_1475, %parallel_loop3A_1476] {strides = array<i32>} : memref<16x1024xf32, #tpu.memory_space<vmem>>, vector<1x16xf32>,
        %parallel_loop3A_1478 = vector.shape_cast %parallel_loop3A_1477 : vector<1x16xf32> to vector<16xf32>
        %parallel_loop3A_1479 = arith.addf %parallel_loop3A_1447, %parallel_loop3A_1478 : vector<16xf32>
        %parallel_loop3A_1480 = arith.index_cast %parallel_loop3A_1443 : i32 to index
        %parallel_loop3A_1481 = arith.constant 832 : index
        %parallel_loop3A_1482 = tpu.vector_load %arg5[%parallel_loop3A_1480, %parallel_loop3A_1481] {strides = array<i32>} : memref<16x1024xf32, #tpu.memory_space<vmem>>, vector<1x16xf32>,
        %parallel_loop3A_1483 = vector.shape_cast %parallel_loop3A_1482 : vector<1x16xf32> to vector<16xf32>
        %parallel_loop3A_1484 = arith.addf %parallel_loop3A_1448, %parallel_loop3A_1483 : vector<16xf32>
        %parallel_loop3A_1485 = arith.index_cast %parallel_loop3A_1443 : i32 to index
        %parallel_loop3A_1486 = arith.constant 848 : index
        %parallel_loop3A_1487 = tpu.vector_load %arg5[%parallel_loop3A_1485, %parallel_loop3A_1486] {strides = array<i32>} : memref<16x1024xf32, #tpu.memory_space<vmem>>, vector<1x16xf32>,
        %parallel_loop3A_1488 = vector.shape_cast %parallel_loop3A_1487 : vector<1x16xf32> to vector<16xf32>
        %parallel_loop3A_1489 = arith.addf %parallel_loop3A_1449, %parallel_loop3A_1488 : vector<16xf32>
        %parallel_loop3A_1490 = arith.index_cast %parallel_loop3A_1443 : i32 to index
        %parallel_loop3A_1491 = arith.constant 864 : index
        %parallel_loop3A_1492 = tpu.vector_load %arg5[%parallel_loop3A_1490, %parallel_loop3A_1491] {strides = array<i32>} : memref<16x1024xf32, #tpu.memory_space<vmem>>, vector<1x16xf32>,
        %parallel_loop3A_1493 = vector.shape_cast %parallel_loop3A_1492 : vector<1x16xf32> to vector<16xf32>
        %parallel_loop3A_1494 = arith.addf %parallel_loop3A_1450, %parallel_loop3A_1493 : vector<16xf32>
        %parallel_loop3A_1495 = arith.index_cast %parallel_loop3A_1443 : i32 to index
        %parallel_loop3A_1496 = arith.constant 880 : index
        %parallel_loop3A_1497 = tpu.vector_load %arg5[%parallel_loop3A_1495, %parallel_loop3A_1496] {strides = array<i32>} : memref<16x1024xf32, #tpu.memory_space<vmem>>, vector<1x16xf32>,
        %parallel_loop3A_1498 = vector.shape_cast %parallel_loop3A_1497 : vector<1x16xf32> to vector<16xf32>
        %parallel_loop3A_1499 = arith.addf %parallel_loop3A_1451, %parallel_loop3A_1498 : vector<16xf32>
        %parallel_loop3A_1500 = arith.index_cast %parallel_loop3A_1443 : i32 to index
        %parallel_loop3A_1501 = arith.constant 896 : index
        %parallel_loop3A_1502 = tpu.vector_load %arg5[%parallel_loop3A_1500, %parallel_loop3A_1501] {strides = array<i32>} : memref<16x1024xf32, #tpu.memory_space<vmem>>, vector<1x16xf32>,
        %parallel_loop3A_1503 = vector.shape_cast %parallel_loop3A_1502 : vector<1x16xf32> to vector<16xf32>
        %parallel_loop3A_1504 = arith.addf %parallel_loop3A_1452, %parallel_loop3A_1503 : vector<16xf32>
        %parallel_loop3A_1505 = arith.index_cast %parallel_loop3A_1443 : i32 to index
        %parallel_loop3A_1506 = arith.constant 912 : index
        %parallel_loop3A_1507 = tpu.vector_load %arg5[%parallel_loop3A_1505, %parallel_loop3A_1506] {strides = array<i32>} : memref<16x1024xf32, #tpu.memory_space<vmem>>, vector<1x16xf32>,
        %parallel_loop3A_1508 = vector.shape_cast %parallel_loop3A_1507 : vector<1x16xf32> to vector<16xf32>
        %parallel_loop3A_1509 = arith.addf %parallel_loop3A_1453, %parallel_loop3A_1508 : vector<16xf32>
        %parallel_loop3A_1510 = arith.index_cast %parallel_loop3A_1443 : i32 to index
        %parallel_loop3A_1511 = arith.constant 928 : index
        %parallel_loop3A_1512 = tpu.vector_load %arg5[%parallel_loop3A_1510, %parallel_loop3A_1511] {strides = array<i32>} : memref<16x1024xf32, #tpu.memory_space<vmem>>, vector<1x16xf32>,
        %parallel_loop3A_1513 = vector.shape_cast %parallel_loop3A_1512 : vector<1x16xf32> to vector<16xf32>
        %parallel_loop3A_1514 = arith.addf %parallel_loop3A_1454, %parallel_loop3A_1513 : vector<16xf32>
        %parallel_loop3A_1515 = arith.index_cast %parallel_loop3A_1443 : i32 to index
        %parallel_loop3A_1516 = arith.constant 944 : index
        %parallel_loop3A_1517 = tpu.vector_load %arg5[%parallel_loop3A_1515, %parallel_loop3A_1516] {strides = array<i32>} : memref<16x1024xf32, #tpu.memory_space<vmem>>, vector<1x16xf32>,
        %parallel_loop3A_1518 = vector.shape_cast %parallel_loop3A_1517 : vector<1x16xf32> to vector<16xf32>
        %parallel_loop3A_1519 = arith.addf %parallel_loop3A_1455, %parallel_loop3A_1518 : vector<16xf32>
        %parallel_loop3A_1520 = arith.index_cast %parallel_loop3A_1443 : i32 to index
        %parallel_loop3A_1521 = arith.constant 960 : index
        %parallel_loop3A_1522 = tpu.vector_load %arg5[%parallel_loop3A_1520, %parallel_loop3A_1521] {strides = array<i32>} : memref<16x1024xf32, #tpu.memory_space<vmem>>, vector<1x16xf32>,
        %parallel_loop3A_1523 = vector.shape_cast %parallel_loop3A_1522 : vector<1x16xf32> to vector<16xf32>
        %parallel_loop3A_1524 = arith.addf %parallel_loop3A_1456, %parallel_loop3A_1523 : vector<16xf32>
        %parallel_loop3A_1525 = arith.index_cast %parallel_loop3A_1443 : i32 to index
        %parallel_loop3A_1526 = arith.constant 976 : index
        %parallel_loop3A_1527 = tpu.vector_load %arg5[%parallel_loop3A_1525, %parallel_loop3A_1526] {strides = array<i32>} : memref<16x1024xf32, #tpu.memory_space<vmem>>, vector<1x16xf32>,
        %parallel_loop3A_1528 = vector.shape_cast %parallel_loop3A_1527 : vector<1x16xf32> to vector<16xf32>
        %parallel_loop3A_1529 = arith.addf %parallel_loop3A_1457, %parallel_loop3A_1528 : vector<16xf32>
        %parallel_loop3A_1530 = arith.index_cast %parallel_loop3A_1443 : i32 to index
        %parallel_loop3A_1531 = arith.constant 992 : index
        %parallel_loop3A_1532 = tpu.vector_load %arg5[%parallel_loop3A_1530, %parallel_loop3A_1531] {strides = array<i32>} : memref<16x1024xf32, #tpu.memory_space<vmem>>, vector<1x16xf32>,
        %parallel_loop3A_1533 = vector.shape_cast %parallel_loop3A_1532 : vector<1x16xf32> to vector<16xf32>
        %parallel_loop3A_1534 = arith.addf %parallel_loop3A_1458, %parallel_loop3A_1533 : vector<16xf32>
        %parallel_loop3A_1535 = arith.index_cast %parallel_loop3A_1443 : i32 to index
        %parallel_loop3A_1536 = arith.constant 1008 : index
        %parallel_loop3A_1537 = tpu.vector_load %arg5[%parallel_loop3A_1535, %parallel_loop3A_1536] {strides = array<i32>} : memref<16x1024xf32, #tpu.memory_space<vmem>>, vector<1x16xf32>,
        %parallel_loop3A_1538 = vector.shape_cast %parallel_loop3A_1537 : vector<1x16xf32> to vector<16xf32>
        %parallel_loop3A_1539 = arith.addf %parallel_loop3A_1459, %parallel_loop3A_1538 : vector<16xf32>
        scf.yield %parallel_loop3A_1464, %parallel_loop3A_1469, %parallel_loop3A_1474, %parallel_loop3A_1479, %parallel_loop3A_1484, %parallel_loop3A_1489, %parallel_loop3A_1494, %parallel_loop3A_1499, %parallel_loop3A_1504, %parallel_loop3A_1509, %parallel_loop3A_1514, %parallel_loop3A_1519, %parallel_loop3A_1524, %parallel_loop3A_1529, %parallel_loop3A_1534, %parallel_loop3A_1539 : vector<16xf32>, vector<16xf32>, vector<16xf32>, vector<16xf32>, vector<16xf32>, vector<16xf32>, vector<16xf32>, vector<16xf32>, vector<16xf32>, vector<16xf32>, vector<16xf32>, vector<16xf32>, vector<16xf32>, vector<16xf32>, vector<16xf32>, vector<16xf32>
      } {sc.loop_unroll_factor = 4 : i64, sc.parallel_access}
      %mul3A_1275 = arith.constant 1024 : i32
      %mul3A_1276 = arith.muli %select_n3A_778, %mul3A_1275 : i32
      %add3A_1277 = arith.constant 768 : i32
      %add3A_1278 = arith.addi %mul3A_1276, %add3A_1277 : i32
      %add3A_1279 = arith.constant 0 : i32
      %add3A_1280 = arith.addi %add3A_1278, %add3A_1279 : i32
      %swap3A_1281 = arith.index_cast %add3A_1280 : i32 to index
      %swap3A_1282 = tpu.vector_load %arg6[%swap3A_1281] {strides = array<i32>} : memref<2048xf32, #tpu.memory_space<vmem>>, vector<16xf32>,
      %swap3A_1283 = vector.shape_cast %swap3A_1282 : vector<16xf32> to vector<16xf32>
      %swap3A_1284 = vector.shape_cast %parallel_loop3A_1274#0 : vector<16xf32> to vector<16xf32>
      tpu.vector_store %arg6[%swap3A_1281], %swap3A_1284 {add = true, strides = array<i32>} : memref<2048xf32, #tpu.memory_space<vmem>>, vector<16xf32>,
      %mul3A_1285 = arith.constant 1024 : i32
      %mul3A_1286 = arith.muli %select_n3A_778, %mul3A_1285 : i32
      %add3A_1287 = arith.constant 768 : i32
      %add3A_1288 = arith.addi %mul3A_1286, %add3A_1287 : i32
      %add3A_1289 = arith.constant 16 : i32
      %add3A_1290 = arith.addi %add3A_1288, %add3A_1289 : i32
      %swap3A_1291 = arith.index_cast %add3A_1290 : i32 to index
      %swap3A_1292 = tpu.vector_load %arg6[%swap3A_1291] {strides = array<i32>} : memref<2048xf32, #tpu.memory_space<vmem>>, vector<16xf32>,
      %swap3A_1293 = vector.shape_cast %swap3A_1292 : vector<16xf32> to vector<16xf32>
      %swap3A_1294 = vector.shape_cast %parallel_loop3A_1274#1 : vector<16xf32> to vector<16xf32>
      tpu.vector_store %arg6[%swap3A_1291], %swap3A_1294 {add = true, strides = array<i32>} : memref<2048xf32, #tpu.memory_space<vmem>>, vector<16xf32>,
      %mul3A_1295 = arith.constant 1024 : i32
      %mul3A_1296 = arith.muli %select_n3A_778, %mul3A_1295 : i32
      %add3A_1297 = arith.constant 768 : i32
      %add3A_1298 = arith.addi %mul3A_1296, %add3A_1297 : i32
      %add3A_1299 = arith.constant 32 : i32
      %add3A_1300 = arith.addi %add3A_1298, %add3A_1299 : i32
      %swap3A_1301 = arith.index_cast %add3A_1300 : i32 to index
      %swap3A_1302 = tpu.vector_load %arg6[%swap3A_1301] {strides = array<i32>} : memref<2048xf32, #tpu.memory_space<vmem>>, vector<16xf32>,
      %swap3A_1303 = vector.shape_cast %swap3A_1302 : vector<16xf32> to vector<16xf32>
      %swap3A_1304 = vector.shape_cast %parallel_loop3A_1274#2 : vector<16xf32> to vector<16xf32>
      tpu.vector_store %arg6[%swap3A_1301], %swap3A_1304 {add = true, strides = array<i32>} : memref<2048xf32, #tpu.memory_space<vmem>>, vector<16xf32>,
      %mul3A_1305 = arith.constant 1024 : i32
      %mul3A_1306 = arith.muli %select_n3A_778, %mul3A_1305 : i32
      %add3A_1307 = arith.constant 768 : i32
      %add3A_1308 = arith.addi %mul3A_1306, %add3A_1307 : i32
      %add3A_1309 = arith.constant 48 : i32
      %add3A_1310 = arith.addi %add3A_1308, %add3A_1309 : i32
      %swap3A_1311 = arith.index_cast %add3A_1310 : i32 to index
      %swap3A_1312 = tpu.vector_load %arg6[%swap3A_1311] {strides = array<i32>} : memref<2048xf32, #tpu.memory_space<vmem>>, vector<16xf32>,
      %swap3A_1313 = vector.shape_cast %swap3A_1312 : vector<16xf32> to vector<16xf32>
      %swap3A_1314 = vector.shape_cast %parallel_loop3A_1274#3 : vector<16xf32> to vector<16xf32>
      tpu.vector_store %arg6[%swap3A_1311], %swap3A_1314 {add = true, strides = array<i32>} : memref<2048xf32, #tpu.memory_space<vmem>>, vector<16xf32>,
      %mul3A_1315 = arith.constant 1024 : i32
      %mul3A_1316 = arith.muli %select_n3A_778, %mul3A_1315 : i32
      %add3A_1317 = arith.constant 768 : i32
      %add3A_1318 = arith.addi %mul3A_1316, %add3A_1317 : i32
      %add3A_1319 = arith.constant 64 : i32
      %add3A_1320 = arith.addi %add3A_1318, %add3A_1319 : i32
      %swap3A_1321 = arith.index_cast %add3A_1320 : i32 to index
      %swap3A_1322 = tpu.vector_load %arg6[%swap3A_1321] {strides = array<i32>} : memref<2048xf32, #tpu.memory_space<vmem>>, vector<16xf32>,
      %swap3A_1323 = vector.shape_cast %swap3A_1322 : vector<16xf32> to vector<16xf32>
      %swap3A_1324 = vector.shape_cast %parallel_loop3A_1274#4 : vector<16xf32> to vector<16xf32>
      tpu.vector_store %arg6[%swap3A_1321], %swap3A_1324 {add = true, strides = array<i32>} : memref<2048xf32, #tpu.memory_space<vmem>>, vector<16xf32>,
      %mul3A_1325 = arith.constant 1024 : i32
      %mul3A_1326 = arith.muli %select_n3A_778, %mul3A_1325 : i32
      %add3A_1327 = arith.constant 768 : i32
      %add3A_1328 = arith.addi %mul3A_1326, %add3A_1327 : i32
      %add3A_1329 = arith.constant 80 : i32
      %add3A_1330 = arith.addi %add3A_1328, %add3A_1329 : i32
      %swap3A_1331 = arith.index_cast %add3A_1330 : i32 to index
      %swap3A_1332 = tpu.vector_load %arg6[%swap3A_1331] {strides = array<i32>} : memref<2048xf32, #tpu.memory_space<vmem>>, vector<16xf32>,
      %swap3A_1333 = vector.shape_cast %swap3A_1332 : vector<16xf32> to vector<16xf32>
      %swap3A_1334 = vector.shape_cast %parallel_loop3A_1274#5 : vector<16xf32> to vector<16xf32>
      tpu.vector_store %arg6[%swap3A_1331], %swap3A_1334 {add = true, strides = array<i32>} : memref<2048xf32, #tpu.memory_space<vmem>>, vector<16xf32>,
      %mul3A_1335 = arith.constant 1024 : i32
      %mul3A_1336 = arith.muli %select_n3A_778, %mul3A_1335 : i32
      %add3A_1337 = arith.constant 768 : i32
      %add3A_1338 = arith.addi %mul3A_1336, %add3A_1337 : i32
      %add3A_1339 = arith.constant 96 : i32
      %add3A_1340 = arith.addi %add3A_1338, %add3A_1339 : i32
      %swap3A_1341 = arith.index_cast %add3A_1340 : i32 to index
      %swap3A_1342 = tpu.vector_load %arg6[%swap3A_1341] {strides = array<i32>} : memref<2048xf32, #tpu.memory_space<vmem>>, vector<16xf32>,
      %swap3A_1343 = vector.shape_cast %swap3A_1342 : vector<16xf32> to vector<16xf32>
      %swap3A_1344 = vector.shape_cast %parallel_loop3A_1274#6 : vector<16xf32> to vector<16xf32>
      tpu.vector_store %arg6[%swap3A_1341], %swap3A_1344 {add = true, strides = array<i32>} : memref<2048xf32, #tpu.memory_space<vmem>>, vector<16xf32>,
      %mul3A_1345 = arith.constant 1024 : i32
      %mul3A_1346 = arith.muli %select_n3A_778, %mul3A_1345 : i32
      %add3A_1347 = arith.constant 768 : i32
      %add3A_1348 = arith.addi %mul3A_1346, %add3A_1347 : i32
      %add3A_1349 = arith.constant 112 : i32
      %add3A_1350 = arith.addi %add3A_1348, %add3A_1349 : i32
      %swap3A_1351 = arith.index_cast %add3A_1350 : i32 to index
      %swap3A_1352 = tpu.vector_load %arg6[%swap3A_1351] {strides = array<i32>} : memref<2048xf32, #tpu.memory_space<vmem>>, vector<16xf32>,
      %swap3A_1353 = vector.shape_cast %swap3A_1352 : vector<16xf32> to vector<16xf32>
      %swap3A_1354 = vector.shape_cast %parallel_loop3A_1274#7 : vector<16xf32> to vector<16xf32>
      tpu.vector_store %arg6[%swap3A_1351], %swap3A_1354 {add = true, strides = array<i32>} : memref<2048xf32, #tpu.memory_space<vmem>>, vector<16xf32>,
      %mul3A_1355 = arith.constant 1024 : i32
      %mul3A_1356 = arith.muli %select_n3A_778, %mul3A_1355 : i32
      %add3A_1357 = arith.constant 768 : i32
      %add3A_1358 = arith.addi %mul3A_1356, %add3A_1357 : i32
      %add3A_1359 = arith.constant 128 : i32
      %add3A_1360 = arith.addi %add3A_1358, %add3A_1359 : i32
      %swap3A_1361 = arith.index_cast %add3A_1360 : i32 to index
      %swap3A_1362 = tpu.vector_load %arg6[%swap3A_1361] {strides = array<i32>} : memref<2048xf32, #tpu.memory_space<vmem>>, vector<16xf32>,
      %swap3A_1363 = vector.shape_cast %swap3A_1362 : vector<16xf32> to vector<16xf32>
      %swap3A_1364 = vector.shape_cast %parallel_loop3A_1274#8 : vector<16xf32> to vector<16xf32>
      tpu.vector_store %arg6[%swap3A_1361], %swap3A_1364 {add = true, strides = array<i32>} : memref<2048xf32, #tpu.memory_space<vmem>>, vector<16xf32>,
      %mul3A_1365 = arith.constant 1024 : i32
      %mul3A_1366 = arith.muli %select_n3A_778, %mul3A_1365 : i32
      %add3A_1367 = arith.constant 768 : i32
      %add3A_1368 = arith.addi %mul3A_1366, %add3A_1367 : i32
      %add3A_1369 = arith.constant 144 : i32
      %add3A_1370 = arith.addi %add3A_1368, %add3A_1369 : i32
      %swap3A_1371 = arith.index_cast %add3A_1370 : i32 to index
      %swap3A_1372 = tpu.vector_load %arg6[%swap3A_1371] {strides = array<i32>} : memref<2048xf32, #tpu.memory_space<vmem>>, vector<16xf32>,
      %swap3A_1373 = vector.shape_cast %swap3A_1372 : vector<16xf32> to vector<16xf32>
      %swap3A_1374 = vector.shape_cast %parallel_loop3A_1274#9 : vector<16xf32> to vector<16xf32>
      tpu.vector_store %arg6[%swap3A_1371], %swap3A_1374 {add = true, strides = array<i32>} : memref<2048xf32, #tpu.memory_space<vmem>>, vector<16xf32>,
      %mul3A_1375 = arith.constant 1024 : i32
      %mul3A_1376 = arith.muli %select_n3A_778, %mul3A_1375 : i32
      %add3A_1377 = arith.constant 768 : i32
      %add3A_1378 = arith.addi %mul3A_1376, %add3A_1377 : i32
      %add3A_1379 = arith.constant 160 : i32
      %add3A_1380 = arith.addi %add3A_1378, %add3A_1379 : i32
      %swap3A_1381 = arith.index_cast %add3A_1380 : i32 to index
      %swap3A_1382 = tpu.vector_load %arg6[%swap3A_1381] {strides = array<i32>} : memref<2048xf32, #tpu.memory_space<vmem>>, vector<16xf32>,
      %swap3A_1383 = vector.shape_cast %swap3A_1382 : vector<16xf32> to vector<16xf32>
      %swap3A_1384 = vector.shape_cast %parallel_loop3A_1274#10 : vector<16xf32> to vector<16xf32>
      tpu.vector_store %arg6[%swap3A_1381], %swap3A_1384 {add = true, strides = array<i32>} : memref<2048xf32, #tpu.memory_space<vmem>>, vector<16xf32>,
      %mul3A_1385 = arith.constant 1024 : i32
      %mul3A_1386 = arith.muli %select_n3A_778, %mul3A_1385 : i32
      %add3A_1387 = arith.constant 768 : i32
      %add3A_1388 = arith.addi %mul3A_1386, %add3A_1387 : i32
      %add3A_1389 = arith.constant 176 : i32
      %add3A_1390 = arith.addi %add3A_1388, %add3A_1389 : i32
      %swap3A_1391 = arith.index_cast %add3A_1390 : i32 to index
      %swap3A_1392 = tpu.vector_load %arg6[%swap3A_1391] {strides = array<i32>} : memref<2048xf32, #tpu.memory_space<vmem>>, vector<16xf32>,
      %swap3A_1393 = vector.shape_cast %swap3A_1392 : vector<16xf32> to vector<16xf32>
      %swap3A_1394 = vector.shape_cast %parallel_loop3A_1274#11 : vector<16xf32> to vector<16xf32>
      tpu.vector_store %arg6[%swap3A_1391], %swap3A_1394 {add = true, strides = array<i32>} : memref<2048xf32, #tpu.memory_space<vmem>>, vector<16xf32>,
      %mul3A_1395 = arith.constant 1024 : i32
      %mul3A_1396 = arith.muli %select_n3A_778, %mul3A_1395 : i32
      %add3A_1397 = arith.constant 768 : i32
      %add3A_1398 = arith.addi %mul3A_1396, %add3A_1397 : i32
      %add3A_1399 = arith.constant 192 : i32
      %add3A_1400 = arith.addi %add3A_1398, %add3A_1399 : i32
      %swap3A_1401 = arith.index_cast %add3A_1400 : i32 to index
      %swap3A_1402 = tpu.vector_load %arg6[%swap3A_1401] {strides = array<i32>} : memref<2048xf32, #tpu.memory_space<vmem>>, vector<16xf32>,
      %swap3A_1403 = vector.shape_cast %swap3A_1402 : vector<16xf32> to vector<16xf32>
      %swap3A_1404 = vector.shape_cast %parallel_loop3A_1274#12 : vector<16xf32> to vector<16xf32>
      tpu.vector_store %arg6[%swap3A_1401], %swap3A_1404 {add = true, strides = array<i32>} : memref<2048xf32, #tpu.memory_space<vmem>>, vector<16xf32>,
      %mul3A_1405 = arith.constant 1024 : i32
      %mul3A_1406 = arith.muli %select_n3A_778, %mul3A_1405 : i32
      %add3A_1407 = arith.constant 768 : i32
      %add3A_1408 = arith.addi %mul3A_1406, %add3A_1407 : i32
      %add3A_1409 = arith.constant 208 : i32
      %add3A_1410 = arith.addi %add3A_1408, %add3A_1409 : i32
      %swap3A_1411 = arith.index_cast %add3A_1410 : i32 to index
      %swap3A_1412 = tpu.vector_load %arg6[%swap3A_1411] {strides = array<i32>} : memref<2048xf32, #tpu.memory_space<vmem>>, vector<16xf32>,
      %swap3A_1413 = vector.shape_cast %swap3A_1412 : vector<16xf32> to vector<16xf32>
      %swap3A_1414 = vector.shape_cast %parallel_loop3A_1274#13 : vector<16xf32> to vector<16xf32>
      tpu.vector_store %arg6[%swap3A_1411], %swap3A_1414 {add = true, strides = array<i32>} : memref<2048xf32, #tpu.memory_space<vmem>>, vector<16xf32>,
      %mul3A_1415 = arith.constant 1024 : i32
      %mul3A_1416 = arith.muli %select_n3A_778, %mul3A_1415 : i32
      %add3A_1417 = arith.constant 768 : i32
      %add3A_1418 = arith.addi %mul3A_1416, %add3A_1417 : i32
      %add3A_1419 = arith.constant 224 : i32
      %add3A_1420 = arith.addi %add3A_1418, %add3A_1419 : i32
      %swap3A_1421 = arith.index_cast %add3A_1420 : i32 to index
      %swap3A_1422 = tpu.vector_load %arg6[%swap3A_1421] {strides = array<i32>} : memref<2048xf32, #tpu.memory_space<vmem>>, vector<16xf32>,
      %swap3A_1423 = vector.shape_cast %swap3A_1422 : vector<16xf32> to vector<16xf32>
      %swap3A_1424 = vector.shape_cast %parallel_loop3A_1274#14 : vector<16xf32> to vector<16xf32>
      tpu.vector_store %arg6[%swap3A_1421], %swap3A_1424 {add = true, strides = array<i32>} : memref<2048xf32, #tpu.memory_space<vmem>>, vector<16xf32>,
      %mul3A_1425 = arith.constant 1024 : i32
      %mul3A_1426 = arith.muli %select_n3A_778, %mul3A_1425 : i32
      %add3A_1427 = arith.constant 768 : i32
      %add3A_1428 = arith.addi %mul3A_1426, %add3A_1427 : i32
      %add3A_1429 = arith.constant 240 : i32
      %add3A_1430 = arith.addi %add3A_1428, %add3A_1429 : i32
      %swap3A_1431 = arith.index_cast %add3A_1430 : i32 to index
      %swap3A_1432 = tpu.vector_load %arg6[%swap3A_1431] {strides = array<i32>} : memref<2048xf32, #tpu.memory_space<vmem>>, vector<16xf32>,
      %swap3A_1433 = vector.shape_cast %swap3A_1432 : vector<16xf32> to vector<16xf32>
      %swap3A_1434 = vector.shape_cast %parallel_loop3A_1274#15 : vector<16xf32> to vector<16xf32>
      tpu.vector_store %arg6[%swap3A_1431], %swap3A_1434 {add = true, strides = array<i32>} : memref<2048xf32, #tpu.memory_space<vmem>>, vector<16xf32>,
      %add3A_1435 = arith.constant 2 : i32
      %add3A_1436 = arith.addi %add3A_745, %add3A_1435 : i32
      %lt3A_1437 = arith.constant 20 : i32
      %lt3A_1438 = arith.cmpi slt, %add3A_1436, %lt3A_1437 : i32
      %convert_element_type3A_1439 = arith.extui %lt3A_1438 : i1 to i32
      %cond3A_1440 = arith.constant 0 : i32
      %cond3A_1441 = arith.cmpi ne, %convert_element_type3A_1439, %cond3A_1440 : i32
      scf.if %cond3A_1441 {
        %add3A_1443 = arith.constant 2 : i32
        %add3A_1444 = arith.addi %add3A_745, %add3A_1443 : i32
        %jit3A_1445 = arith.constant 10 : i32
        %div3A_1446 = arith.divsi %add3A_1444, %jit3A_1445 : i32
        %sign3A_1447 = arith.constant 0 : i32
        %sign3A_1448 = arith.cmpi sgt, %add3A_1444, %sign3A_1447 : i32
        %sign3A_1449 = arith.extui %sign3A_1448 : i1 to i32
        %sign3A_1450 = arith.constant 0 : i32
        %sign3A_1451 = arith.cmpi slt, %add3A_1444, %sign3A_1450 : i32
        %sign3A_1452 = arith.extui %sign3A_1451 : i1 to i32
        %sign3A_1453 = arith.subi %sign3A_1449, %sign3A_1452 : i32
        %sign3A_1454 = arith.constant 0 : i32
        %sign3A_1455 = arith.cmpi sgt, %jit3A_1445, %sign3A_1454 : i32
        %sign3A_1456 = arith.extui %sign3A_1455 : i1 to i32
        %sign3A_1457 = arith.constant 0 : i32
        %sign3A_1458 = arith.cmpi slt, %jit3A_1445, %sign3A_1457 : i32
        %sign3A_1459 = arith.extui %sign3A_1458 : i1 to i32
        %sign3A_1460 = arith.subi %sign3A_1456, %sign3A_1459 : i32
        %ne3A_1461 = arith.cmpi ne, %sign3A_1453, %sign3A_1460 : i32
        %rem3A_1462 = arith.remsi %add3A_1444, %jit3A_1445 : i32
        %ne3A_1463 = arith.constant 0 : i32
        %ne3A_1464 = arith.cmpi ne, %rem3A_1462, %ne3A_1463 : i32
        %and3A_1465 = arith.andi %ne3A_1461, %ne3A_1464 : i1
        %sub3A_1466 = arith.constant 1 : i32
        %sub3A_1467 = arith.subi %div3A_1446, %sub3A_1466 : i32
        %select_n3A_1468 = arith.select %and3A_1465, %sub3A_1467, %div3A_1446 : i32
        %jit3A_1469 = arith.constant 10 : i32
        %eq3A = arith.constant 0 : i32
        %eq3A_1470 = arith.cmpi eq, %jit3A_1469, %eq3A : i32
        %jit3A_1471 = arith.constant 1 : i32
        %select_n3A_1472 = arith.select %eq3A_1470, %jit3A_1471, %jit3A_1469 : i32
        %rem3A_1473 = arith.remsi %add3A_1444, %select_n3A_1472 : i32
        %ne3A_1474 = arith.constant 0 : i32
        %ne3A_1475 = arith.cmpi ne, %rem3A_1473, %ne3A_1474 : i32
        %lt3A_1476 = arith.constant 0 : i32
        %lt3A_1477 = arith.cmpi slt, %rem3A_1473, %lt3A_1476 : i32
        %lt3A_1478 = arith.constant 0 : i32
        %lt3A_1479 = arith.cmpi slt, %select_n3A_1472, %lt3A_1478 : i32
        %ne3A_1480 = arith.xori %lt3A_1477, %lt3A_1479 : i1
        %and3A_1481 = arith.andi %ne3A_1480, %ne3A_1475 : i1
        %add3A_1482 = arith.addi %rem3A_1473, %select_n3A_1472 : i32
        %select_n3A_1483 = arith.select %and3A_1481, %add3A_1482, %rem3A_1473 : i32
        %mul3A_1484 = arith.constant 160 : i32
        %mul3A_1485 = arith.muli %arg1, %mul3A_1484 : i32
        %add3A_1486 = arith.constant 5632 : i32
        %add3A_1487 = arith.addi %add3A_1486, %mul3A_1485 : i32
        %mul3A_1488 = arith.constant 16 : i32
        %mul3A_1489 = arith.muli %select_n3A_1483, %mul3A_1488 : i32
        %add3A_1490 = arith.addi %add3A_1487, %mul3A_1489 : i32
        %mul3A_1491 = arith.constant 2 : i32
        %mul3A_1492 = arith.muli %mul3A_1491, %arg0 : i32
        %add3A_1493 = arith.addi %mul3A_1492, %select_n3A_1468 : i32
        %dma_start3A_1494 = arith.constant 0 : i32
        %dma_start3A_1495 = tpu.memref_slice %arg2[%add3A_1493, %add3A_1490, %dma_start3A_1494] : memref<4x8192x1024xf32, #tpu.memory_space<hbm>> -> memref<1x16x1024xf32, #tpu.memory_space<hbm>>
        %dma_start3A_1496 = tpu.memref_squeeze %dma_start3A_1495 : memref<1x16x1024xf32, #tpu.memory_space<hbm>> -> memref<16x1024xf32, #tpu.memory_space<hbm>>
        %dma_start3A_1497 = arith.constant 0 : i32
        %dma_start3A_1498 = tpu.memref_slice %arg2[%add3A_1493, %add3A_1490, %dma_start3A_1497] : memref<4x8192x1024xf32, #tpu.memory_space<hbm>> -> memref<1x16x1024xf32, #tpu.memory_space<hbm>>
        %dma_start3A_1499 = tpu.memref_squeeze %dma_start3A_1498 : memref<1x16x1024xf32, #tpu.memory_space<hbm>> -> memref<16x1024xf32, #tpu.memory_space<hbm>>
        tpu.enqueue_dma source(%dma_start3A_1499 : memref<16x1024xf32, #tpu.memory_space<hbm>>) target(%arg5 : memref<16x1024xf32, #tpu.memory_space<vmem>>) target_semaphore(%arg11 : memref<!tpu.dma_semaphore, #tpu.memory_space<semaphore_mem>>)
      } else {
      }
      %scan3A_1442 = arith.constant 0 : i32
      scf.yield %scan3A_1442 : i32
    }
    %scan3A_42 = arith.constant 10 : i32
    %mul3A_43 = arith.constant 1024 : i32
    %mul3A_44 = arith.muli %arg1, %mul3A_43 : i32
    "tpu.region"() ({
      %run_scoped3A = tpu.sem_alloc : memref<!tpu.dma_semaphore, #tpu.memory_space<semaphore_mem>>
      %dma_start3A_51 = arith.constant 0 : i32
      %dma_start3A_52 = tpu.memref_slice %arg6[%dma_start3A_51] : memref<2048xf32, #tpu.memory_space<vmem>> -> memref<1024xf32, #tpu.memory_space<vmem>>
      %dma_start3A_53 = tpu.memref_slice %arg9[%mul3A_44] : memref<32768xf32, #tpu.memory_space<vmem_shared>> -> memref<1024xf32, #tpu.memory_space<vmem_shared>>
      %dma_start3A_54 = tpu.memref_slice %arg9[%mul3A_44] : memref<32768xf32, #tpu.memory_space<vmem_shared>> -> memref<1024xf32, #tpu.memory_space<vmem_shared>>
      %dma_start3A_55 = arith.constant 0 : i32
      %dma_start3A_56 = tpu.memref_slice %arg6[%dma_start3A_55] : memref<2048xf32, #tpu.memory_space<vmem>> -> memref<1024xf32, #tpu.memory_space<vmem>>
      tpu.enqueue_dma source(%dma_start3A_56 : memref<1024xf32, #tpu.memory_space<vmem>>) target(%dma_start3A_54 : memref<1024xf32, #tpu.memory_space<vmem_shared>>) target_semaphore(%run_scoped3A : memref<!tpu.dma_semaphore, #tpu.memory_space<semaphore_mem>>)
      %dma_wait3A = arith.constant 0 : i32
      %dma_wait3A_57 = tpu.memref_slice %arg6[%dma_wait3A] : memref<2048xf32, #tpu.memory_space<vmem>> -> memref<1024xf32, #tpu.memory_space<vmem>>
      %dma_wait3A_58 = tpu.memref_slice %arg9[%mul3A_44] : memref<32768xf32, #tpu.memory_space<vmem_shared>> -> memref<1024xf32, #tpu.memory_space<vmem_shared>>
      %dma_wait3A_59 = tpu.memref_slice %arg9[%mul3A_44] : memref<32768xf32, #tpu.memory_space<vmem_shared>> -> memref<1024xf32, #tpu.memory_space<vmem_shared>>
      %dma_wait3A_60 = arith.constant 0 : i32
      %dma_wait3A_61 = tpu.memref_slice %arg6[%dma_wait3A_60] : memref<2048xf32, #tpu.memory_space<vmem>> -> memref<1024xf32, #tpu.memory_space<vmem>>
      tpu.wait_dma2 semaphore(%run_scoped3A : memref<!tpu.dma_semaphore, #tpu.memory_space<semaphore_mem>>) src(%dma_wait3A_61 : memref<1024xf32, #tpu.memory_space<vmem>>) dst(%dma_wait3A_59 : memref<1024xf32, #tpu.memory_space<vmem_shared>>)
      tpu.yield
    }) : () -> ()
    %add3A_45 = arith.constant 16 : i32
    %add3A_46 = arith.addi %add3A_45, %arg1 : i32
    %mul3A_47 = arith.constant 1024 : i32
    %mul3A_48 = arith.muli %add3A_46, %mul3A_47 : i32
    "tpu.region"() ({
      %run_scoped3A = tpu.sem_alloc : memref<!tpu.dma_semaphore, #tpu.memory_space<semaphore_mem>>
      %dma_start3A_51 = arith.constant 1024 : i32
      %dma_start3A_52 = tpu.memref_slice %arg6[%dma_start3A_51] : memref<2048xf32, #tpu.memory_space<vmem>> -> memref<1024xf32, #tpu.memory_space<vmem>>
      %dma_start3A_53 = tpu.memref_slice %arg9[%mul3A_48] : memref<32768xf32, #tpu.memory_space<vmem_shared>> -> memref<1024xf32, #tpu.memory_space<vmem_shared>>
      %dma_start3A_54 = tpu.memref_slice %arg9[%mul3A_48] : memref<32768xf32, #tpu.memory_space<vmem_shared>> -> memref<1024xf32, #tpu.memory_space<vmem_shared>>
      %dma_start3A_55 = arith.constant 1024 : i32
      %dma_start3A_56 = tpu.memref_slice %arg6[%dma_start3A_55] : memref<2048xf32, #tpu.memory_space<vmem>> -> memref<1024xf32, #tpu.memory_space<vmem>>
      tpu.enqueue_dma source(%dma_start3A_56 : memref<1024xf32, #tpu.memory_space<vmem>>) target(%dma_start3A_54 : memref<1024xf32, #tpu.memory_space<vmem_shared>>) target_semaphore(%run_scoped3A : memref<!tpu.dma_semaphore, #tpu.memory_space<semaphore_mem>>)
      %dma_wait3A = arith.constant 1024 : i32
      %dma_wait3A_57 = tpu.memref_slice %arg6[%dma_wait3A] : memref<2048xf32, #tpu.memory_space<vmem>> -> memref<1024xf32, #tpu.memory_space<vmem>>
      %dma_wait3A_58 = tpu.memref_slice %arg9[%mul3A_48] : memref<32768xf32, #tpu.memory_space<vmem_shared>> -> memref<1024xf32, #tpu.memory_space<vmem_shared>>
      %dma_wait3A_59 = tpu.memref_slice %arg9[%mul3A_48] : memref<32768xf32, #tpu.memory_space<vmem_shared>> -> memref<1024xf32, #tpu.memory_space<vmem_shared>>
      %dma_wait3A_60 = arith.constant 1024 : i32
      %dma_wait3A_61 = tpu.memref_slice %arg6[%dma_wait3A_60] : memref<2048xf32, #tpu.memory_space<vmem>> -> memref<1024xf32, #tpu.memory_space<vmem>>
      tpu.wait_dma2 semaphore(%run_scoped3A : memref<!tpu.dma_semaphore, #tpu.memory_space<semaphore_mem>>) src(%dma_wait3A_61 : memref<1024xf32, #tpu.memory_space<vmem>>) dst(%dma_wait3A_59 : memref<1024xf32, #tpu.memory_space<vmem_shared>>)
      tpu.yield
    }) : () -> ()
    %barrier3A = arith.constant 0 : index
    tpu.barrier barrier_id(%barrier3A)
    %lt3A = arith.constant 2 : i32
    %lt3A_49 = arith.cmpi slt, %arg1, %lt3A : i32
    %convert_element_type3A = arith.extui %lt3A_49 : i1 to i32
    %cond3A = arith.constant 0 : i32
    %cond3A_50 = arith.cmpi ne, %convert_element_type3A, %cond3A : i32
    scf.if %cond3A_50 {
      %mul3A_51 = arith.constant 2 : i32
      %mul3A_52 = arith.muli %mul3A_51, %arg0 : i32
      %add3A_53 = arith.addi %mul3A_52, %arg1 : i32
      %scan3A_54 = arith.constant 0 : i32
      %scan3A_55 = arith.constant 0 : i32
      %scan3A_56 = arith.constant 64 : i32
      %scan3A_57 = arith.addi %scan3A_55, %scan3A_56 : i32
      %scan3A_58 = arith.constant 1 : i32
      %scan3A_59 = scf.for %scan3A_70 = %scan3A_55 to %scan3A_57 step %scan3A_58 iter_args(%scan3A_71 = %scan3A_54) -> (i32)  : i32 {
        %mul3A_72 = arith.constant 16 : i32
        %mul3A_73 = arith.muli %scan3A_70, %mul3A_72 : i32
        %swap3A = arith.index_cast %mul3A_73 : i32 to index
        %swap3A_74 = tpu.vector_load %arg7[%swap3A] {strides = array<i32>} : memref<1024xf32, #tpu.memory_space<vmem>>, vector<16xf32>,
        %swap3A_75 = vector.shape_cast %swap3A_74 : vector<16xf32> to vector<16xf32>
        %swap3A_76 = vector.shape_cast %broadcast_in_dim3A_0 : vector<16xf32> to vector<16xf32>
        tpu.vector_store %arg7[%swap3A], %swap3A_76 {strides = array<i32>} : memref<1024xf32, #tpu.memory_space<vmem>>, vector<16xf32>,
        %scan3A_77 = arith.constant 0 : i32
        scf.yield %scan3A_77 : i32
      }
      %scan3A_60 = arith.constant 64 : i32
      %scan3A_61 = arith.constant 0 : i32
      %scan3A_62 = arith.constant 0 : i32
      %scan3A_63 = arith.constant 16 : i32
      %scan3A_64 = arith.addi %scan3A_62, %scan3A_63 : i32
      %scan3A_65 = arith.constant 1 : i32
      %scan3A_66 = scf.for %scan3A_70 = %scan3A_62 to %scan3A_64 step %scan3A_65 iter_args(%scan3A_71 = %scan3A_61) -> (i32)  : i32 {
        %mul3A_72 = arith.constant 16 : i32
        %mul3A_73 = arith.muli %arg1, %mul3A_72 : i32
        %add3A_74 = arith.addi %mul3A_73, %scan3A_70 : i32
        %mul3A_75 = arith.constant 1024 : i32
        %mul3A_76 = arith.muli %add3A_74, %mul3A_75 : i32
        "tpu.region"() ({
          %run_scoped3A = tpu.sem_alloc : memref<!tpu.dma_semaphore, #tpu.memory_space<semaphore_mem>>
          %dma_start3A_524 = tpu.memref_slice %arg9[%mul3A_76] : memref<32768xf32, #tpu.memory_space<vmem_shared>> -> memref<1024xf32, #tpu.memory_space<vmem_shared>>
          %dma_start3A_525 = tpu.memref_slice %arg9[%mul3A_76] : memref<32768xf32, #tpu.memory_space<vmem_shared>> -> memref<1024xf32, #tpu.memory_space<vmem_shared>>
          tpu.enqueue_dma source(%dma_start3A_525 : memref<1024xf32, #tpu.memory_space<vmem_shared>>) target(%arg8 : memref<1024xf32, #tpu.memory_space<vmem>>) target_semaphore(%run_scoped3A : memref<!tpu.dma_semaphore, #tpu.memory_space<semaphore_mem>>)
          %dma_wait3A = tpu.memref_slice %arg9[%mul3A_76] : memref<32768xf32, #tpu.memory_space<vmem_shared>> -> memref<1024xf32, #tpu.memory_space<vmem_shared>>
          %dma_wait3A_526 = tpu.memref_slice %arg9[%mul3A_76] : memref<32768xf32, #tpu.memory_space<vmem_shared>> -> memref<1024xf32, #tpu.memory_space<vmem_shared>>
          tpu.wait_dma2 semaphore(%run_scoped3A : memref<!tpu.dma_semaphore, #tpu.memory_space<semaphore_mem>>) src(%dma_wait3A_526 : memref<1024xf32, #tpu.memory_space<vmem_shared>>) dst(%arg8 : memref<1024xf32, #tpu.memory_space<vmem>>)
          tpu.yield
        }) : () -> ()
        %get3A = arith.constant 0 : index
        %get3A_77 = tpu.vector_load %arg8[%get3A] {strides = array<i32>} : memref<1024xf32, #tpu.memory_space<vmem>>, vector<16xf32>,
        %get3A_78 = vector.shape_cast %get3A_77 : vector<16xf32> to vector<16xf32>
        %swap3A = arith.constant 0 : index
        %swap3A_79 = tpu.vector_load %arg7[%swap3A] {strides = array<i32>} : memref<1024xf32, #tpu.memory_space<vmem>>, vector<16xf32>,
        %swap3A_80 = vector.shape_cast %swap3A_79 : vector<16xf32> to vector<16xf32>
        %swap3A_81 = vector.shape_cast %get3A_78 : vector<16xf32> to vector<16xf32>
        tpu.vector_store %arg7[%swap3A], %swap3A_81 {add = true, strides = array<i32>} : memref<1024xf32, #tpu.memory_space<vmem>>, vector<16xf32>,
        %get3A_82 = arith.constant 16 : index
        %get3A_83 = tpu.vector_load %arg8[%get3A_82] {strides = array<i32>} : memref<1024xf32, #tpu.memory_space<vmem>>, vector<16xf32>,
        %get3A_84 = vector.shape_cast %get3A_83 : vector<16xf32> to vector<16xf32>
        %swap3A_85 = arith.constant 16 : index
        %swap3A_86 = tpu.vector_load %arg7[%swap3A_85] {strides = array<i32>} : memref<1024xf32, #tpu.memory_space<vmem>>, vector<16xf32>,
        %swap3A_87 = vector.shape_cast %swap3A_86 : vector<16xf32> to vector<16xf32>
        %swap3A_88 = vector.shape_cast %get3A_84 : vector<16xf32> to vector<16xf32>
        tpu.vector_store %arg7[%swap3A_85], %swap3A_88 {add = true, strides = array<i32>} : memref<1024xf32, #tpu.memory_space<vmem>>, vector<16xf32>,
        %get3A_89 = arith.constant 32 : index
        %get3A_90 = tpu.vector_load %arg8[%get3A_89] {strides = array<i32>} : memref<1024xf32, #tpu.memory_space<vmem>>, vector<16xf32>,
        %get3A_91 = vector.shape_cast %get3A_90 : vector<16xf32> to vector<16xf32>
        %swap3A_92 = arith.constant 32 : index
        %swap3A_93 = tpu.vector_load %arg7[%swap3A_92] {strides = array<i32>} : memref<1024xf32, #tpu.memory_space<vmem>>, vector<16xf32>,
        %swap3A_94 = vector.shape_cast %swap3A_93 : vector<16xf32> to vector<16xf32>
        %swap3A_95 = vector.shape_cast %get3A_91 : vector<16xf32> to vector<16xf32>
        tpu.vector_store %arg7[%swap3A_92], %swap3A_95 {add = true, strides = array<i32>} : memref<1024xf32, #tpu.memory_space<vmem>>, vector<16xf32>,
        %get3A_96 = arith.constant 48 : index
        %get3A_97 = tpu.vector_load %arg8[%get3A_96] {strides = array<i32>} : memref<1024xf32, #tpu.memory_space<vmem>>, vector<16xf32>,
        %get3A_98 = vector.shape_cast %get3A_97 : vector<16xf32> to vector<16xf32>
        %swap3A_99 = arith.constant 48 : index
        %swap3A_100 = tpu.vector_load %arg7[%swap3A_99] {strides = array<i32>} : memref<1024xf32, #tpu.memory_space<vmem>>, vector<16xf32>,
        %swap3A_101 = vector.shape_cast %swap3A_100 : vector<16xf32> to vector<16xf32>
        %swap3A_102 = vector.shape_cast %get3A_98 : vector<16xf32> to vector<16xf32>
        tpu.vector_store %arg7[%swap3A_99], %swap3A_102 {add = true, strides = array<i32>} : memref<1024xf32, #tpu.memory_space<vmem>>, vector<16xf32>,
        %get3A_103 = arith.constant 64 : index
        %get3A_104 = tpu.vector_load %arg8[%get3A_103] {strides = array<i32>} : memref<1024xf32, #tpu.memory_space<vmem>>, vector<16xf32>,
        %get3A_105 = vector.shape_cast %get3A_104 : vector<16xf32> to vector<16xf32>
        %swap3A_106 = arith.constant 64 : index
        %swap3A_107 = tpu.vector_load %arg7[%swap3A_106] {strides = array<i32>} : memref<1024xf32, #tpu.memory_space<vmem>>, vector<16xf32>,
        %swap3A_108 = vector.shape_cast %swap3A_107 : vector<16xf32> to vector<16xf32>
        %swap3A_109 = vector.shape_cast %get3A_105 : vector<16xf32> to vector<16xf32>
        tpu.vector_store %arg7[%swap3A_106], %swap3A_109 {add = true, strides = array<i32>} : memref<1024xf32, #tpu.memory_space<vmem>>, vector<16xf32>,
        %get3A_110 = arith.constant 80 : index
        %get3A_111 = tpu.vector_load %arg8[%get3A_110] {strides = array<i32>} : memref<1024xf32, #tpu.memory_space<vmem>>, vector<16xf32>,
        %get3A_112 = vector.shape_cast %get3A_111 : vector<16xf32> to vector<16xf32>
        %swap3A_113 = arith.constant 80 : index
        %swap3A_114 = tpu.vector_load %arg7[%swap3A_113] {strides = array<i32>} : memref<1024xf32, #tpu.memory_space<vmem>>, vector<16xf32>,
        %swap3A_115 = vector.shape_cast %swap3A_114 : vector<16xf32> to vector<16xf32>
        %swap3A_116 = vector.shape_cast %get3A_112 : vector<16xf32> to vector<16xf32>
        tpu.vector_store %arg7[%swap3A_113], %swap3A_116 {add = true, strides = array<i32>} : memref<1024xf32, #tpu.memory_space<vmem>>, vector<16xf32>,
        %get3A_117 = arith.constant 96 : index
        %get3A_118 = tpu.vector_load %arg8[%get3A_117] {strides = array<i32>} : memref<1024xf32, #tpu.memory_space<vmem>>, vector<16xf32>,
        %get3A_119 = vector.shape_cast %get3A_118 : vector<16xf32> to vector<16xf32>
        %swap3A_120 = arith.constant 96 : index
        %swap3A_121 = tpu.vector_load %arg7[%swap3A_120] {strides = array<i32>} : memref<1024xf32, #tpu.memory_space<vmem>>, vector<16xf32>,
        %swap3A_122 = vector.shape_cast %swap3A_121 : vector<16xf32> to vector<16xf32>
        %swap3A_123 = vector.shape_cast %get3A_119 : vector<16xf32> to vector<16xf32>
        tpu.vector_store %arg7[%swap3A_120], %swap3A_123 {add = true, strides = array<i32>} : memref<1024xf32, #tpu.memory_space<vmem>>, vector<16xf32>,
        %get3A_124 = arith.constant 112 : index
        %get3A_125 = tpu.vector_load %arg8[%get3A_124] {strides = array<i32>} : memref<1024xf32, #tpu.memory_space<vmem>>, vector<16xf32>,
        %get3A_126 = vector.shape_cast %get3A_125 : vector<16xf32> to vector<16xf32>
        %swap3A_127 = arith.constant 112 : index
        %swap3A_128 = tpu.vector_load %arg7[%swap3A_127] {strides = array<i32>} : memref<1024xf32, #tpu.memory_space<vmem>>, vector<16xf32>,
        %swap3A_129 = vector.shape_cast %swap3A_128 : vector<16xf32> to vector<16xf32>
        %swap3A_130 = vector.shape_cast %get3A_126 : vector<16xf32> to vector<16xf32>
        tpu.vector_store %arg7[%swap3A_127], %swap3A_130 {add = true, strides = array<i32>} : memref<1024xf32, #tpu.memory_space<vmem>>, vector<16xf32>,
        %get3A_131 = arith.constant 128 : index
        %get3A_132 = tpu.vector_load %arg8[%get3A_131] {strides = array<i32>} : memref<1024xf32, #tpu.memory_space<vmem>>, vector<16xf32>,
        %get3A_133 = vector.shape_cast %get3A_132 : vector<16xf32> to vector<16xf32>
        %swap3A_134 = arith.constant 128 : index
        %swap3A_135 = tpu.vector_load %arg7[%swap3A_134] {strides = array<i32>} : memref<1024xf32, #tpu.memory_space<vmem>>, vector<16xf32>,
        %swap3A_136 = vector.shape_cast %swap3A_135 : vector<16xf32> to vector<16xf32>
        %swap3A_137 = vector.shape_cast %get3A_133 : vector<16xf32> to vector<16xf32>
        tpu.vector_store %arg7[%swap3A_134], %swap3A_137 {add = true, strides = array<i32>} : memref<1024xf32, #tpu.memory_space<vmem>>, vector<16xf32>,
        %get3A_138 = arith.constant 144 : index
        %get3A_139 = tpu.vector_load %arg8[%get3A_138] {strides = array<i32>} : memref<1024xf32, #tpu.memory_space<vmem>>, vector<16xf32>,
        %get3A_140 = vector.shape_cast %get3A_139 : vector<16xf32> to vector<16xf32>
        %swap3A_141 = arith.constant 144 : index
        %swap3A_142 = tpu.vector_load %arg7[%swap3A_141] {strides = array<i32>} : memref<1024xf32, #tpu.memory_space<vmem>>, vector<16xf32>,
        %swap3A_143 = vector.shape_cast %swap3A_142 : vector<16xf32> to vector<16xf32>
        %swap3A_144 = vector.shape_cast %get3A_140 : vector<16xf32> to vector<16xf32>
        tpu.vector_store %arg7[%swap3A_141], %swap3A_144 {add = true, strides = array<i32>} : memref<1024xf32, #tpu.memory_space<vmem>>, vector<16xf32>,
        %get3A_145 = arith.constant 160 : index
        %get3A_146 = tpu.vector_load %arg8[%get3A_145] {strides = array<i32>} : memref<1024xf32, #tpu.memory_space<vmem>>, vector<16xf32>,
        %get3A_147 = vector.shape_cast %get3A_146 : vector<16xf32> to vector<16xf32>
        %swap3A_148 = arith.constant 160 : index
        %swap3A_149 = tpu.vector_load %arg7[%swap3A_148] {strides = array<i32>} : memref<1024xf32, #tpu.memory_space<vmem>>, vector<16xf32>,
        %swap3A_150 = vector.shape_cast %swap3A_149 : vector<16xf32> to vector<16xf32>
        %swap3A_151 = vector.shape_cast %get3A_147 : vector<16xf32> to vector<16xf32>
        tpu.vector_store %arg7[%swap3A_148], %swap3A_151 {add = true, strides = array<i32>} : memref<1024xf32, #tpu.memory_space<vmem>>, vector<16xf32>,
        %get3A_152 = arith.constant 176 : index
        %get3A_153 = tpu.vector_load %arg8[%get3A_152] {strides = array<i32>} : memref<1024xf32, #tpu.memory_space<vmem>>, vector<16xf32>,
        %get3A_154 = vector.shape_cast %get3A_153 : vector<16xf32> to vector<16xf32>
        %swap3A_155 = arith.constant 176 : index
        %swap3A_156 = tpu.vector_load %arg7[%swap3A_155] {strides = array<i32>} : memref<1024xf32, #tpu.memory_space<vmem>>, vector<16xf32>,
        %swap3A_157 = vector.shape_cast %swap3A_156 : vector<16xf32> to vector<16xf32>
        %swap3A_158 = vector.shape_cast %get3A_154 : vector<16xf32> to vector<16xf32>
        tpu.vector_store %arg7[%swap3A_155], %swap3A_158 {add = true, strides = array<i32>} : memref<1024xf32, #tpu.memory_space<vmem>>, vector<16xf32>,
        %get3A_159 = arith.constant 192 : index
        %get3A_160 = tpu.vector_load %arg8[%get3A_159] {strides = array<i32>} : memref<1024xf32, #tpu.memory_space<vmem>>, vector<16xf32>,
        %get3A_161 = vector.shape_cast %get3A_160 : vector<16xf32> to vector<16xf32>
        %swap3A_162 = arith.constant 192 : index
        %swap3A_163 = tpu.vector_load %arg7[%swap3A_162] {strides = array<i32>} : memref<1024xf32, #tpu.memory_space<vmem>>, vector<16xf32>,
        %swap3A_164 = vector.shape_cast %swap3A_163 : vector<16xf32> to vector<16xf32>
        %swap3A_165 = vector.shape_cast %get3A_161 : vector<16xf32> to vector<16xf32>
        tpu.vector_store %arg7[%swap3A_162], %swap3A_165 {add = true, strides = array<i32>} : memref<1024xf32, #tpu.memory_space<vmem>>, vector<16xf32>,
        %get3A_166 = arith.constant 208 : index
        %get3A_167 = tpu.vector_load %arg8[%get3A_166] {strides = array<i32>} : memref<1024xf32, #tpu.memory_space<vmem>>, vector<16xf32>,
        %get3A_168 = vector.shape_cast %get3A_167 : vector<16xf32> to vector<16xf32>
        %swap3A_169 = arith.constant 208 : index
        %swap3A_170 = tpu.vector_load %arg7[%swap3A_169] {strides = array<i32>} : memref<1024xf32, #tpu.memory_space<vmem>>, vector<16xf32>,
        %swap3A_171 = vector.shape_cast %swap3A_170 : vector<16xf32> to vector<16xf32>
        %swap3A_172 = vector.shape_cast %get3A_168 : vector<16xf32> to vector<16xf32>
        tpu.vector_store %arg7[%swap3A_169], %swap3A_172 {add = true, strides = array<i32>} : memref<1024xf32, #tpu.memory_space<vmem>>, vector<16xf32>,
        %get3A_173 = arith.constant 224 : index
        %get3A_174 = tpu.vector_load %arg8[%get3A_173] {strides = array<i32>} : memref<1024xf32, #tpu.memory_space<vmem>>, vector<16xf32>,
        %get3A_175 = vector.shape_cast %get3A_174 : vector<16xf32> to vector<16xf32>
        %swap3A_176 = arith.constant 224 : index
        %swap3A_177 = tpu.vector_load %arg7[%swap3A_176] {strides = array<i32>} : memref<1024xf32, #tpu.memory_space<vmem>>, vector<16xf32>,
        %swap3A_178 = vector.shape_cast %swap3A_177 : vector<16xf32> to vector<16xf32>
        %swap3A_179 = vector.shape_cast %get3A_175 : vector<16xf32> to vector<16xf32>
        tpu.vector_store %arg7[%swap3A_176], %swap3A_179 {add = true, strides = array<i32>} : memref<1024xf32, #tpu.memory_space<vmem>>, vector<16xf32>,
        %get3A_180 = arith.constant 240 : index
        %get3A_181 = tpu.vector_load %arg8[%get3A_180] {strides = array<i32>} : memref<1024xf32, #tpu.memory_space<vmem>>, vector<16xf32>,
        %get3A_182 = vector.shape_cast %get3A_181 : vector<16xf32> to vector<16xf32>
        %swap3A_183 = arith.constant 240 : index
        %swap3A_184 = tpu.vector_load %arg7[%swap3A_183] {strides = array<i32>} : memref<1024xf32, #tpu.memory_space<vmem>>, vector<16xf32>,
        %swap3A_185 = vector.shape_cast %swap3A_184 : vector<16xf32> to vector<16xf32>
        %swap3A_186 = vector.shape_cast %get3A_182 : vector<16xf32> to vector<16xf32>
        tpu.vector_store %arg7[%swap3A_183], %swap3A_186 {add = true, strides = array<i32>} : memref<1024xf32, #tpu.memory_space<vmem>>, vector<16xf32>,
        %get3A_187 = arith.constant 256 : index
        %get3A_188 = tpu.vector_load %arg8[%get3A_187] {strides = array<i32>} : memref<1024xf32, #tpu.memory_space<vmem>>, vector<16xf32>,
        %get3A_189 = vector.shape_cast %get3A_188 : vector<16xf32> to vector<16xf32>
        %swap3A_190 = arith.constant 256 : index
        %swap3A_191 = tpu.vector_load %arg7[%swap3A_190] {strides = array<i32>} : memref<1024xf32, #tpu.memory_space<vmem>>, vector<16xf32>,
        %swap3A_192 = vector.shape_cast %swap3A_191 : vector<16xf32> to vector<16xf32>
        %swap3A_193 = vector.shape_cast %get3A_189 : vector<16xf32> to vector<16xf32>
        tpu.vector_store %arg7[%swap3A_190], %swap3A_193 {add = true, strides = array<i32>} : memref<1024xf32, #tpu.memory_space<vmem>>, vector<16xf32>,
        %get3A_194 = arith.constant 272 : index
        %get3A_195 = tpu.vector_load %arg8[%get3A_194] {strides = array<i32>} : memref<1024xf32, #tpu.memory_space<vmem>>, vector<16xf32>,
        %get3A_196 = vector.shape_cast %get3A_195 : vector<16xf32> to vector<16xf32>
        %swap3A_197 = arith.constant 272 : index
        %swap3A_198 = tpu.vector_load %arg7[%swap3A_197] {strides = array<i32>} : memref<1024xf32, #tpu.memory_space<vmem>>, vector<16xf32>,
        %swap3A_199 = vector.shape_cast %swap3A_198 : vector<16xf32> to vector<16xf32>
        %swap3A_200 = vector.shape_cast %get3A_196 : vector<16xf32> to vector<16xf32>
        tpu.vector_store %arg7[%swap3A_197], %swap3A_200 {add = true, strides = array<i32>} : memref<1024xf32, #tpu.memory_space<vmem>>, vector<16xf32>,
        %get3A_201 = arith.constant 288 : index
        %get3A_202 = tpu.vector_load %arg8[%get3A_201] {strides = array<i32>} : memref<1024xf32, #tpu.memory_space<vmem>>, vector<16xf32>,
        %get3A_203 = vector.shape_cast %get3A_202 : vector<16xf32> to vector<16xf32>
        %swap3A_204 = arith.constant 288 : index
        %swap3A_205 = tpu.vector_load %arg7[%swap3A_204] {strides = array<i32>} : memref<1024xf32, #tpu.memory_space<vmem>>, vector<16xf32>,
        %swap3A_206 = vector.shape_cast %swap3A_205 : vector<16xf32> to vector<16xf32>
        %swap3A_207 = vector.shape_cast %get3A_203 : vector<16xf32> to vector<16xf32>
        tpu.vector_store %arg7[%swap3A_204], %swap3A_207 {add = true, strides = array<i32>} : memref<1024xf32, #tpu.memory_space<vmem>>, vector<16xf32>,
        %get3A_208 = arith.constant 304 : index
        %get3A_209 = tpu.vector_load %arg8[%get3A_208] {strides = array<i32>} : memref<1024xf32, #tpu.memory_space<vmem>>, vector<16xf32>,
        %get3A_210 = vector.shape_cast %get3A_209 : vector<16xf32> to vector<16xf32>
        %swap3A_211 = arith.constant 304 : index
        %swap3A_212 = tpu.vector_load %arg7[%swap3A_211] {strides = array<i32>} : memref<1024xf32, #tpu.memory_space<vmem>>, vector<16xf32>,
        %swap3A_213 = vector.shape_cast %swap3A_212 : vector<16xf32> to vector<16xf32>
        %swap3A_214 = vector.shape_cast %get3A_210 : vector<16xf32> to vector<16xf32>
        tpu.vector_store %arg7[%swap3A_211], %swap3A_214 {add = true, strides = array<i32>} : memref<1024xf32, #tpu.memory_space<vmem>>, vector<16xf32>,
        %get3A_215 = arith.constant 320 : index
        %get3A_216 = tpu.vector_load %arg8[%get3A_215] {strides = array<i32>} : memref<1024xf32, #tpu.memory_space<vmem>>, vector<16xf32>,
        %get3A_217 = vector.shape_cast %get3A_216 : vector<16xf32> to vector<16xf32>
        %swap3A_218 = arith.constant 320 : index
        %swap3A_219 = tpu.vector_load %arg7[%swap3A_218] {strides = array<i32>} : memref<1024xf32, #tpu.memory_space<vmem>>, vector<16xf32>,
        %swap3A_220 = vector.shape_cast %swap3A_219 : vector<16xf32> to vector<16xf32>
        %swap3A_221 = vector.shape_cast %get3A_217 : vector<16xf32> to vector<16xf32>
        tpu.vector_store %arg7[%swap3A_218], %swap3A_221 {add = true, strides = array<i32>} : memref<1024xf32, #tpu.memory_space<vmem>>, vector<16xf32>,
        %get3A_222 = arith.constant 336 : index
        %get3A_223 = tpu.vector_load %arg8[%get3A_222] {strides = array<i32>} : memref<1024xf32, #tpu.memory_space<vmem>>, vector<16xf32>,
        %get3A_224 = vector.shape_cast %get3A_223 : vector<16xf32> to vector<16xf32>
        %swap3A_225 = arith.constant 336 : index
        %swap3A_226 = tpu.vector_load %arg7[%swap3A_225] {strides = array<i32>} : memref<1024xf32, #tpu.memory_space<vmem>>, vector<16xf32>,
        %swap3A_227 = vector.shape_cast %swap3A_226 : vector<16xf32> to vector<16xf32>
        %swap3A_228 = vector.shape_cast %get3A_224 : vector<16xf32> to vector<16xf32>
        tpu.vector_store %arg7[%swap3A_225], %swap3A_228 {add = true, strides = array<i32>} : memref<1024xf32, #tpu.memory_space<vmem>>, vector<16xf32>,
        %get3A_229 = arith.constant 352 : index
        %get3A_230 = tpu.vector_load %arg8[%get3A_229] {strides = array<i32>} : memref<1024xf32, #tpu.memory_space<vmem>>, vector<16xf32>,
        %get3A_231 = vector.shape_cast %get3A_230 : vector<16xf32> to vector<16xf32>
        %swap3A_232 = arith.constant 352 : index
        %swap3A_233 = tpu.vector_load %arg7[%swap3A_232] {strides = array<i32>} : memref<1024xf32, #tpu.memory_space<vmem>>, vector<16xf32>,
        %swap3A_234 = vector.shape_cast %swap3A_233 : vector<16xf32> to vector<16xf32>
        %swap3A_235 = vector.shape_cast %get3A_231 : vector<16xf32> to vector<16xf32>
        tpu.vector_store %arg7[%swap3A_232], %swap3A_235 {add = true, strides = array<i32>} : memref<1024xf32, #tpu.memory_space<vmem>>, vector<16xf32>,
        %get3A_236 = arith.constant 368 : index
        %get3A_237 = tpu.vector_load %arg8[%get3A_236] {strides = array<i32>} : memref<1024xf32, #tpu.memory_space<vmem>>, vector<16xf32>,
        %get3A_238 = vector.shape_cast %get3A_237 : vector<16xf32> to vector<16xf32>
        %swap3A_239 = arith.constant 368 : index
        %swap3A_240 = tpu.vector_load %arg7[%swap3A_239] {strides = array<i32>} : memref<1024xf32, #tpu.memory_space<vmem>>, vector<16xf32>,
        %swap3A_241 = vector.shape_cast %swap3A_240 : vector<16xf32> to vector<16xf32>
        %swap3A_242 = vector.shape_cast %get3A_238 : vector<16xf32> to vector<16xf32>
        tpu.vector_store %arg7[%swap3A_239], %swap3A_242 {add = true, strides = array<i32>} : memref<1024xf32, #tpu.memory_space<vmem>>, vector<16xf32>,
        %get3A_243 = arith.constant 384 : index
        %get3A_244 = tpu.vector_load %arg8[%get3A_243] {strides = array<i32>} : memref<1024xf32, #tpu.memory_space<vmem>>, vector<16xf32>,
        %get3A_245 = vector.shape_cast %get3A_244 : vector<16xf32> to vector<16xf32>
        %swap3A_246 = arith.constant 384 : index
        %swap3A_247 = tpu.vector_load %arg7[%swap3A_246] {strides = array<i32>} : memref<1024xf32, #tpu.memory_space<vmem>>, vector<16xf32>,
        %swap3A_248 = vector.shape_cast %swap3A_247 : vector<16xf32> to vector<16xf32>
        %swap3A_249 = vector.shape_cast %get3A_245 : vector<16xf32> to vector<16xf32>
        tpu.vector_store %arg7[%swap3A_246], %swap3A_249 {add = true, strides = array<i32>} : memref<1024xf32, #tpu.memory_space<vmem>>, vector<16xf32>,
        %get3A_250 = arith.constant 400 : index
        %get3A_251 = tpu.vector_load %arg8[%get3A_250] {strides = array<i32>} : memref<1024xf32, #tpu.memory_space<vmem>>, vector<16xf32>,
        %get3A_252 = vector.shape_cast %get3A_251 : vector<16xf32> to vector<16xf32>
        %swap3A_253 = arith.constant 400 : index
        %swap3A_254 = tpu.vector_load %arg7[%swap3A_253] {strides = array<i32>} : memref<1024xf32, #tpu.memory_space<vmem>>, vector<16xf32>,
        %swap3A_255 = vector.shape_cast %swap3A_254 : vector<16xf32> to vector<16xf32>
        %swap3A_256 = vector.shape_cast %get3A_252 : vector<16xf32> to vector<16xf32>
        tpu.vector_store %arg7[%swap3A_253], %swap3A_256 {add = true, strides = array<i32>} : memref<1024xf32, #tpu.memory_space<vmem>>, vector<16xf32>,
        %get3A_257 = arith.constant 416 : index
        %get3A_258 = tpu.vector_load %arg8[%get3A_257] {strides = array<i32>} : memref<1024xf32, #tpu.memory_space<vmem>>, vector<16xf32>,
        %get3A_259 = vector.shape_cast %get3A_258 : vector<16xf32> to vector<16xf32>
        %swap3A_260 = arith.constant 416 : index
        %swap3A_261 = tpu.vector_load %arg7[%swap3A_260] {strides = array<i32>} : memref<1024xf32, #tpu.memory_space<vmem>>, vector<16xf32>,
        %swap3A_262 = vector.shape_cast %swap3A_261 : vector<16xf32> to vector<16xf32>
        %swap3A_263 = vector.shape_cast %get3A_259 : vector<16xf32> to vector<16xf32>
        tpu.vector_store %arg7[%swap3A_260], %swap3A_263 {add = true, strides = array<i32>} : memref<1024xf32, #tpu.memory_space<vmem>>, vector<16xf32>,
        %get3A_264 = arith.constant 432 : index
        %get3A_265 = tpu.vector_load %arg8[%get3A_264] {strides = array<i32>} : memref<1024xf32, #tpu.memory_space<vmem>>, vector<16xf32>,
        %get3A_266 = vector.shape_cast %get3A_265 : vector<16xf32> to vector<16xf32>
        %swap3A_267 = arith.constant 432 : index
        %swap3A_268 = tpu.vector_load %arg7[%swap3A_267] {strides = array<i32>} : memref<1024xf32, #tpu.memory_space<vmem>>, vector<16xf32>,
        %swap3A_269 = vector.shape_cast %swap3A_268 : vector<16xf32> to vector<16xf32>
        %swap3A_270 = vector.shape_cast %get3A_266 : vector<16xf32> to vector<16xf32>
        tpu.vector_store %arg7[%swap3A_267], %swap3A_270 {add = true, strides = array<i32>} : memref<1024xf32, #tpu.memory_space<vmem>>, vector<16xf32>,
        %get3A_271 = arith.constant 448 : index
        %get3A_272 = tpu.vector_load %arg8[%get3A_271] {strides = array<i32>} : memref<1024xf32, #tpu.memory_space<vmem>>, vector<16xf32>,
        %get3A_273 = vector.shape_cast %get3A_272 : vector<16xf32> to vector<16xf32>
        %swap3A_274 = arith.constant 448 : index
        %swap3A_275 = tpu.vector_load %arg7[%swap3A_274] {strides = array<i32>} : memref<1024xf32, #tpu.memory_space<vmem>>, vector<16xf32>,
        %swap3A_276 = vector.shape_cast %swap3A_275 : vector<16xf32> to vector<16xf32>
        %swap3A_277 = vector.shape_cast %get3A_273 : vector<16xf32> to vector<16xf32>
        tpu.vector_store %arg7[%swap3A_274], %swap3A_277 {add = true, strides = array<i32>} : memref<1024xf32, #tpu.memory_space<vmem>>, vector<16xf32>,
        %get3A_278 = arith.constant 464 : index
        %get3A_279 = tpu.vector_load %arg8[%get3A_278] {strides = array<i32>} : memref<1024xf32, #tpu.memory_space<vmem>>, vector<16xf32>,
        %get3A_280 = vector.shape_cast %get3A_279 : vector<16xf32> to vector<16xf32>
        %swap3A_281 = arith.constant 464 : index
        %swap3A_282 = tpu.vector_load %arg7[%swap3A_281] {strides = array<i32>} : memref<1024xf32, #tpu.memory_space<vmem>>, vector<16xf32>,
        %swap3A_283 = vector.shape_cast %swap3A_282 : vector<16xf32> to vector<16xf32>
        %swap3A_284 = vector.shape_cast %get3A_280 : vector<16xf32> to vector<16xf32>
        tpu.vector_store %arg7[%swap3A_281], %swap3A_284 {add = true, strides = array<i32>} : memref<1024xf32, #tpu.memory_space<vmem>>, vector<16xf32>,
        %get3A_285 = arith.constant 480 : index
        %get3A_286 = tpu.vector_load %arg8[%get3A_285] {strides = array<i32>} : memref<1024xf32, #tpu.memory_space<vmem>>, vector<16xf32>,
        %get3A_287 = vector.shape_cast %get3A_286 : vector<16xf32> to vector<16xf32>
        %swap3A_288 = arith.constant 480 : index
        %swap3A_289 = tpu.vector_load %arg7[%swap3A_288] {strides = array<i32>} : memref<1024xf32, #tpu.memory_space<vmem>>, vector<16xf32>,
        %swap3A_290 = vector.shape_cast %swap3A_289 : vector<16xf32> to vector<16xf32>
        %swap3A_291 = vector.shape_cast %get3A_287 : vector<16xf32> to vector<16xf32>
        tpu.vector_store %arg7[%swap3A_288], %swap3A_291 {add = true, strides = array<i32>} : memref<1024xf32, #tpu.memory_space<vmem>>, vector<16xf32>,
        %get3A_292 = arith.constant 496 : index
        %get3A_293 = tpu.vector_load %arg8[%get3A_292] {strides = array<i32>} : memref<1024xf32, #tpu.memory_space<vmem>>, vector<16xf32>,
        %get3A_294 = vector.shape_cast %get3A_293 : vector<16xf32> to vector<16xf32>
        %swap3A_295 = arith.constant 496 : index
        %swap3A_296 = tpu.vector_load %arg7[%swap3A_295] {strides = array<i32>} : memref<1024xf32, #tpu.memory_space<vmem>>, vector<16xf32>,
        %swap3A_297 = vector.shape_cast %swap3A_296 : vector<16xf32> to vector<16xf32>
        %swap3A_298 = vector.shape_cast %get3A_294 : vector<16xf32> to vector<16xf32>
        tpu.vector_store %arg7[%swap3A_295], %swap3A_298 {add = true, strides = array<i32>} : memref<1024xf32, #tpu.memory_space<vmem>>, vector<16xf32>,
        %get3A_299 = arith.constant 512 : index
        %get3A_300 = tpu.vector_load %arg8[%get3A_299] {strides = array<i32>} : memref<1024xf32, #tpu.memory_space<vmem>>, vector<16xf32>,
        %get3A_301 = vector.shape_cast %get3A_300 : vector<16xf32> to vector<16xf32>
        %swap3A_302 = arith.constant 512 : index
        %swap3A_303 = tpu.vector_load %arg7[%swap3A_302] {strides = array<i32>} : memref<1024xf32, #tpu.memory_space<vmem>>, vector<16xf32>,
        %swap3A_304 = vector.shape_cast %swap3A_303 : vector<16xf32> to vector<16xf32>
        %swap3A_305 = vector.shape_cast %get3A_301 : vector<16xf32> to vector<16xf32>
        tpu.vector_store %arg7[%swap3A_302], %swap3A_305 {add = true, strides = array<i32>} : memref<1024xf32, #tpu.memory_space<vmem>>, vector<16xf32>,
        %get3A_306 = arith.constant 528 : index
        %get3A_307 = tpu.vector_load %arg8[%get3A_306] {strides = array<i32>} : memref<1024xf32, #tpu.memory_space<vmem>>, vector<16xf32>,
        %get3A_308 = vector.shape_cast %get3A_307 : vector<16xf32> to vector<16xf32>
        %swap3A_309 = arith.constant 528 : index
        %swap3A_310 = tpu.vector_load %arg7[%swap3A_309] {strides = array<i32>} : memref<1024xf32, #tpu.memory_space<vmem>>, vector<16xf32>,
        %swap3A_311 = vector.shape_cast %swap3A_310 : vector<16xf32> to vector<16xf32>
        %swap3A_312 = vector.shape_cast %get3A_308 : vector<16xf32> to vector<16xf32>
        tpu.vector_store %arg7[%swap3A_309], %swap3A_312 {add = true, strides = array<i32>} : memref<1024xf32, #tpu.memory_space<vmem>>, vector<16xf32>,
        %get3A_313 = arith.constant 544 : index
        %get3A_314 = tpu.vector_load %arg8[%get3A_313] {strides = array<i32>} : memref<1024xf32, #tpu.memory_space<vmem>>, vector<16xf32>,
        %get3A_315 = vector.shape_cast %get3A_314 : vector<16xf32> to vector<16xf32>
        %swap3A_316 = arith.constant 544 : index
        %swap3A_317 = tpu.vector_load %arg7[%swap3A_316] {strides = array<i32>} : memref<1024xf32, #tpu.memory_space<vmem>>, vector<16xf32>,
        %swap3A_318 = vector.shape_cast %swap3A_317 : vector<16xf32> to vector<16xf32>
        %swap3A_319 = vector.shape_cast %get3A_315 : vector<16xf32> to vector<16xf32>
        tpu.vector_store %arg7[%swap3A_316], %swap3A_319 {add = true, strides = array<i32>} : memref<1024xf32, #tpu.memory_space<vmem>>, vector<16xf32>,
        %get3A_320 = arith.constant 560 : index
        %get3A_321 = tpu.vector_load %arg8[%get3A_320] {strides = array<i32>} : memref<1024xf32, #tpu.memory_space<vmem>>, vector<16xf32>,
        %get3A_322 = vector.shape_cast %get3A_321 : vector<16xf32> to vector<16xf32>
        %swap3A_323 = arith.constant 560 : index
        %swap3A_324 = tpu.vector_load %arg7[%swap3A_323] {strides = array<i32>} : memref<1024xf32, #tpu.memory_space<vmem>>, vector<16xf32>,
        %swap3A_325 = vector.shape_cast %swap3A_324 : vector<16xf32> to vector<16xf32>
        %swap3A_326 = vector.shape_cast %get3A_322 : vector<16xf32> to vector<16xf32>
        tpu.vector_store %arg7[%swap3A_323], %swap3A_326 {add = true, strides = array<i32>} : memref<1024xf32, #tpu.memory_space<vmem>>, vector<16xf32>,
        %get3A_327 = arith.constant 576 : index
        %get3A_328 = tpu.vector_load %arg8[%get3A_327] {strides = array<i32>} : memref<1024xf32, #tpu.memory_space<vmem>>, vector<16xf32>,
        %get3A_329 = vector.shape_cast %get3A_328 : vector<16xf32> to vector<16xf32>
        %swap3A_330 = arith.constant 576 : index
        %swap3A_331 = tpu.vector_load %arg7[%swap3A_330] {strides = array<i32>} : memref<1024xf32, #tpu.memory_space<vmem>>, vector<16xf32>,
        %swap3A_332 = vector.shape_cast %swap3A_331 : vector<16xf32> to vector<16xf32>
        %swap3A_333 = vector.shape_cast %get3A_329 : vector<16xf32> to vector<16xf32>
        tpu.vector_store %arg7[%swap3A_330], %swap3A_333 {add = true, strides = array<i32>} : memref<1024xf32, #tpu.memory_space<vmem>>, vector<16xf32>,
        %get3A_334 = arith.constant 592 : index
        %get3A_335 = tpu.vector_load %arg8[%get3A_334] {strides = array<i32>} : memref<1024xf32, #tpu.memory_space<vmem>>, vector<16xf32>,
        %get3A_336 = vector.shape_cast %get3A_335 : vector<16xf32> to vector<16xf32>
        %swap3A_337 = arith.constant 592 : index
        %swap3A_338 = tpu.vector_load %arg7[%swap3A_337] {strides = array<i32>} : memref<1024xf32, #tpu.memory_space<vmem>>, vector<16xf32>,
        %swap3A_339 = vector.shape_cast %swap3A_338 : vector<16xf32> to vector<16xf32>
        %swap3A_340 = vector.shape_cast %get3A_336 : vector<16xf32> to vector<16xf32>
        tpu.vector_store %arg7[%swap3A_337], %swap3A_340 {add = true, strides = array<i32>} : memref<1024xf32, #tpu.memory_space<vmem>>, vector<16xf32>,
        %get3A_341 = arith.constant 608 : index
        %get3A_342 = tpu.vector_load %arg8[%get3A_341] {strides = array<i32>} : memref<1024xf32, #tpu.memory_space<vmem>>, vector<16xf32>,
        %get3A_343 = vector.shape_cast %get3A_342 : vector<16xf32> to vector<16xf32>
        %swap3A_344 = arith.constant 608 : index
        %swap3A_345 = tpu.vector_load %arg7[%swap3A_344] {strides = array<i32>} : memref<1024xf32, #tpu.memory_space<vmem>>, vector<16xf32>,
        %swap3A_346 = vector.shape_cast %swap3A_345 : vector<16xf32> to vector<16xf32>
        %swap3A_347 = vector.shape_cast %get3A_343 : vector<16xf32> to vector<16xf32>
        tpu.vector_store %arg7[%swap3A_344], %swap3A_347 {add = true, strides = array<i32>} : memref<1024xf32, #tpu.memory_space<vmem>>, vector<16xf32>,
        %get3A_348 = arith.constant 624 : index
        %get3A_349 = tpu.vector_load %arg8[%get3A_348] {strides = array<i32>} : memref<1024xf32, #tpu.memory_space<vmem>>, vector<16xf32>,
        %get3A_350 = vector.shape_cast %get3A_349 : vector<16xf32> to vector<16xf32>
        %swap3A_351 = arith.constant 624 : index
        %swap3A_352 = tpu.vector_load %arg7[%swap3A_351] {strides = array<i32>} : memref<1024xf32, #tpu.memory_space<vmem>>, vector<16xf32>,
        %swap3A_353 = vector.shape_cast %swap3A_352 : vector<16xf32> to vector<16xf32>
        %swap3A_354 = vector.shape_cast %get3A_350 : vector<16xf32> to vector<16xf32>
        tpu.vector_store %arg7[%swap3A_351], %swap3A_354 {add = true, strides = array<i32>} : memref<1024xf32, #tpu.memory_space<vmem>>, vector<16xf32>,
        %get3A_355 = arith.constant 640 : index
        %get3A_356 = tpu.vector_load %arg8[%get3A_355] {strides = array<i32>} : memref<1024xf32, #tpu.memory_space<vmem>>, vector<16xf32>,
        %get3A_357 = vector.shape_cast %get3A_356 : vector<16xf32> to vector<16xf32>
        %swap3A_358 = arith.constant 640 : index
        %swap3A_359 = tpu.vector_load %arg7[%swap3A_358] {strides = array<i32>} : memref<1024xf32, #tpu.memory_space<vmem>>, vector<16xf32>,
        %swap3A_360 = vector.shape_cast %swap3A_359 : vector<16xf32> to vector<16xf32>
        %swap3A_361 = vector.shape_cast %get3A_357 : vector<16xf32> to vector<16xf32>
        tpu.vector_store %arg7[%swap3A_358], %swap3A_361 {add = true, strides = array<i32>} : memref<1024xf32, #tpu.memory_space<vmem>>, vector<16xf32>,
        %get3A_362 = arith.constant 656 : index
        %get3A_363 = tpu.vector_load %arg8[%get3A_362] {strides = array<i32>} : memref<1024xf32, #tpu.memory_space<vmem>>, vector<16xf32>,
        %get3A_364 = vector.shape_cast %get3A_363 : vector<16xf32> to vector<16xf32>
        %swap3A_365 = arith.constant 656 : index
        %swap3A_366 = tpu.vector_load %arg7[%swap3A_365] {strides = array<i32>} : memref<1024xf32, #tpu.memory_space<vmem>>, vector<16xf32>,
        %swap3A_367 = vector.shape_cast %swap3A_366 : vector<16xf32> to vector<16xf32>
        %swap3A_368 = vector.shape_cast %get3A_364 : vector<16xf32> to vector<16xf32>
        tpu.vector_store %arg7[%swap3A_365], %swap3A_368 {add = true, strides = array<i32>} : memref<1024xf32, #tpu.memory_space<vmem>>, vector<16xf32>,
        %get3A_369 = arith.constant 672 : index
        %get3A_370 = tpu.vector_load %arg8[%get3A_369] {strides = array<i32>} : memref<1024xf32, #tpu.memory_space<vmem>>, vector<16xf32>,
        %get3A_371 = vector.shape_cast %get3A_370 : vector<16xf32> to vector<16xf32>
        %swap3A_372 = arith.constant 672 : index
        %swap3A_373 = tpu.vector_load %arg7[%swap3A_372] {strides = array<i32>} : memref<1024xf32, #tpu.memory_space<vmem>>, vector<16xf32>,
        %swap3A_374 = vector.shape_cast %swap3A_373 : vector<16xf32> to vector<16xf32>
        %swap3A_375 = vector.shape_cast %get3A_371 : vector<16xf32> to vector<16xf32>
        tpu.vector_store %arg7[%swap3A_372], %swap3A_375 {add = true, strides = array<i32>} : memref<1024xf32, #tpu.memory_space<vmem>>, vector<16xf32>,
        %get3A_376 = arith.constant 688 : index
        %get3A_377 = tpu.vector_load %arg8[%get3A_376] {strides = array<i32>} : memref<1024xf32, #tpu.memory_space<vmem>>, vector<16xf32>,
        %get3A_378 = vector.shape_cast %get3A_377 : vector<16xf32> to vector<16xf32>
        %swap3A_379 = arith.constant 688 : index
        %swap3A_380 = tpu.vector_load %arg7[%swap3A_379] {strides = array<i32>} : memref<1024xf32, #tpu.memory_space<vmem>>, vector<16xf32>,
        %swap3A_381 = vector.shape_cast %swap3A_380 : vector<16xf32> to vector<16xf32>
        %swap3A_382 = vector.shape_cast %get3A_378 : vector<16xf32> to vector<16xf32>
        tpu.vector_store %arg7[%swap3A_379], %swap3A_382 {add = true, strides = array<i32>} : memref<1024xf32, #tpu.memory_space<vmem>>, vector<16xf32>,
        %get3A_383 = arith.constant 704 : index
        %get3A_384 = tpu.vector_load %arg8[%get3A_383] {strides = array<i32>} : memref<1024xf32, #tpu.memory_space<vmem>>, vector<16xf32>,
        %get3A_385 = vector.shape_cast %get3A_384 : vector<16xf32> to vector<16xf32>
        %swap3A_386 = arith.constant 704 : index
        %swap3A_387 = tpu.vector_load %arg7[%swap3A_386] {strides = array<i32>} : memref<1024xf32, #tpu.memory_space<vmem>>, vector<16xf32>,
        %swap3A_388 = vector.shape_cast %swap3A_387 : vector<16xf32> to vector<16xf32>
        %swap3A_389 = vector.shape_cast %get3A_385 : vector<16xf32> to vector<16xf32>
        tpu.vector_store %arg7[%swap3A_386], %swap3A_389 {add = true, strides = array<i32>} : memref<1024xf32, #tpu.memory_space<vmem>>, vector<16xf32>,
        %get3A_390 = arith.constant 720 : index
        %get3A_391 = tpu.vector_load %arg8[%get3A_390] {strides = array<i32>} : memref<1024xf32, #tpu.memory_space<vmem>>, vector<16xf32>,
        %get3A_392 = vector.shape_cast %get3A_391 : vector<16xf32> to vector<16xf32>
        %swap3A_393 = arith.constant 720 : index
        %swap3A_394 = tpu.vector_load %arg7[%swap3A_393] {strides = array<i32>} : memref<1024xf32, #tpu.memory_space<vmem>>, vector<16xf32>,
        %swap3A_395 = vector.shape_cast %swap3A_394 : vector<16xf32> to vector<16xf32>
        %swap3A_396 = vector.shape_cast %get3A_392 : vector<16xf32> to vector<16xf32>
        tpu.vector_store %arg7[%swap3A_393], %swap3A_396 {add = true, strides = array<i32>} : memref<1024xf32, #tpu.memory_space<vmem>>, vector<16xf32>,
        %get3A_397 = arith.constant 736 : index
        %get3A_398 = tpu.vector_load %arg8[%get3A_397] {strides = array<i32>} : memref<1024xf32, #tpu.memory_space<vmem>>, vector<16xf32>,
        %get3A_399 = vector.shape_cast %get3A_398 : vector<16xf32> to vector<16xf32>
        %swap3A_400 = arith.constant 736 : index
        %swap3A_401 = tpu.vector_load %arg7[%swap3A_400] {strides = array<i32>} : memref<1024xf32, #tpu.memory_space<vmem>>, vector<16xf32>,
        %swap3A_402 = vector.shape_cast %swap3A_401 : vector<16xf32> to vector<16xf32>
        %swap3A_403 = vector.shape_cast %get3A_399 : vector<16xf32> to vector<16xf32>
        tpu.vector_store %arg7[%swap3A_400], %swap3A_403 {add = true, strides = array<i32>} : memref<1024xf32, #tpu.memory_space<vmem>>, vector<16xf32>,
        %get3A_404 = arith.constant 752 : index
        %get3A_405 = tpu.vector_load %arg8[%get3A_404] {strides = array<i32>} : memref<1024xf32, #tpu.memory_space<vmem>>, vector<16xf32>,
        %get3A_406 = vector.shape_cast %get3A_405 : vector<16xf32> to vector<16xf32>
        %swap3A_407 = arith.constant 752 : index
        %swap3A_408 = tpu.vector_load %arg7[%swap3A_407] {strides = array<i32>} : memref<1024xf32, #tpu.memory_space<vmem>>, vector<16xf32>,
        %swap3A_409 = vector.shape_cast %swap3A_408 : vector<16xf32> to vector<16xf32>
        %swap3A_410 = vector.shape_cast %get3A_406 : vector<16xf32> to vector<16xf32>
        tpu.vector_store %arg7[%swap3A_407], %swap3A_410 {add = true, strides = array<i32>} : memref<1024xf32, #tpu.memory_space<vmem>>, vector<16xf32>,
        %get3A_411 = arith.constant 768 : index
        %get3A_412 = tpu.vector_load %arg8[%get3A_411] {strides = array<i32>} : memref<1024xf32, #tpu.memory_space<vmem>>, vector<16xf32>,
        %get3A_413 = vector.shape_cast %get3A_412 : vector<16xf32> to vector<16xf32>
        %swap3A_414 = arith.constant 768 : index
        %swap3A_415 = tpu.vector_load %arg7[%swap3A_414] {strides = array<i32>} : memref<1024xf32, #tpu.memory_space<vmem>>, vector<16xf32>,
        %swap3A_416 = vector.shape_cast %swap3A_415 : vector<16xf32> to vector<16xf32>
        %swap3A_417 = vector.shape_cast %get3A_413 : vector<16xf32> to vector<16xf32>
        tpu.vector_store %arg7[%swap3A_414], %swap3A_417 {add = true, strides = array<i32>} : memref<1024xf32, #tpu.memory_space<vmem>>, vector<16xf32>,
        %get3A_418 = arith.constant 784 : index
        %get3A_419 = tpu.vector_load %arg8[%get3A_418] {strides = array<i32>} : memref<1024xf32, #tpu.memory_space<vmem>>, vector<16xf32>,
        %get3A_420 = vector.shape_cast %get3A_419 : vector<16xf32> to vector<16xf32>
        %swap3A_421 = arith.constant 784 : index
        %swap3A_422 = tpu.vector_load %arg7[%swap3A_421] {strides = array<i32>} : memref<1024xf32, #tpu.memory_space<vmem>>, vector<16xf32>,
        %swap3A_423 = vector.shape_cast %swap3A_422 : vector<16xf32> to vector<16xf32>
        %swap3A_424 = vector.shape_cast %get3A_420 : vector<16xf32> to vector<16xf32>
        tpu.vector_store %arg7[%swap3A_421], %swap3A_424 {add = true, strides = array<i32>} : memref<1024xf32, #tpu.memory_space<vmem>>, vector<16xf32>,
        %get3A_425 = arith.constant 800 : index
        %get3A_426 = tpu.vector_load %arg8[%get3A_425] {strides = array<i32>} : memref<1024xf32, #tpu.memory_space<vmem>>, vector<16xf32>,
        %get3A_427 = vector.shape_cast %get3A_426 : vector<16xf32> to vector<16xf32>
        %swap3A_428 = arith.constant 800 : index
        %swap3A_429 = tpu.vector_load %arg7[%swap3A_428] {strides = array<i32>} : memref<1024xf32, #tpu.memory_space<vmem>>, vector<16xf32>,
        %swap3A_430 = vector.shape_cast %swap3A_429 : vector<16xf32> to vector<16xf32>
        %swap3A_431 = vector.shape_cast %get3A_427 : vector<16xf32> to vector<16xf32>
        tpu.vector_store %arg7[%swap3A_428], %swap3A_431 {add = true, strides = array<i32>} : memref<1024xf32, #tpu.memory_space<vmem>>, vector<16xf32>,
        %get3A_432 = arith.constant 816 : index
        %get3A_433 = tpu.vector_load %arg8[%get3A_432] {strides = array<i32>} : memref<1024xf32, #tpu.memory_space<vmem>>, vector<16xf32>,
        %get3A_434 = vector.shape_cast %get3A_433 : vector<16xf32> to vector<16xf32>
        %swap3A_435 = arith.constant 816 : index
        %swap3A_436 = tpu.vector_load %arg7[%swap3A_435] {strides = array<i32>} : memref<1024xf32, #tpu.memory_space<vmem>>, vector<16xf32>,
        %swap3A_437 = vector.shape_cast %swap3A_436 : vector<16xf32> to vector<16xf32>
        %swap3A_438 = vector.shape_cast %get3A_434 : vector<16xf32> to vector<16xf32>
        tpu.vector_store %arg7[%swap3A_435], %swap3A_438 {add = true, strides = array<i32>} : memref<1024xf32, #tpu.memory_space<vmem>>, vector<16xf32>,
        %get3A_439 = arith.constant 832 : index
        %get3A_440 = tpu.vector_load %arg8[%get3A_439] {strides = array<i32>} : memref<1024xf32, #tpu.memory_space<vmem>>, vector<16xf32>,
        %get3A_441 = vector.shape_cast %get3A_440 : vector<16xf32> to vector<16xf32>
        %swap3A_442 = arith.constant 832 : index
        %swap3A_443 = tpu.vector_load %arg7[%swap3A_442] {strides = array<i32>} : memref<1024xf32, #tpu.memory_space<vmem>>, vector<16xf32>,
        %swap3A_444 = vector.shape_cast %swap3A_443 : vector<16xf32> to vector<16xf32>
        %swap3A_445 = vector.shape_cast %get3A_441 : vector<16xf32> to vector<16xf32>
        tpu.vector_store %arg7[%swap3A_442], %swap3A_445 {add = true, strides = array<i32>} : memref<1024xf32, #tpu.memory_space<vmem>>, vector<16xf32>,
        %get3A_446 = arith.constant 848 : index
        %get3A_447 = tpu.vector_load %arg8[%get3A_446] {strides = array<i32>} : memref<1024xf32, #tpu.memory_space<vmem>>, vector<16xf32>,
        %get3A_448 = vector.shape_cast %get3A_447 : vector<16xf32> to vector<16xf32>
        %swap3A_449 = arith.constant 848 : index
        %swap3A_450 = tpu.vector_load %arg7[%swap3A_449] {strides = array<i32>} : memref<1024xf32, #tpu.memory_space<vmem>>, vector<16xf32>,
        %swap3A_451 = vector.shape_cast %swap3A_450 : vector<16xf32> to vector<16xf32>
        %swap3A_452 = vector.shape_cast %get3A_448 : vector<16xf32> to vector<16xf32>
        tpu.vector_store %arg7[%swap3A_449], %swap3A_452 {add = true, strides = array<i32>} : memref<1024xf32, #tpu.memory_space<vmem>>, vector<16xf32>,
        %get3A_453 = arith.constant 864 : index
        %get3A_454 = tpu.vector_load %arg8[%get3A_453] {strides = array<i32>} : memref<1024xf32, #tpu.memory_space<vmem>>, vector<16xf32>,
        %get3A_455 = vector.shape_cast %get3A_454 : vector<16xf32> to vector<16xf32>
        %swap3A_456 = arith.constant 864 : index
        %swap3A_457 = tpu.vector_load %arg7[%swap3A_456] {strides = array<i32>} : memref<1024xf32, #tpu.memory_space<vmem>>, vector<16xf32>,
        %swap3A_458 = vector.shape_cast %swap3A_457 : vector<16xf32> to vector<16xf32>
        %swap3A_459 = vector.shape_cast %get3A_455 : vector<16xf32> to vector<16xf32>
        tpu.vector_store %arg7[%swap3A_456], %swap3A_459 {add = true, strides = array<i32>} : memref<1024xf32, #tpu.memory_space<vmem>>, vector<16xf32>,
        %get3A_460 = arith.constant 880 : index
        %get3A_461 = tpu.vector_load %arg8[%get3A_460] {strides = array<i32>} : memref<1024xf32, #tpu.memory_space<vmem>>, vector<16xf32>,
        %get3A_462 = vector.shape_cast %get3A_461 : vector<16xf32> to vector<16xf32>
        %swap3A_463 = arith.constant 880 : index
        %swap3A_464 = tpu.vector_load %arg7[%swap3A_463] {strides = array<i32>} : memref<1024xf32, #tpu.memory_space<vmem>>, vector<16xf32>,
        %swap3A_465 = vector.shape_cast %swap3A_464 : vector<16xf32> to vector<16xf32>
        %swap3A_466 = vector.shape_cast %get3A_462 : vector<16xf32> to vector<16xf32>
        tpu.vector_store %arg7[%swap3A_463], %swap3A_466 {add = true, strides = array<i32>} : memref<1024xf32, #tpu.memory_space<vmem>>, vector<16xf32>,
        %get3A_467 = arith.constant 896 : index
        %get3A_468 = tpu.vector_load %arg8[%get3A_467] {strides = array<i32>} : memref<1024xf32, #tpu.memory_space<vmem>>, vector<16xf32>,
        %get3A_469 = vector.shape_cast %get3A_468 : vector<16xf32> to vector<16xf32>
        %swap3A_470 = arith.constant 896 : index
        %swap3A_471 = tpu.vector_load %arg7[%swap3A_470] {strides = array<i32>} : memref<1024xf32, #tpu.memory_space<vmem>>, vector<16xf32>,
        %swap3A_472 = vector.shape_cast %swap3A_471 : vector<16xf32> to vector<16xf32>
        %swap3A_473 = vector.shape_cast %get3A_469 : vector<16xf32> to vector<16xf32>
        tpu.vector_store %arg7[%swap3A_470], %swap3A_473 {add = true, strides = array<i32>} : memref<1024xf32, #tpu.memory_space<vmem>>, vector<16xf32>,
        %get3A_474 = arith.constant 912 : index
        %get3A_475 = tpu.vector_load %arg8[%get3A_474] {strides = array<i32>} : memref<1024xf32, #tpu.memory_space<vmem>>, vector<16xf32>,
        %get3A_476 = vector.shape_cast %get3A_475 : vector<16xf32> to vector<16xf32>
        %swap3A_477 = arith.constant 912 : index
        %swap3A_478 = tpu.vector_load %arg7[%swap3A_477] {strides = array<i32>} : memref<1024xf32, #tpu.memory_space<vmem>>, vector<16xf32>,
        %swap3A_479 = vector.shape_cast %swap3A_478 : vector<16xf32> to vector<16xf32>
        %swap3A_480 = vector.shape_cast %get3A_476 : vector<16xf32> to vector<16xf32>
        tpu.vector_store %arg7[%swap3A_477], %swap3A_480 {add = true, strides = array<i32>} : memref<1024xf32, #tpu.memory_space<vmem>>, vector<16xf32>,
        %get3A_481 = arith.constant 928 : index
        %get3A_482 = tpu.vector_load %arg8[%get3A_481] {strides = array<i32>} : memref<1024xf32, #tpu.memory_space<vmem>>, vector<16xf32>,
        %get3A_483 = vector.shape_cast %get3A_482 : vector<16xf32> to vector<16xf32>
        %swap3A_484 = arith.constant 928 : index
        %swap3A_485 = tpu.vector_load %arg7[%swap3A_484] {strides = array<i32>} : memref<1024xf32, #tpu.memory_space<vmem>>, vector<16xf32>,
        %swap3A_486 = vector.shape_cast %swap3A_485 : vector<16xf32> to vector<16xf32>
        %swap3A_487 = vector.shape_cast %get3A_483 : vector<16xf32> to vector<16xf32>
        tpu.vector_store %arg7[%swap3A_484], %swap3A_487 {add = true, strides = array<i32>} : memref<1024xf32, #tpu.memory_space<vmem>>, vector<16xf32>,
        %get3A_488 = arith.constant 944 : index
        %get3A_489 = tpu.vector_load %arg8[%get3A_488] {strides = array<i32>} : memref<1024xf32, #tpu.memory_space<vmem>>, vector<16xf32>,
        %get3A_490 = vector.shape_cast %get3A_489 : vector<16xf32> to vector<16xf32>
        %swap3A_491 = arith.constant 944 : index
        %swap3A_492 = tpu.vector_load %arg7[%swap3A_491] {strides = array<i32>} : memref<1024xf32, #tpu.memory_space<vmem>>, vector<16xf32>,
        %swap3A_493 = vector.shape_cast %swap3A_492 : vector<16xf32> to vector<16xf32>
        %swap3A_494 = vector.shape_cast %get3A_490 : vector<16xf32> to vector<16xf32>
        tpu.vector_store %arg7[%swap3A_491], %swap3A_494 {add = true, strides = array<i32>} : memref<1024xf32, #tpu.memory_space<vmem>>, vector<16xf32>,
        %get3A_495 = arith.constant 960 : index
        %get3A_496 = tpu.vector_load %arg8[%get3A_495] {strides = array<i32>} : memref<1024xf32, #tpu.memory_space<vmem>>, vector<16xf32>,
        %get3A_497 = vector.shape_cast %get3A_496 : vector<16xf32> to vector<16xf32>
        %swap3A_498 = arith.constant 960 : index
        %swap3A_499 = tpu.vector_load %arg7[%swap3A_498] {strides = array<i32>} : memref<1024xf32, #tpu.memory_space<vmem>>, vector<16xf32>,
        %swap3A_500 = vector.shape_cast %swap3A_499 : vector<16xf32> to vector<16xf32>
        %swap3A_501 = vector.shape_cast %get3A_497 : vector<16xf32> to vector<16xf32>
        tpu.vector_store %arg7[%swap3A_498], %swap3A_501 {add = true, strides = array<i32>} : memref<1024xf32, #tpu.memory_space<vmem>>, vector<16xf32>,
        %get3A_502 = arith.constant 976 : index
        %get3A_503 = tpu.vector_load %arg8[%get3A_502] {strides = array<i32>} : memref<1024xf32, #tpu.memory_space<vmem>>, vector<16xf32>,
        %get3A_504 = vector.shape_cast %get3A_503 : vector<16xf32> to vector<16xf32>
        %swap3A_505 = arith.constant 976 : index
        %swap3A_506 = tpu.vector_load %arg7[%swap3A_505] {strides = array<i32>} : memref<1024xf32, #tpu.memory_space<vmem>>, vector<16xf32>,
        %swap3A_507 = vector.shape_cast %swap3A_506 : vector<16xf32> to vector<16xf32>
        %swap3A_508 = vector.shape_cast %get3A_504 : vector<16xf32> to vector<16xf32>
        tpu.vector_store %arg7[%swap3A_505], %swap3A_508 {add = true, strides = array<i32>} : memref<1024xf32, #tpu.memory_space<vmem>>, vector<16xf32>,
        %get3A_509 = arith.constant 992 : index
        %get3A_510 = tpu.vector_load %arg8[%get3A_509] {strides = array<i32>} : memref<1024xf32, #tpu.memory_space<vmem>>, vector<16xf32>,
        %get3A_511 = vector.shape_cast %get3A_510 : vector<16xf32> to vector<16xf32>
        %swap3A_512 = arith.constant 992 : index
        %swap3A_513 = tpu.vector_load %arg7[%swap3A_512] {strides = array<i32>} : memref<1024xf32, #tpu.memory_space<vmem>>, vector<16xf32>,
        %swap3A_514 = vector.shape_cast %swap3A_513 : vector<16xf32> to vector<16xf32>
        %swap3A_515 = vector.shape_cast %get3A_511 : vector<16xf32> to vector<16xf32>
        tpu.vector_store %arg7[%swap3A_512], %swap3A_515 {add = true, strides = array<i32>} : memref<1024xf32, #tpu.memory_space<vmem>>, vector<16xf32>,
        %get3A_516 = arith.constant 1008 : index
        %get3A_517 = tpu.vector_load %arg8[%get3A_516] {strides = array<i32>} : memref<1024xf32, #tpu.memory_space<vmem>>, vector<16xf32>,
        %get3A_518 = vector.shape_cast %get3A_517 : vector<16xf32> to vector<16xf32>
        %swap3A_519 = arith.constant 1008 : index
        %swap3A_520 = tpu.vector_load %arg7[%swap3A_519] {strides = array<i32>} : memref<1024xf32, #tpu.memory_space<vmem>>, vector<16xf32>,
        %swap3A_521 = vector.shape_cast %swap3A_520 : vector<16xf32> to vector<16xf32>
        %swap3A_522 = vector.shape_cast %get3A_518 : vector<16xf32> to vector<16xf32>
        tpu.vector_store %arg7[%swap3A_519], %swap3A_522 {add = true, strides = array<i32>} : memref<1024xf32, #tpu.memory_space<vmem>>, vector<16xf32>,
        %scan3A_523 = arith.constant 0 : i32
        scf.yield %scan3A_523 : i32
      }
      %scan3A_67 = arith.constant 16 : i32
      %mul3A_68 = arith.constant 1024 : i32
      %mul3A_69 = arith.muli %add3A_53, %mul3A_68 : i32
      "tpu.region"() ({
        %run_scoped3A = tpu.sem_alloc : memref<!tpu.dma_semaphore, #tpu.memory_space<semaphore_mem>>
        %dma_start3A_70 = tpu.memref_slice %arg3[%mul3A_69] : memref<4096xf32, #tpu.memory_space<hbm>> -> memref<1024xf32, #tpu.memory_space<hbm>>
        %dma_start3A_71 = tpu.memref_slice %arg3[%mul3A_69] : memref<4096xf32, #tpu.memory_space<hbm>> -> memref<1024xf32, #tpu.memory_space<hbm>>
        tpu.enqueue_dma source(%arg7 : memref<1024xf32, #tpu.memory_space<vmem>>) target(%dma_start3A_71 : memref<1024xf32, #tpu.memory_space<hbm>>) target_semaphore(%run_scoped3A : memref<!tpu.dma_semaphore, #tpu.memory_space<semaphore_mem>>)
        %dma_wait3A = tpu.memref_slice %arg3[%mul3A_69] : memref<4096xf32, #tpu.memory_space<hbm>> -> memref<1024xf32, #tpu.memory_space<hbm>>
        %dma_wait3A_72 = tpu.memref_slice %arg3[%mul3A_69] : memref<4096xf32, #tpu.memory_space<hbm>> -> memref<1024xf32, #tpu.memory_space<hbm>>
        tpu.wait_dma2 semaphore(%run_scoped3A : memref<!tpu.dma_semaphore, #tpu.memory_space<semaphore_mem>>) src(%arg7 : memref<1024xf32, #tpu.memory_space<vmem>>) dst(%dma_wait3A_72 : memref<1024xf32, #tpu.memory_space<hbm>>)
        tpu.yield
      }) : () -> ()
    } else {
    }
    return
  }
}

module attributes {stable_mosaic.version = 14 : i64} {
  func.func @_tc_pool_body(%arg0: memref<32768x1024xf32, #tpu.memory_space<any>>, %arg1: memref<4x1024xf32, #tpu.memory_space<vmem>>, %arg2: memref<4x512x1024xf32, #tpu.memory_space<vmem>>, %arg3: memref<4x!tpu.dma_semaphore, #tpu.memory_space<semaphore_mem>>) attributes {dimension_semantics = [], scalar_prefetch = 0 : i64, scratch_operands = 2 : i64, tpu.core_type = #tpu.core_type<tc>} {
    %dma_start3A = arith.constant 0 : i32
    %dma_start3A_0 = arith.constant 0 : i32
    %dma_start3A_1 = tpu.memref_slice %arg3[%dma_start3A_0] : memref<4x!tpu.dma_semaphore, #tpu.memory_space<semaphore_mem>> -> memref<1x!tpu.dma_semaphore, #tpu.memory_space<semaphore_mem>>
    %dma_start3A_2 = tpu.memref_squeeze %dma_start3A_1 : memref<1x!tpu.dma_semaphore, #tpu.memory_space<semaphore_mem>> -> memref<!tpu.dma_semaphore, #tpu.memory_space<semaphore_mem>>
    %dma_start3A_3 = arith.constant 0 : i32
    %dma_start3A_4 = arith.constant 0 : i32
    %dma_start3A_5 = tpu.memref_slice %arg2[%dma_start3A, %dma_start3A_3, %dma_start3A_4] : memref<4x512x1024xf32, #tpu.memory_space<vmem>> -> memref<1x512x1024xf32, #tpu.memory_space<vmem>>
    %dma_start3A_6 = tpu.memref_squeeze %dma_start3A_5 : memref<1x512x1024xf32, #tpu.memory_space<vmem>> -> memref<512x1024xf32, #tpu.memory_space<vmem>>
    %dma_start3A_7 = arith.constant 0 : i32
    %dma_start3A_8 = arith.constant 0 : i32
    %dma_start3A_9 = tpu.memref_slice %arg0[%dma_start3A_7, %dma_start3A_8] : memref<32768x1024xf32, #tpu.memory_space<any>> -> memref<512x1024xf32, #tpu.memory_space<any>>
    tpu.enqueue_dma source(%dma_start3A_9 : memref<512x1024xf32, #tpu.memory_space<any>>) target(%dma_start3A_6 : memref<512x1024xf32, #tpu.memory_space<vmem>>) target_semaphore(%dma_start3A_2 : memref<!tpu.dma_semaphore, #tpu.memory_space<semaphore_mem>>)
    %dma_start3A_10 = arith.constant 1 : i32
    %dma_start3A_11 = arith.constant 1 : i32
    %dma_start3A_12 = tpu.memref_slice %arg3[%dma_start3A_11] : memref<4x!tpu.dma_semaphore, #tpu.memory_space<semaphore_mem>> -> memref<1x!tpu.dma_semaphore, #tpu.memory_space<semaphore_mem>>
    %dma_start3A_13 = tpu.memref_squeeze %dma_start3A_12 : memref<1x!tpu.dma_semaphore, #tpu.memory_space<semaphore_mem>> -> memref<!tpu.dma_semaphore, #tpu.memory_space<semaphore_mem>>
    %dma_start3A_14 = arith.constant 0 : i32
    %dma_start3A_15 = arith.constant 0 : i32
    %dma_start3A_16 = tpu.memref_slice %arg2[%dma_start3A_10, %dma_start3A_14, %dma_start3A_15] : memref<4x512x1024xf32, #tpu.memory_space<vmem>> -> memref<1x512x1024xf32, #tpu.memory_space<vmem>>
    %dma_start3A_17 = tpu.memref_squeeze %dma_start3A_16 : memref<1x512x1024xf32, #tpu.memory_space<vmem>> -> memref<512x1024xf32, #tpu.memory_space<vmem>>
    %dma_start3A_18 = arith.constant 512 : i32
    %dma_start3A_19 = arith.constant 0 : i32
    %dma_start3A_20 = tpu.memref_slice %arg0[%dma_start3A_18, %dma_start3A_19] : memref<32768x1024xf32, #tpu.memory_space<any>> -> memref<512x1024xf32, #tpu.memory_space<any>>
    tpu.enqueue_dma source(%dma_start3A_20 : memref<512x1024xf32, #tpu.memory_space<any>>) target(%dma_start3A_17 : memref<512x1024xf32, #tpu.memory_space<vmem>>) target_semaphore(%dma_start3A_13 : memref<!tpu.dma_semaphore, #tpu.memory_space<semaphore_mem>>)
    %dma_start3A_21 = arith.constant 2 : i32
    %dma_start3A_22 = arith.constant 2 : i32
    %dma_start3A_23 = tpu.memref_slice %arg3[%dma_start3A_22] : memref<4x!tpu.dma_semaphore, #tpu.memory_space<semaphore_mem>> -> memref<1x!tpu.dma_semaphore, #tpu.memory_space<semaphore_mem>>
    %dma_start3A_24 = tpu.memref_squeeze %dma_start3A_23 : memref<1x!tpu.dma_semaphore, #tpu.memory_space<semaphore_mem>> -> memref<!tpu.dma_semaphore, #tpu.memory_space<semaphore_mem>>
    %dma_start3A_25 = arith.constant 0 : i32
    %dma_start3A_26 = arith.constant 0 : i32
    %dma_start3A_27 = tpu.memref_slice %arg2[%dma_start3A_21, %dma_start3A_25, %dma_start3A_26] : memref<4x512x1024xf32, #tpu.memory_space<vmem>> -> memref<1x512x1024xf32, #tpu.memory_space<vmem>>
    %dma_start3A_28 = tpu.memref_squeeze %dma_start3A_27 : memref<1x512x1024xf32, #tpu.memory_space<vmem>> -> memref<512x1024xf32, #tpu.memory_space<vmem>>
    %dma_start3A_29 = arith.constant 1024 : i32
    %dma_start3A_30 = arith.constant 0 : i32
    %dma_start3A_31 = tpu.memref_slice %arg0[%dma_start3A_29, %dma_start3A_30] : memref<32768x1024xf32, #tpu.memory_space<any>> -> memref<512x1024xf32, #tpu.memory_space<any>>
    tpu.enqueue_dma source(%dma_start3A_31 : memref<512x1024xf32, #tpu.memory_space<any>>) target(%dma_start3A_28 : memref<512x1024xf32, #tpu.memory_space<vmem>>) target_semaphore(%dma_start3A_24 : memref<!tpu.dma_semaphore, #tpu.memory_space<semaphore_mem>>)
    %dma_start3A_32 = arith.constant 3 : i32
    %dma_start3A_33 = arith.constant 3 : i32
    %dma_start3A_34 = tpu.memref_slice %arg3[%dma_start3A_33] : memref<4x!tpu.dma_semaphore, #tpu.memory_space<semaphore_mem>> -> memref<1x!tpu.dma_semaphore, #tpu.memory_space<semaphore_mem>>
    %dma_start3A_35 = tpu.memref_squeeze %dma_start3A_34 : memref<1x!tpu.dma_semaphore, #tpu.memory_space<semaphore_mem>> -> memref<!tpu.dma_semaphore, #tpu.memory_space<semaphore_mem>>
    %dma_start3A_36 = arith.constant 0 : i32
    %dma_start3A_37 = arith.constant 0 : i32
    %dma_start3A_38 = tpu.memref_slice %arg2[%dma_start3A_32, %dma_start3A_36, %dma_start3A_37] : memref<4x512x1024xf32, #tpu.memory_space<vmem>> -> memref<1x512x1024xf32, #tpu.memory_space<vmem>>
    %dma_start3A_39 = tpu.memref_squeeze %dma_start3A_38 : memref<1x512x1024xf32, #tpu.memory_space<vmem>> -> memref<512x1024xf32, #tpu.memory_space<vmem>>
    %dma_start3A_40 = arith.constant 1536 : i32
    %dma_start3A_41 = arith.constant 0 : i32
    %dma_start3A_42 = tpu.memref_slice %arg0[%dma_start3A_40, %dma_start3A_41] : memref<32768x1024xf32, #tpu.memory_space<any>> -> memref<512x1024xf32, #tpu.memory_space<any>>
    tpu.enqueue_dma source(%dma_start3A_42 : memref<512x1024xf32, #tpu.memory_space<any>>) target(%dma_start3A_39 : memref<512x1024xf32, #tpu.memory_space<vmem>>) target_semaphore(%dma_start3A_35 : memref<!tpu.dma_semaphore, #tpu.memory_space<semaphore_mem>>)
    %broadcast_in_dim3A = arith.constant 0.000000e+00 : f32
    %broadcast_in_dim3A_43 = vector.broadcast %broadcast_in_dim3A : f32 to vector<4x1024xf32>
    %swap3A = arith.constant 0 : index
    %swap3A_44 = arith.constant 0 : index
    %swap3A_45 = vector.load %arg1[%swap3A, %swap3A_44] : memref<4x1024xf32, #tpu.memory_space<vmem>>, vector<4x1024xf32>
    tpu.vector_store %arg1[%swap3A, %swap3A_44], %broadcast_in_dim3A_43 {strides = array<i32>} : memref<4x1024xf32, #tpu.memory_space<vmem>>, vector<4x1024xf32>,
    %scan3A = arith.constant 0 : i32
    %scan3A_46 = arith.constant 11 : i32
    %scan3A_47 = arith.addi %scan3A, %scan3A_46 : i32
    %scan3A_48 = arith.constant 1 : i32
    scf.for %scan3A_50 = %scan3A to %scan3A_47 step %scan3A_48  : i32 {
      %mul3A = arith.constant 4 : i32
      %mul3A_51 = arith.muli %scan3A_50, %mul3A : i32
      %add3A = arith.constant 0 : i32
      %add3A_52 = arith.addi %mul3A_51, %add3A : i32
      %dma_wait3A = arith.constant 0 : i32
      %dma_wait3A_53 = arith.constant 0 : i32
      %dma_wait3A_54 = tpu.memref_slice %arg3[%dma_wait3A_53] : memref<4x!tpu.dma_semaphore, #tpu.memory_space<semaphore_mem>> -> memref<1x!tpu.dma_semaphore, #tpu.memory_space<semaphore_mem>>
      %dma_wait3A_55 = tpu.memref_squeeze %dma_wait3A_54 : memref<1x!tpu.dma_semaphore, #tpu.memory_space<semaphore_mem>> -> memref<!tpu.dma_semaphore, #tpu.memory_space<semaphore_mem>>
      %dma_wait3A_56 = arith.constant 0 : i32
      %dma_wait3A_57 = arith.constant 0 : i32
      %dma_wait3A_58 = tpu.memref_slice %arg2[%dma_wait3A, %dma_wait3A_56, %dma_wait3A_57] : memref<4x512x1024xf32, #tpu.memory_space<vmem>> -> memref<1x512x1024xf32, #tpu.memory_space<vmem>>
      %dma_wait3A_59 = tpu.memref_squeeze %dma_wait3A_58 : memref<1x512x1024xf32, #tpu.memory_space<vmem>> -> memref<512x1024xf32, #tpu.memory_space<vmem>>
      %dma_wait3A_60 = arith.constant 0 : i32
      %dma_wait3A_61 = arith.constant 0 : i32
      %dma_wait3A_62 = tpu.memref_slice %arg0[%dma_wait3A_60, %dma_wait3A_61] : memref<32768x1024xf32, #tpu.memory_space<any>> -> memref<512x1024xf32, #tpu.memory_space<any>>
      tpu.wait_dma2 semaphore(%dma_wait3A_55 : memref<!tpu.dma_semaphore, #tpu.memory_space<semaphore_mem>>) src(%dma_wait3A_62 : memref<512x1024xf32, #tpu.memory_space<any>>) dst(%dma_wait3A_59 : memref<512x1024xf32, #tpu.memory_space<vmem>>)
      %jit3A = arith.constant 11 : i32
      %div3A = arith.divsi %add3A_52, %jit3A : i32
      %sign3A = arith.constant 0 : i32
      %sign3A_63 = arith.cmpi sgt, %add3A_52, %sign3A : i32
      %sign3A_64 = arith.extui %sign3A_63 : i1 to i32
      %sign3A_65 = arith.constant 0 : i32
      %sign3A_66 = arith.cmpi slt, %add3A_52, %sign3A_65 : i32
      %sign3A_67 = arith.extui %sign3A_66 : i1 to i32
      %sign3A_68 = arith.subi %sign3A_64, %sign3A_67 : i32
      %sign3A_69 = arith.constant 0 : i32
      %sign3A_70 = arith.cmpi sgt, %jit3A, %sign3A_69 : i32
      %sign3A_71 = arith.extui %sign3A_70 : i1 to i32
      %sign3A_72 = arith.constant 0 : i32
      %sign3A_73 = arith.cmpi slt, %jit3A, %sign3A_72 : i32
      %sign3A_74 = arith.extui %sign3A_73 : i1 to i32
      %sign3A_75 = arith.subi %sign3A_71, %sign3A_74 : i32
      %ne3A = arith.cmpi ne, %sign3A_68, %sign3A_75 : i32
      %rem3A = arith.remsi %add3A_52, %jit3A : i32
      %ne3A_76 = arith.constant 0 : i32
      %ne3A_77 = arith.cmpi ne, %rem3A, %ne3A_76 : i32
      %and3A = arith.andi %ne3A, %ne3A_77 : i1
      %sub3A = arith.constant 1 : i32
      %sub3A_78 = arith.subi %div3A, %sub3A : i32
      %select_n3A = arith.select %and3A, %sub3A_78, %div3A : i32
      %get3A = arith.index_cast %select_n3A : i32 to index
      %get3A_79 = arith.constant 0 : index
      %get3A_80 = vector.load %arg1[%get3A, %get3A_79] : memref<4x1024xf32, #tpu.memory_space<vmem>>, vector<1x1024xf32>
      %get3A_81 = arith.constant 0 : index
      %get3A_82 = arith.constant 0 : index
      %get3A_83 = arith.constant 0 : index
      %get3A_84 = vector.load %arg2[%get3A_81, %get3A_82, %get3A_83] : memref<4x512x1024xf32, #tpu.memory_space<vmem>>, vector<1x512x1024xf32>
      %get3A_85 = vector.shape_cast %get3A_84 : vector<1x512x1024xf32> to vector<512x1024xf32>
      %reduce_sum3A = arith.constant dense<0.000000e+00> : vector<1024xf32>
      %reduce_sum3A_86 = vector.multi_reduction <add>, %get3A_85, %reduce_sum3A [0] : vector<512x1024xf32> to vector<1024xf32>
      %broadcast_in_dim3A_87 = vector.shape_cast %reduce_sum3A_86 : vector<1024xf32> to vector<1x1024xf32>
      %add3A_88 = arith.addf %get3A_80, %broadcast_in_dim3A_87 : vector<1x1024xf32>
      %swap3A_89 = arith.index_cast %select_n3A : i32 to index
      %swap3A_90 = arith.constant 0 : index
      %swap3A_91 = vector.load %arg1[%swap3A_89, %swap3A_90] : memref<4x1024xf32, #tpu.memory_space<vmem>>, vector<1x1024xf32>
      tpu.vector_store %arg1[%swap3A_89, %swap3A_90], %add3A_88 {strides = array<i32>} : memref<4x1024xf32, #tpu.memory_space<vmem>>, vector<1x1024xf32>,
      %add3A_92 = arith.constant 4 : i32
      %add3A_93 = arith.addi %add3A_52, %add3A_92 : i32
      %lt3A = arith.constant 44 : i32
      %lt3A_94 = arith.cmpi slt, %add3A_93, %lt3A : i32
      %convert_element_type3A = arith.extui %lt3A_94 : i1 to i32
      %cond3A = arith.constant 0 : i32
      %cond3A_95 = arith.cmpi ne, %convert_element_type3A, %cond3A : i32
      scf.if %cond3A_95 {
        %add3A_279 = arith.constant 4 : i32
        %add3A_280 = arith.addi %add3A_52, %add3A_279 : i32
        %jit3A_281 = arith.constant 11 : i32
        %div3A_282 = arith.divsi %add3A_280, %jit3A_281 : i32
        %sign3A_283 = arith.constant 0 : i32
        %sign3A_284 = arith.cmpi sgt, %add3A_280, %sign3A_283 : i32
        %sign3A_285 = arith.extui %sign3A_284 : i1 to i32
        %sign3A_286 = arith.constant 0 : i32
        %sign3A_287 = arith.cmpi slt, %add3A_280, %sign3A_286 : i32
        %sign3A_288 = arith.extui %sign3A_287 : i1 to i32
        %sign3A_289 = arith.subi %sign3A_285, %sign3A_288 : i32
        %sign3A_290 = arith.constant 0 : i32
        %sign3A_291 = arith.cmpi sgt, %jit3A_281, %sign3A_290 : i32
        %sign3A_292 = arith.extui %sign3A_291 : i1 to i32
        %sign3A_293 = arith.constant 0 : i32
        %sign3A_294 = arith.cmpi slt, %jit3A_281, %sign3A_293 : i32
        %sign3A_295 = arith.extui %sign3A_294 : i1 to i32
        %sign3A_296 = arith.subi %sign3A_292, %sign3A_295 : i32
        %ne3A_297 = arith.cmpi ne, %sign3A_289, %sign3A_296 : i32
        %rem3A_298 = arith.remsi %add3A_280, %jit3A_281 : i32
        %ne3A_299 = arith.constant 0 : i32
        %ne3A_300 = arith.cmpi ne, %rem3A_298, %ne3A_299 : i32
        %and3A_301 = arith.andi %ne3A_297, %ne3A_300 : i1
        %sub3A_302 = arith.constant 1 : i32
        %sub3A_303 = arith.subi %div3A_282, %sub3A_302 : i32
        %select_n3A_304 = arith.select %and3A_301, %sub3A_303, %div3A_282 : i32
        %mul3A_305 = arith.constant 11 : i32
        %mul3A_306 = arith.muli %select_n3A_304, %mul3A_305 : i32
        %sub3A_307 = arith.subi %add3A_280, %mul3A_306 : i32
        %mul3A_308 = arith.constant 8192 : i32
        %mul3A_309 = arith.muli %select_n3A_304, %mul3A_308 : i32
        %mul3A_310 = arith.constant 512 : i32
        %mul3A_311 = arith.muli %sub3A_307, %mul3A_310 : i32
        %add3A_312 = arith.addi %mul3A_309, %mul3A_311 : i32
        %dma_start3A_313 = arith.constant 0 : i32
        %dma_start3A_314 = arith.constant 0 : i32
        %dma_start3A_315 = tpu.memref_slice %arg3[%dma_start3A_314] : memref<4x!tpu.dma_semaphore, #tpu.memory_space<semaphore_mem>> -> memref<1x!tpu.dma_semaphore, #tpu.memory_space<semaphore_mem>>
        %dma_start3A_316 = tpu.memref_squeeze %dma_start3A_315 : memref<1x!tpu.dma_semaphore, #tpu.memory_space<semaphore_mem>> -> memref<!tpu.dma_semaphore, #tpu.memory_space<semaphore_mem>>
        %dma_start3A_317 = arith.constant 0 : i32
        %dma_start3A_318 = arith.constant 0 : i32
        %dma_start3A_319 = tpu.memref_slice %arg2[%dma_start3A_313, %dma_start3A_317, %dma_start3A_318] : memref<4x512x1024xf32, #tpu.memory_space<vmem>> -> memref<1x512x1024xf32, #tpu.memory_space<vmem>>
        %dma_start3A_320 = tpu.memref_squeeze %dma_start3A_319 : memref<1x512x1024xf32, #tpu.memory_space<vmem>> -> memref<512x1024xf32, #tpu.memory_space<vmem>>
        %dma_start3A_321 = arith.constant 0 : i32
        %dma_start3A_322 = tpu.memref_slice %arg0[%add3A_312, %dma_start3A_321] : memref<32768x1024xf32, #tpu.memory_space<any>> -> memref<512x1024xf32, #tpu.memory_space<any>>
        tpu.enqueue_dma source(%dma_start3A_322 : memref<512x1024xf32, #tpu.memory_space<any>>) target(%dma_start3A_320 : memref<512x1024xf32, #tpu.memory_space<vmem>>) target_semaphore(%dma_start3A_316 : memref<!tpu.dma_semaphore, #tpu.memory_space<semaphore_mem>>)
      } else {
      }
      %mul3A_96 = arith.constant 4 : i32
      %mul3A_97 = arith.muli %scan3A_50, %mul3A_96 : i32
      %add3A_98 = arith.constant 1 : i32
      %add3A_99 = arith.addi %mul3A_97, %add3A_98 : i32
      %dma_wait3A_100 = arith.constant 1 : i32
      %dma_wait3A_101 = arith.constant 1 : i32
      %dma_wait3A_102 = tpu.memref_slice %arg3[%dma_wait3A_101] : memref<4x!tpu.dma_semaphore, #tpu.memory_space<semaphore_mem>> -> memref<1x!tpu.dma_semaphore, #tpu.memory_space<semaphore_mem>>
      %dma_wait3A_103 = tpu.memref_squeeze %dma_wait3A_102 : memref<1x!tpu.dma_semaphore, #tpu.memory_space<semaphore_mem>> -> memref<!tpu.dma_semaphore, #tpu.memory_space<semaphore_mem>>
      %dma_wait3A_104 = arith.constant 0 : i32
      %dma_wait3A_105 = arith.constant 0 : i32
      %dma_wait3A_106 = tpu.memref_slice %arg2[%dma_wait3A_100, %dma_wait3A_104, %dma_wait3A_105] : memref<4x512x1024xf32, #tpu.memory_space<vmem>> -> memref<1x512x1024xf32, #tpu.memory_space<vmem>>
      %dma_wait3A_107 = tpu.memref_squeeze %dma_wait3A_106 : memref<1x512x1024xf32, #tpu.memory_space<vmem>> -> memref<512x1024xf32, #tpu.memory_space<vmem>>
      %dma_wait3A_108 = arith.constant 0 : i32
      %dma_wait3A_109 = arith.constant 0 : i32
      %dma_wait3A_110 = tpu.memref_slice %arg0[%dma_wait3A_108, %dma_wait3A_109] : memref<32768x1024xf32, #tpu.memory_space<any>> -> memref<512x1024xf32, #tpu.memory_space<any>>
      tpu.wait_dma2 semaphore(%dma_wait3A_103 : memref<!tpu.dma_semaphore, #tpu.memory_space<semaphore_mem>>) src(%dma_wait3A_110 : memref<512x1024xf32, #tpu.memory_space<any>>) dst(%dma_wait3A_107 : memref<512x1024xf32, #tpu.memory_space<vmem>>)
      %jit3A_111 = arith.constant 11 : i32
      %div3A_112 = arith.divsi %add3A_99, %jit3A_111 : i32
      %sign3A_113 = arith.constant 0 : i32
      %sign3A_114 = arith.cmpi sgt, %add3A_99, %sign3A_113 : i32
      %sign3A_115 = arith.extui %sign3A_114 : i1 to i32
      %sign3A_116 = arith.constant 0 : i32
      %sign3A_117 = arith.cmpi slt, %add3A_99, %sign3A_116 : i32
      %sign3A_118 = arith.extui %sign3A_117 : i1 to i32
      %sign3A_119 = arith.subi %sign3A_115, %sign3A_118 : i32
      %sign3A_120 = arith.constant 0 : i32
      %sign3A_121 = arith.cmpi sgt, %jit3A_111, %sign3A_120 : i32
      %sign3A_122 = arith.extui %sign3A_121 : i1 to i32
      %sign3A_123 = arith.constant 0 : i32
      %sign3A_124 = arith.cmpi slt, %jit3A_111, %sign3A_123 : i32
      %sign3A_125 = arith.extui %sign3A_124 : i1 to i32
      %sign3A_126 = arith.subi %sign3A_122, %sign3A_125 : i32
      %ne3A_127 = arith.cmpi ne, %sign3A_119, %sign3A_126 : i32
      %rem3A_128 = arith.remsi %add3A_99, %jit3A_111 : i32
      %ne3A_129 = arith.constant 0 : i32
      %ne3A_130 = arith.cmpi ne, %rem3A_128, %ne3A_129 : i32
      %and3A_131 = arith.andi %ne3A_127, %ne3A_130 : i1
      %sub3A_132 = arith.constant 1 : i32
      %sub3A_133 = arith.subi %div3A_112, %sub3A_132 : i32
      %select_n3A_134 = arith.select %and3A_131, %sub3A_133, %div3A_112 : i32
      %get3A_135 = arith.index_cast %select_n3A_134 : i32 to index
      %get3A_136 = arith.constant 0 : index
      %get3A_137 = vector.load %arg1[%get3A_135, %get3A_136] : memref<4x1024xf32, #tpu.memory_space<vmem>>, vector<1x1024xf32>
      %get3A_138 = arith.constant 1 : index
      %get3A_139 = arith.constant 0 : index
      %get3A_140 = arith.constant 0 : index
      %get3A_141 = vector.load %arg2[%get3A_138, %get3A_139, %get3A_140] : memref<4x512x1024xf32, #tpu.memory_space<vmem>>, vector<1x512x1024xf32>
      %get3A_142 = vector.shape_cast %get3A_141 : vector<1x512x1024xf32> to vector<512x1024xf32>
      %reduce_sum3A_143 = arith.constant dense<0.000000e+00> : vector<1024xf32>
      %reduce_sum3A_144 = vector.multi_reduction <add>, %get3A_142, %reduce_sum3A_143 [0] : vector<512x1024xf32> to vector<1024xf32>
      %broadcast_in_dim3A_145 = vector.shape_cast %reduce_sum3A_144 : vector<1024xf32> to vector<1x1024xf32>
      %add3A_146 = arith.addf %get3A_137, %broadcast_in_dim3A_145 : vector<1x1024xf32>
      %swap3A_147 = arith.index_cast %select_n3A_134 : i32 to index
      %swap3A_148 = arith.constant 0 : index
      %swap3A_149 = vector.load %arg1[%swap3A_147, %swap3A_148] : memref<4x1024xf32, #tpu.memory_space<vmem>>, vector<1x1024xf32>
      tpu.vector_store %arg1[%swap3A_147, %swap3A_148], %add3A_146 {strides = array<i32>} : memref<4x1024xf32, #tpu.memory_space<vmem>>, vector<1x1024xf32>,
      %add3A_150 = arith.constant 4 : i32
      %add3A_151 = arith.addi %add3A_99, %add3A_150 : i32
      %lt3A_152 = arith.constant 44 : i32
      %lt3A_153 = arith.cmpi slt, %add3A_151, %lt3A_152 : i32
      %convert_element_type3A_154 = arith.extui %lt3A_153 : i1 to i32
      %cond3A_155 = arith.constant 0 : i32
      %cond3A_156 = arith.cmpi ne, %convert_element_type3A_154, %cond3A_155 : i32
      scf.if %cond3A_156 {
        %add3A_279 = arith.constant 4 : i32
        %add3A_280 = arith.addi %add3A_99, %add3A_279 : i32
        %jit3A_281 = arith.constant 11 : i32
        %div3A_282 = arith.divsi %add3A_280, %jit3A_281 : i32
        %sign3A_283 = arith.constant 0 : i32
        %sign3A_284 = arith.cmpi sgt, %add3A_280, %sign3A_283 : i32
        %sign3A_285 = arith.extui %sign3A_284 : i1 to i32
        %sign3A_286 = arith.constant 0 : i32
        %sign3A_287 = arith.cmpi slt, %add3A_280, %sign3A_286 : i32
        %sign3A_288 = arith.extui %sign3A_287 : i1 to i32
        %sign3A_289 = arith.subi %sign3A_285, %sign3A_288 : i32
        %sign3A_290 = arith.constant 0 : i32
        %sign3A_291 = arith.cmpi sgt, %jit3A_281, %sign3A_290 : i32
        %sign3A_292 = arith.extui %sign3A_291 : i1 to i32
        %sign3A_293 = arith.constant 0 : i32
        %sign3A_294 = arith.cmpi slt, %jit3A_281, %sign3A_293 : i32
        %sign3A_295 = arith.extui %sign3A_294 : i1 to i32
        %sign3A_296 = arith.subi %sign3A_292, %sign3A_295 : i32
        %ne3A_297 = arith.cmpi ne, %sign3A_289, %sign3A_296 : i32
        %rem3A_298 = arith.remsi %add3A_280, %jit3A_281 : i32
        %ne3A_299 = arith.constant 0 : i32
        %ne3A_300 = arith.cmpi ne, %rem3A_298, %ne3A_299 : i32
        %and3A_301 = arith.andi %ne3A_297, %ne3A_300 : i1
        %sub3A_302 = arith.constant 1 : i32
        %sub3A_303 = arith.subi %div3A_282, %sub3A_302 : i32
        %select_n3A_304 = arith.select %and3A_301, %sub3A_303, %div3A_282 : i32
        %mul3A_305 = arith.constant 11 : i32
        %mul3A_306 = arith.muli %select_n3A_304, %mul3A_305 : i32
        %sub3A_307 = arith.subi %add3A_280, %mul3A_306 : i32
        %mul3A_308 = arith.constant 8192 : i32
        %mul3A_309 = arith.muli %select_n3A_304, %mul3A_308 : i32
        %mul3A_310 = arith.constant 512 : i32
        %mul3A_311 = arith.muli %sub3A_307, %mul3A_310 : i32
        %add3A_312 = arith.addi %mul3A_309, %mul3A_311 : i32
        %dma_start3A_313 = arith.constant 1 : i32
        %dma_start3A_314 = arith.constant 1 : i32
        %dma_start3A_315 = tpu.memref_slice %arg3[%dma_start3A_314] : memref<4x!tpu.dma_semaphore, #tpu.memory_space<semaphore_mem>> -> memref<1x!tpu.dma_semaphore, #tpu.memory_space<semaphore_mem>>
        %dma_start3A_316 = tpu.memref_squeeze %dma_start3A_315 : memref<1x!tpu.dma_semaphore, #tpu.memory_space<semaphore_mem>> -> memref<!tpu.dma_semaphore, #tpu.memory_space<semaphore_mem>>
        %dma_start3A_317 = arith.constant 0 : i32
        %dma_start3A_318 = arith.constant 0 : i32
        %dma_start3A_319 = tpu.memref_slice %arg2[%dma_start3A_313, %dma_start3A_317, %dma_start3A_318] : memref<4x512x1024xf32, #tpu.memory_space<vmem>> -> memref<1x512x1024xf32, #tpu.memory_space<vmem>>
        %dma_start3A_320 = tpu.memref_squeeze %dma_start3A_319 : memref<1x512x1024xf32, #tpu.memory_space<vmem>> -> memref<512x1024xf32, #tpu.memory_space<vmem>>
        %dma_start3A_321 = arith.constant 0 : i32
        %dma_start3A_322 = tpu.memref_slice %arg0[%add3A_312, %dma_start3A_321] : memref<32768x1024xf32, #tpu.memory_space<any>> -> memref<512x1024xf32, #tpu.memory_space<any>>
        tpu.enqueue_dma source(%dma_start3A_322 : memref<512x1024xf32, #tpu.memory_space<any>>) target(%dma_start3A_320 : memref<512x1024xf32, #tpu.memory_space<vmem>>) target_semaphore(%dma_start3A_316 : memref<!tpu.dma_semaphore, #tpu.memory_space<semaphore_mem>>)
      } else {
      }
      %mul3A_157 = arith.constant 4 : i32
      %mul3A_158 = arith.muli %scan3A_50, %mul3A_157 : i32
      %add3A_159 = arith.constant 2 : i32
      %add3A_160 = arith.addi %mul3A_158, %add3A_159 : i32
      %dma_wait3A_161 = arith.constant 2 : i32
      %dma_wait3A_162 = arith.constant 2 : i32
      %dma_wait3A_163 = tpu.memref_slice %arg3[%dma_wait3A_162] : memref<4x!tpu.dma_semaphore, #tpu.memory_space<semaphore_mem>> -> memref<1x!tpu.dma_semaphore, #tpu.memory_space<semaphore_mem>>
      %dma_wait3A_164 = tpu.memref_squeeze %dma_wait3A_163 : memref<1x!tpu.dma_semaphore, #tpu.memory_space<semaphore_mem>> -> memref<!tpu.dma_semaphore, #tpu.memory_space<semaphore_mem>>
      %dma_wait3A_165 = arith.constant 0 : i32
      %dma_wait3A_166 = arith.constant 0 : i32
      %dma_wait3A_167 = tpu.memref_slice %arg2[%dma_wait3A_161, %dma_wait3A_165, %dma_wait3A_166] : memref<4x512x1024xf32, #tpu.memory_space<vmem>> -> memref<1x512x1024xf32, #tpu.memory_space<vmem>>
      %dma_wait3A_168 = tpu.memref_squeeze %dma_wait3A_167 : memref<1x512x1024xf32, #tpu.memory_space<vmem>> -> memref<512x1024xf32, #tpu.memory_space<vmem>>
      %dma_wait3A_169 = arith.constant 0 : i32
      %dma_wait3A_170 = arith.constant 0 : i32
      %dma_wait3A_171 = tpu.memref_slice %arg0[%dma_wait3A_169, %dma_wait3A_170] : memref<32768x1024xf32, #tpu.memory_space<any>> -> memref<512x1024xf32, #tpu.memory_space<any>>
      tpu.wait_dma2 semaphore(%dma_wait3A_164 : memref<!tpu.dma_semaphore, #tpu.memory_space<semaphore_mem>>) src(%dma_wait3A_171 : memref<512x1024xf32, #tpu.memory_space<any>>) dst(%dma_wait3A_168 : memref<512x1024xf32, #tpu.memory_space<vmem>>)
      %jit3A_172 = arith.constant 11 : i32
      %div3A_173 = arith.divsi %add3A_160, %jit3A_172 : i32
      %sign3A_174 = arith.constant 0 : i32
      %sign3A_175 = arith.cmpi sgt, %add3A_160, %sign3A_174 : i32
      %sign3A_176 = arith.extui %sign3A_175 : i1 to i32
      %sign3A_177 = arith.constant 0 : i32
      %sign3A_178 = arith.cmpi slt, %add3A_160, %sign3A_177 : i32
      %sign3A_179 = arith.extui %sign3A_178 : i1 to i32
      %sign3A_180 = arith.subi %sign3A_176, %sign3A_179 : i32
      %sign3A_181 = arith.constant 0 : i32
      %sign3A_182 = arith.cmpi sgt, %jit3A_172, %sign3A_181 : i32
      %sign3A_183 = arith.extui %sign3A_182 : i1 to i32
      %sign3A_184 = arith.constant 0 : i32
      %sign3A_185 = arith.cmpi slt, %jit3A_172, %sign3A_184 : i32
      %sign3A_186 = arith.extui %sign3A_185 : i1 to i32
      %sign3A_187 = arith.subi %sign3A_183, %sign3A_186 : i32
      %ne3A_188 = arith.cmpi ne, %sign3A_180, %sign3A_187 : i32
      %rem3A_189 = arith.remsi %add3A_160, %jit3A_172 : i32
      %ne3A_190 = arith.constant 0 : i32
      %ne3A_191 = arith.cmpi ne, %rem3A_189, %ne3A_190 : i32
      %and3A_192 = arith.andi %ne3A_188, %ne3A_191 : i1
      %sub3A_193 = arith.constant 1 : i32
      %sub3A_194 = arith.subi %div3A_173, %sub3A_193 : i32
      %select_n3A_195 = arith.select %and3A_192, %sub3A_194, %div3A_173 : i32
      %get3A_196 = arith.index_cast %select_n3A_195 : i32 to index
      %get3A_197 = arith.constant 0 : index
      %get3A_198 = vector.load %arg1[%get3A_196, %get3A_197] : memref<4x1024xf32, #tpu.memory_space<vmem>>, vector<1x1024xf32>
      %get3A_199 = arith.constant 2 : index
      %get3A_200 = arith.constant 0 : index
      %get3A_201 = arith.constant 0 : index
      %get3A_202 = vector.load %arg2[%get3A_199, %get3A_200, %get3A_201] : memref<4x512x1024xf32, #tpu.memory_space<vmem>>, vector<1x512x1024xf32>
      %get3A_203 = vector.shape_cast %get3A_202 : vector<1x512x1024xf32> to vector<512x1024xf32>
      %reduce_sum3A_204 = arith.constant dense<0.000000e+00> : vector<1024xf32>
      %reduce_sum3A_205 = vector.multi_reduction <add>, %get3A_203, %reduce_sum3A_204 [0] : vector<512x1024xf32> to vector<1024xf32>
      %broadcast_in_dim3A_206 = vector.shape_cast %reduce_sum3A_205 : vector<1024xf32> to vector<1x1024xf32>
      %add3A_207 = arith.addf %get3A_198, %broadcast_in_dim3A_206 : vector<1x1024xf32>
      %swap3A_208 = arith.index_cast %select_n3A_195 : i32 to index
      %swap3A_209 = arith.constant 0 : index
      %swap3A_210 = vector.load %arg1[%swap3A_208, %swap3A_209] : memref<4x1024xf32, #tpu.memory_space<vmem>>, vector<1x1024xf32>
      tpu.vector_store %arg1[%swap3A_208, %swap3A_209], %add3A_207 {strides = array<i32>} : memref<4x1024xf32, #tpu.memory_space<vmem>>, vector<1x1024xf32>,
      %add3A_211 = arith.constant 4 : i32
      %add3A_212 = arith.addi %add3A_160, %add3A_211 : i32
      %lt3A_213 = arith.constant 44 : i32
      %lt3A_214 = arith.cmpi slt, %add3A_212, %lt3A_213 : i32
      %convert_element_type3A_215 = arith.extui %lt3A_214 : i1 to i32
      %cond3A_216 = arith.constant 0 : i32
      %cond3A_217 = arith.cmpi ne, %convert_element_type3A_215, %cond3A_216 : i32
      scf.if %cond3A_217 {
        %add3A_279 = arith.constant 4 : i32
        %add3A_280 = arith.addi %add3A_160, %add3A_279 : i32
        %jit3A_281 = arith.constant 11 : i32
        %div3A_282 = arith.divsi %add3A_280, %jit3A_281 : i32
        %sign3A_283 = arith.constant 0 : i32
        %sign3A_284 = arith.cmpi sgt, %add3A_280, %sign3A_283 : i32
        %sign3A_285 = arith.extui %sign3A_284 : i1 to i32
        %sign3A_286 = arith.constant 0 : i32
        %sign3A_287 = arith.cmpi slt, %add3A_280, %sign3A_286 : i32
        %sign3A_288 = arith.extui %sign3A_287 : i1 to i32
        %sign3A_289 = arith.subi %sign3A_285, %sign3A_288 : i32
        %sign3A_290 = arith.constant 0 : i32
        %sign3A_291 = arith.cmpi sgt, %jit3A_281, %sign3A_290 : i32
        %sign3A_292 = arith.extui %sign3A_291 : i1 to i32
        %sign3A_293 = arith.constant 0 : i32
        %sign3A_294 = arith.cmpi slt, %jit3A_281, %sign3A_293 : i32
        %sign3A_295 = arith.extui %sign3A_294 : i1 to i32
        %sign3A_296 = arith.subi %sign3A_292, %sign3A_295 : i32
        %ne3A_297 = arith.cmpi ne, %sign3A_289, %sign3A_296 : i32
        %rem3A_298 = arith.remsi %add3A_280, %jit3A_281 : i32
        %ne3A_299 = arith.constant 0 : i32
        %ne3A_300 = arith.cmpi ne, %rem3A_298, %ne3A_299 : i32
        %and3A_301 = arith.andi %ne3A_297, %ne3A_300 : i1
        %sub3A_302 = arith.constant 1 : i32
        %sub3A_303 = arith.subi %div3A_282, %sub3A_302 : i32
        %select_n3A_304 = arith.select %and3A_301, %sub3A_303, %div3A_282 : i32
        %mul3A_305 = arith.constant 11 : i32
        %mul3A_306 = arith.muli %select_n3A_304, %mul3A_305 : i32
        %sub3A_307 = arith.subi %add3A_280, %mul3A_306 : i32
        %mul3A_308 = arith.constant 8192 : i32
        %mul3A_309 = arith.muli %select_n3A_304, %mul3A_308 : i32
        %mul3A_310 = arith.constant 512 : i32
        %mul3A_311 = arith.muli %sub3A_307, %mul3A_310 : i32
        %add3A_312 = arith.addi %mul3A_309, %mul3A_311 : i32
        %dma_start3A_313 = arith.constant 2 : i32
        %dma_start3A_314 = arith.constant 2 : i32
        %dma_start3A_315 = tpu.memref_slice %arg3[%dma_start3A_314] : memref<4x!tpu.dma_semaphore, #tpu.memory_space<semaphore_mem>> -> memref<1x!tpu.dma_semaphore, #tpu.memory_space<semaphore_mem>>
        %dma_start3A_316 = tpu.memref_squeeze %dma_start3A_315 : memref<1x!tpu.dma_semaphore, #tpu.memory_space<semaphore_mem>> -> memref<!tpu.dma_semaphore, #tpu.memory_space<semaphore_mem>>
        %dma_start3A_317 = arith.constant 0 : i32
        %dma_start3A_318 = arith.constant 0 : i32
        %dma_start3A_319 = tpu.memref_slice %arg2[%dma_start3A_313, %dma_start3A_317, %dma_start3A_318] : memref<4x512x1024xf32, #tpu.memory_space<vmem>> -> memref<1x512x1024xf32, #tpu.memory_space<vmem>>
        %dma_start3A_320 = tpu.memref_squeeze %dma_start3A_319 : memref<1x512x1024xf32, #tpu.memory_space<vmem>> -> memref<512x1024xf32, #tpu.memory_space<vmem>>
        %dma_start3A_321 = arith.constant 0 : i32
        %dma_start3A_322 = tpu.memref_slice %arg0[%add3A_312, %dma_start3A_321] : memref<32768x1024xf32, #tpu.memory_space<any>> -> memref<512x1024xf32, #tpu.memory_space<any>>
        tpu.enqueue_dma source(%dma_start3A_322 : memref<512x1024xf32, #tpu.memory_space<any>>) target(%dma_start3A_320 : memref<512x1024xf32, #tpu.memory_space<vmem>>) target_semaphore(%dma_start3A_316 : memref<!tpu.dma_semaphore, #tpu.memory_space<semaphore_mem>>)
      } else {
      }
      %mul3A_218 = arith.constant 4 : i32
      %mul3A_219 = arith.muli %scan3A_50, %mul3A_218 : i32
      %add3A_220 = arith.constant 3 : i32
      %add3A_221 = arith.addi %mul3A_219, %add3A_220 : i32
      %dma_wait3A_222 = arith.constant 3 : i32
      %dma_wait3A_223 = arith.constant 3 : i32
      %dma_wait3A_224 = tpu.memref_slice %arg3[%dma_wait3A_223] : memref<4x!tpu.dma_semaphore, #tpu.memory_space<semaphore_mem>> -> memref<1x!tpu.dma_semaphore, #tpu.memory_space<semaphore_mem>>
      %dma_wait3A_225 = tpu.memref_squeeze %dma_wait3A_224 : memref<1x!tpu.dma_semaphore, #tpu.memory_space<semaphore_mem>> -> memref<!tpu.dma_semaphore, #tpu.memory_space<semaphore_mem>>
      %dma_wait3A_226 = arith.constant 0 : i32
      %dma_wait3A_227 = arith.constant 0 : i32
      %dma_wait3A_228 = tpu.memref_slice %arg2[%dma_wait3A_222, %dma_wait3A_226, %dma_wait3A_227] : memref<4x512x1024xf32, #tpu.memory_space<vmem>> -> memref<1x512x1024xf32, #tpu.memory_space<vmem>>
      %dma_wait3A_229 = tpu.memref_squeeze %dma_wait3A_228 : memref<1x512x1024xf32, #tpu.memory_space<vmem>> -> memref<512x1024xf32, #tpu.memory_space<vmem>>
      %dma_wait3A_230 = arith.constant 0 : i32
      %dma_wait3A_231 = arith.constant 0 : i32
      %dma_wait3A_232 = tpu.memref_slice %arg0[%dma_wait3A_230, %dma_wait3A_231] : memref<32768x1024xf32, #tpu.memory_space<any>> -> memref<512x1024xf32, #tpu.memory_space<any>>
      tpu.wait_dma2 semaphore(%dma_wait3A_225 : memref<!tpu.dma_semaphore, #tpu.memory_space<semaphore_mem>>) src(%dma_wait3A_232 : memref<512x1024xf32, #tpu.memory_space<any>>) dst(%dma_wait3A_229 : memref<512x1024xf32, #tpu.memory_space<vmem>>)
      %jit3A_233 = arith.constant 11 : i32
      %div3A_234 = arith.divsi %add3A_221, %jit3A_233 : i32
      %sign3A_235 = arith.constant 0 : i32
      %sign3A_236 = arith.cmpi sgt, %add3A_221, %sign3A_235 : i32
      %sign3A_237 = arith.extui %sign3A_236 : i1 to i32
      %sign3A_238 = arith.constant 0 : i32
      %sign3A_239 = arith.cmpi slt, %add3A_221, %sign3A_238 : i32
      %sign3A_240 = arith.extui %sign3A_239 : i1 to i32
      %sign3A_241 = arith.subi %sign3A_237, %sign3A_240 : i32
      %sign3A_242 = arith.constant 0 : i32
      %sign3A_243 = arith.cmpi sgt, %jit3A_233, %sign3A_242 : i32
      %sign3A_244 = arith.extui %sign3A_243 : i1 to i32
      %sign3A_245 = arith.constant 0 : i32
      %sign3A_246 = arith.cmpi slt, %jit3A_233, %sign3A_245 : i32
      %sign3A_247 = arith.extui %sign3A_246 : i1 to i32
      %sign3A_248 = arith.subi %sign3A_244, %sign3A_247 : i32
      %ne3A_249 = arith.cmpi ne, %sign3A_241, %sign3A_248 : i32
      %rem3A_250 = arith.remsi %add3A_221, %jit3A_233 : i32
      %ne3A_251 = arith.constant 0 : i32
      %ne3A_252 = arith.cmpi ne, %rem3A_250, %ne3A_251 : i32
      %and3A_253 = arith.andi %ne3A_249, %ne3A_252 : i1
      %sub3A_254 = arith.constant 1 : i32
      %sub3A_255 = arith.subi %div3A_234, %sub3A_254 : i32
      %select_n3A_256 = arith.select %and3A_253, %sub3A_255, %div3A_234 : i32
      %get3A_257 = arith.index_cast %select_n3A_256 : i32 to index
      %get3A_258 = arith.constant 0 : index
      %get3A_259 = vector.load %arg1[%get3A_257, %get3A_258] : memref<4x1024xf32, #tpu.memory_space<vmem>>, vector<1x1024xf32>
      %get3A_260 = arith.constant 3 : index
      %get3A_261 = arith.constant 0 : index
      %get3A_262 = arith.constant 0 : index
      %get3A_263 = vector.load %arg2[%get3A_260, %get3A_261, %get3A_262] : memref<4x512x1024xf32, #tpu.memory_space<vmem>>, vector<1x512x1024xf32>
      %get3A_264 = vector.shape_cast %get3A_263 : vector<1x512x1024xf32> to vector<512x1024xf32>
      %reduce_sum3A_265 = arith.constant dense<0.000000e+00> : vector<1024xf32>
      %reduce_sum3A_266 = vector.multi_reduction <add>, %get3A_264, %reduce_sum3A_265 [0] : vector<512x1024xf32> to vector<1024xf32>
      %broadcast_in_dim3A_267 = vector.shape_cast %reduce_sum3A_266 : vector<1024xf32> to vector<1x1024xf32>
      %add3A_268 = arith.addf %get3A_259, %broadcast_in_dim3A_267 : vector<1x1024xf32>
      %swap3A_269 = arith.index_cast %select_n3A_256 : i32 to index
      %swap3A_270 = arith.constant 0 : index
      %swap3A_271 = vector.load %arg1[%swap3A_269, %swap3A_270] : memref<4x1024xf32, #tpu.memory_space<vmem>>, vector<1x1024xf32>
      tpu.vector_store %arg1[%swap3A_269, %swap3A_270], %add3A_268 {strides = array<i32>} : memref<4x1024xf32, #tpu.memory_space<vmem>>, vector<1x1024xf32>,
      %add3A_272 = arith.constant 4 : i32
      %add3A_273 = arith.addi %add3A_221, %add3A_272 : i32
      %lt3A_274 = arith.constant 44 : i32
      %lt3A_275 = arith.cmpi slt, %add3A_273, %lt3A_274 : i32
      %convert_element_type3A_276 = arith.extui %lt3A_275 : i1 to i32
      %cond3A_277 = arith.constant 0 : i32
      %cond3A_278 = arith.cmpi ne, %convert_element_type3A_276, %cond3A_277 : i32
      scf.if %cond3A_278 {
        %add3A_279 = arith.constant 4 : i32
        %add3A_280 = arith.addi %add3A_221, %add3A_279 : i32
        %jit3A_281 = arith.constant 11 : i32
        %div3A_282 = arith.divsi %add3A_280, %jit3A_281 : i32
        %sign3A_283 = arith.constant 0 : i32
        %sign3A_284 = arith.cmpi sgt, %add3A_280, %sign3A_283 : i32
        %sign3A_285 = arith.extui %sign3A_284 : i1 to i32
        %sign3A_286 = arith.constant 0 : i32
        %sign3A_287 = arith.cmpi slt, %add3A_280, %sign3A_286 : i32
        %sign3A_288 = arith.extui %sign3A_287 : i1 to i32
        %sign3A_289 = arith.subi %sign3A_285, %sign3A_288 : i32
        %sign3A_290 = arith.constant 0 : i32
        %sign3A_291 = arith.cmpi sgt, %jit3A_281, %sign3A_290 : i32
        %sign3A_292 = arith.extui %sign3A_291 : i1 to i32
        %sign3A_293 = arith.constant 0 : i32
        %sign3A_294 = arith.cmpi slt, %jit3A_281, %sign3A_293 : i32
        %sign3A_295 = arith.extui %sign3A_294 : i1 to i32
        %sign3A_296 = arith.subi %sign3A_292, %sign3A_295 : i32
        %ne3A_297 = arith.cmpi ne, %sign3A_289, %sign3A_296 : i32
        %rem3A_298 = arith.remsi %add3A_280, %jit3A_281 : i32
        %ne3A_299 = arith.constant 0 : i32
        %ne3A_300 = arith.cmpi ne, %rem3A_298, %ne3A_299 : i32
        %and3A_301 = arith.andi %ne3A_297, %ne3A_300 : i1
        %sub3A_302 = arith.constant 1 : i32
        %sub3A_303 = arith.subi %div3A_282, %sub3A_302 : i32
        %select_n3A_304 = arith.select %and3A_301, %sub3A_303, %div3A_282 : i32
        %mul3A_305 = arith.constant 11 : i32
        %mul3A_306 = arith.muli %select_n3A_304, %mul3A_305 : i32
        %sub3A_307 = arith.subi %add3A_280, %mul3A_306 : i32
        %mul3A_308 = arith.constant 8192 : i32
        %mul3A_309 = arith.muli %select_n3A_304, %mul3A_308 : i32
        %mul3A_310 = arith.constant 512 : i32
        %mul3A_311 = arith.muli %sub3A_307, %mul3A_310 : i32
        %add3A_312 = arith.addi %mul3A_309, %mul3A_311 : i32
        %dma_start3A_313 = arith.constant 3 : i32
        %dma_start3A_314 = arith.constant 3 : i32
        %dma_start3A_315 = tpu.memref_slice %arg3[%dma_start3A_314] : memref<4x!tpu.dma_semaphore, #tpu.memory_space<semaphore_mem>> -> memref<1x!tpu.dma_semaphore, #tpu.memory_space<semaphore_mem>>
        %dma_start3A_316 = tpu.memref_squeeze %dma_start3A_315 : memref<1x!tpu.dma_semaphore, #tpu.memory_space<semaphore_mem>> -> memref<!tpu.dma_semaphore, #tpu.memory_space<semaphore_mem>>
        %dma_start3A_317 = arith.constant 0 : i32
        %dma_start3A_318 = arith.constant 0 : i32
        %dma_start3A_319 = tpu.memref_slice %arg2[%dma_start3A_313, %dma_start3A_317, %dma_start3A_318] : memref<4x512x1024xf32, #tpu.memory_space<vmem>> -> memref<1x512x1024xf32, #tpu.memory_space<vmem>>
        %dma_start3A_320 = tpu.memref_squeeze %dma_start3A_319 : memref<1x512x1024xf32, #tpu.memory_space<vmem>> -> memref<512x1024xf32, #tpu.memory_space<vmem>>
        %dma_start3A_321 = arith.constant 0 : i32
        %dma_start3A_322 = tpu.memref_slice %arg0[%add3A_312, %dma_start3A_321] : memref<32768x1024xf32, #tpu.memory_space<any>> -> memref<512x1024xf32, #tpu.memory_space<any>>
        tpu.enqueue_dma source(%dma_start3A_322 : memref<512x1024xf32, #tpu.memory_space<any>>) target(%dma_start3A_320 : memref<512x1024xf32, #tpu.memory_space<vmem>>) target_semaphore(%dma_start3A_316 : memref<!tpu.dma_semaphore, #tpu.memory_space<semaphore_mem>>)
      } else {
      }
    }
    %scan3A_49 = arith.constant 11 : i32
    return
  }
}

module attributes {stable_mosaic.version = 14 : i64} {
  func.func @_combine_body(%arg0: memref<4x1024xf32, #tpu.memory_space<vmem>>, %arg1: memref<4x1024xf32, #tpu.memory_space<vmem>>, %arg2: memref<64x1024xf32, #tpu.memory_space<vmem>>, %arg3: memref<1x64xf32, #tpu.memory_space<vmem>>, %arg4: memref<4x2xf32, #tpu.memory_space<vmem>>, %arg5: memref<4x2xi32, #tpu.memory_space<vmem>>) attributes {dimension_semantics = [], scalar_prefetch = 0 : i64, scratch_operands = 0 : i64, tpu.core_type = #tpu.core_type<tc>} {
    %get3A = arith.constant 0 : index
    %get3A_0 = arith.constant 0 : index
    %get3A_1 = vector.load %arg0[%get3A, %get3A_0] : memref<4x1024xf32, #tpu.memory_space<vmem>>, vector<4x1024xf32>
    %get3A_2 = arith.constant 0 : index
    %get3A_3 = arith.constant 0 : index
    %get3A_4 = vector.load %arg1[%get3A_2, %get3A_3] : memref<4x1024xf32, #tpu.memory_space<vmem>>, vector<4x1024xf32>
    %add3A = arith.addf %get3A_1, %get3A_4 : vector<4x1024xf32>
    %mul3A = arith.constant 1.22070313E-4 : f32
    %mul3A_5 = vector.broadcast %mul3A : f32 to vector<4x1024xf32>
    %mul3A_6 = arith.mulf %add3A, %mul3A_5 : vector<4x1024xf32>
    %get3A_7 = arith.constant 0 : index
    %get3A_8 = arith.constant 0 : index
    %get3A_9 = vector.load %arg2[%get3A_7, %get3A_8] : memref<64x1024xf32, #tpu.memory_space<vmem>>, vector<64x1024xf32>
    %dot_general3A = arith.constant dense<0.000000e+00> : vector<4x64xf32>
    %dot_general3A_10 = tpu.matmul %mul3A_6, %get3A_9, %dot_general3A {dimension_numbers = #tpu.dot_dimension_numbers<[1], [1], [0], [0], [0, 0, 1, 0], [], []>, transpose_lhs_hint = false} : vector<4x1024xf32>, vector<64x1024xf32>, vector<4x64xf32> -> vector<4x64xf32>
    %get3A_11 = arith.constant 0 : index
    %get3A_12 = arith.constant 0 : index
    %get3A_13 = vector.load %arg3[%get3A_11, %get3A_12] : memref<1x64xf32, #tpu.memory_space<vmem>>, vector<1x64xf32>
    %add3A_14 = vector.broadcast %get3A_13 : vector<1x64xf32> to vector<4x64xf32>
    %add3A_15 = arith.addf %dot_general3A_10, %add3A_14 : vector<4x64xf32>
    %iota3A = tpu.iota {dimensions = array<i32: 1>} : vector<4x64xi32>
    %reduce_max3A = arith.constant dense<0xFF800000> : vector<4xf32>
    %reduce_max3A_16 = vector.multi_reduction <maximumf>, %add3A_15, %reduce_max3A [1] : vector<4x64xf32> to vector<4xf32>
    %broadcast_in_dim3A = vector.shape_cast %reduce_max3A_16 : vector<4xf32> to vector<4x1xf32>
    %eq3A = vector.broadcast %broadcast_in_dim3A : vector<4x1xf32> to vector<4x64xf32>
    %eq3A_17 = arith.cmpf oeq, %add3A_15, %eq3A : vector<4x64xf32>
    %jit3A = arith.constant 64 : i32
    %broadcast_in_dim3A_18 = vector.broadcast %jit3A : i32 to vector<4x64xi32>
    %select_n3A = arith.select %eq3A_17, %iota3A, %broadcast_in_dim3A_18 : vector<4x64xi1>, vector<4x64xi32>
    %reduce_min3A = arith.constant dense<2147483647> : vector<4xi32>
    %reduce_min3A_19 = vector.multi_reduction <minsi>, %select_n3A, %reduce_min3A [1] : vector<4x64xi32> to vector<4xi32>
    %broadcast_in_dim3A_20 = vector.shape_cast %reduce_min3A_19 : vector<4xi32> to vector<4x1xi32>
    %eq3A_21 = vector.broadcast %broadcast_in_dim3A_20 : vector<4x1xi32> to vector<4x64xi32>
    %eq3A_22 = arith.cmpi eq, %iota3A, %eq3A_21 : vector<4x64xi32>
    %jit3A_23 = arith.constant 0xFF800000 : f32
    %broadcast_in_dim3A_24 = vector.broadcast %jit3A_23 : f32 to vector<4x64xf32>
    %select_n3A_25 = arith.select %eq3A_22, %broadcast_in_dim3A_24, %add3A_15 : vector<4x64xi1>, vector<4x64xf32>
    %reduce_max3A_26 = arith.constant dense<0xFF800000> : vector<4xf32>
    %reduce_max3A_27 = vector.multi_reduction <maximumf>, %select_n3A_25, %reduce_max3A_26 [1] : vector<4x64xf32> to vector<4xf32>
    %broadcast_in_dim3A_28 = vector.shape_cast %reduce_max3A_27 : vector<4xf32> to vector<4x1xf32>
    %eq3A_29 = vector.broadcast %broadcast_in_dim3A_28 : vector<4x1xf32> to vector<4x64xf32>
    %eq3A_30 = arith.cmpf oeq, %select_n3A_25, %eq3A_29 : vector<4x64xf32>
    %jit3A_31 = arith.constant 64 : i32
    %broadcast_in_dim3A_32 = vector.broadcast %jit3A_31 : i32 to vector<4x64xi32>
    %select_n3A_33 = arith.select %eq3A_30, %iota3A, %broadcast_in_dim3A_32 : vector<4x64xi1>, vector<4x64xi32>
    %reduce_min3A_34 = arith.constant dense<2147483647> : vector<4xi32>
    %reduce_min3A_35 = vector.multi_reduction <minsi>, %select_n3A_33, %reduce_min3A_34 [1] : vector<4x64xi32> to vector<4xi32>
    %broadcast_in_dim3A_36 = vector.shape_cast %reduce_min3A_35 : vector<4xi32> to vector<4x1xi32>
    %sub3A = arith.subf %broadcast_in_dim3A_28, %broadcast_in_dim3A : vector<4x1xf32>
    %exp3A = math.exp %sub3A : vector<4x1xf32>
    %add3A_37 = arith.constant 1.000000e+00 : f32
    %add3A_38 = vector.broadcast %add3A_37 : f32 to vector<4x1xf32>
    %add3A_39 = arith.addf %add3A_38, %exp3A : vector<4x1xf32>
    %div3A = arith.constant 1.000000e+00 : f32
    %div3A_40 = vector.broadcast %div3A : f32 to vector<4x1xf32>
    %div3A_41 = arith.divf %div3A_40, %add3A_39 : vector<4x1xf32>
    %mul3A_42 = arith.mulf %exp3A, %div3A_41 : vector<4x1xf32>
    %concatenate3A = tpu.concatenate %div3A_41, %mul3A_42 in 1 : vector<4x1xf32>, vector<4x1xf32> -> vector<4x2xf32>
    %swap3A = arith.constant 0 : index
    %swap3A_43 = arith.constant 0 : index
    %swap3A_44 = vector.load %arg4[%swap3A, %swap3A_43] : memref<4x2xf32, #tpu.memory_space<vmem>>, vector<4x2xf32>
    tpu.vector_store %arg4[%swap3A, %swap3A_43], %concatenate3A {strides = array<i32>} : memref<4x2xf32, #tpu.memory_space<vmem>>, vector<4x2xf32>,
    %concatenate3A_45 = tpu.concatenate %broadcast_in_dim3A_20, %broadcast_in_dim3A_36 in 1 : vector<4x1xi32>, vector<4x1xi32> -> vector<4x2xi32>
    %swap3A_46 = arith.constant 0 : index
    %swap3A_47 = arith.constant 0 : index
    %swap3A_48 = vector.load %arg5[%swap3A_46, %swap3A_47] : memref<4x2xi32, #tpu.memory_space<vmem>>, vector<4x2xi32>
    tpu.vector_store %arg5[%swap3A_46, %swap3A_47], %concatenate3A_45 {strides = array<i32>} : memref<4x2xi32, #tpu.memory_space<vmem>>, vector<4x2xi32>,
    return
  }
}

</mosaic_0001>

<sc_bundles>
// kernel: kernel.5.cloned.1.call-start
scs
__scs_entry_jumppad:
0x0: {  	(pc) =	sbr.rel $0x88, $3  }
0x1: {  	(tag) =	ssettag $0x0;
	lr =	simm.s32 $0x1  }
0x2: {  	[smem:$0x3F9E] =	sst lr;
	_ =	strace $0xD0000000  }
0x3: {  	_ = 	snop  }
0x4: {  	_ = 	snop  }
0x5: {  	_ = 	snop  }
0x6: {  	_ = 	snop  }
0x7: {  	_ = 	snop  }
__scs_overlays_trampoline_lowered:
0x8: {  	[smem:$0x3FAD] =	sst s0  }
0x9: {  	[smem:$0x3FAE] =	sst s1  }
0xa: {  	[smem:$0x3FAF] =	sst s2  }
0xb: {  	[smem:$0x3FB0] =	sst s3  }
0xc: {  	[smem:$0x3FB1] =	sst s4  }
0xd: {  	[smem:$0x3FB2] =	sst s5  }
0xe: {  	[smem:$0x3FB3] =	sst s6  }
0xf: {  	[smem:$0x3FB4] =	sst s7  }
0x10: {  	[smem:$0x3FB5] =	sst s8  }
0x11: {  	[smem:$0x3FB6] =	sst s9;
	s0 =	simm.s32 @!p0 $0x0  }
0x12: {  	s1 =	sld [smem:$0x3F9C];
	s0 =	simm.s32 @p0 $0x1  }
0x13: {  	[smem:$0x3FB7] =	sst s0;
	s0 =	simm.s32 @!p1 $0x0  }
0x14: {  	s2 =	sld [smem:$0x3F9B];
	s0 =	simm.s32 @p1 $0x1  }
0x15: {  	[smem:$0x3FB8] =	sst s0;
	s0 =	simm.s32 @!p2 $0x0  }
0x16: {  	s3 =	sld [smem:$0x3FDB];
	s0 =	simm.s32 @p2 $0x1  }
0x17: {  	s4 =	simm.s32 $0x1BF5;
	[smem:$0x3FBA] =	sst s0  }
0x18: {  	s0 =	sld [smem:$0x3F9D];
	_ =	swait.ge [sflag:s4], $0x0  }
0x19: {  	s7 =	sld [smem:$0x3F9E]  }
0x1a: {  	s8 =	sadd.s32 $0xFFFFE003, lr  }
0x1b: {  	s9 =	sadd.s32 $0xFFFFFEF7, lr;
	s5 =	simm.s32 $0xFFFFFFFF;
	p2 =	slt.u32 s8, $0xFFFFF086  }
0x1c: {  	p1 =	slt.u32 s9, $0xF7A;
	s5 =	simm.s32 @!p2 $0x0  }
0x1d: {  	s5 =	simm.s32 @p1 $0x1;
	p0 =	seq.s32 s7, s2  }
0x1e: {  	s7 =	smul.u32 @!p0 $0xF7A, s2;
	p2 =	seq.s32 @!p0 s5, $0x0  }
0x1f: {  	s9 =	smul.u32 $0xF7A, s1;
	s8 =	simm.s32 @!p0 $0x1BF5;
	p2 =	por !p2, p0  }
0x20: {  	[sflag:s8] =	ssyncset.s32 @!p0 $0xFFFFF086;
	s6 =	sadd.s32 @!p0 s3, s7;
	s7 =	simm.s32 @!p0 $0x108  }
0x21: {  	s3 =	sadd.s32 s3, s9;
	s6 =	sadd.s32 @!p0 $0x88, s6;
	s7 =	simm.s32 @p2 $0x1082  }
0x22: {  	[simem:s7], [sflag:s8] =	dma.local @!p0 [hbm:s6], $0xF7A  }
0x23: {  	s9 =	sor.u32 $0xD0000000, s2;
	s6 =	simm.s32 $0x108;
	_ =	swait.ge @!p0 [sflag:s8], $0x0  }
0x24: {  	s3 =	sadd.s32 $0x88, s3;
	s6 =	simm.s32 @!p1 $0x1082;
	[sflag:s4] =	ssyncset.s32 $0xFFFFF086  }
0x25: {  	[simem:s6], [sflag:s4] =	dma.local [hbm:s3], $0xF7A  }
0x26: {  	[smem:$0x3F9E] =	sst s1;
	(tag) =	ssettag s2;
	_ =	strace s9  }
0x27: {  	s1 =	sld [smem:$0x3FAE]  }
0x28: {  	s2 =	sld [smem:$0x3FAF]  }
0x29: {  	s4 =	sld [smem:$0x3FB1]  }
0x2a: {  	p0 =	seq.s32 s5, $0x0;
	s5 =	sld [smem:$0x3FB2]  }
0x2b: {  	s6 =	sld [smem:$0x3FB3]  }
0x2c: {  	s7 =	sld [smem:$0x3FB4]  }
0x2d: {  	s3 =	simm.s32 $0x108;
	s8 =	sld [smem:$0x3FB5]  }
0x2e: {  	s3 =	simm.s32 @!p0 $0x1082;
	s9 =	sld [smem:$0x3FB6]  }
0x2f: {  	lr =	sadd.s32 s0, s3;
	s0 =	sld [smem:$0x3FAD]  }
0x30: {  	s3 =	sld [smem:$0x3FB0]  }
0x31: {  	[smem:$0x3FB9] =	sst s10  }
0x32: {  	s10 =	sld [smem:$0x3FB7];
	_ =	sdelay $0x3  }
0x33: {  	p0 =	seq.s32 s10, $0x1;
	s10 =	sld [smem:$0x3FB9];
	_ =	sdelay $0x3  }
0x34: {  	[smem:$0x3FB9] =	sst s10  }
0x35: {  	s10 =	sld [smem:$0x3FB8];
	_ =	sdelay $0x3  }
0x36: {  	p1 =	seq.s32 s10, $0x1;
	s10 =	sld [smem:$0x3FB9];
	_ =	sdelay $0x3  }
0x37: {  	[smem:$0x3FB9] =	sst s10  }
0x38: {  	s10 =	sld [smem:$0x3FBA]  }
0x39: {  	_ = 	snop;
	(pc) =	sbr.ind lr, $3  }
0x3a: {  	_ = 	snop  }
0x3b: {  	_ = 	snop  }
0x3c: {  	p2 =	seq.s32 s10, $0x1;
	s10 =	sld [smem:$0x3FB9]  }
0x3d: {  	_ =	shalt  }
0x3e: {  	_ =	shalt  }
0x3f: {  	_ =	shalt  }
0x40: {  	_ =	shalt  }
0x41: {  	_ =	shalt  }
0x42: {  	_ =	shalt  }
0x43: {  	_ =	shalt  }
0x44: {  	_ =	shalt  }
0x45: {  	_ =	shalt  }
0x46: {  	_ =	shalt  }
0x47: {  	_ =	shalt  }
0x48: {  	_ =	shalt  }
0x49: {  	_ =	shalt  }
0x4a: {  	_ =	shalt  }
0x4b: {  	_ =	shalt  }
0x4c: {  	_ =	shalt  }
0x4d: {  	_ =	shalt  }
0x4e: {  	_ =	shalt  }
0x4f: {  	_ =	shalt  }
0x50: {  	_ =	shalt  }
0x51: {  	_ =	shalt  }
0x52: {  	_ =	shalt  }
0x53: {  	_ =	shalt  }
0x54: {  	_ =	shalt  }
0x55: {  	_ =	shalt  }
0x56: {  	_ =	shalt  }
0x57: {  	_ =	shalt  }
0x58: {  	_ =	shalt  }
0x59: {  	_ =	shalt  }
0x5a: {  	_ =	shalt  }
0x5b: {  	_ =	shalt  }
0x5c: {  	_ =	shalt  }
0x5d: {  	_ =	shalt  }
0x5e: {  	_ =	shalt  }
0x5f: {  	_ =	shalt  }
0x60: {  	_ =	shalt  }
0x61: {  	_ =	shalt  }
0x62: {  	_ =	shalt  }
0x63: {  	_ =	shalt  }
0x64: {  	_ =	shalt  }
0x65: {  	_ =	shalt  }
0x66: {  	_ =	shalt  }
0x67: {  	_ =	shalt  }
0x68: {  	_ =	shalt  }
0x69: {  	_ =	shalt  }
0x6a: {  	_ =	shalt  }
0x6b: {  	_ =	shalt  }
0x6c: {  	_ =	shalt  }
0x6d: {  	_ =	shalt  }
0x6e: {  	_ =	shalt  }
0x6f: {  	_ =	shalt  }
0x70: {  	_ =	shalt  }
0x71: {  	_ =	shalt  }
0x72: {  	_ =	shalt  }
0x73: {  	_ =	shalt  }
0x74: {  	_ =	shalt  }
0x75: {  	_ =	shalt  }
0x76: {  	_ =	shalt  }
0x77: {  	_ =	shalt  }
0x78: {  	_ =	shalt  }
0x79: {  	_ =	shalt  }
0x7a: {  	_ =	shalt  }
0x7b: {  	_ =	shalt  }
0x7c: {  	_ =	shalt  }
0x7d: {  	_ =	shalt  }
0x7e: {  	_ =	shalt  }
0x7f: {  	_ =	shalt  }
0x80: {  	_ =	shalt  }
0x81: {  	_ =	shalt  }
0x82: {  	_ =	shalt  }
0x83: {  	_ =	shalt  }
0x84: {  	_ =	shalt  }
0x85: {  	_ =	shalt  }
0x86: {  	_ =	shalt  }
0x87: {  	_ =	shalt  }
.Lfunc_end0:
.L_simem_size_0:
called_computation_lowered:
.L_overlay_start_0:
0x88: {  	s2 =	sld [smem:$0x3FD9]  }
0x89: {  	s3 =	sld [smem:$0x3FFE];
	_ =	sdelay $0x1  }
0x8a: {  	s1 =	srdreg.scid  }
0x8b: {  	s0 =	sand.u32 $0x1, s1  }
0x8c: {  	s17 =	sshll.u32 s0, $0xA;
	s2 =	sadd.s32 s3, s2  }
0x8d: {  	s2 =	sadd.s32 s2, s17  }
0x8e: {  	[smem:$0x3FC5] =	sst s2  }
0x8f: {  	_ = 	snop  }
0x90: {  	s2 =	sld [smem:$0x3FC9];
	(tm) =	ssettm $0x1  }
0x91: {  	s18 =	sld [smem:$0x3FFB];
	_ =	sdelay $0x3  }
0x92: {  	_ =	strace s18  }
0x93: {  	s3 =	sld [smem:$0x3FFC];
	_ =	sdelay $0x3  }
0x94: {  	_ =	strace s3  }
0x95: {  	s3 =	sld [smem:$0x3FFD];
	_ =	sdelay $0x3  }
0x96: {  	_ =	strace s3  }
0x97: {  	_ =	strace $0x8FFFFFFF  }
0x98: {  	s19 =	sld [smem:$0x3FDB];
	_ =	sdelay $0x1  }
0x99: {  	s4 =	simm.s32 $_scs_section_size  }
0x9a: {  	s5 =	simm.s32 $_size__tile_overlayer_lowered;
	s6 =	simm.s32 $_tile_overlayer_lowered  }
0x9b: {  	s22 =	simm.s32 $0x1BFF;
	s21 =	sshll.u32 s6, $0x1;
	s3 =	sadd.s32 s4, s19  }
0x9c: {  	s7 =	simm.s32 $0x0;
	s20 =	sshll.u32 s5, $0x1;
	s5 =	sadd.s32 s21, s3  }
0x9d: {  	[timem:s7], [sflag:s22] =	dma.local [hbm:s5], s20  }
0x9e: {  	_ =	swait.ge [sflag:s22], s20  }
0x9f: {  	s4 =	ssub.s32 $0x0, s20;
	[sflag:s22] =	ssyncset.done $0x0  }
0xa0: {  	[sflag:s22] =	ssyncadd.s32 s4;
	_ =	sdelay $0x1  }
0xa1: {  	s23 =	simm.s32 $0x1B8B  }
0xa2: {  	_ =	swait.ge [sflag:s23], $0x1  }
0xa3: {  	[sflag:s23] =	ssyncset.done $0x0  }
0xa4: {  	s25 =	simm.s32 $0x1B8E;
	s24 =	sld [smem:$0x3FFE];
	[sflag:s23] =	ssyncadd.s32 $0xFFFFFFFF  }
0xa5: {  	s26 =	simm.s32 $execute0_lowered;
	[smem:$0x3FD2] =	sst s25  }
0xa6: {  	s5 =	sshll.u32 s26, $0x1;
	_ =	strace $0x80000046;
	[dreg:$0x1] =	wrdreg $0xFFFFFFFF  }
0xa7: {  	s28 =	simm.s32 $_size_execute0_lowered;
	s3 =	sadd.s32 s3, s5;
	[dreg:$0x0] =	wrdreg $0x0  }
0xa8: {  	s5 =	sshll.u32 s28, $0x1;
	[dreg:$0x2] =	wrdreg s3  }
0xa9: {  	[dreg:$0x3] =	wrdreg s5  }
0xaa: {  	[dreg:$0x4] =	wrdreg $0xC0  }
0xab: {  	_ =	task [dreg:s7], $0x5FFFF  }
0xac: {  	[dreg:$0x1] =	wrdreg $0xFFFFFFFF  }
0xad: {  	[dreg:$0x0] =	wrdreg $0x60  }
0xae: {  	[dreg:$0x2] =	wrdreg s2  }
0xaf: {  	[dreg:$0x3] =	wrdreg s24  }
0xb0: {  	[dreg:$0x4] =	wrdreg $0x90000  }
0xb1: {  	[dreg:$0x5] =	wrdreg $0x9  }
0xb2: {  	_ =	task.clear_ibuf [dreg:s7], $0x6FFFF;
	_ =	strace $0x90000046  }
0xb3: {  	s29 =	simm.s32 $0x9;
	_ =	strace $0x80000048  }
0xb4: {  	_ =	swait.ge [sflag:s29], $0x1  }
0xb5: {  	[sflag:s29] =	ssyncadd.s32 $0xFFFFFFFF  }
0xb6: {  	_ =	strace $0x90000048  }
0xb7: {  	_ =	sfence  }
0xb8: {  	s30 =	sld [smem:$0x0];
	_ =	sdelay $0x2  }
0xb9: {  	s31 =	sshll.u32 s1, $0xD;
	s1 =	sshrl.u32 s1, $0x2  }
0xba: {  	s3 =	sand.u32 $0x4000, s31;
	s1 =	sadd.s32 s1, s30  }
0xbb: {  	s0 =	sor.u32 s3, s0;
	s1 =	sshll.u32 s1, $0x11  }
0xbc: {  	s0 =	sor.u32 s1, s0  }
0xbd: {  	s0 =	sadd.s32 $0x8F2B, s0  }
0xbe: {  	[sflag:s0] =	ssyncadd.remote.s32 $0x1  }
0xbf: {  	_ =	sfence.sel $0xFFFF  }
0xc0: {  	[dreg:$0x0] =	wrdreg $0xFFFFFFFF;
	(pc) =	sbr.abs _section_cstart, $3  }
0xc1: {  	[dreg:$0x1] =	wrdreg $0xFFFFFFFF  }
0xc2: {  	_ =	task.clear_ibuf [dreg:s7], $0x2FFFF;
	_ =	strace $0x9FFFFFFF  }
0xc3: {  	(tm) =	ssettm $0x7FFFFFFF  }
tec
execute0_lowered:
.L_overlay_start_1:
0x0: {  	(tag) =	ssettag $0x1  }
0x1: {  	s1 =	rddreg [dreg:$0x0]  }
0x2: {  	s2 =	rddreg [dreg:$0x1]  }
0x3: {  	s0 =	rddreg [dreg:$0x2];
	s3 =	simm.s32 $0x0  }
0x4: {  	s31 =	simm.s32 $0x8C00;
	[smem:$0x7FF] =	sst s3  }
0x5: {  	s4 =	simm.s32 $0x8810;
	_ =	strace $0x80000047;
	[dreg:$0x5] =	wrdreg s31  }
0x6: {  	s5 =	simm.s32 $0x8820;
	[dreg:$0x6] =	wrdreg s4  }
0x7: {  	s6 =	simm.s32 $0x8830;
	[dreg:$0x7] =	wrdreg s5  }
0x8: {  	s7 =	simm.s32 $0x8840;
	[dreg:$0x8] =	wrdreg s6  }
0x9: {  	s9 =	simm.s32 $0x8850;
	[dreg:$0x9] =	wrdreg s7  }
0xa: {  	s11 =	simm.s32 $0x8860;
	[dreg:$0xa] =	wrdreg s9  }
0xb: {  	s12 =	simm.s32 $0x8880;
	[dreg:$0xb] =	wrdreg s11  }
0xc: {  	s14 =	simm.s32 $0x8890;
	[dreg:$0xd] =	wrdreg s12  }
0xd: {  	s16 =	simm.s32 $0x88A0;
	[dreg:$0xe] =	wrdreg s14  }
0xe: {  	s17 =	simm.s32 $0x88B0;
	[dreg:$0xf] =	wrdreg s16  }
0xf: {  	s18 =	simm.s32 $0x88C0;
	[dreg:$0x10] =	wrdreg s17  }
0x10: {  	s20 =	simm.s32 $0x88D0;
	[dreg:$0x11] =	wrdreg s18  }
0x11: {  	s21 =	simm.s32 $0x88E0;
	[dreg:$0x12] =	wrdreg s20  }
0x12: {  	s22 =	simm.s32 $0x88F0;
	[dreg:$0x13] =	wrdreg s21  }
0x13: {  	s23 =	simm.s32 $0x8900;
	[dreg:$0x14] =	wrdreg s22  }
0x14: {  	s24 =	simm.s32 $0x8910;
	[dreg:$0x15] =	wrdreg s23  }
0x15: {  	s25 =	simm.s32 $0x8920;
	[dreg:$0x16] =	wrdreg s24  }
0x16: {  	s10 =	stileid.u32;
	s28 =	simm.s32 $0x8930;
	[dreg:$0x17] =	wrdreg s25  }
0x17: {  	s29 =	simm.s32 $0x8940;
	s30 =	sshll.u32 s10, $0xE;
	[dreg:$0x18] =	wrdreg s28  }
0x18: {  	s3 =	sadd.s32 s30, s0;
	[dreg:$0x19] =	wrdreg s29  }
0x19: {  	s7 =	simm.s32 $0x8870;
	[dreg:$0x4] =	wrdreg s3  }
0x1a: {  	s30 =	simm.s32 $0x8950;
	[dreg:$0xc] =	wrdreg s7  }
0x1b: {  	s31 =	simm.s32 $0x8960;
	[dreg:$0x1a] =	wrdreg s30  }
0x1c: {  	s12 =	simm.s32 $0x8980;
	[dreg:$0x1b] =	wrdreg s31  }
0x1d: {  	s16 =	simm.s32 $0x89B0;
	[dreg:$0x1d] =	wrdreg s12  }
0x1e: {  	s18 =	simm.s32 $0x89C0;
	[smem:$0x7F0] =	sst s16  }
0x1f: {  	s20 =	simm.s32 $0x89D0;
	[smem:$0x7F2] =	sst s18  }
0x20: {  	s22 =	simm.s32 $0x89E0;
	[smem:$0x7F4] =	sst s20  }
0x21: {  	s23 =	simm.s32 $0x89F0;
	[smem:$0x7F5] =	sst s22  }
0x22: {  	s24 =	simm.s32 $0x8A00;
	[smem:$0x7F6] =	sst s23  }
0x23: {  	s25 =	simm.s32 $0x8A10;
	[smem:$0x7F7] =	sst s24  }
0x24: {  	s28 =	simm.s32 $0x8A30;
	[smem:$0x7F8] =	sst s25  }
0x25: {  	s4 =	srdreg.scid;
	s29 =	simm.s32 $0x8A40;
	[smem:$0x7FA] =	sst s28  }
0x26: {  	s9 =	smul.u32 $0x28000, s10;
	[smem:$0x7FB] =	sst s29;
	s30 =	simm.s32 $0x8A50  }
0x27: {  	s5 =	sand.u32 $0x1, s4;
	s31 =	simm.s32 $0x8A60;
	[smem:$0x7FC] =	sst s30  }
0x28: {  	s14 =	sshll.u32 s10, $0xA;
	s8 =	sshll.u32 s5, $0x1;
	[smem:$0x7FD] =	sst s31  }
0x29: {  	s13 =	ssub.s32 $0x2, s5;
	s5 =	sshll.u32 s5, $0x18;
	[smem:$0x7EB] =	sst s8  }
0x2a: {  	s6 =	sadd.s32 s10, s8;
	s15 =	sshrl.u32 s13, $0x1;
	s8 =	smul.u32 $0xA0, s10  }
0x2b: {  	s6 =	sshll.u32 s6, $0x7;
	s7 =	ssub.s32 s13, s15;
	s13 =	simm.s32 $0x8990  }
0x2c: {  	s15 =	simm.s32 $0x89A0;
	s4 =	sadd.s32 s6, s2;
	[dreg:$0x1e] =	wrdreg s13  }
0x2d: {  	s19 =	sadd.s32 $0x1600, s8;
	s2 =	sadd.s32 s14, s0;
	[dreg:$0x1f] =	wrdreg s15  }
0x2e: {  	s21 =	smax.u32 s7, $0x1;
	s8 =	sshll.u32 s19, $0xA;
	[smem:$0x7EE] =	sst s2  }
0x2f: {  	s11 =	sshll.u32 s19, $0x7;
	s17 =	sadd.s32 $0x4000, s2;
	[smem:$0x7F3] =	sst s21  }
0x30: {  	s19 =	sadd.s32 $0xA00, s4;
	s8 =	sor.u32 s5, s8;
	[smem:$0x7EF] =	sst s17  }
0x31: {  	s5 =	sor.u32 s5, s9;
	s9 =	simm.s32 $0x8970;
	[smem:$0x7F1] =	sst s19  }
.Ltmp0:
0x32: {  	s8 =	sshrl.u32 s8, $0x3;
	s5 =	sadd.s32 $0x584000, s5;
	(pc) =	sbr.rel .LBB2_1-.Ltmp0, $4  }
0x33: {  	[dreg:$0x1c] =	wrdreg s9;
	s26 =	sadd.s32 s1, s8;
	s5 =	sshrl.u32 s5, $0x3  }
0x34: {  	[smem:$0x7EC] =	sst s26;
	s8 =	sadd.s32 s1, s5  }
0x35: {  	p0 =	sgt.u32 s10, $0x1;
	s26 =	simm.s32 $0x8A20;
	[smem:$0x7ED] =	sst s8  }
0x36: {  	v0 =	vimm.f32 $0.0e+00;
	s6 =	sadd.s32 s1, s11;
	s1 =	simm.s32 $0x0;
	[smem:$0x7F9] =	sst s26  }
.LBB2_28:
0x37: {  	s0 =	sld [smem:$0x7F3];
	_ =	sdelay $0x1  }
0x38: {  	s1 =	sadd.s32 $0x1, s1  }
0x39: {  	p1 =	sne.s32 s1, s0  }
.Ltmp1:
0x3a: {  	_ = 	snop;
	(pc) =	sbr.rel @!p1 .LBB2_29-.Ltmp1, $1  }
0x3b: {  	_ =	sdelay $0x3  }
.LBB2_1:
0x3c: {  	[smem:$0x7EA] =	sst s1;
	s0 =	simm.s32 $0x40;
	s1 =	simm.s32 $0x0  }
.LBB2_2:
0x3d: {  	p1 =	sne.s32 s0, $0x1FC0;
	[tilespmem:s1+$0x8000] =	vst v0;
	s1 =	smov.u32 s0;
	s0 =	sadd.s32 $0x40, s0  }
.Ltmp2:
0x3e: {  	(pc) =	sbr.rel @p1 .LBB2_2-.Ltmp2, $2  }
0x3f: {  	_ =	sdelay $0x2  }
0x40: {  	s1 =	sshra.s32 s1, $0x2  }
0x41: {  	s0 =	sld [smem:$0x7EC];
	_ =	sdelay $0x1  }
0x42: {  	[tilespmem:s1+$0x8000] =	vst v0;
	s2 =	simm.s32 $0x0;
	s30 =	sld [smem:$0x7ED]  }
0x43: {  	[tilespmem:s2], [sflag:$0x1] =	stream.linear.gather [hbm4b:s0+s2], $0x4000, $0x38;
	[tilespmem:$0x9800] =	vst v63  }
0x44: {  	s31 =	simm.s32 $0x4000;
	s21 =	simm.s32 $0x0  }
0x45: {  	[tilespmem:s31], [sflag:$0x2] =	stream.linear.gather [hbm4b:s30+s2], $0x4000, $0x38;
	[tilespmem:$0x9800] =	vst v63  }
.LBB2_4:
0x46: {  	s2 =	simm.s32 $0x1  }
0x47: {  	s1 =	simm.s32 $0x0;
	_ =	swait.ge [sflag:s2], $0x4000  }
0x48: {  	s0 =	sand.u32 $0x2000, s1;
	s1 =	sand.u32 $0x380, s1;
	[sflag:s2] =	ssyncset.done $0x0  }
0x49: {  	s0 =	sor.u32 s1, s0;
	[sflag:s2] =	ssyncadd.s32 $0xFFFFC000  }
0x4a: {  	v1 =	vld [tilespmem:s0+$0x470]  }
0x4b: {  	v3 =	vld [tilespmem:s0+$0x0]  }
0x4c: {  	v4 =	vld [tilespmem:s0+$0x10]  }
0x4d: {  	v5 =	vld [tilespmem:s0+$0x20]  }
0x4e: {  	v6 =	vld [tilespmem:s0+$0x30]  }
0x4f: {  	v7 =	vld [tilespmem:s0+$0x40]  }
0x50: {  	v8 =	vld [tilespmem:s0+$0x50]  }
0x51: {  	v9 =	vld [tilespmem:s0+$0x60]  }
0x52: {  	v2 =	vimm.f32 $0.0e+00;
	v17 =	vld [tilespmem:s0+$0x70]  }
0x53: {  	v21 =	vld [tilespmem:s0+$0x400];
	v1 =	vadd.f32 v1, v2  }
0x54: {  	v16 =	vadd.f32 v3, v2;
	v15 =	vadd.f32 v4, v2  }
0x55: {  	v20 =	vld [tilespmem:s0+$0x410];
	v14 =	vadd.f32 v5, v2;
	v13 =	vadd.f32 v6, v2  }
0x56: {  	v19 =	vld [tilespmem:s0+$0x420];
	v12 =	vadd.f32 v7, v2;
	v11 =	vadd.f32 v8, v2  }
0x57: {  	v18 =	vld [tilespmem:s0+$0x430];
	v10 =	vadd.f32 v9, v2;
	v7 =	vadd.f32 v17, v2  }
0x58: {  	s31 =	simm.s32 $0x400;
	s1 =	simm.s32 $0x80;
	v17 =	vld [tilespmem:s0+$0x440];
	v8 =	vadd.f32 v21, v2;
	v9 =	vimm.f32 $0.0e+00;
	v5 =	vimm.f32 $0.0e+00  }
0x59: {  	s4 =	simm.s32 $0x800;
	s2 =	sand.u32 $0x2000, s31;
	s5 =	sand.u32 $0x380, s1;
	v21 =	vld [tilespmem:s0+$0x450];
	v6 =	vimm.f32 $0.0e+00;
	v4 =	vimm.f32 $0.0e+00;
	v3 =	vimm.f32 $0.0e+00  }
.LBB2_5:
0x5a: {  	p1 =	sne.s32 s4, $0x3C00;
	v2 =	vadd.f32 v20, v2;
	v20 =	vld [tilespmem:s0+$0x460];
	s0 =	sor.u32 s5, s2  }
0x5b: {  	v22 =	vld [tilespmem:s0+$0x470];
	v9 =	vadd.f32 v19, v9  }
0x5c: {  	v19 =	vld [tilespmem:s0+$0x0];
	v5 =	vadd.f32 v18, v5  }
0x5d: {  	v18 =	vld [tilespmem:s0+$0x10];
	v6 =	vadd.f32 v17, v6  }
0x5e: {  	v17 =	vld [tilespmem:s0+$0x20];
	v4 =	vadd.f32 v21, v4  }
0x5f: {  	v21 =	vld [tilespmem:s0+$0x30];
	v3 =	vadd.f32 v20, v3  }
0x60: {  	v20 =	vld [tilespmem:s0+$0x40];
	v1 =	vadd.f32 v22, v1  }
0x61: {  	v16 =	vadd.f32 v19, v16;
	v19 =	vld [tilespmem:s0+$0x50]  }
0x62: {  	v15 =	vadd.f32 v18, v15;
	v18 =	vld [tilespmem:s0+$0x60]  }
0x63: {  	v14 =	vadd.f32 v17, v14;
	v17 =	vld [tilespmem:s0+$0x70]  }
0x64: {  	v13 =	vadd.f32 v21, v13;
	v21 =	vld [tilespmem:s0+$0x400]  }
.Ltmp3:
0x65: {  	v12 =	vadd.f32 v20, v12;
	v20 =	vld [tilespmem:s0+$0x410];
	(pc) =	sbr.rel @p1 .LBB2_5-.Ltmp3, $4  }
0x66: {  	v11 =	vadd.f32 v19, v11;
	v19 =	vld [tilespmem:s0+$0x420]  }
0x67: {  	v10 =	vadd.f32 v18, v10;
	v18 =	vld [tilespmem:s0+$0x430]  }
0x68: {  	s1 =	sadd.s32 $0x80, s1;
	v7 =	vadd.f32 v17, v7;
	v17 =	vld [tilespmem:s0+$0x440]  }
0x69: {  	s2 =	sand.u32 $0x2000, s4;
	s4 =	sadd.s32 $0x400, s4;
	s5 =	sand.u32 $0x380, s1;
	v8 =	vadd.f32 v21, v8;
	v21 =	vld [tilespmem:s0+$0x450]  }
0x6a: {  	s1 =	sor.u32 s5, s2;
	v22 =	vld [tilespmem:s0+$0x460]  }
0x6b: {  	v23 =	vld [tilespmem:s1+$0x470]  }
0x6c: {  	v24 =	vld [tilespmem:s1+$0x0]  }
0x6d: {  	v25 =	vld [tilespmem:s1+$0x10]  }
0x6e: {  	v26 =	vld [tilespmem:s1+$0x20]  }
0x6f: {  	v27 =	vld [tilespmem:s1+$0x30]  }
0x70: {  	v28 =	vld [tilespmem:s1+$0x40]  }
0x71: {  	v29 =	vld [tilespmem:s1+$0x50]  }
0x72: {  	v30 =	vld [tilespmem:s1+$0x60]  }
0x73: {  	v31 =	vld [tilespmem:s1+$0x70]  }
0x74: {  	v32 =	vld [tilespmem:s1+$0x400]  }
0x75: {  	v33 =	vld [tilespmem:s1+$0x410]  }
0x76: {  	v34 =	vld [tilespmem:s1+$0x420]  }
0x77: {  	v35 =	vld [tilespmem:s1+$0x430]  }
0x78: {  	p1 =	sgt.u32 s21, $0x4;
	s22 =	simm.s32 $0x400;
	v36 =	vld [tilespmem:s1+$0x440]  }
0x79: {  	v62 =	vld [tilespmem:s1+$0x450];
	s22 =	simm.s32 @!p1 $0x0;
	v16 =	vadd.f32 v24, v16  }
0x7a: {  	v63 =	vld [tilespmem:s1+$0x460];
	s24 =	sor.u32 $0x8000, s22;
	v15 =	vadd.f32 v25, v15  }
0x7b: {  	s25 =	sor.u32 $0x8010, s22;
	v14 =	vadd.f32 v26, v14;
	[tilespmem:s24+$0x0] =	vst.add.f32.msk $0xffff, v16  }
0x7c: {  	s26 =	sor.u32 $0x8020, s22;
	v13 =	vadd.f32 v27, v13;
	[tilespmem:s25+$0x0] =	vst.add.f32.msk $0xffff, v15  }
0x7d: {  	s28 =	sor.u32 $0x8030, s22;
	v12 =	vadd.f32 v28, v12;
	[tilespmem:s26+$0x0] =	vst.add.f32.msk $0xffff, v14  }
0x7e: {  	s29 =	sor.u32 $0x8040, s22;
	v11 =	vadd.f32 v29, v11;
	[tilespmem:s28+$0x0] =	vst.add.f32.msk $0xffff, v13  }
0x7f: {  	s30 =	sor.u32 $0x8050, s22;
	v10 =	vadd.f32 v30, v10;
	[tilespmem:s29+$0x0] =	vst.add.f32.msk $0xffff, v12  }
0x80: {  	v2 =	vadd.f32 v20, v2;
	s31 =	sor.u32 $0x8060, s22;
	v7 =	vadd.f32 v31, v7;
	[tilespmem:s30+$0x0] =	vst.add.f32.msk $0xffff, v11  }
0x81: {  	v9 =	vadd.f32 v19, v9;
	s0 =	sor.u32 $0x8070, s22;
	v8 =	vadd.f32 v32, v8;
	[tilespmem:s31+$0x0] =	vst.add.f32.msk $0xffff, v10  }
0x82: {  	v5 =	vadd.f32 v18, v5;
	s1 =	sor.u32 $0x8080, s22;
	v2 =	vadd.f32 v33, v2;
	[tilespmem:s0+$0x0] =	vst.add.f32.msk $0xffff, v7  }
0x83: {  	s14 =	sor.u32 $0x8090, s22;
	v6 =	vadd.f32 v17, v6;
	v7 =	vadd.f32 v34, v9;
	[tilespmem:s1+$0x0] =	vst.add.f32.msk $0xffff, v8  }
0x84: {  	s16 =	sor.u32 $0x80A0, s22;
	v4 =	vadd.f32 v21, v4;
	v5 =	vadd.f32 v35, v5;
	[tilespmem:s14+$0x0] =	vst.add.f32.msk $0xffff, v2  }
0x85: {  	s9 =	sor.u32 $0x80B0, s22;
	v2 =	vadd.f32 v22, v3;
	v3 =	vadd.f32 v36, v6;
	[tilespmem:s16+$0x0] =	vst.add.f32.msk $0xffff, v7  }
0x86: {  	s4 =	sor.u32 $0x80C0, s22;
	v4 =	vadd.f32 v62, v4;
	[tilespmem:s9+$0x0] =	vst.add.f32.msk $0xffff, v5  }
0x87: {  	s5 =	sor.u32 $0x80D0, s22;
	v2 =	vadd.f32 v63, v2;
	[tilespmem:s4+$0x0] =	vst.add.f32.msk $0xffff, v3  }
0x88: {  	s20 =	simm.s32 $0x0;
	s8 =	sor.u32 $0x80E0, s22;
	v1 =	vadd.f32 v23, v1;
	[tilespmem:s5+$0x0] =	vst.add.f32.msk $0xffff, v4  }
0x89: {  	s7 =	sand.u32 $0x2000, s20;
	s2 =	sand.u32 $0x380, s20;
	s10 =	sor.u32 $0x80F0, s22;
	[tilespmem:s8+$0x0] =	vst.add.f32.msk $0xffff, v2  }
0x8a: {  	s7 =	sor.u32 s2, s7;
	[tilespmem:s10+$0x0] =	vst.add.f32.msk $0xffff, v1  }
0x8b: {  	v1 =	vld [tilespmem:s7+$0xC70]  }
0x8c: {  	v3 =	vld [tilespmem:s7+$0x800]  }
0x8d: {  	v4 =	vld [tilespmem:s7+$0x810]  }
0x8e: {  	v5 =	vld [tilespmem:s7+$0x820]  }
0x8f: {  	v6 =	vld [tilespmem:s7+$0x830]  }
0x90: {  	v7 =	vld [tilespmem:s7+$0x840]  }
0x91: {  	v8 =	vld [tilespmem:s7+$0x850]  }
0x92: {  	v9 =	vld [tilespmem:s7+$0x860]  }
0x93: {  	v2 =	vimm.f32 $0.0e+00;
	v12 =	vld [tilespmem:s7+$0x870]  }
0x94: {  	v13 =	vld [tilespmem:s7+$0xC00];
	v1 =	vadd.f32 v1, v2  }
0x95: {  	v16 =	vadd.f32 v3, v2;
	v15 =	vadd.f32 v4, v2  }
0x96: {  	v20 =	vld [tilespmem:s7+$0xC10];
	v14 =	vadd.f32 v5, v2;
	v10 =	vadd.f32 v6, v2  }
0x97: {  	v19 =	vld [tilespmem:s7+$0xC20];
	v11 =	vadd.f32 v7, v2;
	v7 =	vadd.f32 v8, v2  }
0x98: {  	v17 =	vld [tilespmem:s7+$0xC30];
	v8 =	vadd.f32 v9, v2;
	v4 =	vadd.f32 v12, v2  }
0x99: {  	s23 =	simm.s32 $0x400;
	s17 =	simm.s32 $0x80;
	v18 =	vld [tilespmem:s7+$0xC40];
	v9 =	vadd.f32 v13, v2;
	v12 =	vimm.f32 $0.0e+00;
	v5 =	vimm.f32 $0.0e+00  }
0x9a: {  	s18 =	simm.s32 $0x800;
	s11 =	sand.u32 $0x380, s17;
	s2 =	sand.u32 $0x2000, s23;
	v21 =	vld [tilespmem:s7+$0xC50];
	v13 =	vimm.f32 $0.0e+00;
	v6 =	vimm.f32 $0.0e+00;
	v3 =	vimm.f32 $0.0e+00  }
.LBB2_7:
0x9b: {  	p1 =	sne.s32 s18, $0x3C00;
	v2 =	vadd.f32 v20, v2;
	v20 =	vld [tilespmem:s7+$0xC60];
	s7 =	sor.u32 s11, s2  }
0x9c: {  	v22 =	vld [tilespmem:s7+$0xC70];
	v12 =	vadd.f32 v19, v12  }
0x9d: {  	v19 =	vld [tilespmem:s7+$0x800];
	v5 =	vadd.f32 v17, v5  }
0x9e: {  	v17 =	vld [tilespmem:s7+$0x810];
	v13 =	vadd.f32 v18, v13  }
0x9f: {  	v18 =	vld [tilespmem:s7+$0x820];
	v6 =	vadd.f32 v21, v6  }
0xa0: {  	v21 =	vld [tilespmem:s7+$0x830];
	v3 =	vadd.f32 v20, v3  }
0xa1: {  	v20 =	vld [tilespmem:s7+$0x840];
	v1 =	vadd.f32 v22, v1  }
0xa2: {  	v16 =	vadd.f32 v19, v16;
	v19 =	vld [tilespmem:s7+$0x850]  }
0xa3: {  	v15 =	vadd.f32 v17, v15;
	v17 =	vld [tilespmem:s7+$0x860]  }
0xa4: {  	v14 =	vadd.f32 v18, v14;
	v18 =	vld [tilespmem:s7+$0x870]  }
0xa5: {  	v10 =	vadd.f32 v21, v10;
	v21 =	vld [tilespmem:s7+$0xC00]  }
.Ltmp4:
0xa6: {  	v11 =	vadd.f32 v20, v11;
	v20 =	vld [tilespmem:s7+$0xC10];
	(pc) =	sbr.rel @p1 .LBB2_7-.Ltmp4, $4  }
0xa7: {  	v7 =	vadd.f32 v19, v7;
	v19 =	vld [tilespmem:s7+$0xC20]  }
0xa8: {  	v8 =	vadd.f32 v17, v8;
	v17 =	vld [tilespmem:s7+$0xC30]  }
0xa9: {  	s17 =	sadd.s32 $0x80, s17;
	v4 =	vadd.f32 v18, v4;
	v18 =	vld [tilespmem:s7+$0xC40]  }
0xaa: {  	s2 =	sand.u32 $0x2000, s18;
	s18 =	sadd.s32 $0x400, s18;
	s11 =	sand.u32 $0x380, s17;
	v9 =	vadd.f32 v21, v9;
	v21 =	vld [tilespmem:s7+$0xC50]  }
0xab: {  	s2 =	sor.u32 s11, s2;
	v22 =	vld [tilespmem:s7+$0xC60]  }
0xac: {  	v23 =	vld [tilespmem:s2+$0xC70]  }
0xad: {  	v24 =	vld [tilespmem:s2+$0x800]  }
0xae: {  	v25 =	vld [tilespmem:s2+$0x810]  }
0xaf: {  	v26 =	vld [tilespmem:s2+$0x820]  }
0xb0: {  	v27 =	vld [tilespmem:s2+$0x830]  }
0xb1: {  	v28 =	vld [tilespmem:s2+$0x840]  }
0xb2: {  	v29 =	vld [tilespmem:s2+$0x850]  }
0xb3: {  	v30 =	vld [tilespmem:s2+$0x860]  }
0xb4: {  	v31 =	vld [tilespmem:s2+$0x870]  }
0xb5: {  	v32 =	vld [tilespmem:s2+$0xC00]  }
0xb6: {  	v33 =	vld [tilespmem:s2+$0xC10]  }
0xb7: {  	v34 =	vld [tilespmem:s2+$0xC20]  }
0xb8: {  	v35 =	vld [tilespmem:s2+$0xC30]  }
0xb9: {  	v36 =	vld [tilespmem:s2+$0xC40]  }
0xba: {  	v62 =	vld [tilespmem:s2+$0xC50];
	v16 =	vadd.f32 v24, v16  }
0xbb: {  	v63 =	vld [tilespmem:s2+$0xC60];
	v15 =	vadd.f32 v25, v15  }
0xbc: {  	v14 =	vadd.f32 v26, v14;
	[tilespmem:s22+$0x8100] =	vst.add.f32.msk $0xffff, v16  }
0xbd: {  	v10 =	vadd.f32 v27, v10;
	[tilespmem:s22+$0x8110] =	vst.add.f32.msk $0xffff, v15  }
0xbe: {  	v11 =	vadd.f32 v28, v11;
	[tilespmem:s22+$0x8120] =	vst.add.f32.msk $0xffff, v14  }
0xbf: {  	v7 =	vadd.f32 v29, v7;
	[tilespmem:s22+$0x8130] =	vst.add.f32.msk $0xffff, v10  }
0xc0: {  	v8 =	vadd.f32 v30, v8;
	[tilespmem:s22+$0x8140] =	vst.add.f32.msk $0xffff, v11  }
0xc1: {  	v2 =	vadd.f32 v20, v2;
	v4 =	vadd.f32 v31, v4;
	[tilespmem:s22+$0x8150] =	vst.add.f32.msk $0xffff, v7  }
0xc2: {  	v5 =	vadd.f32 v17, v5;
	v9 =	vadd.f32 v32, v9;
	[tilespmem:s22+$0x8160] =	vst.add.f32.msk $0xffff, v8  }
0xc3: {  	v2 =	vadd.f32 v33, v2;
	[tilespmem:s22+$0x8170] =	vst.add.f32.msk $0xffff, v4  }
0xc4: {  	v5 =	vadd.f32 v35, v5;
	v7 =	vadd.f32 v19, v12;
	[tilespmem:s22+$0x8180] =	vst.add.f32.msk $0xffff, v9  }
0xc5: {  	v1 =	vadd.f32 v23, v1;
	v4 =	vadd.f32 v18, v13;
	[tilespmem:s22+$0x8190] =	vst.add.f32.msk $0xffff, v2  }
0xc6: {  	v6 =	vadd.f32 v21, v6;
	[tilespmem:s22+$0x81B0] =	vst.add.f32.msk $0xffff, v5;
	v7 =	vadd.f32 v34, v7  }
0xc7: {  	v2 =	vadd.f32 v22, v3;
	[tilespmem:s22+$0x81F0] =	vst.add.f32.msk $0xffff, v1;
	v3 =	vadd.f32 v36, v4  }
0xc8: {  	v4 =	vadd.f32 v62, v6;
	[tilespmem:s22+$0x81A0] =	vst.add.f32.msk $0xffff, v7  }
0xc9: {  	s19 =	simm.s32 $0x0;
	v2 =	vadd.f32 v63, v2;
	[tilespmem:s22+$0x81C0] =	vst.add.f32.msk $0xffff, v3  }
0xca: {  	s20 =	sand.u32 $0x2000, s19;
	s2 =	sand.u32 $0x380, s19;
	[tilespmem:s22+$0x81D0] =	vst.add.f32.msk $0xffff, v4  }
0xcb: {  	s7 =	sor.u32 s2, s20;
	[tilespmem:s22+$0x81E0] =	vst.add.f32.msk $0xffff, v2  }
0xcc: {  	v1 =	vld [tilespmem:s7+$0x1470]  }
0xcd: {  	v3 =	vld [tilespmem:s7+$0x1000]  }
0xce: {  	v4 =	vld [tilespmem:s7+$0x1010]  }
0xcf: {  	v5 =	vld [tilespmem:s7+$0x1020]  }
0xd0: {  	v6 =	vld [tilespmem:s7+$0x1030]  }
0xd1: {  	v7 =	vld [tilespmem:s7+$0x1040]  }
0xd2: {  	v8 =	vld [tilespmem:s7+$0x1050]  }
0xd3: {  	v9 =	vld [tilespmem:s7+$0x1060]  }
0xd4: {  	v2 =	vimm.f32 $0.0e+00;
	v12 =	vld [tilespmem:s7+$0x1070]  }
0xd5: {  	v13 =	vld [tilespmem:s7+$0x1400];
	v1 =	vadd.f32 v1, v2  }
0xd6: {  	v16 =	vadd.f32 v3, v2;
	v15 =	vadd.f32 v4, v2  }
0xd7: {  	v20 =	vld [tilespmem:s7+$0x1410];
	v14 =	vadd.f32 v5, v2;
	v10 =	vadd.f32 v6, v2  }
0xd8: {  	v19 =	vld [tilespmem:s7+$0x1420];
	v11 =	vadd.f32 v7, v2;
	v7 =	vadd.f32 v8, v2  }
0xd9: {  	v17 =	vld [tilespmem:s7+$0x1430];
	v8 =	vadd.f32 v9, v2;
	v4 =	vadd.f32 v12, v2  }
0xda: {  	s23 =	simm.s32 $0x400;
	s17 =	simm.s32 $0x80;
	v18 =	vld [tilespmem:s7+$0x1440];
	v9 =	vadd.f32 v13, v2;
	v12 =	vimm.f32 $0.0e+00;
	v5 =	vimm.f32 $0.0e+00  }
0xdb: {  	s18 =	simm.s32 $0x800;
	s11 =	sand.u32 $0x380, s17;
	s2 =	sand.u32 $0x2000, s23;
	v21 =	vld [tilespmem:s7+$0x1450];
	v13 =	vimm.f32 $0.0e+00;
	v6 =	vimm.f32 $0.0e+00;
	v3 =	vimm.f32 $0.0e+00  }
.LBB2_9:
0xdc: {  	p1 =	sne.s32 s18, $0x3C00;
	v2 =	vadd.f32 v20, v2;
	v20 =	vld [tilespmem:s7+$0x1460];
	s7 =	sor.u32 s11, s2  }
0xdd: {  	v22 =	vld [tilespmem:s7+$0x1470];
	v12 =	vadd.f32 v19, v12  }
0xde: {  	v19 =	vld [tilespmem:s7+$0x1000];
	v5 =	vadd.f32 v17, v5  }
0xdf: {  	v17 =	vld [tilespmem:s7+$0x1010];
	v13 =	vadd.f32 v18, v13  }
0xe0: {  	v18 =	vld [tilespmem:s7+$0x1020];
	v6 =	vadd.f32 v21, v6  }
0xe1: {  	v21 =	vld [tilespmem:s7+$0x1030];
	v3 =	vadd.f32 v20, v3  }
0xe2: {  	v20 =	vld [tilespmem:s7+$0x1040];
	v1 =	vadd.f32 v22, v1  }
0xe3: {  	v16 =	vadd.f32 v19, v16;
	v19 =	vld [tilespmem:s7+$0x1050]  }
0xe4: {  	v15 =	vadd.f32 v17, v15;
	v17 =	vld [tilespmem:s7+$0x1060]  }
0xe5: {  	v14 =	vadd.f32 v18, v14;
	v18 =	vld [tilespmem:s7+$0x1070]  }
0xe6: {  	v10 =	vadd.f32 v21, v10;
	v21 =	vld [tilespmem:s7+$0x1400]  }
.Ltmp5:
0xe7: {  	v11 =	vadd.f32 v20, v11;
	v20 =	vld [tilespmem:s7+$0x1410];
	(pc) =	sbr.rel @p1 .LBB2_9-.Ltmp5, $4  }
0xe8: {  	v7 =	vadd.f32 v19, v7;
	v19 =	vld [tilespmem:s7+$0x1420]  }
0xe9: {  	v8 =	vadd.f32 v17, v8;
	v17 =	vld [tilespmem:s7+$0x1430]  }
0xea: {  	s17 =	sadd.s32 $0x80, s17;
	v4 =	vadd.f32 v18, v4;
	v18 =	vld [tilespmem:s7+$0x1440]  }
0xeb: {  	s2 =	sand.u32 $0x2000, s18;
	s18 =	sadd.s32 $0x400, s18;
	s11 =	sand.u32 $0x380, s17;
	v9 =	vadd.f32 v21, v9;
	v21 =	vld [tilespmem:s7+$0x1450]  }
0xec: {  	s2 =	sor.u32 s11, s2;
	v22 =	vld [tilespmem:s7+$0x1460]  }
0xed: {  	v23 =	vld [tilespmem:s2+$0x1470]  }
0xee: {  	v24 =	vld [tilespmem:s2+$0x1000]  }
0xef: {  	v25 =	vld [tilespmem:s2+$0x1010]  }
0xf0: {  	v26 =	vld [tilespmem:s2+$0x1020]  }
0xf1: {  	v27 =	vld [tilespmem:s2+$0x1030]  }
0xf2: {  	v28 =	vld [tilespmem:s2+$0x1040]  }
0xf3: {  	v29 =	vld [tilespmem:s2+$0x1050]  }
0xf4: {  	v30 =	vld [tilespmem:s2+$0x1060]  }
0xf5: {  	v31 =	vld [tilespmem:s2+$0x1070]  }
0xf6: {  	v32 =	vld [tilespmem:s2+$0x1400]  }
0xf7: {  	v33 =	vld [tilespmem:s2+$0x1410]  }
0xf8: {  	v34 =	vld [tilespmem:s2+$0x1420]  }
0xf9: {  	v35 =	vld [tilespmem:s2+$0x1430]  }
0xfa: {  	v36 =	vld [tilespmem:s2+$0x1440]  }
0xfb: {  	v62 =	vld [tilespmem:s2+$0x1450];
	v16 =	vadd.f32 v24, v16  }
0xfc: {  	v63 =	vld [tilespmem:s2+$0x1460];
	v15 =	vadd.f32 v25, v15  }
0xfd: {  	v14 =	vadd.f32 v26, v14;
	[tilespmem:s22+$0x8200] =	vst.add.f32.msk $0xffff, v16  }
0xfe: {  	v10 =	vadd.f32 v27, v10;
	[tilespmem:s22+$0x8210] =	vst.add.f32.msk $0xffff, v15  }
0xff: {  	v11 =	vadd.f32 v28, v11;
	[tilespmem:s22+$0x8220] =	vst.add.f32.msk $0xffff, v14  }
0x100: {  	v7 =	vadd.f32 v29, v7;
	[tilespmem:s22+$0x8230] =	vst.add.f32.msk $0xffff, v10  }
0x101: {  	v8 =	vadd.f32 v30, v8;
	[tilespmem:s22+$0x8240] =	vst.add.f32.msk $0xffff, v11  }
0x102: {  	v2 =	vadd.f32 v20, v2;
	v4 =	vadd.f32 v31, v4;
	[tilespmem:s22+$0x8250] =	vst.add.f32.msk $0xffff, v7  }
0x103: {  	v5 =	vadd.f32 v17, v5;
	v9 =	vadd.f32 v32, v9;
	[tilespmem:s22+$0x8260] =	vst.add.f32.msk $0xffff, v8  }
0x104: {  	v2 =	vadd.f32 v33, v2;
	[tilespmem:s22+$0x8270] =	vst.add.f32.msk $0xffff, v4  }
0x105: {  	v5 =	vadd.f32 v35, v5;
	v7 =	vadd.f32 v19, v12;
	[tilespmem:s22+$0x8280] =	vst.add.f32.msk $0xffff, v9  }
0x106: {  	v1 =	vadd.f32 v23, v1;
	v4 =	vadd.f32 v18, v13;
	[tilespmem:s22+$0x8290] =	vst.add.f32.msk $0xffff, v2  }
0x107: {  	v6 =	vadd.f32 v21, v6;
	[tilespmem:s22+$0x82B0] =	vst.add.f32.msk $0xffff, v5;
	v7 =	vadd.f32 v34, v7  }
0x108: {  	v2 =	vadd.f32 v22, v3;
	[tilespmem:s22+$0x82F0] =	vst.add.f32.msk $0xffff, v1;
	v3 =	vadd.f32 v36, v4  }
0x109: {  	s23 =	simm.s32 $0x0;
	v4 =	vadd.f32 v62, v6;
	[tilespmem:s22+$0x82A0] =	vst.add.f32.msk $0xffff, v7  }
0x10a: {  	s13 =	simm.s32 $0x0;
	s15 =	sand.u32 $0x7, s23;
	v2 =	vadd.f32 v63, v2;
	[tilespmem:s22+$0x82C0] =	vst.add.f32.msk $0xffff, v3  }
0x10b: {  	s17 =	sand.u32 $0x380, s23;
	s2 =	sand.u32 $0x2000, s13;
	s7 =	sshll.u32 s15, $0x7;
	[tilespmem:s22+$0x82D0] =	vst.add.f32.msk $0xffff, v4  }
0x10c: {  	s15 =	sadd.s32 $0x0, s7;
	s7 =	sor.u32 s17, s2;
	[tilespmem:s22+$0x82E0] =	vst.add.f32.msk $0xffff, v2  }
0x10d: {  	s18 =	sor.u32 $0x1C70, s15;
	v1 =	vld [tilespmem:s7+$0x1870]  }
0x10e: {  	s19 =	sor.u32 $0x1C00, s15;
	v2 =	vld [tilespmem:s18+$0x0]  }
0x10f: {  	s20 =	sor.u32 $0x1C10, s15;
	v3 =	vld [tilespmem:s19+$0x0]  }
0x110: {  	s3 =	sor.u32 $0x1C20, s15;
	v4 =	vld [tilespmem:s20+$0x0]  }
0x111: {  	s12 =	sor.u32 $0x1C30, s15;
	v5 =	vld [tilespmem:s3+$0x0]  }
0x112: {  	s13 =	sor.u32 $0x1C40, s15;
	v6 =	vld [tilespmem:s12+$0x0]  }
0x113: {  	s17 =	sor.u32 $0x1C50, s15;
	v11 =	vld [tilespmem:s13+$0x0]  }
0x114: {  	s18 =	sor.u32 $0x1C60, s15;
	v12 =	vld [tilespmem:s17+$0x0]  }
0x115: {  	v10 =	vimm.f32 $0.0e+00;
	v13 =	vld [tilespmem:s18+$0x0]  }
0x116: {  	v16 =	vimm.f32 $0.0e+00;
	v20 =	vld [tilespmem:s7+$0x1800];
	v9 =	vadd.f32 v1, v10;
	v1 =	vadd.f32 v2, v10  }
0x117: {  	v14 =	vimm.f32 $0.0e+00;
	v18 =	vld [tilespmem:s7+$0x1810];
	v8 =	vadd.f32 v3, v10;
	v7 =	vadd.f32 v4, v10  }
0x118: {  	v15 =	vimm.f32 $0.0e+00;
	s19 =	simm.s32 $0x80;
	v17 =	vld [tilespmem:s7+$0x1820];
	s20 =	simm.s32 $0x400;
	v5 =	vadd.f32 v5, v10;
	v6 =	vadd.f32 v6, v10  }
0x119: {  	v19 =	vld [tilespmem:s7+$0x1830];
	s17 =	simm.s32 $0x100;
	s2 =	sand.u32 $0x380, s19;
	s19 =	simm.s32 $0x1;
	v2 =	vadd.f32 v11, v10;
	v4 =	vadd.f32 v12, v10;
	v12 =	vimm.f32 $0.0e+00  }
0x11a: {  	v21 =	vld [tilespmem:s7+$0x1840];
	s18 =	simm.s32 $0xFFFFC400;
	s11 =	sand.u32 $0x2000, s20;
	s15 =	sand.u32 $0x7, s19;
	v11 =	vimm.f32 $0.0e+00;
	v3 =	vadd.f32 v13, v10;
	v13 =	vimm.f32 $0.0e+00  }
.LBB2_11:
0x11b: {  	p1 =	sne.s32 s17, $0x780;
	s15 =	sshll.u32 s15, $0x7;
	v10 =	vadd.f32 v20, v10;
	v20 =	vld [tilespmem:s7+$0x1850];
	s23 =	sadd.s32 $0x400, s23  }
0x11c: {  	s15 =	sadd.s32 s15, s23;
	v16 =	vadd.f32 v18, v16;
	v18 =	vld [tilespmem:s7+$0x1860];
	s7 =	sor.u32 s2, s11  }
0x11d: {  	v22 =	vld [tilespmem:s7+$0x1870];
	s2 =	sor.u32 $0x1C00, s15;
	s11 =	sor.u32 $0x1C10, s15;
	s20 =	sor.u32 $0x1C70, s15;
	v14 =	vadd.f32 v17, v14  }
0x11e: {  	s12 =	sor.u32 $0x1C20, s15;
	s13 =	sor.u32 $0x1C30, s15;
	s3 =	sor.u32 $0x1C40, s15;
	v17 =	vld [tilespmem:s20+$0x0];
	v12 =	vadd.f32 v19, v12  }
0x11f: {  	v19 =	vld [tilespmem:s2+$0x0];
	s2 =	sor.u32 $0x1C50, s15;
	s15 =	sor.u32 $0x1C60, s15;
	v15 =	vadd.f32 v21, v15  }
0x120: {  	v21 =	vld [tilespmem:s11+$0x0];
	v13 =	vadd.f32 v20, v13  }
0x121: {  	v23 =	vld [tilespmem:s12+$0x0];
	v11 =	vadd.f32 v18, v11  }
0x122: {  	v24 =	vld [tilespmem:s13+$0x0]  }
0x123: {  	v9 =	vadd.f32 v22, v9;
	v22 =	vld [tilespmem:s3+$0x0];
	v1 =	vadd.f32 v17, v1  }
0x124: {  	v8 =	vadd.f32 v19, v8;
	v25 =	vld [tilespmem:s2+$0x0]  }
0x125: {  	v7 =	vadd.f32 v21, v7;
	v26 =	vld [tilespmem:s15+$0x0]  }
.Ltmp6:
0x126: {  	v20 =	vld [tilespmem:s7+$0x1800];
	v5 =	vadd.f32 v23, v5;
	(pc) =	sbr.rel @p1 .LBB2_11-.Ltmp6, $4  }
0x127: {  	v18 =	vld [tilespmem:s7+$0x1810];
	v6 =	vadd.f32 v24, v6  }
0x128: {  	s18 =	sadd.s32 $0x400, s18;
	v17 =	vld [tilespmem:s7+$0x1820];
	v2 =	vadd.f32 v22, v2  }
0x129: {  	s19 =	sadd.s32 $0x1, s19;
	s3 =	sadd.s32 $0x4000, s18;
	s2 =	sand.u32 $0x380, s17;
	v19 =	vld [tilespmem:s7+$0x1830];
	v4 =	vadd.f32 v25, v4  }
0x12a: {  	s11 =	sand.u32 $0x2000, s3;
	s17 =	sadd.s32 $0x80, s17;
	s15 =	sand.u32 $0x7, s19;
	v21 =	vld [tilespmem:s7+$0x1840];
	v3 =	vadd.f32 v26, v3  }
0x12b: {  	v22 =	vld [tilespmem:s7+$0x1850]  }
0x12c: {  	s2 =	sor.u32 s2, s11;
	v23 =	vld [tilespmem:s7+$0x1860]  }
0x12d: {  	v24 =	vld [tilespmem:s2+$0x1870]  }
0x12e: {  	v33 =	vld [tilespmem:s2+$0x1800]  }
0x12f: {  	v34 =	vld [tilespmem:s2+$0x1810]  }
0x130: {  	v35 =	vld [tilespmem:s2+$0x1820]  }
0x131: {  	s3 =	sshll.u32 s15, $0x7;
	s12 =	sadd.s32 $0x400, s23;
	v10 =	vadd.f32 v20, v10;
	v20 =	vld [tilespmem:s2+$0x1830]  }
0x132: {  	s3 =	sadd.s32 s3, s12;
	v16 =	vadd.f32 v18, v16;
	v18 =	vld [tilespmem:s2+$0x1840]  }
0x133: {  	s18 =	sor.u32 $0x1C70, s3;
	v14 =	vadd.f32 v17, v14;
	v17 =	vld [tilespmem:s2+$0x1850]  }
0x134: {  	s19 =	sor.u32 $0x1C00, s3;
	v25 =	vld [tilespmem:s18+$0x0]  }
0x135: {  	s20 =	sor.u32 $0x1C10, s3;
	v26 =	vld [tilespmem:s19+$0x0]  }
0x136: {  	s23 =	sor.u32 $0x1C20, s3;
	v27 =	vld [tilespmem:s20+$0x0]  }
0x137: {  	s12 =	sor.u32 $0x1C30, s3;
	v28 =	vld [tilespmem:s23+$0x0]  }
0x138: {  	s13 =	sor.u32 $0x1C40, s3;
	v29 =	vld [tilespmem:s12+$0x0]  }
0x139: {  	s15 =	sor.u32 $0x1C50, s3;
	v30 =	vld [tilespmem:s13+$0x0]  }
0x13a: {  	s3 =	sor.u32 $0x1C60, s3;
	v31 =	vld [tilespmem:s15+$0x0]  }
0x13b: {  	v32 =	vld [tilespmem:s3+$0x0];
	v10 =	vadd.f32 v33, v10  }
0x13c: {  	v12 =	vadd.f32 v19, v12;
	v19 =	vld [tilespmem:s2+$0x1860];
	v16 =	vadd.f32 v34, v16  }
0x13d: {  	v14 =	vadd.f32 v35, v14;
	[tilespmem:s22+$0x8300] =	vst.add.f32.msk $0xffff, v10  }
0x13e: {  	v15 =	vadd.f32 v21, v15;
	v12 =	vadd.f32 v20, v12;
	[tilespmem:s22+$0x8310] =	vst.add.f32.msk $0xffff, v16  }
0x13f: {  	v11 =	vadd.f32 v23, v11;
	v9 =	vadd.f32 v24, v9;
	[tilespmem:s22+$0x8320] =	vst.add.f32.msk $0xffff, v14  }
0x140: {  	p1 =	seq.s32 s21, $0x9;
	s23 =	sshll.u32 s21, $0x1;
	v10 =	vadd.f32 v22, v13;
	v13 =	vadd.f32 v18, v15;
	[tilespmem:s22+$0x8330] =	vst.add.f32.msk $0xffff, v12  }
0x141: {  	s2 =	sadd.s32 @!p1 $0x2, s23;
	v11 =	vadd.f32 v19, v11;
	[tilespmem:s22+$0x8370] =	vst.add.f32.msk $0xffff, v9  }
0x142: {  	s3 =	smulhi.u32 @!p1 $0x66666667, s2;
	v8 =	vadd.f32 v26, v8;
	[tilespmem:s22+$0x8340] =	vst.add.f32.msk $0xffff, v13  }
0x143: {  	v7 =	vadd.f32 v27, v7;
	[tilespmem:s22+$0x8360] =	vst.add.f32.msk $0xffff, v11  }
0x144: {  	s3 =	sshrl.u32 @!p1 s3, $0x2;
	v5 =	vadd.f32 v28, v5;
	[tilespmem:s22+$0x8380] =	vst.add.f32.msk $0xffff, v8  }
0x145: {  	v6 =	vadd.f32 v29, v6;
	s7 =	smul.u32 @!p1 $0xA, s3;
	[tilespmem:s22+$0x8390] =	vst.add.f32.msk $0xffff, v7  }
0x146: {  	v2 =	vadd.f32 v30, v2;
	[tilespmem:s22+$0x83A0] =	vst.add.f32.msk $0xffff, v5  }
0x147: {  	v4 =	vadd.f32 v31, v4;
	[tilespmem:s22+$0x83B0] =	vst.add.f32.msk $0xffff, v6;
	s2 =	ssub.s32 @!p1 s2, s7;
	s7 =	sld [smem:$0x7EB]  }
0x148: {  	v3 =	vadd.f32 v32, v3;
	[tilespmem:s22+$0x83C0] =	vst.add.f32.msk $0xffff, v2  }
0x149: {  	v1 =	vadd.f32 v25, v1;
	[tilespmem:s22+$0x83D0] =	vst.add.f32.msk $0xffff, v4  }
0x14a: {  	v10 =	vadd.f32 v17, v10;
	[tilespmem:s22+$0x83E0] =	vst.add.f32.msk $0xffff, v3;
	s2 =	sshll.u32 @!p1 s2, $0xB;
	s3 =	sadd.s32 @!p1 s7, s3  }
0x14b: {  	[tilespmem:s22+$0x83F0] =	vst.add.f32.msk $0xffff, v1;
	s2 =	sadd.s32 @!p1 s2, s6;
	s3 =	sshll.u32 @!p1 s3, $0x14  }
0x14c: {  	s17 =	simm.s32 $0x2;
	[tilespmem:s22+$0x8350] =	vst.add.f32.msk $0xffff, v10;
	s2 =	sadd.s32 @!p1 s3, s2;
	s3 =	simm.s32 @!p1 $0x0  }
0x14d: {  	[tilespmem:s3], [sflag:$0x1] =	stream.linear.gather @!p1 [hbm4b:s2+s3], $0x4000, $0x38;
	[tilespmem:$0x9800] =	vst v63  }
0x14e: {  	s18 =	simm.s32 $0x0;
	_ =	swait.ge [sflag:s17], $0x4000  }
0x14f: {  	s19 =	sand.u32 $0x2000, s18;
	s2 =	sand.u32 $0x380, s18;
	[sflag:s17] =	ssyncset.done $0x0  }
0x150: {  	s7 =	sor.u32 s2, s19;
	[sflag:s17] =	ssyncadd.s32 $0xFFFFC000  }
0x151: {  	v1 =	vld [tilespmem:s7+$0x4470]  }
0x152: {  	v3 =	vld [tilespmem:s7+$0x4000]  }
0x153: {  	v4 =	vld [tilespmem:s7+$0x4010]  }
0x154: {  	v5 =	vld [tilespmem:s7+$0x4020]  }
0x155: {  	v6 =	vld [tilespmem:s7+$0x4030]  }
0x156: {  	v7 =	vld [tilespmem:s7+$0x4040]  }
0x157: {  	v8 =	vld [tilespmem:s7+$0x4050]  }
0x158: {  	v9 =	vld [tilespmem:s7+$0x4060]  }
0x159: {  	v2 =	vimm.f32 $0.0e+00;
	v12 =	vld [tilespmem:s7+$0x4070]  }
0x15a: {  	v13 =	vld [tilespmem:s7+$0x4400];
	v1 =	vadd.f32 v1, v2  }
0x15b: {  	v16 =	vadd.f32 v3, v2;
	v15 =	vadd.f32 v4, v2  }
0x15c: {  	v20 =	vld [tilespmem:s7+$0x4410];
	v14 =	vadd.f32 v5, v2;
	v10 =	vadd.f32 v6, v2  }
0x15d: {  	v19 =	vld [tilespmem:s7+$0x4420];
	v11 =	vadd.f32 v7, v2;
	v7 =	vadd.f32 v8, v2  }
0x15e: {  	v17 =	vld [tilespmem:s7+$0x4430];
	v8 =	vadd.f32 v9, v2;
	v4 =	vadd.f32 v12, v2  }
0x15f: {  	s20 =	simm.s32 $0x400;
	s17 =	simm.s32 $0x80;
	v18 =	vld [tilespmem:s7+$0x4440];
	v9 =	vadd.f32 v13, v2;
	v12 =	vimm.f32 $0.0e+00;
	v5 =	vimm.f32 $0.0e+00  }
0x160: {  	s18 =	simm.s32 $0x800;
	s2 =	sand.u32 $0x2000, s20;
	s11 =	sand.u32 $0x380, s17;
	v21 =	vld [tilespmem:s7+$0x4450];
	v13 =	vimm.f32 $0.0e+00;
	v6 =	vimm.f32 $0.0e+00;
	v3 =	vimm.f32 $0.0e+00  }
.LBB2_13:
0x161: {  	p2 =	sne.s32 s18, $0x3C00;
	v2 =	vadd.f32 v20, v2;
	v20 =	vld [tilespmem:s7+$0x4460];
	s7 =	sor.u32 s11, s2  }
0x162: {  	v22 =	vld [tilespmem:s7+$0x4470];
	v12 =	vadd.f32 v19, v12  }
0x163: {  	v19 =	vld [tilespmem:s7+$0x4000];
	v5 =	vadd.f32 v17, v5  }
0x164: {  	v17 =	vld [tilespmem:s7+$0x4010];
	v13 =	vadd.f32 v18, v13  }
0x165: {  	v18 =	vld [tilespmem:s7+$0x4020];
	v6 =	vadd.f32 v21, v6  }
0x166: {  	v21 =	vld [tilespmem:s7+$0x4030];
	v3 =	vadd.f32 v20, v3  }
0x167: {  	v20 =	vld [tilespmem:s7+$0x4040];
	v1 =	vadd.f32 v22, v1  }
0x168: {  	v16 =	vadd.f32 v19, v16;
	v19 =	vld [tilespmem:s7+$0x4050]  }
0x169: {  	v15 =	vadd.f32 v17, v15;
	v17 =	vld [tilespmem:s7+$0x4060]  }
0x16a: {  	v14 =	vadd.f32 v18, v14;
	v18 =	vld [tilespmem:s7+$0x4070]  }
0x16b: {  	v10 =	vadd.f32 v21, v10;
	v21 =	vld [tilespmem:s7+$0x4400]  }
.Ltmp7:
0x16c: {  	v11 =	vadd.f32 v20, v11;
	v20 =	vld [tilespmem:s7+$0x4410];
	(pc) =	sbr.rel @p2 .LBB2_13-.Ltmp7, $4  }
0x16d: {  	v7 =	vadd.f32 v19, v7;
	v19 =	vld [tilespmem:s7+$0x4420]  }
0x16e: {  	v8 =	vadd.f32 v17, v8;
	v17 =	vld [tilespmem:s7+$0x4430]  }
0x16f: {  	s17 =	sadd.s32 $0x80, s17;
	v4 =	vadd.f32 v18, v4;
	v18 =	vld [tilespmem:s7+$0x4440]  }
0x170: {  	s2 =	sand.u32 $0x2000, s18;
	s18 =	sadd.s32 $0x400, s18;
	s11 =	sand.u32 $0x380, s17;
	v9 =	vadd.f32 v21, v9;
	v21 =	vld [tilespmem:s7+$0x4450]  }
0x171: {  	s2 =	sor.u32 s11, s2;
	v22 =	vld [tilespmem:s7+$0x4460]  }
0x172: {  	v23 =	vld [tilespmem:s2+$0x4470]  }
0x173: {  	v24 =	vld [tilespmem:s2+$0x4000]  }
0x174: {  	v25 =	vld [tilespmem:s2+$0x4010]  }
0x175: {  	v26 =	vld [tilespmem:s2+$0x4020]  }
0x176: {  	v27 =	vld [tilespmem:s2+$0x4030]  }
0x177: {  	v28 =	vld [tilespmem:s2+$0x4040]  }
0x178: {  	v29 =	vld [tilespmem:s2+$0x4050]  }
0x179: {  	v30 =	vld [tilespmem:s2+$0x4060]  }
0x17a: {  	v31 =	vld [tilespmem:s2+$0x4070]  }
0x17b: {  	v32 =	vld [tilespmem:s2+$0x4400]  }
0x17c: {  	v33 =	vld [tilespmem:s2+$0x4410]  }
0x17d: {  	v34 =	vld [tilespmem:s2+$0x4420]  }
0x17e: {  	v35 =	vld [tilespmem:s2+$0x4430]  }
0x17f: {  	v36 =	vld [tilespmem:s2+$0x4440]  }
0x180: {  	v62 =	vld [tilespmem:s2+$0x4450];
	v16 =	vadd.f32 v24, v16  }
0x181: {  	v63 =	vld [tilespmem:s2+$0x4460];
	v15 =	vadd.f32 v25, v15  }
0x182: {  	v14 =	vadd.f32 v26, v14;
	[tilespmem:s24+$0x0] =	vst.add.f32.msk $0xffff, v16  }
0x183: {  	v10 =	vadd.f32 v27, v10;
	[tilespmem:s25+$0x0] =	vst.add.f32.msk $0xffff, v15  }
0x184: {  	v11 =	vadd.f32 v28, v11;
	[tilespmem:s26+$0x0] =	vst.add.f32.msk $0xffff, v14  }
0x185: {  	v7 =	vadd.f32 v29, v7;
	[tilespmem:s28+$0x0] =	vst.add.f32.msk $0xffff, v10  }
0x186: {  	v8 =	vadd.f32 v30, v8;
	[tilespmem:s29+$0x0] =	vst.add.f32.msk $0xffff, v11  }
0x187: {  	v2 =	vadd.f32 v20, v2;
	v4 =	vadd.f32 v31, v4;
	[tilespmem:s30+$0x0] =	vst.add.f32.msk $0xffff, v7  }
0x188: {  	v9 =	vadd.f32 v32, v9;
	v7 =	vadd.f32 v19, v12;
	[tilespmem:s31+$0x0] =	vst.add.f32.msk $0xffff, v8  }
0x189: {  	v5 =	vadd.f32 v17, v5;
	v2 =	vadd.f32 v33, v2;
	[tilespmem:s0+$0x0] =	vst.add.f32.msk $0xffff, v4  }
0x18a: {  	v4 =	vadd.f32 v18, v13;
	v7 =	vadd.f32 v34, v7;
	[tilespmem:s1+$0x0] =	vst.add.f32.msk $0xffff, v9  }
0x18b: {  	v6 =	vadd.f32 v21, v6;
	v5 =	vadd.f32 v35, v5;
	[tilespmem:s14+$0x0] =	vst.add.f32.msk $0xffff, v2  }
0x18c: {  	v2 =	vadd.f32 v22, v3;
	v3 =	vadd.f32 v36, v4;
	[tilespmem:s16+$0x0] =	vst.add.f32.msk $0xffff, v7  }
0x18d: {  	v4 =	vadd.f32 v62, v6;
	[tilespmem:s9+$0x0] =	vst.add.f32.msk $0xffff, v5  }
0x18e: {  	v2 =	vadd.f32 v63, v2;
	[tilespmem:s4+$0x0] =	vst.add.f32.msk $0xffff, v3  }
0x18f: {  	v1 =	vadd.f32 v23, v1;
	s29 =	simm.s32 $0x0;
	[tilespmem:s5+$0x0] =	vst.add.f32.msk $0xffff, v4  }
0x190: {  	s30 =	sand.u32 $0x2000, s29;
	s0 =	sand.u32 $0x380, s29;
	[tilespmem:s8+$0x0] =	vst.add.f32.msk $0xffff, v2  }
0x191: {  	s0 =	sor.u32 s0, s30;
	[tilespmem:s10+$0x0] =	vst.add.f32.msk $0xffff, v1  }
0x192: {  	v1 =	vld [tilespmem:s0+$0x4C70]  }
0x193: {  	v3 =	vld [tilespmem:s0+$0x4800]  }
0x194: {  	v4 =	vld [tilespmem:s0+$0x4810]  }
0x195: {  	v5 =	vld [tilespmem:s0+$0x4820]  }
0x196: {  	v6 =	vld [tilespmem:s0+$0x4830]  }
0x197: {  	v7 =	vld [tilespmem:s0+$0x4840]  }
0x198: {  	v8 =	vld [tilespmem:s0+$0x4850]  }
0x199: {  	v9 =	vld [tilespmem:s0+$0x4860]  }
0x19a: {  	v2 =	vimm.f32 $0.0e+00;
	v12 =	vld [tilespmem:s0+$0x4870]  }
0x19b: {  	v13 =	vld [tilespmem:s0+$0x4C00];
	v1 =	vadd.f32 v1, v2  }
0x19c: {  	v16 =	vadd.f32 v3, v2;
	v15 =	vadd.f32 v4, v2  }
0x19d: {  	v20 =	vld [tilespmem:s0+$0x4C10];
	v14 =	vadd.f32 v5, v2;
	v10 =	vadd.f32 v6, v2  }
0x19e: {  	v19 =	vld [tilespmem:s0+$0x4C20];
	v11 =	vadd.f32 v7, v2;
	v7 =	vadd.f32 v8, v2  }
0x19f: {  	v17 =	vld [tilespmem:s0+$0x4C30];
	v8 =	vadd.f32 v9, v2;
	v4 =	vadd.f32 v12, v2  }
0x1a0: {  	s31 =	simm.s32 $0x400;
	s1 =	simm.s32 $0x80;
	v18 =	vld [tilespmem:s0+$0x4C40];
	v9 =	vadd.f32 v13, v2;
	v12 =	vimm.f32 $0.0e+00;
	v5 =	vimm.f32 $0.0e+00  }
0x1a1: {  	s2 =	sand.u32 $0x2000, s31;
	s4 =	simm.s32 $0x800;
	s5 =	sand.u32 $0x380, s1;
	v21 =	vld [tilespmem:s0+$0x4C50];
	v13 =	vimm.f32 $0.0e+00;
	v6 =	vimm.f32 $0.0e+00;
	v3 =	vimm.f32 $0.0e+00  }
.LBB2_15:
0x1a2: {  	p2 =	sne.s32 s4, $0x3C00;
	v2 =	vadd.f32 v20, v2;
	v20 =	vld [tilespmem:s0+$0x4C60];
	s0 =	sor.u32 s5, s2  }
0x1a3: {  	v22 =	vld [tilespmem:s0+$0x4C70];
	v12 =	vadd.f32 v19, v12  }
0x1a4: {  	v19 =	vld [tilespmem:s0+$0x4800];
	v5 =	vadd.f32 v17, v5  }
0x1a5: {  	v17 =	vld [tilespmem:s0+$0x4810];
	v13 =	vadd.f32 v18, v13  }
0x1a6: {  	v18 =	vld [tilespmem:s0+$0x4820];
	v6 =	vadd.f32 v21, v6  }
0x1a7: {  	v21 =	vld [tilespmem:s0+$0x4830];
	v3 =	vadd.f32 v20, v3  }
0x1a8: {  	v20 =	vld [tilespmem:s0+$0x4840];
	v1 =	vadd.f32 v22, v1  }
0x1a9: {  	v16 =	vadd.f32 v19, v16;
	v19 =	vld [tilespmem:s0+$0x4850]  }
0x1aa: {  	v15 =	vadd.f32 v17, v15;
	v17 =	vld [tilespmem:s0+$0x4860]  }
0x1ab: {  	v14 =	vadd.f32 v18, v14;
	v18 =	vld [tilespmem:s0+$0x4870]  }
0x1ac: {  	v10 =	vadd.f32 v21, v10;
	v21 =	vld [tilespmem:s0+$0x4C00]  }
.Ltmp8:
0x1ad: {  	v11 =	vadd.f32 v20, v11;
	v20 =	vld [tilespmem:s0+$0x4C10];
	(pc) =	sbr.rel @p2 .LBB2_15-.Ltmp8, $4  }
0x1ae: {  	v7 =	vadd.f32 v19, v7;
	v19 =	vld [tilespmem:s0+$0x4C20]  }
0x1af: {  	v8 =	vadd.f32 v17, v8;
	v17 =	vld [tilespmem:s0+$0x4C30]  }
0x1b0: {  	s1 =	sadd.s32 $0x80, s1;
	v4 =	vadd.f32 v18, v4;
	v18 =	vld [tilespmem:s0+$0x4C40]  }
0x1b1: {  	s2 =	sand.u32 $0x2000, s4;
	s4 =	sadd.s32 $0x400, s4;
	s5 =	sand.u32 $0x380, s1;
	v9 =	vadd.f32 v21, v9;
	v21 =	vld [tilespmem:s0+$0x4C50]  }
0x1b2: {  	s1 =	sor.u32 s5, s2;
	v22 =	vld [tilespmem:s0+$0x4C60]  }
0x1b3: {  	v23 =	vld [tilespmem:s1+$0x4C70]  }
0x1b4: {  	v24 =	vld [tilespmem:s1+$0x4800]  }
0x1b5: {  	v25 =	vld [tilespmem:s1+$0x4810]  }
0x1b6: {  	v26 =	vld [tilespmem:s1+$0x4820]  }
0x1b7: {  	v27 =	vld [tilespmem:s1+$0x4830]  }
0x1b8: {  	v28 =	vld [tilespmem:s1+$0x4840]  }
0x1b9: {  	v29 =	vld [tilespmem:s1+$0x4850]  }
0x1ba: {  	v30 =	vld [tilespmem:s1+$0x4860]  }
0x1bb: {  	v31 =	vld [tilespmem:s1+$0x4870]  }
0x1bc: {  	v32 =	vld [tilespmem:s1+$0x4C00]  }
0x1bd: {  	v33 =	vld [tilespmem:s1+$0x4C10]  }
0x1be: {  	v34 =	vld [tilespmem:s1+$0x4C20]  }
0x1bf: {  	v35 =	vld [tilespmem:s1+$0x4C30]  }
0x1c0: {  	v36 =	vld [tilespmem:s1+$0x4C40]  }
0x1c1: {  	v62 =	vld [tilespmem:s1+$0x4C50];
	v16 =	vadd.f32 v24, v16  }
0x1c2: {  	v63 =	vld [tilespmem:s1+$0x4C60];
	v15 =	vadd.f32 v25, v15  }
0x1c3: {  	v14 =	vadd.f32 v26, v14;
	[tilespmem:s22+$0x8100] =	vst.add.f32.msk $0xffff, v16  }
0x1c4: {  	v10 =	vadd.f32 v27, v10;
	[tilespmem:s22+$0x8110] =	vst.add.f32.msk $0xffff, v15  }
0x1c5: {  	v11 =	vadd.f32 v28, v11;
	[tilespmem:s22+$0x8120] =	vst.add.f32.msk $0xffff, v14  }
0x1c6: {  	v7 =	vadd.f32 v29, v7;
	[tilespmem:s22+$0x8130] =	vst.add.f32.msk $0xffff, v10  }
0x1c7: {  	v8 =	vadd.f32 v30, v8;
	[tilespmem:s22+$0x8140] =	vst.add.f32.msk $0xffff, v11  }
0x1c8: {  	v2 =	vadd.f32 v20, v2;
	v4 =	vadd.f32 v31, v4;
	[tilespmem:s22+$0x8150] =	vst.add.f32.msk $0xffff, v7  }
0x1c9: {  	v5 =	vadd.f32 v17, v5;
	v9 =	vadd.f32 v32, v9;
	[tilespmem:s22+$0x8160] =	vst.add.f32.msk $0xffff, v8  }
0x1ca: {  	v2 =	vadd.f32 v33, v2;
	[tilespmem:s22+$0x8170] =	vst.add.f32.msk $0xffff, v4  }
0x1cb: {  	v5 =	vadd.f32 v35, v5;
	v7 =	vadd.f32 v19, v12;
	[tilespmem:s22+$0x8180] =	vst.add.f32.msk $0xffff, v9  }
0x1cc: {  	v1 =	vadd.f32 v23, v1;
	v4 =	vadd.f32 v18, v13;
	[tilespmem:s22+$0x8190] =	vst.add.f32.msk $0xffff, v2  }
0x1cd: {  	v6 =	vadd.f32 v21, v6;
	[tilespmem:s22+$0x81B0] =	vst.add.f32.msk $0xffff, v5;
	v7 =	vadd.f32 v34, v7  }
0x1ce: {  	v2 =	vadd.f32 v22, v3;
	[tilespmem:s22+$0x81F0] =	vst.add.f32.msk $0xffff, v1;
	v3 =	vadd.f32 v36, v4  }
0x1cf: {  	v4 =	vadd.f32 v62, v6;
	[tilespmem:s22+$0x81A0] =	vst.add.f32.msk $0xffff, v7  }
0x1d0: {  	s24 =	simm.s32 $0x0;
	v2 =	vadd.f32 v63, v2;
	[tilespmem:s22+$0x81C0] =	vst.add.f32.msk $0xffff, v3  }
0x1d1: {  	s25 =	sand.u32 $0x2000, s24;
	s0 =	sand.u32 $0x380, s24;
	[tilespmem:s22+$0x81D0] =	vst.add.f32.msk $0xffff, v4  }
0x1d2: {  	s0 =	sor.u32 s0, s25;
	[tilespmem:s22+$0x81E0] =	vst.add.f32.msk $0xffff, v2  }
0x1d3: {  	v1 =	vld [tilespmem:s0+$0x5470]  }
0x1d4: {  	v3 =	vld [tilespmem:s0+$0x5000]  }
0x1d5: {  	v4 =	vld [tilespmem:s0+$0x5010]  }
0x1d6: {  	v5 =	vld [tilespmem:s0+$0x5020]  }
0x1d7: {  	v6 =	vld [tilespmem:s0+$0x5030]  }
0x1d8: {  	v7 =	vld [tilespmem:s0+$0x5040]  }
0x1d9: {  	v8 =	vld [tilespmem:s0+$0x5050]  }
0x1da: {  	v9 =	vld [tilespmem:s0+$0x5060]  }
0x1db: {  	v2 =	vimm.f32 $0.0e+00;
	v12 =	vld [tilespmem:s0+$0x5070]  }
0x1dc: {  	v13 =	vld [tilespmem:s0+$0x5400];
	v1 =	vadd.f32 v1, v2  }
0x1dd: {  	v16 =	vadd.f32 v3, v2;
	v15 =	vadd.f32 v4, v2  }
0x1de: {  	v20 =	vld [tilespmem:s0+$0x5410];
	v14 =	vadd.f32 v5, v2;
	v10 =	vadd.f32 v6, v2  }
0x1df: {  	s26 =	simm.s32 $0x400;
	s4 =	simm.s32 $0x800;
	s28 =	simm.s32 $0x8BB0;
	v19 =	vld [tilespmem:s0+$0x5420];
	v11 =	vadd.f32 v7, v2;
	v7 =	vadd.f32 v8, v2  }
0x1e0: {  	s29 =	simm.s32 $0x8BC0;
	s30 =	simm.s32 $0x8BD0;
	s31 =	simm.s32 $0x8BE0;
	v17 =	vld [tilespmem:s0+$0x5430];
	v8 =	vadd.f32 v9, v2;
	v4 =	vadd.f32 v12, v2  }
0x1e1: {  	s1 =	simm.s32 $0x80;
	s2 =	sand.u32 $0x2000, s26;
	s24 =	simm.s32 $0x8B80;
	v18 =	vld [tilespmem:s0+$0x5440];
	v9 =	vadd.f32 v13, v2;
	v12 =	vimm.f32 $0.0e+00;
	v5 =	vimm.f32 $0.0e+00  }
0x1e2: {  	s26 =	simm.s32 $0x8BA0;
	s5 =	sand.u32 $0x380, s1;
	s25 =	simm.s32 $0x8B90;
	v21 =	vld [tilespmem:s0+$0x5450];
	v13 =	vimm.f32 $0.0e+00;
	v6 =	vimm.f32 $0.0e+00;
	v3 =	vimm.f32 $0.0e+00  }
.LBB2_17:
0x1e3: {  	p2 =	sne.s32 s4, $0x3C00;
	v2 =	vadd.f32 v20, v2;
	v20 =	vld [tilespmem:s0+$0x5460];
	s0 =	sor.u32 s5, s2  }
0x1e4: {  	v22 =	vld [tilespmem:s0+$0x5470];
	v12 =	vadd.f32 v19, v12  }
0x1e5: {  	v19 =	vld [tilespmem:s0+$0x5000];
	v5 =	vadd.f32 v17, v5  }
0x1e6: {  	v17 =	vld [tilespmem:s0+$0x5010];
	v13 =	vadd.f32 v18, v13  }
0x1e7: {  	v18 =	vld [tilespmem:s0+$0x5020];
	v6 =	vadd.f32 v21, v6  }
0x1e8: {  	v21 =	vld [tilespmem:s0+$0x5030];
	v3 =	vadd.f32 v20, v3  }
0x1e9: {  	v20 =	vld [tilespmem:s0+$0x5040];
	v1 =	vadd.f32 v22, v1  }
0x1ea: {  	v16 =	vadd.f32 v19, v16;
	v19 =	vld [tilespmem:s0+$0x5050]  }
0x1eb: {  	v15 =	vadd.f32 v17, v15;
	v17 =	vld [tilespmem:s0+$0x5060]  }
0x1ec: {  	v14 =	vadd.f32 v18, v14;
	v18 =	vld [tilespmem:s0+$0x5070]  }
0x1ed: {  	v10 =	vadd.f32 v21, v10;
	v21 =	vld [tilespmem:s0+$0x5400]  }
.Ltmp9:
0x1ee: {  	v11 =	vadd.f32 v20, v11;
	v20 =	vld [tilespmem:s0+$0x5410];
	(pc) =	sbr.rel @p2 .LBB2_17-.Ltmp9, $4  }
0x1ef: {  	v7 =	vadd.f32 v19, v7;
	v19 =	vld [tilespmem:s0+$0x5420]  }
0x1f0: {  	v8 =	vadd.f32 v17, v8;
	v17 =	vld [tilespmem:s0+$0x5430]  }
0x1f1: {  	s1 =	sadd.s32 $0x80, s1;
	v4 =	vadd.f32 v18, v4;
	v18 =	vld [tilespmem:s0+$0x5440]  }
0x1f2: {  	s2 =	sand.u32 $0x2000, s4;
	s4 =	sadd.s32 $0x400, s4;
	s5 =	sand.u32 $0x380, s1;
	v9 =	vadd.f32 v21, v9;
	v21 =	vld [tilespmem:s0+$0x5450]  }
0x1f3: {  	s1 =	sor.u32 s5, s2;
	v22 =	vld [tilespmem:s0+$0x5460]  }
0x1f4: {  	v23 =	vld [tilespmem:s1+$0x5470]  }
0x1f5: {  	v24 =	vld [tilespmem:s1+$0x5000]  }
0x1f6: {  	v25 =	vld [tilespmem:s1+$0x5010]  }
0x1f7: {  	v26 =	vld [tilespmem:s1+$0x5020]  }
0x1f8: {  	v27 =	vld [tilespmem:s1+$0x5030]  }
0x1f9: {  	v28 =	vld [tilespmem:s1+$0x5040]  }
0x1fa: {  	v29 =	vld [tilespmem:s1+$0x5050]  }
0x1fb: {  	v30 =	vld [tilespmem:s1+$0x5060]  }
0x1fc: {  	v31 =	vld [tilespmem:s1+$0x5070]  }
0x1fd: {  	v32 =	vld [tilespmem:s1+$0x5400]  }
0x1fe: {  	v33 =	vld [tilespmem:s1+$0x5410]  }
0x1ff: {  	v34 =	vld [tilespmem:s1+$0x5420]  }
0x200: {  	v35 =	vld [tilespmem:s1+$0x5430]  }
0x201: {  	v36 =	vld [tilespmem:s1+$0x5440]  }
0x202: {  	v62 =	vld [tilespmem:s1+$0x5450];
	v16 =	vadd.f32 v24, v16  }
0x203: {  	v63 =	vld [tilespmem:s1+$0x5460];
	v15 =	vadd.f32 v25, v15  }
0x204: {  	v14 =	vadd.f32 v26, v14;
	[tilespmem:s22+$0x8200] =	vst.add.f32.msk $0xffff, v16  }
0x205: {  	v10 =	vadd.f32 v27, v10;
	[tilespmem:s22+$0x8210] =	vst.add.f32.msk $0xffff, v15  }
0x206: {  	v11 =	vadd.f32 v28, v11;
	[tilespmem:s22+$0x8220] =	vst.add.f32.msk $0xffff, v14  }
0x207: {  	v7 =	vadd.f32 v29, v7;
	[tilespmem:s22+$0x8230] =	vst.add.f32.msk $0xffff, v10  }
0x208: {  	v8 =	vadd.f32 v30, v8;
	[tilespmem:s22+$0x8240] =	vst.add.f32.msk $0xffff, v11  }
0x209: {  	v2 =	vadd.f32 v20, v2;
	v4 =	vadd.f32 v31, v4;
	[tilespmem:s22+$0x8250] =	vst.add.f32.msk $0xffff, v7  }
0x20a: {  	v5 =	vadd.f32 v17, v5;
	v9 =	vadd.f32 v32, v9;
	[tilespmem:s22+$0x8260] =	vst.add.f32.msk $0xffff, v8  }
0x20b: {  	v2 =	vadd.f32 v33, v2;
	[tilespmem:s22+$0x8270] =	vst.add.f32.msk $0xffff, v4  }
0x20c: {  	v5 =	vadd.f32 v35, v5;
	v7 =	vadd.f32 v19, v12;
	[tilespmem:s22+$0x8280] =	vst.add.f32.msk $0xffff, v9  }
0x20d: {  	v1 =	vadd.f32 v23, v1;
	v4 =	vadd.f32 v18, v13;
	[tilespmem:s22+$0x8290] =	vst.add.f32.msk $0xffff, v2  }
0x20e: {  	v6 =	vadd.f32 v21, v6;
	[tilespmem:s22+$0x82B0] =	vst.add.f32.msk $0xffff, v5;
	v7 =	vadd.f32 v34, v7  }
0x20f: {  	v2 =	vadd.f32 v22, v3;
	[tilespmem:s22+$0x82F0] =	vst.add.f32.msk $0xffff, v1;
	v3 =	vadd.f32 v36, v4  }
0x210: {  	s0 =	simm.s32 $0x0;
	v4 =	vadd.f32 v62, v6;
	[tilespmem:s22+$0x82A0] =	vst.add.f32.msk $0xffff, v7  }
0x211: {  	s11 =	simm.s32 $0x0;
	s12 =	sand.u32 $0x7, s0;
	v2 =	vadd.f32 v63, v2;
	[tilespmem:s22+$0x82C0] =	vst.add.f32.msk $0xffff, v3  }
0x212: {  	s3 =	sand.u32 $0x380, s0;
	s1 =	sand.u32 $0x2000, s11;
	s2 =	sshll.u32 s12, $0x7;
	[tilespmem:s22+$0x82D0] =	vst.add.f32.msk $0xffff, v4  }
0x213: {  	s1 =	sor.u32 s3, s1;
	s2 =	sadd.s32 $0x0, s2;
	[tilespmem:s22+$0x82E0] =	vst.add.f32.msk $0xffff, v2  }
0x214: {  	s13 =	sor.u32 $0x1C70, s2;
	v1 =	vld [tilespmem:s1+$0x5870]  }
0x215: {  	s4 =	sor.u32 $0x1C00, s2;
	v2 =	vld [tilespmem:s13+$0x4000]  }
0x216: {  	s14 =	sor.u32 $0x1C10, s2;
	v3 =	vld [tilespmem:s4+$0x4000]  }
0x217: {  	s15 =	sor.u32 $0x1C20, s2;
	v4 =	vld [tilespmem:s14+$0x4000]  }
0x218: {  	s16 =	sor.u32 $0x1C30, s2;
	v5 =	vld [tilespmem:s15+$0x4000]  }
0x219: {  	s17 =	sor.u32 $0x1C40, s2;
	v6 =	vld [tilespmem:s16+$0x4000]  }
0x21a: {  	s18 =	sor.u32 $0x1C50, s2;
	v9 =	vld [tilespmem:s17+$0x4000]  }
0x21b: {  	s2 =	sor.u32 $0x1C60, s2;
	v11 =	vld [tilespmem:s18+$0x4000]  }
0x21c: {  	v10 =	vimm.f32 $0.0e+00;
	v12 =	vld [tilespmem:s2+$0x4000]  }
0x21d: {  	v16 =	vimm.f32 $0.0e+00;
	v20 =	vld [tilespmem:s1+$0x5800];
	v7 =	vadd.f32 v1, v10;
	v1 =	vadd.f32 v2, v10  }
0x21e: {  	v14 =	vimm.f32 $0.0e+00;
	v18 =	vld [tilespmem:s1+$0x5810];
	v8 =	vadd.f32 v3, v10;
	v3 =	vadd.f32 v4, v10  }
0x21f: {  	s19 =	simm.s32 $0x80;
	s5 =	simm.s32 $0x1;
	v15 =	vimm.f32 $0.0e+00;
	v17 =	vld [tilespmem:s1+$0x5820];
	v4 =	vadd.f32 v5, v10;
	v5 =	vadd.f32 v6, v10  }
0x220: {  	s20 =	simm.s32 $0x400;
	s7 =	simm.s32 $0x100;
	s9 =	sand.u32 $0x7, s5;
	v13 =	vimm.f32 $0.0e+00;
	v19 =	vld [tilespmem:s1+$0x5830];
	v2 =	vadd.f32 v9, v10;
	v9 =	vadd.f32 v11, v10  }
0x221: {  	s8 =	sand.u32 $0x2000, s20;
	s4 =	simm.s32 $0xFFFFC400;
	s2 =	sand.u32 $0x380, s19;
	v21 =	vld [tilespmem:s1+$0x5840];
	v6 =	vadd.f32 v12, v10;
	v12 =	vimm.f32 $0.0e+00;
	v11 =	vimm.f32 $0.0e+00  }
.LBB2_19:
0x222: {  	p2 =	sne.s32 s7, $0x780;
	s3 =	sshll.u32 s9, $0x7;
	v10 =	vadd.f32 v20, v10;
	v20 =	vld [tilespmem:s1+$0x5850];
	s0 =	sadd.s32 $0x400, s0  }
0x223: {  	s3 =	sadd.s32 s3, s0;
	v16 =	vadd.f32 v18, v16;
	v18 =	vld [tilespmem:s1+$0x5860];
	s1 =	sor.u32 s2, s8  }
0x224: {  	v22 =	vld [tilespmem:s1+$0x5870];
	s2 =	sor.u32 $0x1C00, s3;
	s8 =	sor.u32 $0x1C10, s3;
	s9 =	sor.u32 $0x1C70, s3;
	v14 =	vadd.f32 v17, v14  }
0x225: {  	s10 =	sor.u32 $0x1C20, s3;
	s11 =	sor.u32 $0x1C30, s3;
	s12 =	sor.u32 $0x1C40, s3;
	v17 =	vld [tilespmem:s9+$0x4000];
	v12 =	vadd.f32 v19, v12  }
0x226: {  	v19 =	vld [tilespmem:s2+$0x4000];
	s2 =	sor.u32 $0x1C50, s3;
	s3 =	sor.u32 $0x1C60, s3;
	v15 =	vadd.f32 v21, v15  }
0x227: {  	v21 =	vld [tilespmem:s8+$0x4000];
	v13 =	vadd.f32 v20, v13  }
0x228: {  	v23 =	vld [tilespmem:s10+$0x4000];
	v11 =	vadd.f32 v18, v11  }
0x229: {  	v24 =	vld [tilespmem:s11+$0x4000]  }
0x22a: {  	v7 =	vadd.f32 v22, v7;
	v22 =	vld [tilespmem:s12+$0x4000];
	v1 =	vadd.f32 v17, v1  }
0x22b: {  	v8 =	vadd.f32 v19, v8;
	v25 =	vld [tilespmem:s2+$0x4000]  }
0x22c: {  	v3 =	vadd.f32 v21, v3;
	v26 =	vld [tilespmem:s3+$0x4000]  }
.Ltmp10:
0x22d: {  	v20 =	vld [tilespmem:s1+$0x5800];
	v4 =	vadd.f32 v23, v4;
	(pc) =	sbr.rel @p2 .LBB2_19-.Ltmp10, $4  }
0x22e: {  	v18 =	vld [tilespmem:s1+$0x5810];
	v5 =	vadd.f32 v24, v5  }
0x22f: {  	s4 =	sadd.s32 $0x400, s4;
	v17 =	vld [tilespmem:s1+$0x5820];
	v2 =	vadd.f32 v22, v2  }
0x230: {  	s5 =	sadd.s32 $0x1, s5;
	s2 =	sand.u32 $0x380, s7;
	s3 =	sadd.s32 $0x4000, s4;
	v19 =	vld [tilespmem:s1+$0x5830];
	v9 =	vadd.f32 v25, v9  }
0x231: {  	s9 =	sand.u32 $0x7, s5;
	s7 =	sadd.s32 $0x80, s7;
	s8 =	sand.u32 $0x2000, s3;
	v21 =	vld [tilespmem:s1+$0x5840];
	v6 =	vadd.f32 v26, v6  }
0x232: {  	v22 =	vld [tilespmem:s1+$0x5850]  }
0x233: {  	s2 =	sor.u32 s2, s8;
	v23 =	vld [tilespmem:s1+$0x5860]  }
0x234: {  	v24 =	vld [tilespmem:s2+$0x5870]  }
0x235: {  	v33 =	vld [tilespmem:s2+$0x5800]  }
0x236: {  	v34 =	vld [tilespmem:s2+$0x5810]  }
0x237: {  	v35 =	vld [tilespmem:s2+$0x5820]  }
0x238: {  	v57 =	vld [tilespmem:s2+$0x5830]  }
0x239: {  	s3 =	sshll.u32 s9, $0x7;
	s0 =	sadd.s32 $0x400, s0;
	v58 =	vld [tilespmem:s2+$0x5840]  }
0x23a: {  	s0 =	sadd.s32 s3, s0;
	v59 =	vld [tilespmem:s2+$0x5850]  }
0x23b: {  	v60 =	vld [tilespmem:s2+$0x5860];
	s15 =	sor.u32 $0x1C70, s0  }
0x23c: {  	s3 =	sor.u32 $0x1C00, s0;
	v25 =	vld [tilespmem:s15+$0x4000]  }
0x23d: {  	s16 =	sor.u32 $0x1C10, s0;
	v26 =	vld [tilespmem:s3+$0x4000]  }
0x23e: {  	s17 =	sor.u32 $0x1C20, s0;
	v27 =	vld [tilespmem:s16+$0x4000]  }
0x23f: {  	s18 =	sor.u32 $0x1C30, s0;
	v28 =	vld [tilespmem:s17+$0x4000]  }
0x240: {  	v10 =	vadd.f32 v20, v10;
	s19 =	sor.u32 $0x1C40, s0;
	v29 =	vld [tilespmem:s18+$0x4000]  }
0x241: {  	v16 =	vadd.f32 v18, v16;
	s20 =	sor.u32 $0x1C50, s0;
	v30 =	vld [tilespmem:s19+$0x4000]  }
0x242: {  	s0 =	sor.u32 $0x1C60, s0;
	v14 =	vadd.f32 v17, v14;
	v31 =	vld [tilespmem:s20+$0x4000];
	v10 =	vadd.f32 v33, v10  }
0x243: {  	v32 =	vld [tilespmem:s0+$0x4000];
	v12 =	vadd.f32 v19, v12;
	v16 =	vadd.f32 v34, v16  }
0x244: {  	v15 =	vadd.f32 v21, v15;
	v14 =	vadd.f32 v35, v14;
	[tilespmem:s22+$0x8300] =	vst.add.f32.msk $0xffff, v10  }
0x245: {  	v12 =	vadd.f32 v57, v12;
	[tilespmem:s22+$0x8310] =	vst.add.f32.msk $0xffff, v16  }
0x246: {  	v11 =	vadd.f32 v23, v11;
	v62 =	vadd.f32 v58, v15;
	[tilespmem:s22+$0x8320] =	vst.add.f32.msk $0xffff, v14  }
0x247: {  	v61 =	vadd.f32 v22, v13;
	v7 =	vadd.f32 v24, v7;
	[tilespmem:s22+$0x8330] =	vst.add.f32.msk $0xffff, v12  }
0x248: {  	v11 =	vadd.f32 v60, v11;
	[tilespmem:s22+$0x8340] =	vst.add.f32.msk $0xffff, v62  }
0x249: {  	v10 =	vadd.f32 v59, v61;
	[tilespmem:s22+$0x8370] =	vst.add.f32.msk $0xffff, v7  }
0x24a: {  	v8 =	vadd.f32 v26, v8;
	[tilespmem:s22+$0x8360] =	vst.add.f32.msk $0xffff, v11  }
0x24b: {  	v3 =	vadd.f32 v27, v3;
	[tilespmem:s22+$0x8350] =	vst.add.f32.msk $0xffff, v10  }
0x24c: {  	v4 =	vadd.f32 v28, v4;
	[tilespmem:s22+$0x8380] =	vst.add.f32.msk $0xffff, v8  }
0x24d: {  	v5 =	vadd.f32 v29, v5;
	[tilespmem:s22+$0x8390] =	vst.add.f32.msk $0xffff, v3  }
0x24e: {  	v2 =	vadd.f32 v30, v2;
	[tilespmem:s22+$0x83A0] =	vst.add.f32.msk $0xffff, v4  }
.Ltmp11:
0x24f: {  	v63 =	vadd.f32 v32, v6;
	[tilespmem:s22+$0x83B0] =	vst.add.f32.msk $0xffff, v5;
	(pc) =	sbr.rel @p1 .LBB2_22-.Ltmp11, $4  }
0x250: {  	v1 =	vadd.f32 v25, v1;
	[tilespmem:s22+$0x83C0] =	vst.add.f32.msk $0xffff, v2  }
0x251: {  	v3 =	vadd.f32 v31, v9;
	[tilespmem:s22+$0x83E0] =	vst.add.f32.msk $0xffff, v63  }
0x252: {  	[tilespmem:s22+$0x83F0] =	vst.add.f32.msk $0xffff, v1  }
0x253: {  	[tilespmem:s22+$0x83D0] =	vst.add.f32.msk $0xffff, v3  }
0x254: {  	s0 =	sadd.s32 $0x3, s23  }
0x255: {  	s1 =	smulhi.u32 $0x66666667, s0;
	_ =	sdelay $0x1  }
0x256: {  	s1 =	sshrl.u32 s1, $0x2  }
0x257: {  	s29 =	sld [smem:$0x7EB];
	s2 =	smul.u32 $0xA, s1  }
0x258: {  	_ = 	snop  }
.Ltmp12:
0x259: {  	s0 =	ssub.s32 s0, s2;
	(pc) =	sbr.rel .LBB2_4-.Ltmp12, $4  }
0x25a: {  	s1 =	sadd.s32 s29, s1;
	s0 =	sshll.u32 s0, $0xB  }
0x25b: {  	s30 =	simm.s32 $0x0;
	s1 =	sshll.u32 s1, $0x14;
	s0 =	sadd.s32 s0, s6  }
0x25c: {  	s31 =	simm.s32 $0x4000;
	s21 =	sadd.s32 $0x1, s21;
	s0 =	sadd.s32 s1, s0  }
0x25d: {  	[tilespmem:s31], [sflag:$0x2] =	stream.linear.gather [hbm4b:s0+s30], $0x4000, $0x38;
	[tilespmem:$0x9800] =	vst v63  }
.LBB2_22:
0x25e: {  	s0 =	sld [smem:$0x7EE]  }
0x25f: {  	s1 =	simm.s32 $0x8000;
	s4 =	simm.s32 $0x3  }
0x260: {  	s23 =	simm.s32 $0x8400;
	s5 =	simm.s32 $0x8800;
	s7 =	simm.s32 $0x8A70  }
0x261: {  	[spmem:s0] =	stream.linear.scatter [tilespmem:s1], [sflag:$0x3], $0x400, $0x38;
	[tilespmem:$0x9800] =	vst v63  }
0x262: {  	s8 =	simm.s32 $0x8A80;
	s9 =	simm.s32 $0x8A90;
	_ =	swait.ge [sflag:s4], $0x400  }
0x263: {  	s10 =	simm.s32 $0x8AA0;
	s11 =	simm.s32 $0x8AB0;
	s22 =	sld [smem:$0x7EF]  }
0x264: {  	s12 =	simm.s32 $0x8AC0;
	s13 =	simm.s32 $0x8AD0;
	[sflag:s4] =	ssyncset.done $0x0  }
0x265: {  	s14 =	simm.s32 $0x8AE0;
	s15 =	simm.s32 $0x8AF0;
	[sflag:s4] =	ssyncadd.s32 $0xFFFFFC00  }
0x266: {  	[spmem:s22] =	stream.linear.scatter [tilespmem:s23], [sflag:$0x3], $0x400, $0x38;
	[tilespmem:$0x9800] =	vst v63  }
.Ltmp13:
0x267: {  	s16 =	simm.s32 $0x8B00;
	_ =	swait.ge [sflag:s4], $0x400;
	(pc) =	sbr.rel @p0 .LBB2_28-.Ltmp13, $4  }
0x268: {  	s17 =	simm.s32 $0x8B10;
	s18 =	simm.s32 $0x8B20;
	[sflag:s4] =	ssyncset.done $0x0  }
0x269: {  	s19 =	simm.s32 $0x8B30;
	s20 =	simm.s32 $0x8B40;
	[sflag:s4] =	ssyncadd.s32 $0xFFFFFC00  }
0x26a: {  	s21 =	simm.s32 $0x8B50;
	s0 =	simm.s32 $0x0;
	[bflag:$0x0] =	sbarrier.arrive $0xFFFF  }
0x26b: {  	s22 =	simm.s32 $0x8B60;
	s23 =	simm.s32 $0x8B70;
	s1 =	sld [smem:$0x7EA]  }
0x26c: {  	s1 =	simm.s32 $0x40;
	s2 =	simm.s32 $0x0  }
.LBB2_24:
0x26d: {  	p1 =	sne.s32 s1, $0xFC0;
	[tilespmem:s2+$0x8800] =	vst v0;
	s2 =	smov.u32 s1;
	s1 =	sadd.s32 $0x40, s1  }
.Ltmp14:
0x26e: {  	(pc) =	sbr.rel @p1 .LBB2_24-.Ltmp14, $2  }
0x26f: {  	_ =	sdelay $0x2  }
0x270: {  	s2 =	sshra.s32 s2, $0x2  }
0x271: {  	[tilespmem:s2+$0x8800] =	vst v0  }
.LBB2_26:
0x272: {  	s1 =	rddreg [dreg:$0x4];
	s3 =	sshra.s32 s0, $0x2  }
0x273: {  	s2 =	rddreg [dreg:$0x5];
	s1 =	sadd.s32 s3, s1  }
0x274: {  	[tilespmem:s2], [sflag:$0x3] =	stream.linear.gather [spmem:s1], $0x400, $0x38;
	[tilespmem:$0x9800] =	vst v63  }
0x275: {  	_ =	swait.ge [sflag:s4], $0x400  }
0x276: {  	[sflag:s4] =	ssyncset.done $0x0  }
0x277: {  	[sflag:s4] =	ssyncadd.s32 $0xFFFFFC00  }
0x278: {  	v1 =	vld [tilespmem:$0x8C00];
	_ =	sdelay $0x4  }
0x279: {  	[tilespmem:s5+$0x0] =	vst.add.f32.msk $0xffff, v1  }
0x27a: {  	v1 =	vld [tilespmem:$0x8C10];
	_ =	sdelay $0x3  }
0x27b: {  	s2 =	rddreg [dreg:$0x6]  }
0x27c: {  	[tilespmem:s2+$0x0] =	vst.add.f32.msk $0xffff, v1  }
0x27d: {  	v1 =	vld [tilespmem:$0x8C20];
	_ =	sdelay $0x3  }
0x27e: {  	s2 =	rddreg [dreg:$0x7]  }
0x27f: {  	[tilespmem:s2+$0x0] =	vst.add.f32.msk $0xffff, v1  }
0x280: {  	v1 =	vld [tilespmem:$0x8C30];
	_ =	sdelay $0x3  }
0x281: {  	s2 =	rddreg [dreg:$0x8]  }
0x282: {  	[tilespmem:s2+$0x0] =	vst.add.f32.msk $0xffff, v1  }
0x283: {  	v1 =	vld [tilespmem:$0x8C40];
	_ =	sdelay $0x3  }
0x284: {  	s2 =	rddreg [dreg:$0x9]  }
0x285: {  	[tilespmem:s2+$0x0] =	vst.add.f32.msk $0xffff, v1  }
0x286: {  	v1 =	vld [tilespmem:$0x8C50];
	_ =	sdelay $0x3  }
0x287: {  	s2 =	rddreg [dreg:$0xa]  }
0x288: {  	[tilespmem:s2+$0x0] =	vst.add.f32.msk $0xffff, v1  }
0x289: {  	v1 =	vld [tilespmem:$0x8C60];
	_ =	sdelay $0x3  }
0x28a: {  	s2 =	rddreg [dreg:$0xb]  }
0x28b: {  	[tilespmem:s2+$0x0] =	vst.add.f32.msk $0xffff, v1  }
0x28c: {  	v1 =	vld [tilespmem:$0x8C70];
	_ =	sdelay $0x3  }
0x28d: {  	s2 =	rddreg [dreg:$0xc]  }
0x28e: {  	[tilespmem:s2+$0x0] =	vst.add.f32.msk $0xffff, v1  }
0x28f: {  	v1 =	vld [tilespmem:$0x8C80];
	_ =	sdelay $0x3  }
0x290: {  	s2 =	rddreg [dreg:$0xd]  }
0x291: {  	[tilespmem:s2+$0x0] =	vst.add.f32.msk $0xffff, v1  }
0x292: {  	v1 =	vld [tilespmem:$0x8C90];
	_ =	sdelay $0x3  }
0x293: {  	s2 =	rddreg [dreg:$0xe]  }
0x294: {  	[tilespmem:s2+$0x0] =	vst.add.f32.msk $0xffff, v1  }
0x295: {  	v1 =	vld [tilespmem:$0x8CA0];
	_ =	sdelay $0x3  }
0x296: {  	s2 =	rddreg [dreg:$0xf]  }
0x297: {  	[tilespmem:s2+$0x0] =	vst.add.f32.msk $0xffff, v1  }
0x298: {  	v1 =	vld [tilespmem:$0x8CB0];
	_ =	sdelay $0x3  }
0x299: {  	s2 =	rddreg [dreg:$0x10]  }
0x29a: {  	[tilespmem:s2+$0x0] =	vst.add.f32.msk $0xffff, v1  }
0x29b: {  	v1 =	vld [tilespmem:$0x8CC0];
	_ =	sdelay $0x3  }
0x29c: {  	s2 =	rddreg [dreg:$0x11]  }
0x29d: {  	[tilespmem:s2+$0x0] =	vst.add.f32.msk $0xffff, v1  }
0x29e: {  	v1 =	vld [tilespmem:$0x8CD0];
	_ =	sdelay $0x3  }
0x29f: {  	s2 =	rddreg [dreg:$0x12]  }
0x2a0: {  	[tilespmem:s2+$0x0] =	vst.add.f32.msk $0xffff, v1  }
0x2a1: {  	v1 =	vld [tilespmem:$0x8CE0];
	_ =	sdelay $0x3  }
0x2a2: {  	s2 =	rddreg [dreg:$0x13]  }
0x2a3: {  	[tilespmem:s2+$0x0] =	vst.add.f32.msk $0xffff, v1  }
0x2a4: {  	v1 =	vld [tilespmem:$0x8CF0];
	_ =	sdelay $0x3  }
0x2a5: {  	s2 =	rddreg [dreg:$0x14]  }
0x2a6: {  	[tilespmem:s2+$0x0] =	vst.add.f32.msk $0xffff, v1  }
0x2a7: {  	v1 =	vld [tilespmem:$0x8D00];
	_ =	sdelay $0x3  }
0x2a8: {  	s2 =	rddreg [dreg:$0x15]  }
0x2a9: {  	[tilespmem:s2+$0x0] =	vst.add.f32.msk $0xffff, v1  }
0x2aa: {  	v1 =	vld [tilespmem:$0x8D10];
	_ =	sdelay $0x3  }
0x2ab: {  	s2 =	rddreg [dreg:$0x16]  }
0x2ac: {  	[tilespmem:s2+$0x0] =	vst.add.f32.msk $0xffff, v1  }
0x2ad: {  	v1 =	vld [tilespmem:$0x8D20];
	_ =	sdelay $0x3  }
0x2ae: {  	s2 =	rddreg [dreg:$0x17]  }
0x2af: {  	[tilespmem:s2+$0x0] =	vst.add.f32.msk $0xffff, v1  }
0x2b0: {  	v1 =	vld [tilespmem:$0x8D30];
	_ =	sdelay $0x3  }
0x2b1: {  	s2 =	rddreg [dreg:$0x18]  }
0x2b2: {  	[tilespmem:s2+$0x0] =	vst.add.f32.msk $0xffff, v1  }
0x2b3: {  	v1 =	vld [tilespmem:$0x8D40];
	_ =	sdelay $0x3  }
0x2b4: {  	s2 =	rddreg [dreg:$0x19]  }
0x2b5: {  	[tilespmem:s2+$0x0] =	vst.add.f32.msk $0xffff, v1  }
0x2b6: {  	v1 =	vld [tilespmem:$0x8D50];
	_ =	sdelay $0x3  }
0x2b7: {  	s2 =	rddreg [dreg:$0x1a]  }
0x2b8: {  	[tilespmem:s2+$0x0] =	vst.add.f32.msk $0xffff, v1  }
0x2b9: {  	v1 =	vld [tilespmem:$0x8D60];
	_ =	sdelay $0x3  }
0x2ba: {  	s2 =	rddreg [dreg:$0x1b]  }
0x2bb: {  	[tilespmem:s2+$0x0] =	vst.add.f32.msk $0xffff, v1  }
0x2bc: {  	v1 =	vld [tilespmem:$0x8D70];
	_ =	sdelay $0x3  }
0x2bd: {  	s2 =	rddreg [dreg:$0x1c]  }
0x2be: {  	[tilespmem:s2+$0x0] =	vst.add.f32.msk $0xffff, v1  }
0x2bf: {  	v1 =	vld [tilespmem:$0x8D80];
	_ =	sdelay $0x3  }
0x2c0: {  	s2 =	rddreg [dreg:$0x1d]  }
0x2c1: {  	[tilespmem:s2+$0x0] =	vst.add.f32.msk $0xffff, v1  }
0x2c2: {  	v1 =	vld [tilespmem:$0x8D90];
	_ =	sdelay $0x3  }
0x2c3: {  	s2 =	rddreg [dreg:$0x1e]  }
0x2c4: {  	[tilespmem:s2+$0x0] =	vst.add.f32.msk $0xffff, v1  }
0x2c5: {  	v1 =	vld [tilespmem:$0x8DA0];
	_ =	sdelay $0x3  }
0x2c6: {  	s2 =	rddreg [dreg:$0x1f]  }
0x2c7: {  	[tilespmem:s2+$0x0] =	vst.add.f32.msk $0xffff, v1  }
0x2c8: {  	v1 =	vld [tilespmem:$0x8DB0];
	_ =	sdelay $0x1  }
0x2c9: {  	s2 =	sld [smem:$0x7F0];
	_ =	sdelay $0x2  }
0x2ca: {  	[tilespmem:s2+$0x0] =	vst.add.f32.msk $0xffff, v1  }
0x2cb: {  	v1 =	vld [tilespmem:$0x8DC0];
	_ =	sdelay $0x1  }
0x2cc: {  	s2 =	sld [smem:$0x7F2];
	_ =	sdelay $0x2  }
0x2cd: {  	[tilespmem:s2+$0x0] =	vst.add.f32.msk $0xffff, v1  }
0x2ce: {  	v1 =	vld [tilespmem:$0x8DD0];
	_ =	sdelay $0x1  }
0x2cf: {  	s2 =	sld [smem:$0x7F4];
	_ =	sdelay $0x2  }
0x2d0: {  	[tilespmem:s2+$0x0] =	vst.add.f32.msk $0xffff, v1  }
0x2d1: {  	v1 =	vld [tilespmem:$0x8DE0];
	_ =	sdelay $0x1  }
0x2d2: {  	s2 =	sld [smem:$0x7F5];
	_ =	sdelay $0x2  }
0x2d3: {  	[tilespmem:s2+$0x0] =	vst.add.f32.msk $0xffff, v1  }
0x2d4: {  	v1 =	vld [tilespmem:$0x8DF0];
	_ =	sdelay $0x1  }
0x2d5: {  	s2 =	sld [smem:$0x7F6];
	_ =	sdelay $0x2  }
0x2d6: {  	[tilespmem:s2+$0x0] =	vst.add.f32.msk $0xffff, v1  }
0x2d7: {  	v1 =	vld [tilespmem:$0x8E00];
	_ =	sdelay $0x1  }
0x2d8: {  	s2 =	sld [smem:$0x7F7];
	_ =	sdelay $0x2  }
0x2d9: {  	[tilespmem:s2+$0x0] =	vst.add.f32.msk $0xffff, v1  }
0x2da: {  	v1 =	vld [tilespmem:$0x8E10];
	_ =	sdelay $0x1  }
0x2db: {  	s2 =	sld [smem:$0x7F8];
	_ =	sdelay $0x2  }
0x2dc: {  	[tilespmem:s2+$0x0] =	vst.add.f32.msk $0xffff, v1  }
0x2dd: {  	v1 =	vld [tilespmem:$0x8E20];
	_ =	sdelay $0x1  }
0x2de: {  	s2 =	sld [smem:$0x7F9];
	_ =	sdelay $0x2  }
0x2df: {  	[tilespmem:s2+$0x0] =	vst.add.f32.msk $0xffff, v1  }
0x2e0: {  	v1 =	vld [tilespmem:$0x8E30];
	_ =	sdelay $0x1  }
0x2e1: {  	s2 =	sld [smem:$0x7FA];
	_ =	sdelay $0x2  }
0x2e2: {  	[tilespmem:s2+$0x0] =	vst.add.f32.msk $0xffff, v1  }
0x2e3: {  	v1 =	vld [tilespmem:$0x8E40];
	_ =	sdelay $0x1  }
0x2e4: {  	s2 =	sld [smem:$0x7FB];
	_ =	sdelay $0x2  }
0x2e5: {  	[tilespmem:s2+$0x0] =	vst.add.f32.msk $0xffff, v1  }
0x2e6: {  	v1 =	vld [tilespmem:$0x8E50];
	_ =	sdelay $0x1  }
0x2e7: {  	s2 =	sld [smem:$0x7FC];
	_ =	sdelay $0x2  }
0x2e8: {  	[tilespmem:s2+$0x0] =	vst.add.f32.msk $0xffff, v1  }
0x2e9: {  	v1 =	vld [tilespmem:$0x8E60];
	_ =	sdelay $0x1  }
0x2ea: {  	s2 =	sld [smem:$0x7FD];
	_ =	sdelay $0x2  }
0x2eb: {  	[tilespmem:s2+$0x0] =	vst.add.f32.msk $0xffff, v1  }
0x2ec: {  	v1 =	vld [tilespmem:$0x8E70];
	_ =	sdelay $0x4  }
0x2ed: {  	[tilespmem:s7+$0x0] =	vst.add.f32.msk $0xffff, v1  }
0x2ee: {  	v1 =	vld [tilespmem:$0x8E80];
	_ =	sdelay $0x4  }
0x2ef: {  	[tilespmem:s8+$0x0] =	vst.add.f32.msk $0xffff, v1  }
0x2f0: {  	v1 =	vld [tilespmem:$0x8E90];
	_ =	sdelay $0x4  }
0x2f1: {  	[tilespmem:s9+$0x0] =	vst.add.f32.msk $0xffff, v1  }
0x2f2: {  	v1 =	vld [tilespmem:$0x8EA0];
	_ =	sdelay $0x4  }
0x2f3: {  	[tilespmem:s10+$0x0] =	vst.add.f32.msk $0xffff, v1  }
0x2f4: {  	v1 =	vld [tilespmem:$0x8EB0];
	_ =	sdelay $0x4  }
0x2f5: {  	[tilespmem:s11+$0x0] =	vst.add.f32.msk $0xffff, v1  }
0x2f6: {  	v1 =	vld [tilespmem:$0x8EC0];
	_ =	sdelay $0x4  }
0x2f7: {  	[tilespmem:s12+$0x0] =	vst.add.f32.msk $0xffff, v1  }
0x2f8: {  	v1 =	vld [tilespmem:$0x8ED0];
	_ =	sdelay $0x4  }
0x2f9: {  	[tilespmem:s13+$0x0] =	vst.add.f32.msk $0xffff, v1  }
0x2fa: {  	v1 =	vld [tilespmem:$0x8EE0];
	_ =	sdelay $0x4  }
0x2fb: {  	[tilespmem:s14+$0x0] =	vst.add.f32.msk $0xffff, v1  }
0x2fc: {  	v1 =	vld [tilespmem:$0x8EF0];
	_ =	sdelay $0x4  }
0x2fd: {  	[tilespmem:s15+$0x0] =	vst.add.f32.msk $0xffff, v1  }
0x2fe: {  	v1 =	vld [tilespmem:$0x8F00];
	_ =	sdelay $0x4  }
0x2ff: {  	[tilespmem:s16+$0x0] =	vst.add.f32.msk $0xffff, v1  }
0x300: {  	v1 =	vld [tilespmem:$0x8F10];
	_ =	sdelay $0x4  }
0x301: {  	[tilespmem:s17+$0x0] =	vst.add.f32.msk $0xffff, v1  }
0x302: {  	v1 =	vld [tilespmem:$0x8F20];
	_ =	sdelay $0x4  }
0x303: {  	[tilespmem:s18+$0x0] =	vst.add.f32.msk $0xffff, v1  }
0x304: {  	v1 =	vld [tilespmem:$0x8F30];
	_ =	sdelay $0x4  }
0x305: {  	[tilespmem:s19+$0x0] =	vst.add.f32.msk $0xffff, v1  }
0x306: {  	v1 =	vld [tilespmem:$0x8F40];
	_ =	sdelay $0x4  }
0x307: {  	[tilespmem:s20+$0x0] =	vst.add.f32.msk $0xffff, v1  }
0x308: {  	v1 =	vld [tilespmem:$0x8F50];
	_ =	sdelay $0x4  }
0x309: {  	[tilespmem:s21+$0x0] =	vst.add.f32.msk $0xffff, v1  }
0x30a: {  	v1 =	vld [tilespmem:$0x8F60];
	_ =	sdelay $0x4  }
0x30b: {  	[tilespmem:s22+$0x0] =	vst.add.f32.msk $0xffff, v1  }
0x30c: {  	v1 =	vld [tilespmem:$0x8F70];
	_ =	sdelay $0x4  }
0x30d: {  	[tilespmem:s23+$0x0] =	vst.add.f32.msk $0xffff, v1  }
0x30e: {  	v1 =	vld [tilespmem:$0x8F80];
	_ =	sdelay $0x4  }
0x30f: {  	[tilespmem:s24+$0x0] =	vst.add.f32.msk $0xffff, v1  }
0x310: {  	v1 =	vld [tilespmem:$0x8F90];
	_ =	sdelay $0x4  }
0x311: {  	[tilespmem:s25+$0x0] =	vst.add.f32.msk $0xffff, v1  }
0x312: {  	v1 =	vld [tilespmem:$0x8FA0];
	_ =	sdelay $0x4  }
0x313: {  	[tilespmem:s26+$0x0] =	vst.add.f32.msk $0xffff, v1  }
0x314: {  	v1 =	vld [tilespmem:$0x8FB0];
	_ =	sdelay $0x4  }
0x315: {  	[tilespmem:s28+$0x0] =	vst.add.f32.msk $0xffff, v1  }
0x316: {  	v1 =	vld [tilespmem:$0x8FC0];
	_ =	sdelay $0x4  }
0x317: {  	[tilespmem:s29+$0x0] =	vst.add.f32.msk $0xffff, v1  }
0x318: {  	v1 =	vld [tilespmem:$0x8FD0];
	_ =	sdelay $0x4  }
0x319: {  	[tilespmem:s30+$0x0] =	vst.add.f32.msk $0xffff, v1  }
0x31a: {  	v1 =	vld [tilespmem:$0x8FE0];
	_ =	sdelay $0x4  }
0x31b: {  	[tilespmem:s31+$0x0] =	vst.add.f32.msk $0xffff, v1  }
0x31c: {  	p1 =	sne.s32 s0, $0xF000;
	v1 =	vld [tilespmem:$0x8FF0]  }
.Ltmp15:
0x31d: {  	_ = 	snop;
	(pc) =	sbr.rel @p1 .LBB2_26-.Ltmp15, $3  }
0x31e: {  	_ =	sdelay $0x1  }
0x31f: {  	s3 =	simm.s32 $0x8BF0  }
0x320: {  	s0 =	sadd.s32 $0x1000, s0;
	[tilespmem:s3+$0x0] =	vst.add.f32.msk $0xffff, v1  }
0x321: {  	s1 =	sld [smem:$0x7F1];
	_ =	sdelay $0x1  }
.Ltmp16:
0x322: {  	s0 =	simm.s32 $0x0;
	(pc) =	sbr.rel .LBB2_28-.Ltmp16, $4  }
0x323: {  	[hbm4b:s1+s0] =	stream.linear.scatter [tilespmem:s5], [sflag:$0x3], $0x400, $0x38;
	[tilespmem:$0x9800] =	vst v63  }
0x324: {  	_ =	swait.ge [sflag:s4], $0x400  }
0x325: {  	[sflag:s4] =	ssyncset.done $0x0  }
0x326: {  	s1 =	sld [smem:$0x7EA];
	[sflag:s4] =	ssyncadd.s32 $0xFFFFFC00  }
.LBB2_29:
0x327: {  	_ =	sfence.sel $0x180000  }
0x328: {  	[bflag:$0x0] =	sbarrier.arrive $0xFFFF  }
0x329: {  	_ =	strace $0x90000047  }
0x32a: {  	s0 =	stileid.u32;
	[bflag:$0x2] =	sbarrier.arrive $0xFFFF  }
0x32b: {  	p0 =	sne.s32 s0, $0x0;
	s0 =	rddreg [dreg:$0x3]  }
0x32c: {  	s0 =	sadd.s32 @!p0 $0x100000, s0  }
0x32d: {  	[sflag:s0] =	ssyncadd.tile.s32 @!p0 $0x1;
	_ =	shalt  }
.Lfunc_end2:
_tile_overlayer_lowered:
.L_overlay_start_2:
0x32e: {  	(tag) =	ssettag $0x2  }
0x32f: {  	s0 =	rddreg [dreg:$0x0];
	s2 =	stileid.u32  }
0x330: {  	s1 =	rddreg [dreg:$0x1];
	p0 =	sne.s32 s2, $0x0  }
0x331: {  	s3 =	rddreg [dreg:$0x2];
	[bflag:$0x3] =	sbarrier.arrive $0xFFFF;
	s2 =	simm.s32 @!p0 $0x1C03  }
0x332: {  	[timem:s3], [sflag:s2] =	dma.local @!p0 [hbm:s0], s1  }
0x333: {  	s0 =	simm.s32 @!p0 $0x3  }
0x334: {  	_ =	swait.ge @!p0 [sflag:s0], s1  }
0x335: {  	s1 =	ssub.s32 @!p0 $0x0, s1;
	[sflag:s0] =	ssyncset.done @!p0 $0x0  }
0x336: {  	[sflag:s0] =	ssyncadd.s32 @!p0 s1  }
0x337: {  	[bflag:$0x3] =	sbarrier.arrive $0xFFFF  }
0x338: {  	_ =	shalt  }

</sc_bundles>
